<compile_context>
chip_gen: v7x
topology: tpu7x:2x2x1
jax: 0.10.2.dev20260603
libtpu: 0.0.44.dev20260713+nightly
codegen_flags: <defaults>
</compile_context>

<pallas_src>
import functools

import jax
import jax.numpy as jnp
from jax import lax
from jax.experimental import pallas as pl
from jax.experimental.pallas import tpu as pltpu
from jax.experimental.pallas import tpu_sc as plsc

_NC = 2
_NS = 16
_NW = _NC * _NS
_LANES = 16
_CHUNK_A = 128
_UNROLL = 4


def _flatten_ids_sc(ids):
    batch, seq = ids.shape
    rows_w = batch // _NW
    slabs_w = rows_w // 8
    chunk_b = seq - _CHUNK_A
    mesh = plsc.VectorSubcoreMesh(core_axis_name="c", subcore_axis_name="s")

    @functools.partial(
        pl.kernel,
        mesh=mesh,
        out_type=jax.ShapeDtypeStruct((batch * seq,), jnp.int32),
        compiler_params=pltpu.CompilerParams(use_tc_tiling_on_sc=True),
        scratch_types=[
            [pltpu.VMEM((8, _CHUNK_A), jnp.int32) for _ in range(2)],
            [pltpu.VMEM((8, chunk_b), jnp.int32) for _ in range(2)],
            [pltpu.VMEM((8 * seq,), jnp.int32) for _ in range(2)],
            [pltpu.SemaphoreType.DMA for _ in range(2)],
            [pltpu.SemaphoreType.DMA for _ in range(2)],
        ],
    )
    def k(ids_hbm, out_hbm, vas, vbs, vcs, sems_in, sems_out):
        wid = lax.axis_index("s") * _NC + lax.axis_index("c")
        row0 = wid * rows_w

        def fire_in(j, p):
            pltpu.async_copy(
                ids_hbm.at[pl.ds(row0 + 8 * j, 8), pl.ds(0, _CHUNK_A)],
                vas[p],
                sems_in[p],
            )
            pltpu.async_copy(
                ids_hbm.at[pl.ds(row0 + 8 * j, 8), pl.ds(_CHUNK_A, chunk_b)],
                vbs[p],
                sems_in[p],
            )

        def wait_in(j, p):
            pltpu.make_async_copy(
                ids_hbm.at[pl.ds(row0 + 8 * j, 8), pl.ds(0, _CHUNK_A)],
                vas[p],
                sems_in[p],
            ).wait()
            pltpu.make_async_copy(
                ids_hbm.at[pl.ds(row0 + 8 * j, 8), pl.ds(_CHUNK_A, chunk_b)],
                vbs[p],
                sems_in[p],
            ).wait()

        def out_desc(j, p):
            return pltpu.make_async_copy(
                vcs[p], out_hbm.at[pl.ds((row0 + 8 * j) * seq, 8 * seq)],
                sems_out[p],
            )

        for p in range(2):
            fire_in(p, p)

        def slab_body(g, carry):
            for p in range(2):
                j = 2 * g + p
                wait_in(j, p)

                @pl.when(g > 0)
                def _():
                    out_desc(j, p).wait()

                for r in range(8):
                    for c in range(_CHUNK_A // _LANES):
                        vcs[p][pl.ds(seq * r + _LANES * c, _LANES)] = vas[p][
                            r, pl.ds(_LANES * c, _LANES)
                        ]
                    nb_full = chunk_b // _LANES
                    for c in range(nb_full):
                        vcs[p][pl.ds(seq * r + _CHUNK_A + _LANES * c, _LANES)] = (
                            vbs[p][r, pl.ds(_LANES * c, _LANES)]
                        )
                    if chunk_b % _LANES:
                        off = chunk_b - _LANES
                        vcs[p][pl.ds(seq * r + _CHUNK_A + off, _LANES)] = vbs[p][
                            r, pl.ds(off, _LANES)
                        ]
                out_desc(j, p).start()

                @pl.when(j + 2 < slabs_w)
                def _():
                    fire_in(j + 2, p)

            return carry

        lax.fori_loop(0, slabs_w // 2, slab_body, 0)
        for p in range(2):
            out_desc(slabs_w - 2 + p, p).wait()

    return k(ids)


def _pooled_mean_sc(ids1d, emb_table, batch, seq):
    hidden = emb_table.shape[1]
    chunk_b = seq - _CHUNK_A
    rows_w = batch // _NW
    flat_w = rows_w * seq
    idxrows_w = flat_w // 128
    n_col = hidden // _LANES
    inv_seq = jnp.float32(1.0 / seq)
    mesh = plsc.VectorSubcoreMesh(core_axis_name="c", subcore_axis_name="s")

    @functools.partial(
        pl.kernel,
        mesh=mesh,
        out_type=jax.ShapeDtypeStruct((batch, hidden), jnp.float32),
        compiler_params=pltpu.CompilerParams(use_tc_tiling_on_sc=False),
        scratch_types=[
            pltpu.VMEM((flat_w,), jnp.int32),
            [
                pltpu.VMEM((_CHUNK_A, hidden), jnp.float32),
                pltpu.VMEM((chunk_b, hidden), jnp.float32),
                pltpu.VMEM((_CHUNK_A, hidden), jnp.float32),
                pltpu.VMEM((chunk_b, hidden), jnp.float32),
            ],
            pltpu.VMEM((rows_w, hidden), jnp.float32),
            [pltpu.SemaphoreType.DMA for _ in range(4)],
            pltpu.SemaphoreType.DMA,
        ],
    )
    def k(idx_hbm, table_hbm, out_hbm, idx_v, bufs, pooled_v, sems, isem):
        wid = lax.axis_index("s") * _NC + lax.axis_index("c")
        pltpu.sync_copy(idx_hbm.at[pl.ds(wid * flat_w, flat_w)], idx_v)

        def chunk_idx(row, part):
            if part == 0:
                return idx_v.at[pl.ds(row * seq, _CHUNK_A)]
            return idx_v.at[pl.ds(row * seq + _CHUNK_A, chunk_b)]

        for r2 in range(2):
            for part in range(2):
                b = 2 * r2 + part
                pltpu.async_copy(table_hbm.at[chunk_idx(r2, part)], bufs[b], sems[b])

        def reduce_chunk(buf, n, accs):
            assert n % _UNROLL == 0

            def body(i, a):
                s = i * _UNROLL
                for u in range(_UNROLL):
                    a = tuple(
                        a[c] + buf[s + u, pl.ds(c * _LANES, _LANES)]
                        for c in range(n_col)
                    )
                return a

            return lax.fori_loop(0, n // _UNROLL, body, accs)

        def group_body(g, carry):
            for r2 in range(2):
                row = 2 * g + r2
                accs = tuple(
                    jnp.zeros((_LANES,), jnp.float32) for _ in range(n_col)
                )
                for part in range(2):
                    b = 2 * r2 + part
                    n = _CHUNK_A if part == 0 else chunk_b
                    pltpu.make_async_copy(
                        table_hbm.at[chunk_idx(row, part)], bufs[b], sems[b]
                    ).wait()
                    accs = reduce_chunk(bufs[b], n, accs)

                    @pl.when(row + 2 < rows_w)
                    def _():
                        pltpu.async_copy(
                            table_hbm.at[chunk_idx(row + 2, part)],
                            bufs[b],
                            sems[b],
                        )

                for c in range(n_col):
                    pooled_v[row, pl.ds(c * _LANES, _LANES)] = accs[c] * inv_seq
            return carry

        lax.fori_loop(0, rows_w // 2, group_body, 0)
        pltpu.sync_copy(pooled_v, out_hbm.at[pl.ds(wid * rows_w, rows_w)])

    return k(ids1d, emb_table)


def _mlp_tc(pooled, W1, b1, W2, b2):

    def body(p_ref, w1_ref, b1_ref, w2_ref, b2_ref, o_ref):
        h = jnp.dot(p_ref[...], w1_ref[...], preferred_element_type=jnp.float32)
        h = jnp.maximum(h + b1_ref[...], 0.0)
        o_ref[...] = (
            jnp.dot(h, w2_ref[...], preferred_element_type=jnp.float32)
            + b2_ref[...]
        )

    return pl.pallas_call(
        body,
        out_shape=jax.ShapeDtypeStruct((pooled.shape[0], 1), jnp.float32),
    )(pooled, W1, b1, W2, b2)


def kernel(input_ids, emb_table, W1, b1, W2, b2):
    batch, seq = input_ids.shape
    ids1d = _flatten_ids_sc(input_ids.astype(jnp.int32))
    pooled = _pooled_mean_sc(ids1d, emb_table, batch, seq)
    out = _mlp_tc(
        pooled,
        W1,
        b1.reshape(1, -1).astype(jnp.float32),
        W2,
        b2.reshape(1, 1).astype(jnp.float32),
    )
    return out.reshape(batch)

# --- scband reference (transcript-rebuilt; emitter-appended) ---
"""Pipeline reference for scband-simple-classifier-reward-37984690766316 (READ-ONLY COPY).

The authoritative reference and input builder live on the scoring server;
editing this copy changes nothing except your own understanding.
"""

import jax, jax.numpy as jnp
import numpy as np

VOCAB = 1000000
HIDDEN = 64
BATCH = 4096
SEQ = 200

def setup_inputs(seed: int = 0) -> dict:
    key = jax.random.key(seed)
    k_ids, k_emb, k_w1, k_b1, k_w2, k_b2 = jax.random.split(key, 6)
    input_ids = jax.random.randint(k_ids, (BATCH, SEQ), 0, VOCAB, dtype=jnp.int64 if jax.config.jax_enable_x64 else jnp.int32)
    emb_table = jax.random.normal(k_emb, (VOCAB, HIDDEN), dtype=jnp.float32)
    # classifier: Linear(64 -> 32), ReLU, Linear(32 -> 1)
    W1 = jax.random.normal(k_w1, (HIDDEN, HIDDEN // 2), dtype=jnp.float32) * (1.0 / np.sqrt(HIDDEN))
    b1 = jax.random.normal(k_b1, (HIDDEN // 2,), dtype=jnp.float32) * 0.01
    W2 = jax.random.normal(k_w2, (HIDDEN // 2, 1), dtype=jnp.float32) * (1.0 / np.sqrt(HIDDEN // 2))
    b2 = jax.random.normal(k_b2, (1,), dtype=jnp.float32) * 0.01
    return {"input_ids": input_ids, "emb_table": emb_table, "W1": W1, "b1": b1, "W2": W2, "b2": b2}

def reference(input_ids, emb_table, W1, b1, W2, b2):
    # embedding lookup -> [B, S, H]
    embeddings = jnp.take(emb_table, input_ids, axis=0)
    # mean pool over sequence dim -> [B, H]
    pooled = embeddings.mean(axis=1)
    # classifier MLP
    h = jnp.maximum(pooled @ W1 + b1, 0.0)
    rewards = (h @ W2 + b2).squeeze(-1)
    return rewards

if __name__ == "__main__":
    import jax
    _d = setup_inputs()
    print(jax.jit(kernel)(*tuple(_d.values())))

</pallas_src>

<mosaic_0001>
#map = affine_map<(d0, d1) -> (0)>
#map1 = affine_map<(d0, d1) -> (0, 0)>
module attributes {stable_mosaic.version = 14 : i64} {
  func.func @_rewritten_body(%arg0: i32, %arg1: i32, %arg2: memref<819200xi32, #tpu.memory_space<hbm>>, %arg3: memref<1000000x64xf32, #tpu.memory_space<hbm>>, %arg4: memref<1xf32, #tpu.memory_space<hbm>>, %arg5: memref<4096x64xf32, #tpu.memory_space<hbm>>, %arg6: memref<25600xi32, #tpu.memory_space<vmem>>, %arg7: memref<128x64xf32, #tpu.memory_space<vmem>>, %arg8: memref<72x64xf32, #tpu.memory_space<vmem>>, %arg9: memref<128x64xf32, #tpu.memory_space<vmem>>, %arg10: memref<72x64xf32, #tpu.memory_space<vmem>>, %arg11: memref<128x64xf32, #tpu.memory_space<vmem>>, %arg12: memref<!tpu.dma_semaphore, #tpu.memory_space<semaphore_mem>>, %arg13: memref<!tpu.dma_semaphore, #tpu.memory_space<semaphore_mem>>, %arg14: memref<!tpu.dma_semaphore, #tpu.memory_space<semaphore_mem>>, %arg15: memref<!tpu.dma_semaphore, #tpu.memory_space<semaphore_mem>>, %arg16: memref<!tpu.dma_semaphore, #tpu.memory_space<semaphore_mem>>) attributes {dimension_semantics = [#tpu.dimension_semantics<core_parallel>, #tpu.dimension_semantics<subcore_parallel>], iteration_bounds = array<i64: 2, 16>, scalar_prefetch = 0 : i64, scratch_operands = 11 : i64, tpu.core_type = #tpu.core_type<sc_vector_subcore>, window_params = [{transform_indices = #map}, {transform_indices = #map1}, {transform_indices = #map}, {transform_indices = #map1}]} {
    %empty_ref3A = memref.alloca() : memref<16xf32, #tpu.memory_space<vmem>>
    "tpu.region"() ({
      %run_scoped3A = tpu.sem_alloc : memref<!tpu.dma_semaphore, #tpu.memory_space<semaphore_mem>>
      %dma_start3A_31 = arith.constant 0 : i32
      %dma_start3A_32 = tpu.memref_slice %empty_ref3A[%dma_start3A_31] : memref<16xf32, #tpu.memory_space<vmem>> -> memref<1xf32, #tpu.memory_space<vmem>>
      %dma_start3A_33 = arith.constant 0 : i32
      %dma_start3A_34 = tpu.memref_slice %empty_ref3A[%dma_start3A_33] : memref<16xf32, #tpu.memory_space<vmem>> -> memref<1xf32, #tpu.memory_space<vmem>>
      tpu.enqueue_dma source(%arg4 : memref<1xf32, #tpu.memory_space<hbm>>) target(%dma_start3A_34 : memref<1xf32, #tpu.memory_space<vmem>>) target_semaphore(%run_scoped3A : memref<!tpu.dma_semaphore, #tpu.memory_space<semaphore_mem>>)
      %dma_wait3A = arith.constant 0 : i32
      %dma_wait3A_35 = tpu.memref_slice %empty_ref3A[%dma_wait3A] : memref<16xf32, #tpu.memory_space<vmem>> -> memref<1xf32, #tpu.memory_space<vmem>>
      %dma_wait3A_36 = arith.constant 0 : i32
      %dma_wait3A_37 = tpu.memref_slice %empty_ref3A[%dma_wait3A_36] : memref<16xf32, #tpu.memory_space<vmem>> -> memref<1xf32, #tpu.memory_space<vmem>>
      tpu.wait_dma2 semaphore(%run_scoped3A : memref<!tpu.dma_semaphore, #tpu.memory_space<semaphore_mem>>) src(%arg4 : memref<1xf32, #tpu.memory_space<hbm>>) dst(%dma_wait3A_37 : memref<1xf32, #tpu.memory_space<vmem>>)
      tpu.yield
    }) : () -> ()
    %get3A = arith.constant 0 : index
    %get3A_0 = tpu.vector_load %empty_ref3A[%get3A] {strides = array<i32>} : memref<16xf32, #tpu.memory_space<vmem>>, vector<16xf32>,
    %get3A_1 = vector.shape_cast %get3A_0 : vector<16xf32> to vector<16xf32>
    %slice3A = vector.extract_strided_slice %get3A_1 {offsets = [0], sizes = [1], strides = [1]} : vector<16xf32> to vector<1xf32>
    %squeeze3A = vector.extract %slice3A[0] : f32 from vector<1xf32>
    %mul3A = arith.constant 2 : i32
    %mul3A_2 = arith.muli %arg1, %mul3A : i32
    %add3A = arith.addi %mul3A_2, %arg0 : i32
    %mul3A_3 = arith.constant 25600 : i32
    %mul3A_4 = arith.muli %add3A, %mul3A_3 : i32
    "tpu.region"() ({
      %run_scoped3A = tpu.sem_alloc : memref<!tpu.dma_semaphore, #tpu.memory_space<semaphore_mem>>
      %dma_start3A_31 = tpu.memref_slice %arg2[%mul3A_4] : memref<819200xi32, #tpu.memory_space<hbm>> -> memref<25600xi32, #tpu.memory_space<hbm>>
      %dma_start3A_32 = tpu.memref_slice %arg2[%mul3A_4] : memref<819200xi32, #tpu.memory_space<hbm>> -> memref<25600xi32, #tpu.memory_space<hbm>>
      tpu.enqueue_dma source(%dma_start3A_32 : memref<25600xi32, #tpu.memory_space<hbm>>) target(%arg6 : memref<25600xi32, #tpu.memory_space<vmem>>) target_semaphore(%run_scoped3A : memref<!tpu.dma_semaphore, #tpu.memory_space<semaphore_mem>>)
      %dma_wait3A = tpu.memref_slice %arg2[%mul3A_4] : memref<819200xi32, #tpu.memory_space<hbm>> -> memref<25600xi32, #tpu.memory_space<hbm>>
      %dma_wait3A_33 = tpu.memref_slice %arg2[%mul3A_4] : memref<819200xi32, #tpu.memory_space<hbm>> -> memref<25600xi32, #tpu.memory_space<hbm>>
      tpu.wait_dma2 semaphore(%run_scoped3A : memref<!tpu.dma_semaphore, #tpu.memory_space<semaphore_mem>>) src(%dma_wait3A_33 : memref<25600xi32, #tpu.memory_space<hbm>>) dst(%arg6 : memref<25600xi32, #tpu.memory_space<vmem>>)
      tpu.yield
    }) : () -> ()
    %dma_start3A = arith.constant 0 : i32
    %dma_start3A_5 = tpu.memref_slice %arg6[%dma_start3A] : memref<25600xi32, #tpu.memory_space<vmem>> -> memref<128xi32, #tpu.memory_space<vmem>>
    %dma_start3A_6 = arith.constant 0 : i32
    %dma_start3A_7 = arith.constant 0 : i32
    %dma_start3A_8 = tpu.memref_slice %arg3[%dma_start3A_6, %dma_start3A_7] : memref<1000000x64xf32, #tpu.memory_space<hbm>> -> memref<1000000x64xf32, #tpu.memory_space<hbm>>
    tpu.enqueue_indirect_dma source(%dma_start3A_8 : memref<1000000x64xf32, #tpu.memory_space<hbm>>) target(%arg7 : memref<128x64xf32, #tpu.memory_space<vmem>>) offsets(%dma_start3A_5 : memref<128xi32, #tpu.memory_space<vmem>>) semaphore(%arg12 : memref<!tpu.dma_semaphore, #tpu.memory_space<semaphore_mem>>)
    %dma_start3A_9 = arith.constant 128 : i32
    %dma_start3A_10 = tpu.memref_slice %arg6[%dma_start3A_9] : memref<25600xi32, #tpu.memory_space<vmem>> -> memref<72xi32, #tpu.memory_space<vmem>>
    %dma_start3A_11 = arith.constant 0 : i32
    %dma_start3A_12 = arith.constant 0 : i32
    %dma_start3A_13 = tpu.memref_slice %arg3[%dma_start3A_11, %dma_start3A_12] : memref<1000000x64xf32, #tpu.memory_space<hbm>> -> memref<1000000x64xf32, #tpu.memory_space<hbm>>
    tpu.enqueue_indirect_dma source(%dma_start3A_13 : memref<1000000x64xf32, #tpu.memory_space<hbm>>) target(%arg8 : memref<72x64xf32, #tpu.memory_space<vmem>>) offsets(%dma_start3A_10 : memref<72xi32, #tpu.memory_space<vmem>>) semaphore(%arg13 : memref<!tpu.dma_semaphore, #tpu.memory_space<semaphore_mem>>)
    %dma_start3A_14 = arith.constant 200 : i32
    %dma_start3A_15 = tpu.memref_slice %arg6[%dma_start3A_14] : memref<25600xi32, #tpu.memory_space<vmem>> -> memref<128xi32, #tpu.memory_space<vmem>>
    %dma_start3A_16 = arith.constant 0 : i32
    %dma_start3A_17 = arith.constant 0 : i32
    %dma_start3A_18 = tpu.memref_slice %arg3[%dma_start3A_16, %dma_start3A_17] : memref<1000000x64xf32, #tpu.memory_space<hbm>> -> memref<1000000x64xf32, #tpu.memory_space<hbm>>
    tpu.enqueue_indirect_dma source(%dma_start3A_18 : memref<1000000x64xf32, #tpu.memory_space<hbm>>) target(%arg9 : memref<128x64xf32, #tpu.memory_space<vmem>>) offsets(%dma_start3A_15 : memref<128xi32, #tpu.memory_space<vmem>>) semaphore(%arg14 : memref<!tpu.dma_semaphore, #tpu.memory_space<semaphore_mem>>)
    %dma_start3A_19 = arith.constant 328 : i32
    %dma_start3A_20 = tpu.memref_slice %arg6[%dma_start3A_19] : memref<25600xi32, #tpu.memory_space<vmem>> -> memref<72xi32, #tpu.memory_space<vmem>>
    %dma_start3A_21 = arith.constant 0 : i32
    %dma_start3A_22 = arith.constant 0 : i32
    %dma_start3A_23 = tpu.memref_slice %arg3[%dma_start3A_21, %dma_start3A_22] : memref<1000000x64xf32, #tpu.memory_space<hbm>> -> memref<1000000x64xf32, #tpu.memory_space<hbm>>
    tpu.enqueue_indirect_dma source(%dma_start3A_23 : memref<1000000x64xf32, #tpu.memory_space<hbm>>) target(%arg10 : memref<72x64xf32, #tpu.memory_space<vmem>>) offsets(%dma_start3A_20 : memref<72xi32, #tpu.memory_space<vmem>>) semaphore(%arg15 : memref<!tpu.dma_semaphore, #tpu.memory_space<semaphore_mem>>)
    %scan3A = arith.constant 0 : i32
    %scan3A_24 = arith.constant 0 : i32
    %scan3A_25 = arith.constant 64 : i32
    %scan3A_26 = arith.addi %scan3A_24, %scan3A_25 : i32
    %scan3A_27 = arith.constant 1 : i32
    scf.for %scan3A_31 = %scan3A_24 to %scan3A_26 step %scan3A_27  : i32 {
      %mul3A_32 = arith.constant 2 : i32
      %mul3A_33 = arith.muli %mul3A_32, %scan3A_31 : i32
      %add3A_34 = arith.constant 0 : i32
      %add3A_35 = arith.addi %mul3A_33, %add3A_34 : i32
      %broadcast_in_dim3A = arith.constant 0.000000e+00 : f32
      %broadcast_in_dim3A_36 = vector.broadcast %broadcast_in_dim3A : f32 to vector<16xf32>
      %broadcast_in_dim3A_37 = arith.constant 0.000000e+00 : f32
      %broadcast_in_dim3A_38 = vector.broadcast %broadcast_in_dim3A_37 : f32 to vector<16xf32>
      %broadcast_in_dim3A_39 = arith.constant 0.000000e+00 : f32
      %broadcast_in_dim3A_40 = vector.broadcast %broadcast_in_dim3A_39 : f32 to vector<16xf32>
      %broadcast_in_dim3A_41 = arith.constant 0.000000e+00 : f32
      %broadcast_in_dim3A_42 = vector.broadcast %broadcast_in_dim3A_41 : f32 to vector<16xf32>
      %mul3A_43 = arith.constant 200 : i32
      %mul3A_44 = arith.muli %add3A_35, %mul3A_43 : i32
      %dma_wait3A = tpu.memref_slice %arg6[%mul3A_44] : memref<25600xi32, #tpu.memory_space<vmem>> -> memref<128xi32, #tpu.memory_space<vmem>>
      %dma_wait3A_45 = arith.constant 0 : i32
      %dma_wait3A_46 = arith.constant 0 : i32
      %dma_wait3A_47 = tpu.memref_slice %arg3[%dma_wait3A_45, %dma_wait3A_46] : memref<1000000x64xf32, #tpu.memory_space<hbm>> -> memref<1000000x64xf32, #tpu.memory_space<hbm>>
      tpu.wait_indirect_dma semaphore(%arg12 : memref<!tpu.dma_semaphore, #tpu.memory_space<semaphore_mem>>) src(%dma_wait3A_47 : memref<1000000x64xf32, #tpu.memory_space<hbm>>) dst(%arg7 : memref<128x64xf32, #tpu.memory_space<vmem>>)
      %scan3A_48 = arith.constant 0 : i32
      %scan3A_49 = arith.constant 32 : i32
      %scan3A_50 = arith.addi %scan3A_48, %scan3A_49 : i32
      %scan3A_51 = arith.constant 1 : i32
      %scan3A_52:4 = scf.for %scan3A_186 = %scan3A_48 to %scan3A_50 step %scan3A_51 iter_args(%scan3A_187 = %broadcast_in_dim3A_36, %scan3A_188 = %broadcast_in_dim3A_38, %scan3A_189 = %broadcast_in_dim3A_40, %scan3A_190 = %broadcast_in_dim3A_42) -> (vector<16xf32>, vector<16xf32>, vector<16xf32>, vector<16xf32>)  : i32 {
        %mul3A_191 = arith.constant 4 : i32
        %mul3A_192 = arith.muli %scan3A_186, %mul3A_191 : i32
        %add3A_193 = arith.constant 0 : i32
        %add3A_194 = arith.addi %mul3A_192, %add3A_193 : i32
        %get3A_195 = arith.index_cast %add3A_194 : i32 to index
        %get3A_196 = arith.constant 0 : index
        %get3A_197 = tpu.vector_load %arg7[%get3A_195, %get3A_196] {strides = array<i32>} : memref<128x64xf32, #tpu.memory_space<vmem>>, vector<1x16xf32>,
        %get3A_198 = vector.shape_cast %get3A_197 : vector<1x16xf32> to vector<16xf32>
        %add3A_199 = arith.addf %scan3A_187, %get3A_198 : vector<16xf32>
        %add3A_200 = arith.constant 0 : i32
        %add3A_201 = arith.addi %mul3A_192, %add3A_200 : i32
        %get3A_202 = arith.index_cast %add3A_201 : i32 to index
        %get3A_203 = arith.constant 16 : index
        %get3A_204 = tpu.vector_load %arg7[%get3A_202, %get3A_203] {strides = array<i32>} : memref<128x64xf32, #tpu.memory_space<vmem>>, vector<1x16xf32>,
        %get3A_205 = vector.shape_cast %get3A_204 : vector<1x16xf32> to vector<16xf32>
        %add3A_206 = arith.addf %scan3A_188, %get3A_205 : vector<16xf32>
        %add3A_207 = arith.constant 0 : i32
        %add3A_208 = arith.addi %mul3A_192, %add3A_207 : i32
        %get3A_209 = arith.index_cast %add3A_208 : i32 to index
        %get3A_210 = arith.constant 32 : index
        %get3A_211 = tpu.vector_load %arg7[%get3A_209, %get3A_210] {strides = array<i32>} : memref<128x64xf32, #tpu.memory_space<vmem>>, vector<1x16xf32>,
        %get3A_212 = vector.shape_cast %get3A_211 : vector<1x16xf32> to vector<16xf32>
        %add3A_213 = arith.addf %scan3A_189, %get3A_212 : vector<16xf32>
        %add3A_214 = arith.constant 0 : i32
        %add3A_215 = arith.addi %mul3A_192, %add3A_214 : i32
        %get3A_216 = arith.index_cast %add3A_215 : i32 to index
        %get3A_217 = arith.constant 48 : index
        %get3A_218 = tpu.vector_load %arg7[%get3A_216, %get3A_217] {strides = array<i32>} : memref<128x64xf32, #tpu.memory_space<vmem>>, vector<1x16xf32>,
        %get3A_219 = vector.shape_cast %get3A_218 : vector<1x16xf32> to vector<16xf32>
        %add3A_220 = arith.addf %scan3A_190, %get3A_219 : vector<16xf32>
        %add3A_221 = arith.constant 1 : i32
        %add3A_222 = arith.addi %mul3A_192, %add3A_221 : i32
        %get3A_223 = arith.index_cast %add3A_222 : i32 to index
        %get3A_224 = arith.constant 0 : index
        %get3A_225 = tpu.vector_load %arg7[%get3A_223, %get3A_224] {strides = array<i32>} : memref<128x64xf32, #tpu.memory_space<vmem>>, vector<1x16xf32>,
        %get3A_226 = vector.shape_cast %get3A_225 : vector<1x16xf32> to vector<16xf32>
        %add3A_227 = arith.addf %add3A_199, %get3A_226 : vector<16xf32>
        %add3A_228 = arith.constant 1 : i32
        %add3A_229 = arith.addi %mul3A_192, %add3A_228 : i32
        %get3A_230 = arith.index_cast %add3A_229 : i32 to index
        %get3A_231 = arith.constant 16 : index
        %get3A_232 = tpu.vector_load %arg7[%get3A_230, %get3A_231] {strides = array<i32>} : memref<128x64xf32, #tpu.memory_space<vmem>>, vector<1x16xf32>,
        %get3A_233 = vector.shape_cast %get3A_232 : vector<1x16xf32> to vector<16xf32>
        %add3A_234 = arith.addf %add3A_206, %get3A_233 : vector<16xf32>
        %add3A_235 = arith.constant 1 : i32
        %add3A_236 = arith.addi %mul3A_192, %add3A_235 : i32
        %get3A_237 = arith.index_cast %add3A_236 : i32 to index
        %get3A_238 = arith.constant 32 : index
        %get3A_239 = tpu.vector_load %arg7[%get3A_237, %get3A_238] {strides = array<i32>} : memref<128x64xf32, #tpu.memory_space<vmem>>, vector<1x16xf32>,
        %get3A_240 = vector.shape_cast %get3A_239 : vector<1x16xf32> to vector<16xf32>
        %add3A_241 = arith.addf %add3A_213, %get3A_240 : vector<16xf32>
        %add3A_242 = arith.constant 1 : i32
        %add3A_243 = arith.addi %mul3A_192, %add3A_242 : i32
        %get3A_244 = arith.index_cast %add3A_243 : i32 to index
        %get3A_245 = arith.constant 48 : index
        %get3A_246 = tpu.vector_load %arg7[%get3A_244, %get3A_245] {strides = array<i32>} : memref<128x64xf32, #tpu.memory_space<vmem>>, vector<1x16xf32>,
        %get3A_247 = vector.shape_cast %get3A_246 : vector<1x16xf32> to vector<16xf32>
        %add3A_248 = arith.addf %add3A_220, %get3A_247 : vector<16xf32>
        %add3A_249 = arith.constant 2 : i32
        %add3A_250 = arith.addi %mul3A_192, %add3A_249 : i32
        %get3A_251 = arith.index_cast %add3A_250 : i32 to index
        %get3A_252 = arith.constant 0 : index
        %get3A_253 = tpu.vector_load %arg7[%get3A_251, %get3A_252] {strides = array<i32>} : memref<128x64xf32, #tpu.memory_space<vmem>>, vector<1x16xf32>,
        %get3A_254 = vector.shape_cast %get3A_253 : vector<1x16xf32> to vector<16xf32>
        %add3A_255 = arith.addf %add3A_227, %get3A_254 : vector<16xf32>
        %add3A_256 = arith.constant 2 : i32
        %add3A_257 = arith.addi %mul3A_192, %add3A_256 : i32
        %get3A_258 = arith.index_cast %add3A_257 : i32 to index
        %get3A_259 = arith.constant 16 : index
        %get3A_260 = tpu.vector_load %arg7[%get3A_258, %get3A_259] {strides = array<i32>} : memref<128x64xf32, #tpu.memory_space<vmem>>, vector<1x16xf32>,
        %get3A_261 = vector.shape_cast %get3A_260 : vector<1x16xf32> to vector<16xf32>
        %add3A_262 = arith.addf %add3A_234, %get3A_261 : vector<16xf32>
        %add3A_263 = arith.constant 2 : i32
        %add3A_264 = arith.addi %mul3A_192, %add3A_263 : i32
        %get3A_265 = arith.index_cast %add3A_264 : i32 to index
        %get3A_266 = arith.constant 32 : index
        %get3A_267 = tpu.vector_load %arg7[%get3A_265, %get3A_266] {strides = array<i32>} : memref<128x64xf32, #tpu.memory_space<vmem>>, vector<1x16xf32>,
        %get3A_268 = vector.shape_cast %get3A_267 : vector<1x16xf32> to vector<16xf32>
        %add3A_269 = arith.addf %add3A_241, %get3A_268 : vector<16xf32>
        %add3A_270 = arith.constant 2 : i32
        %add3A_271 = arith.addi %mul3A_192, %add3A_270 : i32
        %get3A_272 = arith.index_cast %add3A_271 : i32 to index
        %get3A_273 = arith.constant 48 : index
        %get3A_274 = tpu.vector_load %arg7[%get3A_272, %get3A_273] {strides = array<i32>} : memref<128x64xf32, #tpu.memory_space<vmem>>, vector<1x16xf32>,
        %get3A_275 = vector.shape_cast %get3A_274 : vector<1x16xf32> to vector<16xf32>
        %add3A_276 = arith.addf %add3A_248, %get3A_275 : vector<16xf32>
        %add3A_277 = arith.constant 3 : i32
        %add3A_278 = arith.addi %mul3A_192, %add3A_277 : i32
        %get3A_279 = arith.index_cast %add3A_278 : i32 to index
        %get3A_280 = arith.constant 0 : index
        %get3A_281 = tpu.vector_load %arg7[%get3A_279, %get3A_280] {strides = array<i32>} : memref<128x64xf32, #tpu.memory_space<vmem>>, vector<1x16xf32>,
        %get3A_282 = vector.shape_cast %get3A_281 : vector<1x16xf32> to vector<16xf32>
        %add3A_283 = arith.addf %add3A_255, %get3A_282 : vector<16xf32>
        %add3A_284 = arith.constant 3 : i32
        %add3A_285 = arith.addi %mul3A_192, %add3A_284 : i32
        %get3A_286 = arith.index_cast %add3A_285 : i32 to index
        %get3A_287 = arith.constant 16 : index
        %get3A_288 = tpu.vector_load %arg7[%get3A_286, %get3A_287] {strides = array<i32>} : memref<128x64xf32, #tpu.memory_space<vmem>>, vector<1x16xf32>,
        %get3A_289 = vector.shape_cast %get3A_288 : vector<1x16xf32> to vector<16xf32>
        %add3A_290 = arith.addf %add3A_262, %get3A_289 : vector<16xf32>
        %add3A_291 = arith.constant 3 : i32
        %add3A_292 = arith.addi %mul3A_192, %add3A_291 : i32
        %get3A_293 = arith.index_cast %add3A_292 : i32 to index
        %get3A_294 = arith.constant 32 : index
        %get3A_295 = tpu.vector_load %arg7[%get3A_293, %get3A_294] {strides = array<i32>} : memref<128x64xf32, #tpu.memory_space<vmem>>, vector<1x16xf32>,
        %get3A_296 = vector.shape_cast %get3A_295 : vector<1x16xf32> to vector<16xf32>
        %add3A_297 = arith.addf %add3A_269, %get3A_296 : vector<16xf32>
        %add3A_298 = arith.constant 3 : i32
        %add3A_299 = arith.addi %mul3A_192, %add3A_298 : i32
        %get3A_300 = arith.index_cast %add3A_299 : i32 to index
        %get3A_301 = arith.constant 48 : index
        %get3A_302 = tpu.vector_load %arg7[%get3A_300, %get3A_301] {strides = array<i32>} : memref<128x64xf32, #tpu.memory_space<vmem>>, vector<1x16xf32>,
        %get3A_303 = vector.shape_cast %get3A_302 : vector<1x16xf32> to vector<16xf32>
        %add3A_304 = arith.addf %add3A_276, %get3A_303 : vector<16xf32>
        scf.yield %add3A_283, %add3A_290, %add3A_297, %add3A_304 : vector<16xf32>, vector<16xf32>, vector<16xf32>, vector<16xf32>
      }
      %scan3A_53 = arith.constant 32 : i32
      %add3A_54 = arith.constant 2 : i32
      %add3A_55 = arith.addi %add3A_35, %add3A_54 : i32
      %lt3A = arith.constant 128 : i32
      %lt3A_56 = arith.cmpi slt, %add3A_55, %lt3A : i32
      %convert_element_type3A = arith.extui %lt3A_56 : i1 to i32
      %cond3A = arith.constant 0 : i32
      %cond3A_57 = arith.cmpi ne, %convert_element_type3A, %cond3A : i32
      scf.if %cond3A_57 {
        %add3A_186 = arith.constant 2 : i32
        %add3A_187 = arith.addi %add3A_35, %add3A_186 : i32
        %mul3A_188 = arith.constant 200 : i32
        %mul3A_189 = arith.muli %add3A_187, %mul3A_188 : i32
        %dma_start3A_190 = tpu.memref_slice %arg6[%mul3A_189] : memref<25600xi32, #tpu.memory_space<vmem>> -> memref<128xi32, #tpu.memory_space<vmem>>
        %dma_start3A_191 = arith.constant 0 : i32
        %dma_start3A_192 = arith.constant 0 : i32
        %dma_start3A_193 = tpu.memref_slice %arg3[%dma_start3A_191, %dma_start3A_192] : memref<1000000x64xf32, #tpu.memory_space<hbm>> -> memref<1000000x64xf32, #tpu.memory_space<hbm>>
        tpu.enqueue_indirect_dma source(%dma_start3A_193 : memref<1000000x64xf32, #tpu.memory_space<hbm>>) target(%arg7 : memref<128x64xf32, #tpu.memory_space<vmem>>) offsets(%dma_start3A_190 : memref<128xi32, #tpu.memory_space<vmem>>) semaphore(%arg12 : memref<!tpu.dma_semaphore, #tpu.memory_space<semaphore_mem>>)
      } else {
      }
      %mul3A_58 = arith.constant 200 : i32
      %mul3A_59 = arith.muli %add3A_35, %mul3A_58 : i32
      %add3A_60 = arith.constant 128 : i32
      %add3A_61 = arith.addi %mul3A_59, %add3A_60 : i32
      %dma_wait3A_62 = tpu.memref_slice %arg6[%add3A_61] : memref<25600xi32, #tpu.memory_space<vmem>> -> memref<72xi32, #tpu.memory_space<vmem>>
      %dma_wait3A_63 = arith.constant 0 : i32
      %dma_wait3A_64 = arith.constant 0 : i32
      %dma_wait3A_65 = tpu.memref_slice %arg3[%dma_wait3A_63, %dma_wait3A_64] : memref<1000000x64xf32, #tpu.memory_space<hbm>> -> memref<1000000x64xf32, #tpu.memory_space<hbm>>
      tpu.wait_indirect_dma semaphore(%arg13 : memref<!tpu.dma_semaphore, #tpu.memory_space<semaphore_mem>>) src(%dma_wait3A_65 : memref<1000000x64xf32, #tpu.memory_space<hbm>>) dst(%arg8 : memref<72x64xf32, #tpu.memory_space<vmem>>)
      %scan3A_66 = arith.constant 0 : i32
      %scan3A_67 = arith.constant 18 : i32
      %scan3A_68 = arith.addi %scan3A_66, %scan3A_67 : i32
      %scan3A_69 = arith.constant 1 : i32
      %scan3A_70:4 = scf.for %scan3A_186 = %scan3A_66 to %scan3A_68 step %scan3A_69 iter_args(%scan3A_187 = %scan3A_52#0, %scan3A_188 = %scan3A_52#1, %scan3A_189 = %scan3A_52#2, %scan3A_190 = %scan3A_52#3) -> (vector<16xf32>, vector<16xf32>, vector<16xf32>, vector<16xf32>)  : i32 {
        %mul3A_191 = arith.constant 4 : i32
        %mul3A_192 = arith.muli %scan3A_186, %mul3A_191 : i32
        %add3A_193 = arith.constant 0 : i32
        %add3A_194 = arith.addi %mul3A_192, %add3A_193 : i32
        %get3A_195 = arith.index_cast %add3A_194 : i32 to index
        %get3A_196 = arith.constant 0 : index
        %get3A_197 = tpu.vector_load %arg8[%get3A_195, %get3A_196] {strides = array<i32>} : memref<72x64xf32, #tpu.memory_space<vmem>>, vector<1x16xf32>,
        %get3A_198 = vector.shape_cast %get3A_197 : vector<1x16xf32> to vector<16xf32>
        %add3A_199 = arith.addf %scan3A_187, %get3A_198 : vector<16xf32>
        %add3A_200 = arith.constant 0 : i32
        %add3A_201 = arith.addi %mul3A_192, %add3A_200 : i32
        %get3A_202 = arith.index_cast %add3A_201 : i32 to index
        %get3A_203 = arith.constant 16 : index
        %get3A_204 = tpu.vector_load %arg8[%get3A_202, %get3A_203] {strides = array<i32>} : memref<72x64xf32, #tpu.memory_space<vmem>>, vector<1x16xf32>,
        %get3A_205 = vector.shape_cast %get3A_204 : vector<1x16xf32> to vector<16xf32>
        %add3A_206 = arith.addf %scan3A_188, %get3A_205 : vector<16xf32>
        %add3A_207 = arith.constant 0 : i32
        %add3A_208 = arith.addi %mul3A_192, %add3A_207 : i32
        %get3A_209 = arith.index_cast %add3A_208 : i32 to index
        %get3A_210 = arith.constant 32 : index
        %get3A_211 = tpu.vector_load %arg8[%get3A_209, %get3A_210] {strides = array<i32>} : memref<72x64xf32, #tpu.memory_space<vmem>>, vector<1x16xf32>,
        %get3A_212 = vector.shape_cast %get3A_211 : vector<1x16xf32> to vector<16xf32>
        %add3A_213 = arith.addf %scan3A_189, %get3A_212 : vector<16xf32>
        %add3A_214 = arith.constant 0 : i32
        %add3A_215 = arith.addi %mul3A_192, %add3A_214 : i32
        %get3A_216 = arith.index_cast %add3A_215 : i32 to index
        %get3A_217 = arith.constant 48 : index
        %get3A_218 = tpu.vector_load %arg8[%get3A_216, %get3A_217] {strides = array<i32>} : memref<72x64xf32, #tpu.memory_space<vmem>>, vector<1x16xf32>,
        %get3A_219 = vector.shape_cast %get3A_218 : vector<1x16xf32> to vector<16xf32>
        %add3A_220 = arith.addf %scan3A_190, %get3A_219 : vector<16xf32>
        %add3A_221 = arith.constant 1 : i32
        %add3A_222 = arith.addi %mul3A_192, %add3A_221 : i32
        %get3A_223 = arith.index_cast %add3A_222 : i32 to index
        %get3A_224 = arith.constant 0 : index
        %get3A_225 = tpu.vector_load %arg8[%get3A_223, %get3A_224] {strides = array<i32>} : memref<72x64xf32, #tpu.memory_space<vmem>>, vector<1x16xf32>,
        %get3A_226 = vector.shape_cast %get3A_225 : vector<1x16xf32> to vector<16xf32>
        %add3A_227 = arith.addf %add3A_199, %get3A_226 : vector<16xf32>
        %add3A_228 = arith.constant 1 : i32
        %add3A_229 = arith.addi %mul3A_192, %add3A_228 : i32
        %get3A_230 = arith.index_cast %add3A_229 : i32 to index
        %get3A_231 = arith.constant 16 : index
        %get3A_232 = tpu.vector_load %arg8[%get3A_230, %get3A_231] {strides = array<i32>} : memref<72x64xf32, #tpu.memory_space<vmem>>, vector<1x16xf32>,
        %get3A_233 = vector.shape_cast %get3A_232 : vector<1x16xf32> to vector<16xf32>
        %add3A_234 = arith.addf %add3A_206, %get3A_233 : vector<16xf32>
        %add3A_235 = arith.constant 1 : i32
        %add3A_236 = arith.addi %mul3A_192, %add3A_235 : i32
        %get3A_237 = arith.index_cast %add3A_236 : i32 to index
        %get3A_238 = arith.constant 32 : index
        %get3A_239 = tpu.vector_load %arg8[%get3A_237, %get3A_238] {strides = array<i32>} : memref<72x64xf32, #tpu.memory_space<vmem>>, vector<1x16xf32>,
        %get3A_240 = vector.shape_cast %get3A_239 : vector<1x16xf32> to vector<16xf32>
        %add3A_241 = arith.addf %add3A_213, %get3A_240 : vector<16xf32>
        %add3A_242 = arith.constant 1 : i32
        %add3A_243 = arith.addi %mul3A_192, %add3A_242 : i32
        %get3A_244 = arith.index_cast %add3A_243 : i32 to index
        %get3A_245 = arith.constant 48 : index
        %get3A_246 = tpu.vector_load %arg8[%get3A_244, %get3A_245] {strides = array<i32>} : memref<72x64xf32, #tpu.memory_space<vmem>>, vector<1x16xf32>,
        %get3A_247 = vector.shape_cast %get3A_246 : vector<1x16xf32> to vector<16xf32>
        %add3A_248 = arith.addf %add3A_220, %get3A_247 : vector<16xf32>
        %add3A_249 = arith.constant 2 : i32
        %add3A_250 = arith.addi %mul3A_192, %add3A_249 : i32
        %get3A_251 = arith.index_cast %add3A_250 : i32 to index
        %get3A_252 = arith.constant 0 : index
        %get3A_253 = tpu.vector_load %arg8[%get3A_251, %get3A_252] {strides = array<i32>} : memref<72x64xf32, #tpu.memory_space<vmem>>, vector<1x16xf32>,
        %get3A_254 = vector.shape_cast %get3A_253 : vector<1x16xf32> to vector<16xf32>
        %add3A_255 = arith.addf %add3A_227, %get3A_254 : vector<16xf32>
        %add3A_256 = arith.constant 2 : i32
        %add3A_257 = arith.addi %mul3A_192, %add3A_256 : i32
        %get3A_258 = arith.index_cast %add3A_257 : i32 to index
        %get3A_259 = arith.constant 16 : index
        %get3A_260 = tpu.vector_load %arg8[%get3A_258, %get3A_259] {strides = array<i32>} : memref<72x64xf32, #tpu.memory_space<vmem>>, vector<1x16xf32>,
        %get3A_261 = vector.shape_cast %get3A_260 : vector<1x16xf32> to vector<16xf32>
        %add3A_262 = arith.addf %add3A_234, %get3A_261 : vector<16xf32>
        %add3A_263 = arith.constant 2 : i32
        %add3A_264 = arith.addi %mul3A_192, %add3A_263 : i32
        %get3A_265 = arith.index_cast %add3A_264 : i32 to index
        %get3A_266 = arith.constant 32 : index
        %get3A_267 = tpu.vector_load %arg8[%get3A_265, %get3A_266] {strides = array<i32>} : memref<72x64xf32, #tpu.memory_space<vmem>>, vector<1x16xf32>,
        %get3A_268 = vector.shape_cast %get3A_267 : vector<1x16xf32> to vector<16xf32>
        %add3A_269 = arith.addf %add3A_241, %get3A_268 : vector<16xf32>
        %add3A_270 = arith.constant 2 : i32
        %add3A_271 = arith.addi %mul3A_192, %add3A_270 : i32
        %get3A_272 = arith.index_cast %add3A_271 : i32 to index
        %get3A_273 = arith.constant 48 : index
        %get3A_274 = tpu.vector_load %arg8[%get3A_272, %get3A_273] {strides = array<i32>} : memref<72x64xf32, #tpu.memory_space<vmem>>, vector<1x16xf32>,
        %get3A_275 = vector.shape_cast %get3A_274 : vector<1x16xf32> to vector<16xf32>
        %add3A_276 = arith.addf %add3A_248, %get3A_275 : vector<16xf32>
        %add3A_277 = arith.constant 3 : i32
        %add3A_278 = arith.addi %mul3A_192, %add3A_277 : i32
        %get3A_279 = arith.index_cast %add3A_278 : i32 to index
        %get3A_280 = arith.constant 0 : index
        %get3A_281 = tpu.vector_load %arg8[%get3A_279, %get3A_280] {strides = array<i32>} : memref<72x64xf32, #tpu.memory_space<vmem>>, vector<1x16xf32>,
        %get3A_282 = vector.shape_cast %get3A_281 : vector<1x16xf32> to vector<16xf32>
        %add3A_283 = arith.addf %add3A_255, %get3A_282 : vector<16xf32>
        %add3A_284 = arith.constant 3 : i32
        %add3A_285 = arith.addi %mul3A_192, %add3A_284 : i32
        %get3A_286 = arith.index_cast %add3A_285 : i32 to index
        %get3A_287 = arith.constant 16 : index
        %get3A_288 = tpu.vector_load %arg8[%get3A_286, %get3A_287] {strides = array<i32>} : memref<72x64xf32, #tpu.memory_space<vmem>>, vector<1x16xf32>,
        %get3A_289 = vector.shape_cast %get3A_288 : vector<1x16xf32> to vector<16xf32>
        %add3A_290 = arith.addf %add3A_262, %get3A_289 : vector<16xf32>
        %add3A_291 = arith.constant 3 : i32
        %add3A_292 = arith.addi %mul3A_192, %add3A_291 : i32
        %get3A_293 = arith.index_cast %add3A_292 : i32 to index
        %get3A_294 = arith.constant 32 : index
        %get3A_295 = tpu.vector_load %arg8[%get3A_293, %get3A_294] {strides = array<i32>} : memref<72x64xf32, #tpu.memory_space<vmem>>, vector<1x16xf32>,
        %get3A_296 = vector.shape_cast %get3A_295 : vector<1x16xf32> to vector<16xf32>
        %add3A_297 = arith.addf %add3A_269, %get3A_296 : vector<16xf32>
        %add3A_298 = arith.constant 3 : i32
        %add3A_299 = arith.addi %mul3A_192, %add3A_298 : i32
        %get3A_300 = arith.index_cast %add3A_299 : i32 to index
        %get3A_301 = arith.constant 48 : index
        %get3A_302 = tpu.vector_load %arg8[%get3A_300, %get3A_301] {strides = array<i32>} : memref<72x64xf32, #tpu.memory_space<vmem>>, vector<1x16xf32>,
        %get3A_303 = vector.shape_cast %get3A_302 : vector<1x16xf32> to vector<16xf32>
        %add3A_304 = arith.addf %add3A_276, %get3A_303 : vector<16xf32>
        scf.yield %add3A_283, %add3A_290, %add3A_297, %add3A_304 : vector<16xf32>, vector<16xf32>, vector<16xf32>, vector<16xf32>
      }
      %scan3A_71 = arith.constant 18 : i32
      %add3A_72 = arith.constant 2 : i32
      %add3A_73 = arith.addi %add3A_35, %add3A_72 : i32
      %lt3A_74 = arith.constant 128 : i32
      %lt3A_75 = arith.cmpi slt, %add3A_73, %lt3A_74 : i32
      %convert_element_type3A_76 = arith.extui %lt3A_75 : i1 to i32
      %cond3A_77 = arith.constant 0 : i32
      %cond3A_78 = arith.cmpi ne, %convert_element_type3A_76, %cond3A_77 : i32
      scf.if %cond3A_78 {
        %add3A_186 = arith.constant 2 : i32
        %add3A_187 = arith.addi %add3A_35, %add3A_186 : i32
        %mul3A_188 = arith.constant 200 : i32
        %mul3A_189 = arith.muli %add3A_187, %mul3A_188 : i32
        %add3A_190 = arith.constant 128 : i32
        %add3A_191 = arith.addi %mul3A_189, %add3A_190 : i32
        %dma_start3A_192 = tpu.memref_slice %arg6[%add3A_191] : memref<25600xi32, #tpu.memory_space<vmem>> -> memref<72xi32, #tpu.memory_space<vmem>>
        %dma_start3A_193 = arith.constant 0 : i32
        %dma_start3A_194 = arith.constant 0 : i32
        %dma_start3A_195 = tpu.memref_slice %arg3[%dma_start3A_193, %dma_start3A_194] : memref<1000000x64xf32, #tpu.memory_space<hbm>> -> memref<1000000x64xf32, #tpu.memory_space<hbm>>
        tpu.enqueue_indirect_dma source(%dma_start3A_195 : memref<1000000x64xf32, #tpu.memory_space<hbm>>) target(%arg8 : memref<72x64xf32, #tpu.memory_space<vmem>>) offsets(%dma_start3A_192 : memref<72xi32, #tpu.memory_space<vmem>>) semaphore(%arg13 : memref<!tpu.dma_semaphore, #tpu.memory_space<semaphore_mem>>)
      } else {
      }
      %mul3A_79 = vector.broadcast %squeeze3A : f32 to vector<16xf32>
      %mul3A_80 = arith.mulf %scan3A_70#0, %mul3A_79 : vector<16xf32>
      %swap3A = arith.index_cast %add3A_35 : i32 to index
      %swap3A_81 = arith.constant 0 : index
      %swap3A_82 = tpu.vector_load %arg11[%swap3A, %swap3A_81] {strides = array<i32>} : memref<128x64xf32, #tpu.memory_space<vmem>>, vector<1x16xf32>,
      %swap3A_83 = vector.shape_cast %swap3A_82 : vector<1x16xf32> to vector<16xf32>
      %swap3A_84 = vector.shape_cast %mul3A_80 : vector<16xf32> to vector<1x16xf32>
      tpu.vector_store %arg11[%swap3A, %swap3A_81], %swap3A_84 {strides = array<i32>} : memref<128x64xf32, #tpu.memory_space<vmem>>, vector<1x16xf32>,
      %mul3A_85 = vector.broadcast %squeeze3A : f32 to vector<16xf32>
      %mul3A_86 = arith.mulf %scan3A_70#1, %mul3A_85 : vector<16xf32>
      %swap3A_87 = arith.index_cast %add3A_35 : i32 to index
      %swap3A_88 = arith.constant 16 : index
      %swap3A_89 = tpu.vector_load %arg11[%swap3A_87, %swap3A_88] {strides = array<i32>} : memref<128x64xf32, #tpu.memory_space<vmem>>, vector<1x16xf32>,
      %swap3A_90 = vector.shape_cast %swap3A_89 : vector<1x16xf32> to vector<16xf32>
      %swap3A_91 = vector.shape_cast %mul3A_86 : vector<16xf32> to vector<1x16xf32>
      tpu.vector_store %arg11[%swap3A_87, %swap3A_88], %swap3A_91 {strides = array<i32>} : memref<128x64xf32, #tpu.memory_space<vmem>>, vector<1x16xf32>,
      %mul3A_92 = vector.broadcast %squeeze3A : f32 to vector<16xf32>
      %mul3A_93 = arith.mulf %scan3A_70#2, %mul3A_92 : vector<16xf32>
      %swap3A_94 = arith.index_cast %add3A_35 : i32 to index
      %swap3A_95 = arith.constant 32 : index
      %swap3A_96 = tpu.vector_load %arg11[%swap3A_94, %swap3A_95] {strides = array<i32>} : memref<128x64xf32, #tpu.memory_space<vmem>>, vector<1x16xf32>,
      %swap3A_97 = vector.shape_cast %swap3A_96 : vector<1x16xf32> to vector<16xf32>
      %swap3A_98 = vector.shape_cast %mul3A_93 : vector<16xf32> to vector<1x16xf32>
      tpu.vector_store %arg11[%swap3A_94, %swap3A_95], %swap3A_98 {strides = array<i32>} : memref<128x64xf32, #tpu.memory_space<vmem>>, vector<1x16xf32>,
      %mul3A_99 = vector.broadcast %squeeze3A : f32 to vector<16xf32>
      %mul3A_100 = arith.mulf %scan3A_70#3, %mul3A_99 : vector<16xf32>
      %swap3A_101 = arith.index_cast %add3A_35 : i32 to index
      %swap3A_102 = arith.constant 48 : index
      %swap3A_103 = tpu.vector_load %arg11[%swap3A_101, %swap3A_102] {strides = array<i32>} : memref<128x64xf32, #tpu.memory_space<vmem>>, vector<1x16xf32>,
      %swap3A_104 = vector.shape_cast %swap3A_103 : vector<1x16xf32> to vector<16xf32>
      %swap3A_105 = vector.shape_cast %mul3A_100 : vector<16xf32> to vector<1x16xf32>
      tpu.vector_store %arg11[%swap3A_101, %swap3A_102], %swap3A_105 {strides = array<i32>} : memref<128x64xf32, #tpu.memory_space<vmem>>, vector<1x16xf32>,
      %mul3A_106 = arith.constant 2 : i32
      %mul3A_107 = arith.muli %mul3A_106, %scan3A_31 : i32
      %add3A_108 = arith.constant 1 : i32
      %add3A_109 = arith.addi %mul3A_107, %add3A_108 : i32
      %broadcast_in_dim3A_110 = arith.constant 0.000000e+00 : f32
      %broadcast_in_dim3A_111 = vector.broadcast %broadcast_in_dim3A_110 : f32 to vector<16xf32>
      %broadcast_in_dim3A_112 = arith.constant 0.000000e+00 : f32
      %broadcast_in_dim3A_113 = vector.broadcast %broadcast_in_dim3A_112 : f32 to vector<16xf32>
      %broadcast_in_dim3A_114 = arith.constant 0.000000e+00 : f32
      %broadcast_in_dim3A_115 = vector.broadcast %broadcast_in_dim3A_114 : f32 to vector<16xf32>
      %broadcast_in_dim3A_116 = arith.constant 0.000000e+00 : f32
      %broadcast_in_dim3A_117 = vector.broadcast %broadcast_in_dim3A_116 : f32 to vector<16xf32>
      %mul3A_118 = arith.constant 200 : i32
      %mul3A_119 = arith.muli %add3A_109, %mul3A_118 : i32
      %dma_wait3A_120 = tpu.memref_slice %arg6[%mul3A_119] : memref<25600xi32, #tpu.memory_space<vmem>> -> memref<128xi32, #tpu.memory_space<vmem>>
      %dma_wait3A_121 = arith.constant 0 : i32
      %dma_wait3A_122 = arith.constant 0 : i32
      %dma_wait3A_123 = tpu.memref_slice %arg3[%dma_wait3A_121, %dma_wait3A_122] : memref<1000000x64xf32, #tpu.memory_space<hbm>> -> memref<1000000x64xf32, #tpu.memory_space<hbm>>
      tpu.wait_indirect_dma semaphore(%arg14 : memref<!tpu.dma_semaphore, #tpu.memory_space<semaphore_mem>>) src(%dma_wait3A_123 : memref<1000000x64xf32, #tpu.memory_space<hbm>>) dst(%arg9 : memref<128x64xf32, #tpu.memory_space<vmem>>)
      %scan3A_124 = arith.constant 0 : i32
      %scan3A_125 = arith.constant 32 : i32
      %scan3A_126 = arith.addi %scan3A_124, %scan3A_125 : i32
      %scan3A_127 = arith.constant 1 : i32
      %scan3A_128:4 = scf.for %scan3A_186 = %scan3A_124 to %scan3A_126 step %scan3A_127 iter_args(%scan3A_187 = %broadcast_in_dim3A_111, %scan3A_188 = %broadcast_in_dim3A_113, %scan3A_189 = %broadcast_in_dim3A_115, %scan3A_190 = %broadcast_in_dim3A_117) -> (vector<16xf32>, vector<16xf32>, vector<16xf32>, vector<16xf32>)  : i32 {
        %mul3A_191 = arith.constant 4 : i32
        %mul3A_192 = arith.muli %scan3A_186, %mul3A_191 : i32
        %add3A_193 = arith.constant 0 : i32
        %add3A_194 = arith.addi %mul3A_192, %add3A_193 : i32
        %get3A_195 = arith.index_cast %add3A_194 : i32 to index
        %get3A_196 = arith.constant 0 : index
        %get3A_197 = tpu.vector_load %arg9[%get3A_195, %get3A_196] {strides = array<i32>} : memref<128x64xf32, #tpu.memory_space<vmem>>, vector<1x16xf32>,
        %get3A_198 = vector.shape_cast %get3A_197 : vector<1x16xf32> to vector<16xf32>
        %add3A_199 = arith.addf %scan3A_187, %get3A_198 : vector<16xf32>
        %add3A_200 = arith.constant 0 : i32
        %add3A_201 = arith.addi %mul3A_192, %add3A_200 : i32
        %get3A_202 = arith.index_cast %add3A_201 : i32 to index
        %get3A_203 = arith.constant 16 : index
        %get3A_204 = tpu.vector_load %arg9[%get3A_202, %get3A_203] {strides = array<i32>} : memref<128x64xf32, #tpu.memory_space<vmem>>, vector<1x16xf32>,
        %get3A_205 = vector.shape_cast %get3A_204 : vector<1x16xf32> to vector<16xf32>
        %add3A_206 = arith.addf %scan3A_188, %get3A_205 : vector<16xf32>
        %add3A_207 = arith.constant 0 : i32
        %add3A_208 = arith.addi %mul3A_192, %add3A_207 : i32
        %get3A_209 = arith.index_cast %add3A_208 : i32 to index
        %get3A_210 = arith.constant 32 : index
        %get3A_211 = tpu.vector_load %arg9[%get3A_209, %get3A_210] {strides = array<i32>} : memref<128x64xf32, #tpu.memory_space<vmem>>, vector<1x16xf32>,
        %get3A_212 = vector.shape_cast %get3A_211 : vector<1x16xf32> to vector<16xf32>
        %add3A_213 = arith.addf %scan3A_189, %get3A_212 : vector<16xf32>
        %add3A_214 = arith.constant 0 : i32
        %add3A_215 = arith.addi %mul3A_192, %add3A_214 : i32
        %get3A_216 = arith.index_cast %add3A_215 : i32 to index
        %get3A_217 = arith.constant 48 : index
        %get3A_218 = tpu.vector_load %arg9[%get3A_216, %get3A_217] {strides = array<i32>} : memref<128x64xf32, #tpu.memory_space<vmem>>, vector<1x16xf32>,
        %get3A_219 = vector.shape_cast %get3A_218 : vector<1x16xf32> to vector<16xf32>
        %add3A_220 = arith.addf %scan3A_190, %get3A_219 : vector<16xf32>
        %add3A_221 = arith.constant 1 : i32
        %add3A_222 = arith.addi %mul3A_192, %add3A_221 : i32
        %get3A_223 = arith.index_cast %add3A_222 : i32 to index
        %get3A_224 = arith.constant 0 : index
        %get3A_225 = tpu.vector_load %arg9[%get3A_223, %get3A_224] {strides = array<i32>} : memref<128x64xf32, #tpu.memory_space<vmem>>, vector<1x16xf32>,
        %get3A_226 = vector.shape_cast %get3A_225 : vector<1x16xf32> to vector<16xf32>
        %add3A_227 = arith.addf %add3A_199, %get3A_226 : vector<16xf32>
        %add3A_228 = arith.constant 1 : i32
        %add3A_229 = arith.addi %mul3A_192, %add3A_228 : i32
        %get3A_230 = arith.index_cast %add3A_229 : i32 to index
        %get3A_231 = arith.constant 16 : index
        %get3A_232 = tpu.vector_load %arg9[%get3A_230, %get3A_231] {strides = array<i32>} : memref<128x64xf32, #tpu.memory_space<vmem>>, vector<1x16xf32>,
        %get3A_233 = vector.shape_cast %get3A_232 : vector<1x16xf32> to vector<16xf32>
        %add3A_234 = arith.addf %add3A_206, %get3A_233 : vector<16xf32>
        %add3A_235 = arith.constant 1 : i32
        %add3A_236 = arith.addi %mul3A_192, %add3A_235 : i32
        %get3A_237 = arith.index_cast %add3A_236 : i32 to index
        %get3A_238 = arith.constant 32 : index
        %get3A_239 = tpu.vector_load %arg9[%get3A_237, %get3A_238] {strides = array<i32>} : memref<128x64xf32, #tpu.memory_space<vmem>>, vector<1x16xf32>,
        %get3A_240 = vector.shape_cast %get3A_239 : vector<1x16xf32> to vector<16xf32>
        %add3A_241 = arith.addf %add3A_213, %get3A_240 : vector<16xf32>
        %add3A_242 = arith.constant 1 : i32
        %add3A_243 = arith.addi %mul3A_192, %add3A_242 : i32
        %get3A_244 = arith.index_cast %add3A_243 : i32 to index
        %get3A_245 = arith.constant 48 : index
        %get3A_246 = tpu.vector_load %arg9[%get3A_244, %get3A_245] {strides = array<i32>} : memref<128x64xf32, #tpu.memory_space<vmem>>, vector<1x16xf32>,
        %get3A_247 = vector.shape_cast %get3A_246 : vector<1x16xf32> to vector<16xf32>
        %add3A_248 = arith.addf %add3A_220, %get3A_247 : vector<16xf32>
        %add3A_249 = arith.constant 2 : i32
        %add3A_250 = arith.addi %mul3A_192, %add3A_249 : i32
        %get3A_251 = arith.index_cast %add3A_250 : i32 to index
        %get3A_252 = arith.constant 0 : index
        %get3A_253 = tpu.vector_load %arg9[%get3A_251, %get3A_252] {strides = array<i32>} : memref<128x64xf32, #tpu.memory_space<vmem>>, vector<1x16xf32>,
        %get3A_254 = vector.shape_cast %get3A_253 : vector<1x16xf32> to vector<16xf32>
        %add3A_255 = arith.addf %add3A_227, %get3A_254 : vector<16xf32>
        %add3A_256 = arith.constant 2 : i32
        %add3A_257 = arith.addi %mul3A_192, %add3A_256 : i32
        %get3A_258 = arith.index_cast %add3A_257 : i32 to index
        %get3A_259 = arith.constant 16 : index
        %get3A_260 = tpu.vector_load %arg9[%get3A_258, %get3A_259] {strides = array<i32>} : memref<128x64xf32, #tpu.memory_space<vmem>>, vector<1x16xf32>,
        %get3A_261 = vector.shape_cast %get3A_260 : vector<1x16xf32> to vector<16xf32>
        %add3A_262 = arith.addf %add3A_234, %get3A_261 : vector<16xf32>
        %add3A_263 = arith.constant 2 : i32
        %add3A_264 = arith.addi %mul3A_192, %add3A_263 : i32
        %get3A_265 = arith.index_cast %add3A_264 : i32 to index
        %get3A_266 = arith.constant 32 : index
        %get3A_267 = tpu.vector_load %arg9[%get3A_265, %get3A_266] {strides = array<i32>} : memref<128x64xf32, #tpu.memory_space<vmem>>, vector<1x16xf32>,
        %get3A_268 = vector.shape_cast %get3A_267 : vector<1x16xf32> to vector<16xf32>
        %add3A_269 = arith.addf %add3A_241, %get3A_268 : vector<16xf32>
        %add3A_270 = arith.constant 2 : i32
        %add3A_271 = arith.addi %mul3A_192, %add3A_270 : i32
        %get3A_272 = arith.index_cast %add3A_271 : i32 to index
        %get3A_273 = arith.constant 48 : index
        %get3A_274 = tpu.vector_load %arg9[%get3A_272, %get3A_273] {strides = array<i32>} : memref<128x64xf32, #tpu.memory_space<vmem>>, vector<1x16xf32>,
        %get3A_275 = vector.shape_cast %get3A_274 : vector<1x16xf32> to vector<16xf32>
        %add3A_276 = arith.addf %add3A_248, %get3A_275 : vector<16xf32>
        %add3A_277 = arith.constant 3 : i32
        %add3A_278 = arith.addi %mul3A_192, %add3A_277 : i32
        %get3A_279 = arith.index_cast %add3A_278 : i32 to index
        %get3A_280 = arith.constant 0 : index
        %get3A_281 = tpu.vector_load %arg9[%get3A_279, %get3A_280] {strides = array<i32>} : memref<128x64xf32, #tpu.memory_space<vmem>>, vector<1x16xf32>,
        %get3A_282 = vector.shape_cast %get3A_281 : vector<1x16xf32> to vector<16xf32>
        %add3A_283 = arith.addf %add3A_255, %get3A_282 : vector<16xf32>
        %add3A_284 = arith.constant 3 : i32
        %add3A_285 = arith.addi %mul3A_192, %add3A_284 : i32
        %get3A_286 = arith.index_cast %add3A_285 : i32 to index
        %get3A_287 = arith.constant 16 : index
        %get3A_288 = tpu.vector_load %arg9[%get3A_286, %get3A_287] {strides = array<i32>} : memref<128x64xf32, #tpu.memory_space<vmem>>, vector<1x16xf32>,
        %get3A_289 = vector.shape_cast %get3A_288 : vector<1x16xf32> to vector<16xf32>
        %add3A_290 = arith.addf %add3A_262, %get3A_289 : vector<16xf32>
        %add3A_291 = arith.constant 3 : i32
        %add3A_292 = arith.addi %mul3A_192, %add3A_291 : i32
        %get3A_293 = arith.index_cast %add3A_292 : i32 to index
        %get3A_294 = arith.constant 32 : index
        %get3A_295 = tpu.vector_load %arg9[%get3A_293, %get3A_294] {strides = array<i32>} : memref<128x64xf32, #tpu.memory_space<vmem>>, vector<1x16xf32>,
        %get3A_296 = vector.shape_cast %get3A_295 : vector<1x16xf32> to vector<16xf32>
        %add3A_297 = arith.addf %add3A_269, %get3A_296 : vector<16xf32>
        %add3A_298 = arith.constant 3 : i32
        %add3A_299 = arith.addi %mul3A_192, %add3A_298 : i32
        %get3A_300 = arith.index_cast %add3A_299 : i32 to index
        %get3A_301 = arith.constant 48 : index
        %get3A_302 = tpu.vector_load %arg9[%get3A_300, %get3A_301] {strides = array<i32>} : memref<128x64xf32, #tpu.memory_space<vmem>>, vector<1x16xf32>,
        %get3A_303 = vector.shape_cast %get3A_302 : vector<1x16xf32> to vector<16xf32>
        %add3A_304 = arith.addf %add3A_276, %get3A_303 : vector<16xf32>
        scf.yield %add3A_283, %add3A_290, %add3A_297, %add3A_304 : vector<16xf32>, vector<16xf32>, vector<16xf32>, vector<16xf32>
      }
      %scan3A_129 = arith.constant 32 : i32
      %add3A_130 = arith.constant 2 : i32
      %add3A_131 = arith.addi %add3A_109, %add3A_130 : i32
      %lt3A_132 = arith.constant 128 : i32
      %lt3A_133 = arith.cmpi slt, %add3A_131, %lt3A_132 : i32
      %convert_element_type3A_134 = arith.extui %lt3A_133 : i1 to i32
      %cond3A_135 = arith.constant 0 : i32
      %cond3A_136 = arith.cmpi ne, %convert_element_type3A_134, %cond3A_135 : i32
      scf.if %cond3A_136 {
        %add3A_186 = arith.constant 2 : i32
        %add3A_187 = arith.addi %add3A_109, %add3A_186 : i32
        %mul3A_188 = arith.constant 200 : i32
        %mul3A_189 = arith.muli %add3A_187, %mul3A_188 : i32
        %dma_start3A_190 = tpu.memref_slice %arg6[%mul3A_189] : memref<25600xi32, #tpu.memory_space<vmem>> -> memref<128xi32, #tpu.memory_space<vmem>>
        %dma_start3A_191 = arith.constant 0 : i32
        %dma_start3A_192 = arith.constant 0 : i32
        %dma_start3A_193 = tpu.memref_slice %arg3[%dma_start3A_191, %dma_start3A_192] : memref<1000000x64xf32, #tpu.memory_space<hbm>> -> memref<1000000x64xf32, #tpu.memory_space<hbm>>
        tpu.enqueue_indirect_dma source(%dma_start3A_193 : memref<1000000x64xf32, #tpu.memory_space<hbm>>) target(%arg9 : memref<128x64xf32, #tpu.memory_space<vmem>>) offsets(%dma_start3A_190 : memref<128xi32, #tpu.memory_space<vmem>>) semaphore(%arg14 : memref<!tpu.dma_semaphore, #tpu.memory_space<semaphore_mem>>)
      } else {
      }
      %mul3A_137 = arith.constant 200 : i32
      %mul3A_138 = arith.muli %add3A_109, %mul3A_137 : i32
      %add3A_139 = arith.constant 128 : i32
      %add3A_140 = arith.addi %mul3A_138, %add3A_139 : i32
      %dma_wait3A_141 = tpu.memref_slice %arg6[%add3A_140] : memref<25600xi32, #tpu.memory_space<vmem>> -> memref<72xi32, #tpu.memory_space<vmem>>
      %dma_wait3A_142 = arith.constant 0 : i32
      %dma_wait3A_143 = arith.constant 0 : i32
      %dma_wait3A_144 = tpu.memref_slice %arg3[%dma_wait3A_142, %dma_wait3A_143] : memref<1000000x64xf32, #tpu.memory_space<hbm>> -> memref<1000000x64xf32, #tpu.memory_space<hbm>>
      tpu.wait_indirect_dma semaphore(%arg15 : memref<!tpu.dma_semaphore, #tpu.memory_space<semaphore_mem>>) src(%dma_wait3A_144 : memref<1000000x64xf32, #tpu.memory_space<hbm>>) dst(%arg10 : memref<72x64xf32, #tpu.memory_space<vmem>>)
      %scan3A_145 = arith.constant 0 : i32
      %scan3A_146 = arith.constant 18 : i32
      %scan3A_147 = arith.addi %scan3A_145, %scan3A_146 : i32
      %scan3A_148 = arith.constant 1 : i32
      %scan3A_149:4 = scf.for %scan3A_186 = %scan3A_145 to %scan3A_147 step %scan3A_148 iter_args(%scan3A_187 = %scan3A_128#0, %scan3A_188 = %scan3A_128#1, %scan3A_189 = %scan3A_128#2, %scan3A_190 = %scan3A_128#3) -> (vector<16xf32>, vector<16xf32>, vector<16xf32>, vector<16xf32>)  : i32 {
        %mul3A_191 = arith.constant 4 : i32
        %mul3A_192 = arith.muli %scan3A_186, %mul3A_191 : i32
        %add3A_193 = arith.constant 0 : i32
        %add3A_194 = arith.addi %mul3A_192, %add3A_193 : i32
        %get3A_195 = arith.index_cast %add3A_194 : i32 to index
        %get3A_196 = arith.constant 0 : index
        %get3A_197 = tpu.vector_load %arg10[%get3A_195, %get3A_196] {strides = array<i32>} : memref<72x64xf32, #tpu.memory_space<vmem>>, vector<1x16xf32>,
        %get3A_198 = vector.shape_cast %get3A_197 : vector<1x16xf32> to vector<16xf32>
        %add3A_199 = arith.addf %scan3A_187, %get3A_198 : vector<16xf32>
        %add3A_200 = arith.constant 0 : i32
        %add3A_201 = arith.addi %mul3A_192, %add3A_200 : i32
        %get3A_202 = arith.index_cast %add3A_201 : i32 to index
        %get3A_203 = arith.constant 16 : index
        %get3A_204 = tpu.vector_load %arg10[%get3A_202, %get3A_203] {strides = array<i32>} : memref<72x64xf32, #tpu.memory_space<vmem>>, vector<1x16xf32>,
        %get3A_205 = vector.shape_cast %get3A_204 : vector<1x16xf32> to vector<16xf32>
        %add3A_206 = arith.addf %scan3A_188, %get3A_205 : vector<16xf32>
        %add3A_207 = arith.constant 0 : i32
        %add3A_208 = arith.addi %mul3A_192, %add3A_207 : i32
        %get3A_209 = arith.index_cast %add3A_208 : i32 to index
        %get3A_210 = arith.constant 32 : index
        %get3A_211 = tpu.vector_load %arg10[%get3A_209, %get3A_210] {strides = array<i32>} : memref<72x64xf32, #tpu.memory_space<vmem>>, vector<1x16xf32>,
        %get3A_212 = vector.shape_cast %get3A_211 : vector<1x16xf32> to vector<16xf32>
        %add3A_213 = arith.addf %scan3A_189, %get3A_212 : vector<16xf32>
        %add3A_214 = arith.constant 0 : i32
        %add3A_215 = arith.addi %mul3A_192, %add3A_214 : i32
        %get3A_216 = arith.index_cast %add3A_215 : i32 to index
        %get3A_217 = arith.constant 48 : index
        %get3A_218 = tpu.vector_load %arg10[%get3A_216, %get3A_217] {strides = array<i32>} : memref<72x64xf32, #tpu.memory_space<vmem>>, vector<1x16xf32>,
        %get3A_219 = vector.shape_cast %get3A_218 : vector<1x16xf32> to vector<16xf32>
        %add3A_220 = arith.addf %scan3A_190, %get3A_219 : vector<16xf32>
        %add3A_221 = arith.constant 1 : i32
        %add3A_222 = arith.addi %mul3A_192, %add3A_221 : i32
        %get3A_223 = arith.index_cast %add3A_222 : i32 to index
        %get3A_224 = arith.constant 0 : index
        %get3A_225 = tpu.vector_load %arg10[%get3A_223, %get3A_224] {strides = array<i32>} : memref<72x64xf32, #tpu.memory_space<vmem>>, vector<1x16xf32>,
        %get3A_226 = vector.shape_cast %get3A_225 : vector<1x16xf32> to vector<16xf32>
        %add3A_227 = arith.addf %add3A_199, %get3A_226 : vector<16xf32>
        %add3A_228 = arith.constant 1 : i32
        %add3A_229 = arith.addi %mul3A_192, %add3A_228 : i32
        %get3A_230 = arith.index_cast %add3A_229 : i32 to index
        %get3A_231 = arith.constant 16 : index
        %get3A_232 = tpu.vector_load %arg10[%get3A_230, %get3A_231] {strides = array<i32>} : memref<72x64xf32, #tpu.memory_space<vmem>>, vector<1x16xf32>,
        %get3A_233 = vector.shape_cast %get3A_232 : vector<1x16xf32> to vector<16xf32>
        %add3A_234 = arith.addf %add3A_206, %get3A_233 : vector<16xf32>
        %add3A_235 = arith.constant 1 : i32
        %add3A_236 = arith.addi %mul3A_192, %add3A_235 : i32
        %get3A_237 = arith.index_cast %add3A_236 : i32 to index
        %get3A_238 = arith.constant 32 : index
        %get3A_239 = tpu.vector_load %arg10[%get3A_237, %get3A_238] {strides = array<i32>} : memref<72x64xf32, #tpu.memory_space<vmem>>, vector<1x16xf32>,
        %get3A_240 = vector.shape_cast %get3A_239 : vector<1x16xf32> to vector<16xf32>
        %add3A_241 = arith.addf %add3A_213, %get3A_240 : vector<16xf32>
        %add3A_242 = arith.constant 1 : i32
        %add3A_243 = arith.addi %mul3A_192, %add3A_242 : i32
        %get3A_244 = arith.index_cast %add3A_243 : i32 to index
        %get3A_245 = arith.constant 48 : index
        %get3A_246 = tpu.vector_load %arg10[%get3A_244, %get3A_245] {strides = array<i32>} : memref<72x64xf32, #tpu.memory_space<vmem>>, vector<1x16xf32>,
        %get3A_247 = vector.shape_cast %get3A_246 : vector<1x16xf32> to vector<16xf32>
        %add3A_248 = arith.addf %add3A_220, %get3A_247 : vector<16xf32>
        %add3A_249 = arith.constant 2 : i32
        %add3A_250 = arith.addi %mul3A_192, %add3A_249 : i32
        %get3A_251 = arith.index_cast %add3A_250 : i32 to index
        %get3A_252 = arith.constant 0 : index
        %get3A_253 = tpu.vector_load %arg10[%get3A_251, %get3A_252] {strides = array<i32>} : memref<72x64xf32, #tpu.memory_space<vmem>>, vector<1x16xf32>,
        %get3A_254 = vector.shape_cast %get3A_253 : vector<1x16xf32> to vector<16xf32>
        %add3A_255 = arith.addf %add3A_227, %get3A_254 : vector<16xf32>
        %add3A_256 = arith.constant 2 : i32
        %add3A_257 = arith.addi %mul3A_192, %add3A_256 : i32
        %get3A_258 = arith.index_cast %add3A_257 : i32 to index
        %get3A_259 = arith.constant 16 : index
        %get3A_260 = tpu.vector_load %arg10[%get3A_258, %get3A_259] {strides = array<i32>} : memref<72x64xf32, #tpu.memory_space<vmem>>, vector<1x16xf32>,
        %get3A_261 = vector.shape_cast %get3A_260 : vector<1x16xf32> to vector<16xf32>
        %add3A_262 = arith.addf %add3A_234, %get3A_261 : vector<16xf32>
        %add3A_263 = arith.constant 2 : i32
        %add3A_264 = arith.addi %mul3A_192, %add3A_263 : i32
        %get3A_265 = arith.index_cast %add3A_264 : i32 to index
        %get3A_266 = arith.constant 32 : index
        %get3A_267 = tpu.vector_load %arg10[%get3A_265, %get3A_266] {strides = array<i32>} : memref<72x64xf32, #tpu.memory_space<vmem>>, vector<1x16xf32>,
        %get3A_268 = vector.shape_cast %get3A_267 : vector<1x16xf32> to vector<16xf32>
        %add3A_269 = arith.addf %add3A_241, %get3A_268 : vector<16xf32>
        %add3A_270 = arith.constant 2 : i32
        %add3A_271 = arith.addi %mul3A_192, %add3A_270 : i32
        %get3A_272 = arith.index_cast %add3A_271 : i32 to index
        %get3A_273 = arith.constant 48 : index
        %get3A_274 = tpu.vector_load %arg10[%get3A_272, %get3A_273] {strides = array<i32>} : memref<72x64xf32, #tpu.memory_space<vmem>>, vector<1x16xf32>,
        %get3A_275 = vector.shape_cast %get3A_274 : vector<1x16xf32> to vector<16xf32>
        %add3A_276 = arith.addf %add3A_248, %get3A_275 : vector<16xf32>
        %add3A_277 = arith.constant 3 : i32
        %add3A_278 = arith.addi %mul3A_192, %add3A_277 : i32
        %get3A_279 = arith.index_cast %add3A_278 : i32 to index
        %get3A_280 = arith.constant 0 : index
        %get3A_281 = tpu.vector_load %arg10[%get3A_279, %get3A_280] {strides = array<i32>} : memref<72x64xf32, #tpu.memory_space<vmem>>, vector<1x16xf32>,
        %get3A_282 = vector.shape_cast %get3A_281 : vector<1x16xf32> to vector<16xf32>
        %add3A_283 = arith.addf %add3A_255, %get3A_282 : vector<16xf32>
        %add3A_284 = arith.constant 3 : i32
        %add3A_285 = arith.addi %mul3A_192, %add3A_284 : i32
        %get3A_286 = arith.index_cast %add3A_285 : i32 to index
        %get3A_287 = arith.constant 16 : index
        %get3A_288 = tpu.vector_load %arg10[%get3A_286, %get3A_287] {strides = array<i32>} : memref<72x64xf32, #tpu.memory_space<vmem>>, vector<1x16xf32>,
        %get3A_289 = vector.shape_cast %get3A_288 : vector<1x16xf32> to vector<16xf32>
        %add3A_290 = arith.addf %add3A_262, %get3A_289 : vector<16xf32>
        %add3A_291 = arith.constant 3 : i32
        %add3A_292 = arith.addi %mul3A_192, %add3A_291 : i32
        %get3A_293 = arith.index_cast %add3A_292 : i32 to index
        %get3A_294 = arith.constant 32 : index
        %get3A_295 = tpu.vector_load %arg10[%get3A_293, %get3A_294] {strides = array<i32>} : memref<72x64xf32, #tpu.memory_space<vmem>>, vector<1x16xf32>,
        %get3A_296 = vector.shape_cast %get3A_295 : vector<1x16xf32> to vector<16xf32>
        %add3A_297 = arith.addf %add3A_269, %get3A_296 : vector<16xf32>
        %add3A_298 = arith.constant 3 : i32
        %add3A_299 = arith.addi %mul3A_192, %add3A_298 : i32
        %get3A_300 = arith.index_cast %add3A_299 : i32 to index
        %get3A_301 = arith.constant 48 : index
        %get3A_302 = tpu.vector_load %arg10[%get3A_300, %get3A_301] {strides = array<i32>} : memref<72x64xf32, #tpu.memory_space<vmem>>, vector<1x16xf32>,
        %get3A_303 = vector.shape_cast %get3A_302 : vector<1x16xf32> to vector<16xf32>
        %add3A_304 = arith.addf %add3A_276, %get3A_303 : vector<16xf32>
        scf.yield %add3A_283, %add3A_290, %add3A_297, %add3A_304 : vector<16xf32>, vector<16xf32>, vector<16xf32>, vector<16xf32>
      }
      %scan3A_150 = arith.constant 18 : i32
      %add3A_151 = arith.constant 2 : i32
      %add3A_152 = arith.addi %add3A_109, %add3A_151 : i32
      %lt3A_153 = arith.constant 128 : i32
      %lt3A_154 = arith.cmpi slt, %add3A_152, %lt3A_153 : i32
      %convert_element_type3A_155 = arith.extui %lt3A_154 : i1 to i32
      %cond3A_156 = arith.constant 0 : i32
      %cond3A_157 = arith.cmpi ne, %convert_element_type3A_155, %cond3A_156 : i32
      scf.if %cond3A_157 {
        %add3A_186 = arith.constant 2 : i32
        %add3A_187 = arith.addi %add3A_109, %add3A_186 : i32
        %mul3A_188 = arith.constant 200 : i32
        %mul3A_189 = arith.muli %add3A_187, %mul3A_188 : i32
        %add3A_190 = arith.constant 128 : i32
        %add3A_191 = arith.addi %mul3A_189, %add3A_190 : i32
        %dma_start3A_192 = tpu.memref_slice %arg6[%add3A_191] : memref<25600xi32, #tpu.memory_space<vmem>> -> memref<72xi32, #tpu.memory_space<vmem>>
        %dma_start3A_193 = arith.constant 0 : i32
        %dma_start3A_194 = arith.constant 0 : i32
        %dma_start3A_195 = tpu.memref_slice %arg3[%dma_start3A_193, %dma_start3A_194] : memref<1000000x64xf32, #tpu.memory_space<hbm>> -> memref<1000000x64xf32, #tpu.memory_space<hbm>>
        tpu.enqueue_indirect_dma source(%dma_start3A_195 : memref<1000000x64xf32, #tpu.memory_space<hbm>>) target(%arg10 : memref<72x64xf32, #tpu.memory_space<vmem>>) offsets(%dma_start3A_192 : memref<72xi32, #tpu.memory_space<vmem>>) semaphore(%arg15 : memref<!tpu.dma_semaphore, #tpu.memory_space<semaphore_mem>>)
      } else {
      }
      %mul3A_158 = vector.broadcast %squeeze3A : f32 to vector<16xf32>
      %mul3A_159 = arith.mulf %scan3A_149#0, %mul3A_158 : vector<16xf32>
      %swap3A_160 = arith.index_cast %add3A_109 : i32 to index
      %swap3A_161 = arith.constant 0 : index
      %swap3A_162 = tpu.vector_load %arg11[%swap3A_160, %swap3A_161] {strides = array<i32>} : memref<128x64xf32, #tpu.memory_space<vmem>>, vector<1x16xf32>,
      %swap3A_163 = vector.shape_cast %swap3A_162 : vector<1x16xf32> to vector<16xf32>
      %swap3A_164 = vector.shape_cast %mul3A_159 : vector<16xf32> to vector<1x16xf32>
      tpu.vector_store %arg11[%swap3A_160, %swap3A_161], %swap3A_164 {strides = array<i32>} : memref<128x64xf32, #tpu.memory_space<vmem>>, vector<1x16xf32>,
      %mul3A_165 = vector.broadcast %squeeze3A : f32 to vector<16xf32>
      %mul3A_166 = arith.mulf %scan3A_149#1, %mul3A_165 : vector<16xf32>
      %swap3A_167 = arith.index_cast %add3A_109 : i32 to index
      %swap3A_168 = arith.constant 16 : index
      %swap3A_169 = tpu.vector_load %arg11[%swap3A_167, %swap3A_168] {strides = array<i32>} : memref<128x64xf32, #tpu.memory_space<vmem>>, vector<1x16xf32>,
      %swap3A_170 = vector.shape_cast %swap3A_169 : vector<1x16xf32> to vector<16xf32>
      %swap3A_171 = vector.shape_cast %mul3A_166 : vector<16xf32> to vector<1x16xf32>
      tpu.vector_store %arg11[%swap3A_167, %swap3A_168], %swap3A_171 {strides = array<i32>} : memref<128x64xf32, #tpu.memory_space<vmem>>, vector<1x16xf32>,
      %mul3A_172 = vector.broadcast %squeeze3A : f32 to vector<16xf32>
      %mul3A_173 = arith.mulf %scan3A_149#2, %mul3A_172 : vector<16xf32>
      %swap3A_174 = arith.index_cast %add3A_109 : i32 to index
      %swap3A_175 = arith.constant 32 : index
      %swap3A_176 = tpu.vector_load %arg11[%swap3A_174, %swap3A_175] {strides = array<i32>} : memref<128x64xf32, #tpu.memory_space<vmem>>, vector<1x16xf32>,
      %swap3A_177 = vector.shape_cast %swap3A_176 : vector<1x16xf32> to vector<16xf32>
      %swap3A_178 = vector.shape_cast %mul3A_173 : vector<16xf32> to vector<1x16xf32>
      tpu.vector_store %arg11[%swap3A_174, %swap3A_175], %swap3A_178 {strides = array<i32>} : memref<128x64xf32, #tpu.memory_space<vmem>>, vector<1x16xf32>,
      %mul3A_179 = vector.broadcast %squeeze3A : f32 to vector<16xf32>
      %mul3A_180 = arith.mulf %scan3A_149#3, %mul3A_179 : vector<16xf32>
      %swap3A_181 = arith.index_cast %add3A_109 : i32 to index
      %swap3A_182 = arith.constant 48 : index
      %swap3A_183 = tpu.vector_load %arg11[%swap3A_181, %swap3A_182] {strides = array<i32>} : memref<128x64xf32, #tpu.memory_space<vmem>>, vector<1x16xf32>,
      %swap3A_184 = vector.shape_cast %swap3A_183 : vector<1x16xf32> to vector<16xf32>
      %swap3A_185 = vector.shape_cast %mul3A_180 : vector<16xf32> to vector<1x16xf32>
      tpu.vector_store %arg11[%swap3A_181, %swap3A_182], %swap3A_185 {strides = array<i32>} : memref<128x64xf32, #tpu.memory_space<vmem>>, vector<1x16xf32>,
    }
    %scan3A_28 = arith.constant 64 : i32
    %mul3A_29 = arith.constant 128 : i32
    %mul3A_30 = arith.muli %add3A, %mul3A_29 : i32
    "tpu.region"() ({
      %run_scoped3A = tpu.sem_alloc : memref<!tpu.dma_semaphore, #tpu.memory_space<semaphore_mem>>
      %dma_start3A_31 = arith.constant 0 : i32
      %dma_start3A_32 = tpu.memref_slice %arg5[%mul3A_30, %dma_start3A_31] : memref<4096x64xf32, #tpu.memory_space<hbm>> -> memref<128x64xf32, #tpu.memory_space<hbm>>
      %dma_start3A_33 = arith.constant 0 : i32
      %dma_start3A_34 = tpu.memref_slice %arg5[%mul3A_30, %dma_start3A_33] : memref<4096x64xf32, #tpu.memory_space<hbm>> -> memref<128x64xf32, #tpu.memory_space<hbm>>
      tpu.enqueue_dma source(%arg11 : memref<128x64xf32, #tpu.memory_space<vmem>>) target(%dma_start3A_34 : memref<128x64xf32, #tpu.memory_space<hbm>>) target_semaphore(%run_scoped3A : memref<!tpu.dma_semaphore, #tpu.memory_space<semaphore_mem>>)
      %dma_wait3A = arith.constant 0 : i32
      %dma_wait3A_35 = tpu.memref_slice %arg5[%mul3A_30, %dma_wait3A] : memref<4096x64xf32, #tpu.memory_space<hbm>> -> memref<128x64xf32, #tpu.memory_space<hbm>>
      %dma_wait3A_36 = arith.constant 0 : i32
      %dma_wait3A_37 = tpu.memref_slice %arg5[%mul3A_30, %dma_wait3A_36] : memref<4096x64xf32, #tpu.memory_space<hbm>> -> memref<128x64xf32, #tpu.memory_space<hbm>>
      tpu.wait_dma2 semaphore(%run_scoped3A : memref<!tpu.dma_semaphore, #tpu.memory_space<semaphore_mem>>) src(%arg11 : memref<128x64xf32, #tpu.memory_space<vmem>>) dst(%dma_wait3A_37 : memref<128x64xf32, #tpu.memory_space<hbm>>)
      tpu.yield
    }) : () -> ()
    return
  }
}

#map = affine_map<(d0, d1) -> (0, 0)>
#map1 = affine_map<(d0, d1) -> (0)>
module attributes {stable_mosaic.version = 14 : i64} {
  func.func @k(%arg0: i32, %arg1: i32, %arg2: memref<4096x200xi32, #tpu.memory_space<hbm>>, %arg3: memref<819200xi32, #tpu.memory_space<hbm>>, %arg4: memref<8x128xi32, #tpu.memory_space<vmem>>, %arg5: memref<8x128xi32, #tpu.memory_space<vmem>>, %arg6: memref<8x72xi32, #tpu.memory_space<vmem>>, %arg7: memref<8x72xi32, #tpu.memory_space<vmem>>, %arg8: memref<1600xi32, #tpu.memory_space<vmem>>, %arg9: memref<1600xi32, #tpu.memory_space<vmem>>, %arg10: memref<!tpu.dma_semaphore, #tpu.memory_space<semaphore_mem>>, %arg11: memref<!tpu.dma_semaphore, #tpu.memory_space<semaphore_mem>>, %arg12: memref<!tpu.dma_semaphore, #tpu.memory_space<semaphore_mem>>, %arg13: memref<!tpu.dma_semaphore, #tpu.memory_space<semaphore_mem>>) attributes {dimension_semantics = [#tpu.dimension_semantics<core_parallel>, #tpu.dimension_semantics<subcore_parallel>], iteration_bounds = array<i64: 2, 16>, scalar_prefetch = 0 : i64, scratch_operands = 10 : i64, tpu.core_type = #tpu.core_type<sc_vector_subcore>, window_params = [{transform_indices = #map}, {transform_indices = #map1}]} {
    %mul3A = arith.constant 2 : i32
    %mul3A_0 = arith.muli %arg1, %mul3A : i32
    %add3A = arith.addi %mul3A_0, %arg0 : i32
    %mul3A_1 = arith.constant 128 : i32
    %mul3A_2 = arith.muli %add3A, %mul3A_1 : i32
    %add3A_3 = arith.constant 0 : i32
    %add3A_4 = arith.addi %mul3A_2, %add3A_3 : i32
    %dma_start3A = arith.constant 0 : i32
    %dma_start3A_5 = tpu.memref_slice %arg2[%add3A_4, %dma_start3A] : memref<4096x200xi32, #tpu.memory_space<hbm>> -> memref<8x128xi32, #tpu.memory_space<hbm>>
    %dma_start3A_6 = arith.constant 0 : i32
    %dma_start3A_7 = tpu.memref_slice %arg2[%add3A_4, %dma_start3A_6] : memref<4096x200xi32, #tpu.memory_space<hbm>> -> memref<8x128xi32, #tpu.memory_space<hbm>>
    tpu.enqueue_dma source(%dma_start3A_7 : memref<8x128xi32, #tpu.memory_space<hbm>>) target(%arg4 : memref<8x128xi32, #tpu.memory_space<vmem>>) target_semaphore(%arg10 : memref<!tpu.dma_semaphore, #tpu.memory_space<semaphore_mem>>)
    %add3A_8 = arith.constant 0 : i32
    %add3A_9 = arith.addi %mul3A_2, %add3A_8 : i32
    %dma_start3A_10 = arith.constant 128 : i32
    %dma_start3A_11 = tpu.memref_slice %arg2[%add3A_9, %dma_start3A_10] : memref<4096x200xi32, #tpu.memory_space<hbm>> -> memref<8x72xi32, #tpu.memory_space<hbm>>
    %dma_start3A_12 = arith.constant 128 : i32
    %dma_start3A_13 = tpu.memref_slice %arg2[%add3A_9, %dma_start3A_12] : memref<4096x200xi32, #tpu.memory_space<hbm>> -> memref<8x72xi32, #tpu.memory_space<hbm>>
    tpu.enqueue_dma source(%dma_start3A_13 : memref<8x72xi32, #tpu.memory_space<hbm>>) target(%arg6 : memref<8x72xi32, #tpu.memory_space<vmem>>) target_semaphore(%arg10 : memref<!tpu.dma_semaphore, #tpu.memory_space<semaphore_mem>>)
    %add3A_14 = arith.constant 8 : i32
    %add3A_15 = arith.addi %mul3A_2, %add3A_14 : i32
    %dma_start3A_16 = arith.constant 0 : i32
    %dma_start3A_17 = tpu.memref_slice %arg2[%add3A_15, %dma_start3A_16] : memref<4096x200xi32, #tpu.memory_space<hbm>> -> memref<8x128xi32, #tpu.memory_space<hbm>>
    %dma_start3A_18 = arith.constant 0 : i32
    %dma_start3A_19 = tpu.memref_slice %arg2[%add3A_15, %dma_start3A_18] : memref<4096x200xi32, #tpu.memory_space<hbm>> -> memref<8x128xi32, #tpu.memory_space<hbm>>
    tpu.enqueue_dma source(%dma_start3A_19 : memref<8x128xi32, #tpu.memory_space<hbm>>) target(%arg5 : memref<8x128xi32, #tpu.memory_space<vmem>>) target_semaphore(%arg11 : memref<!tpu.dma_semaphore, #tpu.memory_space<semaphore_mem>>)
    %add3A_20 = arith.constant 8 : i32
    %add3A_21 = arith.addi %mul3A_2, %add3A_20 : i32
    %dma_start3A_22 = arith.constant 128 : i32
    %dma_start3A_23 = tpu.memref_slice %arg2[%add3A_21, %dma_start3A_22] : memref<4096x200xi32, #tpu.memory_space<hbm>> -> memref<8x72xi32, #tpu.memory_space<hbm>>
    %dma_start3A_24 = arith.constant 128 : i32
    %dma_start3A_25 = tpu.memref_slice %arg2[%add3A_21, %dma_start3A_24] : memref<4096x200xi32, #tpu.memory_space<hbm>> -> memref<8x72xi32, #tpu.memory_space<hbm>>
    tpu.enqueue_dma source(%dma_start3A_25 : memref<8x72xi32, #tpu.memory_space<hbm>>) target(%arg7 : memref<8x72xi32, #tpu.memory_space<vmem>>) target_semaphore(%arg11 : memref<!tpu.dma_semaphore, #tpu.memory_space<semaphore_mem>>)
    %scan3A = arith.constant 0 : i32
    %scan3A_26 = arith.constant 0 : i32
    %scan3A_27 = arith.constant 8 : i32
    %scan3A_28 = arith.addi %scan3A_26, %scan3A_27 : i32
    %scan3A_29 = arith.constant 1 : i32
    scf.for %scan3A_42 = %scan3A_26 to %scan3A_28 step %scan3A_29  : i32 {
      %mul3A_43 = arith.constant 2 : i32
      %mul3A_44 = arith.muli %mul3A_43, %scan3A_42 : i32
      %add3A_45 = arith.constant 0 : i32
      %add3A_46 = arith.addi %mul3A_44, %add3A_45 : i32
      %mul3A_47 = arith.constant 8 : i32
      %mul3A_48 = arith.muli %mul3A_47, %add3A_46 : i32
      %add3A_49 = arith.addi %mul3A_2, %mul3A_48 : i32
      %dma_wait3A_50 = arith.constant 0 : i32
      %dma_wait3A_51 = tpu.memref_slice %arg2[%add3A_49, %dma_wait3A_50] : memref<4096x200xi32, #tpu.memory_space<hbm>> -> memref<8x128xi32, #tpu.memory_space<hbm>>
      %dma_wait3A_52 = arith.constant 0 : i32
      %dma_wait3A_53 = tpu.memref_slice %arg2[%add3A_49, %dma_wait3A_52] : memref<4096x200xi32, #tpu.memory_space<hbm>> -> memref<8x128xi32, #tpu.memory_space<hbm>>
      tpu.wait_dma2 semaphore(%arg10 : memref<!tpu.dma_semaphore, #tpu.memory_space<semaphore_mem>>) src(%dma_wait3A_53 : memref<8x128xi32, #tpu.memory_space<hbm>>) dst(%arg4 : memref<8x128xi32, #tpu.memory_space<vmem>>)
      %mul3A_54 = arith.constant 8 : i32
      %mul3A_55 = arith.muli %mul3A_54, %add3A_46 : i32
      %add3A_56 = arith.addi %mul3A_2, %mul3A_55 : i32
      %dma_wait3A_57 = arith.constant 128 : i32
      %dma_wait3A_58 = tpu.memref_slice %arg2[%add3A_56, %dma_wait3A_57] : memref<4096x200xi32, #tpu.memory_space<hbm>> -> memref<8x72xi32, #tpu.memory_space<hbm>>
      %dma_wait3A_59 = arith.constant 128 : i32
      %dma_wait3A_60 = tpu.memref_slice %arg2[%add3A_56, %dma_wait3A_59] : memref<4096x200xi32, #tpu.memory_space<hbm>> -> memref<8x72xi32, #tpu.memory_space<hbm>>
      tpu.wait_dma2 semaphore(%arg10 : memref<!tpu.dma_semaphore, #tpu.memory_space<semaphore_mem>>) src(%dma_wait3A_60 : memref<8x72xi32, #tpu.memory_space<hbm>>) dst(%arg6 : memref<8x72xi32, #tpu.memory_space<vmem>>)
      %gt3A = arith.constant 0 : i32
      %gt3A_61 = arith.cmpi sgt, %scan3A_42, %gt3A : i32
      %convert_element_type3A = arith.extui %gt3A_61 : i1 to i32
      %cond3A = arith.constant 0 : i32
      %cond3A_62 = arith.cmpi ne, %convert_element_type3A, %cond3A : i32
      scf.if %cond3A_62 {
        %mul3A_1983 = arith.constant 8 : i32
        %mul3A_1984 = arith.muli %mul3A_1983, %add3A_46 : i32
        %add3A_1985 = arith.addi %mul3A_2, %mul3A_1984 : i32
        %mul3A_1986 = arith.constant 200 : i32
        %mul3A_1987 = arith.muli %add3A_1985, %mul3A_1986 : i32
        %dma_wait3A_1988 = tpu.memref_slice %arg3[%mul3A_1987] : memref<819200xi32, #tpu.memory_space<hbm>> -> memref<1600xi32, #tpu.memory_space<hbm>>
        %dma_wait3A_1989 = tpu.memref_slice %arg3[%mul3A_1987] : memref<819200xi32, #tpu.memory_space<hbm>> -> memref<1600xi32, #tpu.memory_space<hbm>>
        tpu.wait_dma2 semaphore(%arg12 : memref<!tpu.dma_semaphore, #tpu.memory_space<semaphore_mem>>) src(%arg8 : memref<1600xi32, #tpu.memory_space<vmem>>) dst(%dma_wait3A_1989 : memref<1600xi32, #tpu.memory_space<hbm>>)
      } else {
      }
      %get3A = arith.constant 0 : i32
      %get3A_63 = arith.index_cast %get3A : i32 to index
      %get3A_64 = arith.constant 0 : index
      %get3A_65 = tpu.vector_load %arg4[%get3A_63, %get3A_64] {strides = array<i32>} : memref<8x128xi32, #tpu.memory_space<vmem>>, vector<1x16xi32>,
      %get3A_66 = vector.shape_cast %get3A_65 : vector<1x16xi32> to vector<16xi32>
      %swap3A = arith.constant 0 : index
      %swap3A_67 = tpu.vector_load %arg8[%swap3A] {strides = array<i32>} : memref<1600xi32, #tpu.memory_space<vmem>>, vector<16xi32>,
      %swap3A_68 = vector.shape_cast %swap3A_67 : vector<16xi32> to vector<16xi32>
      %swap3A_69 = vector.shape_cast %get3A_66 : vector<16xi32> to vector<16xi32>
      tpu.vector_store %arg8[%swap3A], %swap3A_69 {strides = array<i32>} : memref<1600xi32, #tpu.memory_space<vmem>>, vector<16xi32>,
      %get3A_70 = arith.constant 0 : i32
      %get3A_71 = arith.index_cast %get3A_70 : i32 to index
      %get3A_72 = arith.constant 16 : index
      %get3A_73 = tpu.vector_load %arg4[%get3A_71, %get3A_72] {strides = array<i32>} : memref<8x128xi32, #tpu.memory_space<vmem>>, vector<1x16xi32>,
      %get3A_74 = vector.shape_cast %get3A_73 : vector<1x16xi32> to vector<16xi32>
      %swap3A_75 = arith.constant 16 : index
      %swap3A_76 = tpu.vector_load %arg8[%swap3A_75] {strides = array<i32>} : memref<1600xi32, #tpu.memory_space<vmem>>, vector<16xi32>,
      %swap3A_77 = vector.shape_cast %swap3A_76 : vector<16xi32> to vector<16xi32>
      %swap3A_78 = vector.shape_cast %get3A_74 : vector<16xi32> to vector<16xi32>
      tpu.vector_store %arg8[%swap3A_75], %swap3A_78 {strides = array<i32>} : memref<1600xi32, #tpu.memory_space<vmem>>, vector<16xi32>,
      %get3A_79 = arith.constant 0 : i32
      %get3A_80 = arith.index_cast %get3A_79 : i32 to index
      %get3A_81 = arith.constant 32 : index
      %get3A_82 = tpu.vector_load %arg4[%get3A_80, %get3A_81] {strides = array<i32>} : memref<8x128xi32, #tpu.memory_space<vmem>>, vector<1x16xi32>,
      %get3A_83 = vector.shape_cast %get3A_82 : vector<1x16xi32> to vector<16xi32>
      %swap3A_84 = arith.constant 32 : index
      %swap3A_85 = tpu.vector_load %arg8[%swap3A_84] {strides = array<i32>} : memref<1600xi32, #tpu.memory_space<vmem>>, vector<16xi32>,
      %swap3A_86 = vector.shape_cast %swap3A_85 : vector<16xi32> to vector<16xi32>
      %swap3A_87 = vector.shape_cast %get3A_83 : vector<16xi32> to vector<16xi32>
      tpu.vector_store %arg8[%swap3A_84], %swap3A_87 {strides = array<i32>} : memref<1600xi32, #tpu.memory_space<vmem>>, vector<16xi32>,
      %get3A_88 = arith.constant 0 : i32
      %get3A_89 = arith.index_cast %get3A_88 : i32 to index
      %get3A_90 = arith.constant 48 : index
      %get3A_91 = tpu.vector_load %arg4[%get3A_89, %get3A_90] {strides = array<i32>} : memref<8x128xi32, #tpu.memory_space<vmem>>, vector<1x16xi32>,
      %get3A_92 = vector.shape_cast %get3A_91 : vector<1x16xi32> to vector<16xi32>
      %swap3A_93 = arith.constant 48 : index
      %swap3A_94 = tpu.vector_load %arg8[%swap3A_93] {strides = array<i32>} : memref<1600xi32, #tpu.memory_space<vmem>>, vector<16xi32>,
      %swap3A_95 = vector.shape_cast %swap3A_94 : vector<16xi32> to vector<16xi32>
      %swap3A_96 = vector.shape_cast %get3A_92 : vector<16xi32> to vector<16xi32>
      tpu.vector_store %arg8[%swap3A_93], %swap3A_96 {strides = array<i32>} : memref<1600xi32, #tpu.memory_space<vmem>>, vector<16xi32>,
      %get3A_97 = arith.constant 0 : i32
      %get3A_98 = arith.index_cast %get3A_97 : i32 to index
      %get3A_99 = arith.constant 64 : index
      %get3A_100 = tpu.vector_load %arg4[%get3A_98, %get3A_99] {strides = array<i32>} : memref<8x128xi32, #tpu.memory_space<vmem>>, vector<1x16xi32>,
      %get3A_101 = vector.shape_cast %get3A_100 : vector<1x16xi32> to vector<16xi32>
      %swap3A_102 = arith.constant 64 : index
      %swap3A_103 = tpu.vector_load %arg8[%swap3A_102] {strides = array<i32>} : memref<1600xi32, #tpu.memory_space<vmem>>, vector<16xi32>,
      %swap3A_104 = vector.shape_cast %swap3A_103 : vector<16xi32> to vector<16xi32>
      %swap3A_105 = vector.shape_cast %get3A_101 : vector<16xi32> to vector<16xi32>
      tpu.vector_store %arg8[%swap3A_102], %swap3A_105 {strides = array<i32>} : memref<1600xi32, #tpu.memory_space<vmem>>, vector<16xi32>,
      %get3A_106 = arith.constant 0 : i32
      %get3A_107 = arith.index_cast %get3A_106 : i32 to index
      %get3A_108 = arith.constant 80 : index
      %get3A_109 = tpu.vector_load %arg4[%get3A_107, %get3A_108] {strides = array<i32>} : memref<8x128xi32, #tpu.memory_space<vmem>>, vector<1x16xi32>,
      %get3A_110 = vector.shape_cast %get3A_109 : vector<1x16xi32> to vector<16xi32>
      %swap3A_111 = arith.constant 80 : index
      %swap3A_112 = tpu.vector_load %arg8[%swap3A_111] {strides = array<i32>} : memref<1600xi32, #tpu.memory_space<vmem>>, vector<16xi32>,
      %swap3A_113 = vector.shape_cast %swap3A_112 : vector<16xi32> to vector<16xi32>
      %swap3A_114 = vector.shape_cast %get3A_110 : vector<16xi32> to vector<16xi32>
      tpu.vector_store %arg8[%swap3A_111], %swap3A_114 {strides = array<i32>} : memref<1600xi32, #tpu.memory_space<vmem>>, vector<16xi32>,
      %get3A_115 = arith.constant 0 : i32
      %get3A_116 = arith.index_cast %get3A_115 : i32 to index
      %get3A_117 = arith.constant 96 : index
      %get3A_118 = tpu.vector_load %arg4[%get3A_116, %get3A_117] {strides = array<i32>} : memref<8x128xi32, #tpu.memory_space<vmem>>, vector<1x16xi32>,
      %get3A_119 = vector.shape_cast %get3A_118 : vector<1x16xi32> to vector<16xi32>
      %swap3A_120 = arith.constant 96 : index
      %swap3A_121 = tpu.vector_load %arg8[%swap3A_120] {strides = array<i32>} : memref<1600xi32, #tpu.memory_space<vmem>>, vector<16xi32>,
      %swap3A_122 = vector.shape_cast %swap3A_121 : vector<16xi32> to vector<16xi32>
      %swap3A_123 = vector.shape_cast %get3A_119 : vector<16xi32> to vector<16xi32>
      tpu.vector_store %arg8[%swap3A_120], %swap3A_123 {strides = array<i32>} : memref<1600xi32, #tpu.memory_space<vmem>>, vector<16xi32>,
      %get3A_124 = arith.constant 0 : i32
      %get3A_125 = arith.index_cast %get3A_124 : i32 to index
      %get3A_126 = arith.constant 112 : index
      %get3A_127 = tpu.vector_load %arg4[%get3A_125, %get3A_126] {strides = array<i32>} : memref<8x128xi32, #tpu.memory_space<vmem>>, vector<1x16xi32>,
      %get3A_128 = vector.shape_cast %get3A_127 : vector<1x16xi32> to vector<16xi32>
      %swap3A_129 = arith.constant 112 : index
      %swap3A_130 = tpu.vector_load %arg8[%swap3A_129] {strides = array<i32>} : memref<1600xi32, #tpu.memory_space<vmem>>, vector<16xi32>,
      %swap3A_131 = vector.shape_cast %swap3A_130 : vector<16xi32> to vector<16xi32>
      %swap3A_132 = vector.shape_cast %get3A_128 : vector<16xi32> to vector<16xi32>
      tpu.vector_store %arg8[%swap3A_129], %swap3A_132 {strides = array<i32>} : memref<1600xi32, #tpu.memory_space<vmem>>, vector<16xi32>,
      %get3A_133 = arith.constant 0 : i32
      %get3A_134 = arith.index_cast %get3A_133 : i32 to index
      %get3A_135 = arith.constant 0 : index
      %get3A_136 = tpu.vector_load %arg6[%get3A_134, %get3A_135] {strides = array<i32>} : memref<8x72xi32, #tpu.memory_space<vmem>>, vector<1x16xi32>,
      %get3A_137 = vector.shape_cast %get3A_136 : vector<1x16xi32> to vector<16xi32>
      %swap3A_138 = arith.constant 128 : index
      %swap3A_139 = tpu.vector_load %arg8[%swap3A_138] {strides = array<i32>} : memref<1600xi32, #tpu.memory_space<vmem>>, vector<16xi32>,
      %swap3A_140 = vector.shape_cast %swap3A_139 : vector<16xi32> to vector<16xi32>
      %swap3A_141 = vector.shape_cast %get3A_137 : vector<16xi32> to vector<16xi32>
      tpu.vector_store %arg8[%swap3A_138], %swap3A_141 {strides = array<i32>} : memref<1600xi32, #tpu.memory_space<vmem>>, vector<16xi32>,
      %get3A_142 = arith.constant 0 : i32
      %get3A_143 = arith.index_cast %get3A_142 : i32 to index
      %get3A_144 = arith.constant 16 : index
      %get3A_145 = tpu.vector_load %arg6[%get3A_143, %get3A_144] {strides = array<i32>} : memref<8x72xi32, #tpu.memory_space<vmem>>, vector<1x16xi32>,
      %get3A_146 = vector.shape_cast %get3A_145 : vector<1x16xi32> to vector<16xi32>
      %swap3A_147 = arith.constant 144 : index
      %swap3A_148 = tpu.vector_load %arg8[%swap3A_147] {strides = array<i32>} : memref<1600xi32, #tpu.memory_space<vmem>>, vector<16xi32>,
      %swap3A_149 = vector.shape_cast %swap3A_148 : vector<16xi32> to vector<16xi32>
      %swap3A_150 = vector.shape_cast %get3A_146 : vector<16xi32> to vector<16xi32>
      tpu.vector_store %arg8[%swap3A_147], %swap3A_150 {strides = array<i32>} : memref<1600xi32, #tpu.memory_space<vmem>>, vector<16xi32>,
      %get3A_151 = arith.constant 0 : i32
      %get3A_152 = arith.index_cast %get3A_151 : i32 to index
      %get3A_153 = arith.constant 32 : index
      %get3A_154 = tpu.vector_load %arg6[%get3A_152, %get3A_153] {strides = array<i32>} : memref<8x72xi32, #tpu.memory_space<vmem>>, vector<1x16xi32>,
      %get3A_155 = vector.shape_cast %get3A_154 : vector<1x16xi32> to vector<16xi32>
      %swap3A_156 = arith.constant 160 : index
      %swap3A_157 = tpu.vector_load %arg8[%swap3A_156] {strides = array<i32>} : memref<1600xi32, #tpu.memory_space<vmem>>, vector<16xi32>,
      %swap3A_158 = vector.shape_cast %swap3A_157 : vector<16xi32> to vector<16xi32>
      %swap3A_159 = vector.shape_cast %get3A_155 : vector<16xi32> to vector<16xi32>
      tpu.vector_store %arg8[%swap3A_156], %swap3A_159 {strides = array<i32>} : memref<1600xi32, #tpu.memory_space<vmem>>, vector<16xi32>,
      %get3A_160 = arith.constant 0 : i32
      %get3A_161 = arith.index_cast %get3A_160 : i32 to index
      %get3A_162 = arith.constant 48 : index
      %get3A_163 = tpu.vector_load %arg6[%get3A_161, %get3A_162] {strides = array<i32>} : memref<8x72xi32, #tpu.memory_space<vmem>>, vector<1x16xi32>,
      %get3A_164 = vector.shape_cast %get3A_163 : vector<1x16xi32> to vector<16xi32>
      %swap3A_165 = arith.constant 176 : index
      %swap3A_166 = tpu.vector_load %arg8[%swap3A_165] {strides = array<i32>} : memref<1600xi32, #tpu.memory_space<vmem>>, vector<16xi32>,
      %swap3A_167 = vector.shape_cast %swap3A_166 : vector<16xi32> to vector<16xi32>
      %swap3A_168 = vector.shape_cast %get3A_164 : vector<16xi32> to vector<16xi32>
      tpu.vector_store %arg8[%swap3A_165], %swap3A_168 {strides = array<i32>} : memref<1600xi32, #tpu.memory_space<vmem>>, vector<16xi32>,
      %get3A_169 = arith.constant 0 : i32
      %get3A_170 = arith.index_cast %get3A_169 : i32 to index
      %get3A_171 = arith.constant 56 : index
      %get3A_172 = tpu.vector_load %arg6[%get3A_170, %get3A_171] {strides = array<i32>} : memref<8x72xi32, #tpu.memory_space<vmem>>, vector<1x16xi32>,
      %get3A_173 = vector.shape_cast %get3A_172 : vector<1x16xi32> to vector<16xi32>
      %swap3A_174 = arith.constant 184 : index
      %swap3A_175 = tpu.vector_load %arg8[%swap3A_174] {strides = array<i32>} : memref<1600xi32, #tpu.memory_space<vmem>>, vector<16xi32>,
      %swap3A_176 = vector.shape_cast %swap3A_175 : vector<16xi32> to vector<16xi32>
      %swap3A_177 = vector.shape_cast %get3A_173 : vector<16xi32> to vector<16xi32>
      tpu.vector_store %arg8[%swap3A_174], %swap3A_177 {strides = array<i32>} : memref<1600xi32, #tpu.memory_space<vmem>>, vector<16xi32>,
      %get3A_178 = arith.constant 1 : i32
      %get3A_179 = arith.index_cast %get3A_178 : i32 to index
      %get3A_180 = arith.constant 0 : index
      %get3A_181 = tpu.vector_load %arg4[%get3A_179, %get3A_180] {strides = array<i32>} : memref<8x128xi32, #tpu.memory_space<vmem>>, vector<1x16xi32>,
      %get3A_182 = vector.shape_cast %get3A_181 : vector<1x16xi32> to vector<16xi32>
      %swap3A_183 = arith.constant 200 : index
      %swap3A_184 = tpu.vector_load %arg8[%swap3A_183] {strides = array<i32>} : memref<1600xi32, #tpu.memory_space<vmem>>, vector<16xi32>,
      %swap3A_185 = vector.shape_cast %swap3A_184 : vector<16xi32> to vector<16xi32>
      %swap3A_186 = vector.shape_cast %get3A_182 : vector<16xi32> to vector<16xi32>
      tpu.vector_store %arg8[%swap3A_183], %swap3A_186 {strides = array<i32>} : memref<1600xi32, #tpu.memory_space<vmem>>, vector<16xi32>,
      %get3A_187 = arith.constant 1 : i32
      %get3A_188 = arith.index_cast %get3A_187 : i32 to index
      %get3A_189 = arith.constant 16 : index
      %get3A_190 = tpu.vector_load %arg4[%get3A_188, %get3A_189] {strides = array<i32>} : memref<8x128xi32, #tpu.memory_space<vmem>>, vector<1x16xi32>,
      %get3A_191 = vector.shape_cast %get3A_190 : vector<1x16xi32> to vector<16xi32>
      %swap3A_192 = arith.constant 216 : index
      %swap3A_193 = tpu.vector_load %arg8[%swap3A_192] {strides = array<i32>} : memref<1600xi32, #tpu.memory_space<vmem>>, vector<16xi32>,
      %swap3A_194 = vector.shape_cast %swap3A_193 : vector<16xi32> to vector<16xi32>
      %swap3A_195 = vector.shape_cast %get3A_191 : vector<16xi32> to vector<16xi32>
      tpu.vector_store %arg8[%swap3A_192], %swap3A_195 {strides = array<i32>} : memref<1600xi32, #tpu.memory_space<vmem>>, vector<16xi32>,
      %get3A_196 = arith.constant 1 : i32
      %get3A_197 = arith.index_cast %get3A_196 : i32 to index
      %get3A_198 = arith.constant 32 : index
      %get3A_199 = tpu.vector_load %arg4[%get3A_197, %get3A_198] {strides = array<i32>} : memref<8x128xi32, #tpu.memory_space<vmem>>, vector<1x16xi32>,
      %get3A_200 = vector.shape_cast %get3A_199 : vector<1x16xi32> to vector<16xi32>
      %swap3A_201 = arith.constant 232 : index
      %swap3A_202 = tpu.vector_load %arg8[%swap3A_201] {strides = array<i32>} : memref<1600xi32, #tpu.memory_space<vmem>>, vector<16xi32>,
      %swap3A_203 = vector.shape_cast %swap3A_202 : vector<16xi32> to vector<16xi32>
      %swap3A_204 = vector.shape_cast %get3A_200 : vector<16xi32> to vector<16xi32>
      tpu.vector_store %arg8[%swap3A_201], %swap3A_204 {strides = array<i32>} : memref<1600xi32, #tpu.memory_space<vmem>>, vector<16xi32>,
      %get3A_205 = arith.constant 1 : i32
      %get3A_206 = arith.index_cast %get3A_205 : i32 to index
      %get3A_207 = arith.constant 48 : index
      %get3A_208 = tpu.vector_load %arg4[%get3A_206, %get3A_207] {strides = array<i32>} : memref<8x128xi32, #tpu.memory_space<vmem>>, vector<1x16xi32>,
      %get3A_209 = vector.shape_cast %get3A_208 : vector<1x16xi32> to vector<16xi32>
      %swap3A_210 = arith.constant 248 : index
      %swap3A_211 = tpu.vector_load %arg8[%swap3A_210] {strides = array<i32>} : memref<1600xi32, #tpu.memory_space<vmem>>, vector<16xi32>,
      %swap3A_212 = vector.shape_cast %swap3A_211 : vector<16xi32> to vector<16xi32>
      %swap3A_213 = vector.shape_cast %get3A_209 : vector<16xi32> to vector<16xi32>
      tpu.vector_store %arg8[%swap3A_210], %swap3A_213 {strides = array<i32>} : memref<1600xi32, #tpu.memory_space<vmem>>, vector<16xi32>,
      %get3A_214 = arith.constant 1 : i32
      %get3A_215 = arith.index_cast %get3A_214 : i32 to index
      %get3A_216 = arith.constant 64 : index
      %get3A_217 = tpu.vector_load %arg4[%get3A_215, %get3A_216] {strides = array<i32>} : memref<8x128xi32, #tpu.memory_space<vmem>>, vector<1x16xi32>,
      %get3A_218 = vector.shape_cast %get3A_217 : vector<1x16xi32> to vector<16xi32>
      %swap3A_219 = arith.constant 264 : index
      %swap3A_220 = tpu.vector_load %arg8[%swap3A_219] {strides = array<i32>} : memref<1600xi32, #tpu.memory_space<vmem>>, vector<16xi32>,
      %swap3A_221 = vector.shape_cast %swap3A_220 : vector<16xi32> to vector<16xi32>
      %swap3A_222 = vector.shape_cast %get3A_218 : vector<16xi32> to vector<16xi32>
      tpu.vector_store %arg8[%swap3A_219], %swap3A_222 {strides = array<i32>} : memref<1600xi32, #tpu.memory_space<vmem>>, vector<16xi32>,
      %get3A_223 = arith.constant 1 : i32
      %get3A_224 = arith.index_cast %get3A_223 : i32 to index
      %get3A_225 = arith.constant 80 : index
      %get3A_226 = tpu.vector_load %arg4[%get3A_224, %get3A_225] {strides = array<i32>} : memref<8x128xi32, #tpu.memory_space<vmem>>, vector<1x16xi32>,
      %get3A_227 = vector.shape_cast %get3A_226 : vector<1x16xi32> to vector<16xi32>
      %swap3A_228 = arith.constant 280 : index
      %swap3A_229 = tpu.vector_load %arg8[%swap3A_228] {strides = array<i32>} : memref<1600xi32, #tpu.memory_space<vmem>>, vector<16xi32>,
      %swap3A_230 = vector.shape_cast %swap3A_229 : vector<16xi32> to vector<16xi32>
      %swap3A_231 = vector.shape_cast %get3A_227 : vector<16xi32> to vector<16xi32>
      tpu.vector_store %arg8[%swap3A_228], %swap3A_231 {strides = array<i32>} : memref<1600xi32, #tpu.memory_space<vmem>>, vector<16xi32>,
      %get3A_232 = arith.constant 1 : i32
      %get3A_233 = arith.index_cast %get3A_232 : i32 to index
      %get3A_234 = arith.constant 96 : index
      %get3A_235 = tpu.vector_load %arg4[%get3A_233, %get3A_234] {strides = array<i32>} : memref<8x128xi32, #tpu.memory_space<vmem>>, vector<1x16xi32>,
      %get3A_236 = vector.shape_cast %get3A_235 : vector<1x16xi32> to vector<16xi32>
      %swap3A_237 = arith.constant 296 : index
      %swap3A_238 = tpu.vector_load %arg8[%swap3A_237] {strides = array<i32>} : memref<1600xi32, #tpu.memory_space<vmem>>, vector<16xi32>,
      %swap3A_239 = vector.shape_cast %swap3A_238 : vector<16xi32> to vector<16xi32>
      %swap3A_240 = vector.shape_cast %get3A_236 : vector<16xi32> to vector<16xi32>
      tpu.vector_store %arg8[%swap3A_237], %swap3A_240 {strides = array<i32>} : memref<1600xi32, #tpu.memory_space<vmem>>, vector<16xi32>,
      %get3A_241 = arith.constant 1 : i32
      %get3A_242 = arith.index_cast %get3A_241 : i32 to index
      %get3A_243 = arith.constant 112 : index
      %get3A_244 = tpu.vector_load %arg4[%get3A_242, %get3A_243] {strides = array<i32>} : memref<8x128xi32, #tpu.memory_space<vmem>>, vector<1x16xi32>,
      %get3A_245 = vector.shape_cast %get3A_244 : vector<1x16xi32> to vector<16xi32>
      %swap3A_246 = arith.constant 312 : index
      %swap3A_247 = tpu.vector_load %arg8[%swap3A_246] {strides = array<i32>} : memref<1600xi32, #tpu.memory_space<vmem>>, vector<16xi32>,
      %swap3A_248 = vector.shape_cast %swap3A_247 : vector<16xi32> to vector<16xi32>
      %swap3A_249 = vector.shape_cast %get3A_245 : vector<16xi32> to vector<16xi32>
      tpu.vector_store %arg8[%swap3A_246], %swap3A_249 {strides = array<i32>} : memref<1600xi32, #tpu.memory_space<vmem>>, vector<16xi32>,
      %get3A_250 = arith.constant 1 : i32
      %get3A_251 = arith.index_cast %get3A_250 : i32 to index
      %get3A_252 = arith.constant 0 : index
      %get3A_253 = tpu.vector_load %arg6[%get3A_251, %get3A_252] {strides = array<i32>} : memref<8x72xi32, #tpu.memory_space<vmem>>, vector<1x16xi32>,
      %get3A_254 = vector.shape_cast %get3A_253 : vector<1x16xi32> to vector<16xi32>
      %swap3A_255 = arith.constant 328 : index
      %swap3A_256 = tpu.vector_load %arg8[%swap3A_255] {strides = array<i32>} : memref<1600xi32, #tpu.memory_space<vmem>>, vector<16xi32>,
      %swap3A_257 = vector.shape_cast %swap3A_256 : vector<16xi32> to vector<16xi32>
      %swap3A_258 = vector.shape_cast %get3A_254 : vector<16xi32> to vector<16xi32>
      tpu.vector_store %arg8[%swap3A_255], %swap3A_258 {strides = array<i32>} : memref<1600xi32, #tpu.memory_space<vmem>>, vector<16xi32>,
      %get3A_259 = arith.constant 1 : i32
      %get3A_260 = arith.index_cast %get3A_259 : i32 to index
      %get3A_261 = arith.constant 16 : index
      %get3A_262 = tpu.vector_load %arg6[%get3A_260, %get3A_261] {strides = array<i32>} : memref<8x72xi32, #tpu.memory_space<vmem>>, vector<1x16xi32>,
      %get3A_263 = vector.shape_cast %get3A_262 : vector<1x16xi32> to vector<16xi32>
      %swap3A_264 = arith.constant 344 : index
      %swap3A_265 = tpu.vector_load %arg8[%swap3A_264] {strides = array<i32>} : memref<1600xi32, #tpu.memory_space<vmem>>, vector<16xi32>,
      %swap3A_266 = vector.shape_cast %swap3A_265 : vector<16xi32> to vector<16xi32>
      %swap3A_267 = vector.shape_cast %get3A_263 : vector<16xi32> to vector<16xi32>
      tpu.vector_store %arg8[%swap3A_264], %swap3A_267 {strides = array<i32>} : memref<1600xi32, #tpu.memory_space<vmem>>, vector<16xi32>,
      %get3A_268 = arith.constant 1 : i32
      %get3A_269 = arith.index_cast %get3A_268 : i32 to index
      %get3A_270 = arith.constant 32 : index
      %get3A_271 = tpu.vector_load %arg6[%get3A_269, %get3A_270] {strides = array<i32>} : memref<8x72xi32, #tpu.memory_space<vmem>>, vector<1x16xi32>,
      %get3A_272 = vector.shape_cast %get3A_271 : vector<1x16xi32> to vector<16xi32>
      %swap3A_273 = arith.constant 360 : index
      %swap3A_274 = tpu.vector_load %arg8[%swap3A_273] {strides = array<i32>} : memref<1600xi32, #tpu.memory_space<vmem>>, vector<16xi32>,
      %swap3A_275 = vector.shape_cast %swap3A_274 : vector<16xi32> to vector<16xi32>
      %swap3A_276 = vector.shape_cast %get3A_272 : vector<16xi32> to vector<16xi32>
      tpu.vector_store %arg8[%swap3A_273], %swap3A_276 {strides = array<i32>} : memref<1600xi32, #tpu.memory_space<vmem>>, vector<16xi32>,
      %get3A_277 = arith.constant 1 : i32
      %get3A_278 = arith.index_cast %get3A_277 : i32 to index
      %get3A_279 = arith.constant 48 : index
      %get3A_280 = tpu.vector_load %arg6[%get3A_278, %get3A_279] {strides = array<i32>} : memref<8x72xi32, #tpu.memory_space<vmem>>, vector<1x16xi32>,
      %get3A_281 = vector.shape_cast %get3A_280 : vector<1x16xi32> to vector<16xi32>
      %swap3A_282 = arith.constant 376 : index
      %swap3A_283 = tpu.vector_load %arg8[%swap3A_282] {strides = array<i32>} : memref<1600xi32, #tpu.memory_space<vmem>>, vector<16xi32>,
      %swap3A_284 = vector.shape_cast %swap3A_283 : vector<16xi32> to vector<16xi32>
      %swap3A_285 = vector.shape_cast %get3A_281 : vector<16xi32> to vector<16xi32>
      tpu.vector_store %arg8[%swap3A_282], %swap3A_285 {strides = array<i32>} : memref<1600xi32, #tpu.memory_space<vmem>>, vector<16xi32>,
      %get3A_286 = arith.constant 1 : i32
      %get3A_287 = arith.index_cast %get3A_286 : i32 to index
      %get3A_288 = arith.constant 56 : index
      %get3A_289 = tpu.vector_load %arg6[%get3A_287, %get3A_288] {strides = array<i32>} : memref<8x72xi32, #tpu.memory_space<vmem>>, vector<1x16xi32>,
      %get3A_290 = vector.shape_cast %get3A_289 : vector<1x16xi32> to vector<16xi32>
      %swap3A_291 = arith.constant 384 : index
      %swap3A_292 = tpu.vector_load %arg8[%swap3A_291] {strides = array<i32>} : memref<1600xi32, #tpu.memory_space<vmem>>, vector<16xi32>,
      %swap3A_293 = vector.shape_cast %swap3A_292 : vector<16xi32> to vector<16xi32>
      %swap3A_294 = vector.shape_cast %get3A_290 : vector<16xi32> to vector<16xi32>
      tpu.vector_store %arg8[%swap3A_291], %swap3A_294 {strides = array<i32>} : memref<1600xi32, #tpu.memory_space<vmem>>, vector<16xi32>,
      %get3A_295 = arith.constant 2 : i32
      %get3A_296 = arith.index_cast %get3A_295 : i32 to index
      %get3A_297 = arith.constant 0 : index
      %get3A_298 = tpu.vector_load %arg4[%get3A_296, %get3A_297] {strides = array<i32>} : memref<8x128xi32, #tpu.memory_space<vmem>>, vector<1x16xi32>,
      %get3A_299 = vector.shape_cast %get3A_298 : vector<1x16xi32> to vector<16xi32>
      %swap3A_300 = arith.constant 400 : index
      %swap3A_301 = tpu.vector_load %arg8[%swap3A_300] {strides = array<i32>} : memref<1600xi32, #tpu.memory_space<vmem>>, vector<16xi32>,
      %swap3A_302 = vector.shape_cast %swap3A_301 : vector<16xi32> to vector<16xi32>
      %swap3A_303 = vector.shape_cast %get3A_299 : vector<16xi32> to vector<16xi32>
      tpu.vector_store %arg8[%swap3A_300], %swap3A_303 {strides = array<i32>} : memref<1600xi32, #tpu.memory_space<vmem>>, vector<16xi32>,
      %get3A_304 = arith.constant 2 : i32
      %get3A_305 = arith.index_cast %get3A_304 : i32 to index
      %get3A_306 = arith.constant 16 : index
      %get3A_307 = tpu.vector_load %arg4[%get3A_305, %get3A_306] {strides = array<i32>} : memref<8x128xi32, #tpu.memory_space<vmem>>, vector<1x16xi32>,
      %get3A_308 = vector.shape_cast %get3A_307 : vector<1x16xi32> to vector<16xi32>
      %swap3A_309 = arith.constant 416 : index
      %swap3A_310 = tpu.vector_load %arg8[%swap3A_309] {strides = array<i32>} : memref<1600xi32, #tpu.memory_space<vmem>>, vector<16xi32>,
      %swap3A_311 = vector.shape_cast %swap3A_310 : vector<16xi32> to vector<16xi32>
      %swap3A_312 = vector.shape_cast %get3A_308 : vector<16xi32> to vector<16xi32>
      tpu.vector_store %arg8[%swap3A_309], %swap3A_312 {strides = array<i32>} : memref<1600xi32, #tpu.memory_space<vmem>>, vector<16xi32>,
      %get3A_313 = arith.constant 2 : i32
      %get3A_314 = arith.index_cast %get3A_313 : i32 to index
      %get3A_315 = arith.constant 32 : index
      %get3A_316 = tpu.vector_load %arg4[%get3A_314, %get3A_315] {strides = array<i32>} : memref<8x128xi32, #tpu.memory_space<vmem>>, vector<1x16xi32>,
      %get3A_317 = vector.shape_cast %get3A_316 : vector<1x16xi32> to vector<16xi32>
      %swap3A_318 = arith.constant 432 : index
      %swap3A_319 = tpu.vector_load %arg8[%swap3A_318] {strides = array<i32>} : memref<1600xi32, #tpu.memory_space<vmem>>, vector<16xi32>,
      %swap3A_320 = vector.shape_cast %swap3A_319 : vector<16xi32> to vector<16xi32>
      %swap3A_321 = vector.shape_cast %get3A_317 : vector<16xi32> to vector<16xi32>
      tpu.vector_store %arg8[%swap3A_318], %swap3A_321 {strides = array<i32>} : memref<1600xi32, #tpu.memory_space<vmem>>, vector<16xi32>,
      %get3A_322 = arith.constant 2 : i32
      %get3A_323 = arith.index_cast %get3A_322 : i32 to index
      %get3A_324 = arith.constant 48 : index
      %get3A_325 = tpu.vector_load %arg4[%get3A_323, %get3A_324] {strides = array<i32>} : memref<8x128xi32, #tpu.memory_space<vmem>>, vector<1x16xi32>,
      %get3A_326 = vector.shape_cast %get3A_325 : vector<1x16xi32> to vector<16xi32>
      %swap3A_327 = arith.constant 448 : index
      %swap3A_328 = tpu.vector_load %arg8[%swap3A_327] {strides = array<i32>} : memref<1600xi32, #tpu.memory_space<vmem>>, vector<16xi32>,
      %swap3A_329 = vector.shape_cast %swap3A_328 : vector<16xi32> to vector<16xi32>
      %swap3A_330 = vector.shape_cast %get3A_326 : vector<16xi32> to vector<16xi32>
      tpu.vector_store %arg8[%swap3A_327], %swap3A_330 {strides = array<i32>} : memref<1600xi32, #tpu.memory_space<vmem>>, vector<16xi32>,
      %get3A_331 = arith.constant 2 : i32
      %get3A_332 = arith.index_cast %get3A_331 : i32 to index
      %get3A_333 = arith.constant 64 : index
      %get3A_334 = tpu.vector_load %arg4[%get3A_332, %get3A_333] {strides = array<i32>} : memref<8x128xi32, #tpu.memory_space<vmem>>, vector<1x16xi32>,
      %get3A_335 = vector.shape_cast %get3A_334 : vector<1x16xi32> to vector<16xi32>
      %swap3A_336 = arith.constant 464 : index
      %swap3A_337 = tpu.vector_load %arg8[%swap3A_336] {strides = array<i32>} : memref<1600xi32, #tpu.memory_space<vmem>>, vector<16xi32>,
      %swap3A_338 = vector.shape_cast %swap3A_337 : vector<16xi32> to vector<16xi32>
      %swap3A_339 = vector.shape_cast %get3A_335 : vector<16xi32> to vector<16xi32>
      tpu.vector_store %arg8[%swap3A_336], %swap3A_339 {strides = array<i32>} : memref<1600xi32, #tpu.memory_space<vmem>>, vector<16xi32>,
      %get3A_340 = arith.constant 2 : i32
      %get3A_341 = arith.index_cast %get3A_340 : i32 to index
      %get3A_342 = arith.constant 80 : index
      %get3A_343 = tpu.vector_load %arg4[%get3A_341, %get3A_342] {strides = array<i32>} : memref<8x128xi32, #tpu.memory_space<vmem>>, vector<1x16xi32>,
      %get3A_344 = vector.shape_cast %get3A_343 : vector<1x16xi32> to vector<16xi32>
      %swap3A_345 = arith.constant 480 : index
      %swap3A_346 = tpu.vector_load %arg8[%swap3A_345] {strides = array<i32>} : memref<1600xi32, #tpu.memory_space<vmem>>, vector<16xi32>,
      %swap3A_347 = vector.shape_cast %swap3A_346 : vector<16xi32> to vector<16xi32>
      %swap3A_348 = vector.shape_cast %get3A_344 : vector<16xi32> to vector<16xi32>
      tpu.vector_store %arg8[%swap3A_345], %swap3A_348 {strides = array<i32>} : memref<1600xi32, #tpu.memory_space<vmem>>, vector<16xi32>,
      %get3A_349 = arith.constant 2 : i32
      %get3A_350 = arith.index_cast %get3A_349 : i32 to index
      %get3A_351 = arith.constant 96 : index
      %get3A_352 = tpu.vector_load %arg4[%get3A_350, %get3A_351] {strides = array<i32>} : memref<8x128xi32, #tpu.memory_space<vmem>>, vector<1x16xi32>,
      %get3A_353 = vector.shape_cast %get3A_352 : vector<1x16xi32> to vector<16xi32>
      %swap3A_354 = arith.constant 496 : index
      %swap3A_355 = tpu.vector_load %arg8[%swap3A_354] {strides = array<i32>} : memref<1600xi32, #tpu.memory_space<vmem>>, vector<16xi32>,
      %swap3A_356 = vector.shape_cast %swap3A_355 : vector<16xi32> to vector<16xi32>
      %swap3A_357 = vector.shape_cast %get3A_353 : vector<16xi32> to vector<16xi32>
      tpu.vector_store %arg8[%swap3A_354], %swap3A_357 {strides = array<i32>} : memref<1600xi32, #tpu.memory_space<vmem>>, vector<16xi32>,
      %get3A_358 = arith.constant 2 : i32
      %get3A_359 = arith.index_cast %get3A_358 : i32 to index
      %get3A_360 = arith.constant 112 : index
      %get3A_361 = tpu.vector_load %arg4[%get3A_359, %get3A_360] {strides = array<i32>} : memref<8x128xi32, #tpu.memory_space<vmem>>, vector<1x16xi32>,
      %get3A_362 = vector.shape_cast %get3A_361 : vector<1x16xi32> to vector<16xi32>
      %swap3A_363 = arith.constant 512 : index
      %swap3A_364 = tpu.vector_load %arg8[%swap3A_363] {strides = array<i32>} : memref<1600xi32, #tpu.memory_space<vmem>>, vector<16xi32>,
      %swap3A_365 = vector.shape_cast %swap3A_364 : vector<16xi32> to vector<16xi32>
      %swap3A_366 = vector.shape_cast %get3A_362 : vector<16xi32> to vector<16xi32>
      tpu.vector_store %arg8[%swap3A_363], %swap3A_366 {strides = array<i32>} : memref<1600xi32, #tpu.memory_space<vmem>>, vector<16xi32>,
      %get3A_367 = arith.constant 2 : i32
      %get3A_368 = arith.index_cast %get3A_367 : i32 to index
      %get3A_369 = arith.constant 0 : index
      %get3A_370 = tpu.vector_load %arg6[%get3A_368, %get3A_369] {strides = array<i32>} : memref<8x72xi32, #tpu.memory_space<vmem>>, vector<1x16xi32>,
      %get3A_371 = vector.shape_cast %get3A_370 : vector<1x16xi32> to vector<16xi32>
      %swap3A_372 = arith.constant 528 : index
      %swap3A_373 = tpu.vector_load %arg8[%swap3A_372] {strides = array<i32>} : memref<1600xi32, #tpu.memory_space<vmem>>, vector<16xi32>,
      %swap3A_374 = vector.shape_cast %swap3A_373 : vector<16xi32> to vector<16xi32>
      %swap3A_375 = vector.shape_cast %get3A_371 : vector<16xi32> to vector<16xi32>
      tpu.vector_store %arg8[%swap3A_372], %swap3A_375 {strides = array<i32>} : memref<1600xi32, #tpu.memory_space<vmem>>, vector<16xi32>,
      %get3A_376 = arith.constant 2 : i32
      %get3A_377 = arith.index_cast %get3A_376 : i32 to index
      %get3A_378 = arith.constant 16 : index
      %get3A_379 = tpu.vector_load %arg6[%get3A_377, %get3A_378] {strides = array<i32>} : memref<8x72xi32, #tpu.memory_space<vmem>>, vector<1x16xi32>,
      %get3A_380 = vector.shape_cast %get3A_379 : vector<1x16xi32> to vector<16xi32>
      %swap3A_381 = arith.constant 544 : index
      %swap3A_382 = tpu.vector_load %arg8[%swap3A_381] {strides = array<i32>} : memref<1600xi32, #tpu.memory_space<vmem>>, vector<16xi32>,
      %swap3A_383 = vector.shape_cast %swap3A_382 : vector<16xi32> to vector<16xi32>
      %swap3A_384 = vector.shape_cast %get3A_380 : vector<16xi32> to vector<16xi32>
      tpu.vector_store %arg8[%swap3A_381], %swap3A_384 {strides = array<i32>} : memref<1600xi32, #tpu.memory_space<vmem>>, vector<16xi32>,
      %get3A_385 = arith.constant 2 : i32
      %get3A_386 = arith.index_cast %get3A_385 : i32 to index
      %get3A_387 = arith.constant 32 : index
      %get3A_388 = tpu.vector_load %arg6[%get3A_386, %get3A_387] {strides = array<i32>} : memref<8x72xi32, #tpu.memory_space<vmem>>, vector<1x16xi32>,
      %get3A_389 = vector.shape_cast %get3A_388 : vector<1x16xi32> to vector<16xi32>
      %swap3A_390 = arith.constant 560 : index
      %swap3A_391 = tpu.vector_load %arg8[%swap3A_390] {strides = array<i32>} : memref<1600xi32, #tpu.memory_space<vmem>>, vector<16xi32>,
      %swap3A_392 = vector.shape_cast %swap3A_391 : vector<16xi32> to vector<16xi32>
      %swap3A_393 = vector.shape_cast %get3A_389 : vector<16xi32> to vector<16xi32>
      tpu.vector_store %arg8[%swap3A_390], %swap3A_393 {strides = array<i32>} : memref<1600xi32, #tpu.memory_space<vmem>>, vector<16xi32>,
      %get3A_394 = arith.constant 2 : i32
      %get3A_395 = arith.index_cast %get3A_394 : i32 to index
      %get3A_396 = arith.constant 48 : index
      %get3A_397 = tpu.vector_load %arg6[%get3A_395, %get3A_396] {strides = array<i32>} : memref<8x72xi32, #tpu.memory_space<vmem>>, vector<1x16xi32>,
      %get3A_398 = vector.shape_cast %get3A_397 : vector<1x16xi32> to vector<16xi32>
      %swap3A_399 = arith.constant 576 : index
      %swap3A_400 = tpu.vector_load %arg8[%swap3A_399] {strides = array<i32>} : memref<1600xi32, #tpu.memory_space<vmem>>, vector<16xi32>,
      %swap3A_401 = vector.shape_cast %swap3A_400 : vector<16xi32> to vector<16xi32>
      %swap3A_402 = vector.shape_cast %get3A_398 : vector<16xi32> to vector<16xi32>
      tpu.vector_store %arg8[%swap3A_399], %swap3A_402 {strides = array<i32>} : memref<1600xi32, #tpu.memory_space<vmem>>, vector<16xi32>,
      %get3A_403 = arith.constant 2 : i32
      %get3A_404 = arith.index_cast %get3A_403 : i32 to index
      %get3A_405 = arith.constant 56 : index
      %get3A_406 = tpu.vector_load %arg6[%get3A_404, %get3A_405] {strides = array<i32>} : memref<8x72xi32, #tpu.memory_space<vmem>>, vector<1x16xi32>,
      %get3A_407 = vector.shape_cast %get3A_406 : vector<1x16xi32> to vector<16xi32>
      %swap3A_408 = arith.constant 584 : index
      %swap3A_409 = tpu.vector_load %arg8[%swap3A_408] {strides = array<i32>} : memref<1600xi32, #tpu.memory_space<vmem>>, vector<16xi32>,
      %swap3A_410 = vector.shape_cast %swap3A_409 : vector<16xi32> to vector<16xi32>
      %swap3A_411 = vector.shape_cast %get3A_407 : vector<16xi32> to vector<16xi32>
      tpu.vector_store %arg8[%swap3A_408], %swap3A_411 {strides = array<i32>} : memref<1600xi32, #tpu.memory_space<vmem>>, vector<16xi32>,
      %get3A_412 = arith.constant 3 : i32
      %get3A_413 = arith.index_cast %get3A_412 : i32 to index
      %get3A_414 = arith.constant 0 : index
      %get3A_415 = tpu.vector_load %arg4[%get3A_413, %get3A_414] {strides = array<i32>} : memref<8x128xi32, #tpu.memory_space<vmem>>, vector<1x16xi32>,
      %get3A_416 = vector.shape_cast %get3A_415 : vector<1x16xi32> to vector<16xi32>
      %swap3A_417 = arith.constant 600 : index
      %swap3A_418 = tpu.vector_load %arg8[%swap3A_417] {strides = array<i32>} : memref<1600xi32, #tpu.memory_space<vmem>>, vector<16xi32>,
      %swap3A_419 = vector.shape_cast %swap3A_418 : vector<16xi32> to vector<16xi32>
      %swap3A_420 = vector.shape_cast %get3A_416 : vector<16xi32> to vector<16xi32>
      tpu.vector_store %arg8[%swap3A_417], %swap3A_420 {strides = array<i32>} : memref<1600xi32, #tpu.memory_space<vmem>>, vector<16xi32>,
      %get3A_421 = arith.constant 3 : i32
      %get3A_422 = arith.index_cast %get3A_421 : i32 to index
      %get3A_423 = arith.constant 16 : index
      %get3A_424 = tpu.vector_load %arg4[%get3A_422, %get3A_423] {strides = array<i32>} : memref<8x128xi32, #tpu.memory_space<vmem>>, vector<1x16xi32>,
      %get3A_425 = vector.shape_cast %get3A_424 : vector<1x16xi32> to vector<16xi32>
      %swap3A_426 = arith.constant 616 : index
      %swap3A_427 = tpu.vector_load %arg8[%swap3A_426] {strides = array<i32>} : memref<1600xi32, #tpu.memory_space<vmem>>, vector<16xi32>,
      %swap3A_428 = vector.shape_cast %swap3A_427 : vector<16xi32> to vector<16xi32>
      %swap3A_429 = vector.shape_cast %get3A_425 : vector<16xi32> to vector<16xi32>
      tpu.vector_store %arg8[%swap3A_426], %swap3A_429 {strides = array<i32>} : memref<1600xi32, #tpu.memory_space<vmem>>, vector<16xi32>,
      %get3A_430 = arith.constant 3 : i32
      %get3A_431 = arith.index_cast %get3A_430 : i32 to index
      %get3A_432 = arith.constant 32 : index
      %get3A_433 = tpu.vector_load %arg4[%get3A_431, %get3A_432] {strides = array<i32>} : memref<8x128xi32, #tpu.memory_space<vmem>>, vector<1x16xi32>,
      %get3A_434 = vector.shape_cast %get3A_433 : vector<1x16xi32> to vector<16xi32>
      %swap3A_435 = arith.constant 632 : index
      %swap3A_436 = tpu.vector_load %arg8[%swap3A_435] {strides = array<i32>} : memref<1600xi32, #tpu.memory_space<vmem>>, vector<16xi32>,
      %swap3A_437 = vector.shape_cast %swap3A_436 : vector<16xi32> to vector<16xi32>
      %swap3A_438 = vector.shape_cast %get3A_434 : vector<16xi32> to vector<16xi32>
      tpu.vector_store %arg8[%swap3A_435], %swap3A_438 {strides = array<i32>} : memref<1600xi32, #tpu.memory_space<vmem>>, vector<16xi32>,
      %get3A_439 = arith.constant 3 : i32
      %get3A_440 = arith.index_cast %get3A_439 : i32 to index
      %get3A_441 = arith.constant 48 : index
      %get3A_442 = tpu.vector_load %arg4[%get3A_440, %get3A_441] {strides = array<i32>} : memref<8x128xi32, #tpu.memory_space<vmem>>, vector<1x16xi32>,
      %get3A_443 = vector.shape_cast %get3A_442 : vector<1x16xi32> to vector<16xi32>
      %swap3A_444 = arith.constant 648 : index
      %swap3A_445 = tpu.vector_load %arg8[%swap3A_444] {strides = array<i32>} : memref<1600xi32, #tpu.memory_space<vmem>>, vector<16xi32>,
      %swap3A_446 = vector.shape_cast %swap3A_445 : vector<16xi32> to vector<16xi32>
      %swap3A_447 = vector.shape_cast %get3A_443 : vector<16xi32> to vector<16xi32>
      tpu.vector_store %arg8[%swap3A_444], %swap3A_447 {strides = array<i32>} : memref<1600xi32, #tpu.memory_space<vmem>>, vector<16xi32>,
      %get3A_448 = arith.constant 3 : i32
      %get3A_449 = arith.index_cast %get3A_448 : i32 to index
      %get3A_450 = arith.constant 64 : index
      %get3A_451 = tpu.vector_load %arg4[%get3A_449, %get3A_450] {strides = array<i32>} : memref<8x128xi32, #tpu.memory_space<vmem>>, vector<1x16xi32>,
      %get3A_452 = vector.shape_cast %get3A_451 : vector<1x16xi32> to vector<16xi32>
      %swap3A_453 = arith.constant 664 : index
      %swap3A_454 = tpu.vector_load %arg8[%swap3A_453] {strides = array<i32>} : memref<1600xi32, #tpu.memory_space<vmem>>, vector<16xi32>,
      %swap3A_455 = vector.shape_cast %swap3A_454 : vector<16xi32> to vector<16xi32>
      %swap3A_456 = vector.shape_cast %get3A_452 : vector<16xi32> to vector<16xi32>
      tpu.vector_store %arg8[%swap3A_453], %swap3A_456 {strides = array<i32>} : memref<1600xi32, #tpu.memory_space<vmem>>, vector<16xi32>,
      %get3A_457 = arith.constant 3 : i32
      %get3A_458 = arith.index_cast %get3A_457 : i32 to index
      %get3A_459 = arith.constant 80 : index
      %get3A_460 = tpu.vector_load %arg4[%get3A_458, %get3A_459] {strides = array<i32>} : memref<8x128xi32, #tpu.memory_space<vmem>>, vector<1x16xi32>,
      %get3A_461 = vector.shape_cast %get3A_460 : vector<1x16xi32> to vector<16xi32>
      %swap3A_462 = arith.constant 680 : index
      %swap3A_463 = tpu.vector_load %arg8[%swap3A_462] {strides = array<i32>} : memref<1600xi32, #tpu.memory_space<vmem>>, vector<16xi32>,
      %swap3A_464 = vector.shape_cast %swap3A_463 : vector<16xi32> to vector<16xi32>
      %swap3A_465 = vector.shape_cast %get3A_461 : vector<16xi32> to vector<16xi32>
      tpu.vector_store %arg8[%swap3A_462], %swap3A_465 {strides = array<i32>} : memref<1600xi32, #tpu.memory_space<vmem>>, vector<16xi32>,
      %get3A_466 = arith.constant 3 : i32
      %get3A_467 = arith.index_cast %get3A_466 : i32 to index
      %get3A_468 = arith.constant 96 : index
      %get3A_469 = tpu.vector_load %arg4[%get3A_467, %get3A_468] {strides = array<i32>} : memref<8x128xi32, #tpu.memory_space<vmem>>, vector<1x16xi32>,
      %get3A_470 = vector.shape_cast %get3A_469 : vector<1x16xi32> to vector<16xi32>
      %swap3A_471 = arith.constant 696 : index
      %swap3A_472 = tpu.vector_load %arg8[%swap3A_471] {strides = array<i32>} : memref<1600xi32, #tpu.memory_space<vmem>>, vector<16xi32>,
      %swap3A_473 = vector.shape_cast %swap3A_472 : vector<16xi32> to vector<16xi32>
      %swap3A_474 = vector.shape_cast %get3A_470 : vector<16xi32> to vector<16xi32>
      tpu.vector_store %arg8[%swap3A_471], %swap3A_474 {strides = array<i32>} : memref<1600xi32, #tpu.memory_space<vmem>>, vector<16xi32>,
      %get3A_475 = arith.constant 3 : i32
      %get3A_476 = arith.index_cast %get3A_475 : i32 to index
      %get3A_477 = arith.constant 112 : index
      %get3A_478 = tpu.vector_load %arg4[%get3A_476, %get3A_477] {strides = array<i32>} : memref<8x128xi32, #tpu.memory_space<vmem>>, vector<1x16xi32>,
      %get3A_479 = vector.shape_cast %get3A_478 : vector<1x16xi32> to vector<16xi32>
      %swap3A_480 = arith.constant 712 : index
      %swap3A_481 = tpu.vector_load %arg8[%swap3A_480] {strides = array<i32>} : memref<1600xi32, #tpu.memory_space<vmem>>, vector<16xi32>,
      %swap3A_482 = vector.shape_cast %swap3A_481 : vector<16xi32> to vector<16xi32>
      %swap3A_483 = vector.shape_cast %get3A_479 : vector<16xi32> to vector<16xi32>
      tpu.vector_store %arg8[%swap3A_480], %swap3A_483 {strides = array<i32>} : memref<1600xi32, #tpu.memory_space<vmem>>, vector<16xi32>,
      %get3A_484 = arith.constant 3 : i32
      %get3A_485 = arith.index_cast %get3A_484 : i32 to index
      %get3A_486 = arith.constant 0 : index
      %get3A_487 = tpu.vector_load %arg6[%get3A_485, %get3A_486] {strides = array<i32>} : memref<8x72xi32, #tpu.memory_space<vmem>>, vector<1x16xi32>,
      %get3A_488 = vector.shape_cast %get3A_487 : vector<1x16xi32> to vector<16xi32>
      %swap3A_489 = arith.constant 728 : index
      %swap3A_490 = tpu.vector_load %arg8[%swap3A_489] {strides = array<i32>} : memref<1600xi32, #tpu.memory_space<vmem>>, vector<16xi32>,
      %swap3A_491 = vector.shape_cast %swap3A_490 : vector<16xi32> to vector<16xi32>
      %swap3A_492 = vector.shape_cast %get3A_488 : vector<16xi32> to vector<16xi32>
      tpu.vector_store %arg8[%swap3A_489], %swap3A_492 {strides = array<i32>} : memref<1600xi32, #tpu.memory_space<vmem>>, vector<16xi32>,
      %get3A_493 = arith.constant 3 : i32
      %get3A_494 = arith.index_cast %get3A_493 : i32 to index
      %get3A_495 = arith.constant 16 : index
      %get3A_496 = tpu.vector_load %arg6[%get3A_494, %get3A_495] {strides = array<i32>} : memref<8x72xi32, #tpu.memory_space<vmem>>, vector<1x16xi32>,
      %get3A_497 = vector.shape_cast %get3A_496 : vector<1x16xi32> to vector<16xi32>
      %swap3A_498 = arith.constant 744 : index
      %swap3A_499 = tpu.vector_load %arg8[%swap3A_498] {strides = array<i32>} : memref<1600xi32, #tpu.memory_space<vmem>>, vector<16xi32>,
      %swap3A_500 = vector.shape_cast %swap3A_499 : vector<16xi32> to vector<16xi32>
      %swap3A_501 = vector.shape_cast %get3A_497 : vector<16xi32> to vector<16xi32>
      tpu.vector_store %arg8[%swap3A_498], %swap3A_501 {strides = array<i32>} : memref<1600xi32, #tpu.memory_space<vmem>>, vector<16xi32>,
      %get3A_502 = arith.constant 3 : i32
      %get3A_503 = arith.index_cast %get3A_502 : i32 to index
      %get3A_504 = arith.constant 32 : index
      %get3A_505 = tpu.vector_load %arg6[%get3A_503, %get3A_504] {strides = array<i32>} : memref<8x72xi32, #tpu.memory_space<vmem>>, vector<1x16xi32>,
      %get3A_506 = vector.shape_cast %get3A_505 : vector<1x16xi32> to vector<16xi32>
      %swap3A_507 = arith.constant 760 : index
      %swap3A_508 = tpu.vector_load %arg8[%swap3A_507] {strides = array<i32>} : memref<1600xi32, #tpu.memory_space<vmem>>, vector<16xi32>,
      %swap3A_509 = vector.shape_cast %swap3A_508 : vector<16xi32> to vector<16xi32>
      %swap3A_510 = vector.shape_cast %get3A_506 : vector<16xi32> to vector<16xi32>
      tpu.vector_store %arg8[%swap3A_507], %swap3A_510 {strides = array<i32>} : memref<1600xi32, #tpu.memory_space<vmem>>, vector<16xi32>,
      %get3A_511 = arith.constant 3 : i32
      %get3A_512 = arith.index_cast %get3A_511 : i32 to index
      %get3A_513 = arith.constant 48 : index
      %get3A_514 = tpu.vector_load %arg6[%get3A_512, %get3A_513] {strides = array<i32>} : memref<8x72xi32, #tpu.memory_space<vmem>>, vector<1x16xi32>,
      %get3A_515 = vector.shape_cast %get3A_514 : vector<1x16xi32> to vector<16xi32>
      %swap3A_516 = arith.constant 776 : index
      %swap3A_517 = tpu.vector_load %arg8[%swap3A_516] {strides = array<i32>} : memref<1600xi32, #tpu.memory_space<vmem>>, vector<16xi32>,
      %swap3A_518 = vector.shape_cast %swap3A_517 : vector<16xi32> to vector<16xi32>
      %swap3A_519 = vector.shape_cast %get3A_515 : vector<16xi32> to vector<16xi32>
      tpu.vector_store %arg8[%swap3A_516], %swap3A_519 {strides = array<i32>} : memref<1600xi32, #tpu.memory_space<vmem>>, vector<16xi32>,
      %get3A_520 = arith.constant 3 : i32
      %get3A_521 = arith.index_cast %get3A_520 : i32 to index
      %get3A_522 = arith.constant 56 : index
      %get3A_523 = tpu.vector_load %arg6[%get3A_521, %get3A_522] {strides = array<i32>} : memref<8x72xi32, #tpu.memory_space<vmem>>, vector<1x16xi32>,
      %get3A_524 = vector.shape_cast %get3A_523 : vector<1x16xi32> to vector<16xi32>
      %swap3A_525 = arith.constant 784 : index
      %swap3A_526 = tpu.vector_load %arg8[%swap3A_525] {strides = array<i32>} : memref<1600xi32, #tpu.memory_space<vmem>>, vector<16xi32>,
      %swap3A_527 = vector.shape_cast %swap3A_526 : vector<16xi32> to vector<16xi32>
      %swap3A_528 = vector.shape_cast %get3A_524 : vector<16xi32> to vector<16xi32>
      tpu.vector_store %arg8[%swap3A_525], %swap3A_528 {strides = array<i32>} : memref<1600xi32, #tpu.memory_space<vmem>>, vector<16xi32>,
      %get3A_529 = arith.constant 4 : i32
      %get3A_530 = arith.index_cast %get3A_529 : i32 to index
      %get3A_531 = arith.constant 0 : index
      %get3A_532 = tpu.vector_load %arg4[%get3A_530, %get3A_531] {strides = array<i32>} : memref<8x128xi32, #tpu.memory_space<vmem>>, vector<1x16xi32>,
      %get3A_533 = vector.shape_cast %get3A_532 : vector<1x16xi32> to vector<16xi32>
      %swap3A_534 = arith.constant 800 : index
      %swap3A_535 = tpu.vector_load %arg8[%swap3A_534] {strides = array<i32>} : memref<1600xi32, #tpu.memory_space<vmem>>, vector<16xi32>,
      %swap3A_536 = vector.shape_cast %swap3A_535 : vector<16xi32> to vector<16xi32>
      %swap3A_537 = vector.shape_cast %get3A_533 : vector<16xi32> to vector<16xi32>
      tpu.vector_store %arg8[%swap3A_534], %swap3A_537 {strides = array<i32>} : memref<1600xi32, #tpu.memory_space<vmem>>, vector<16xi32>,
      %get3A_538 = arith.constant 4 : i32
      %get3A_539 = arith.index_cast %get3A_538 : i32 to index
      %get3A_540 = arith.constant 16 : index
      %get3A_541 = tpu.vector_load %arg4[%get3A_539, %get3A_540] {strides = array<i32>} : memref<8x128xi32, #tpu.memory_space<vmem>>, vector<1x16xi32>,
      %get3A_542 = vector.shape_cast %get3A_541 : vector<1x16xi32> to vector<16xi32>
      %swap3A_543 = arith.constant 816 : index
      %swap3A_544 = tpu.vector_load %arg8[%swap3A_543] {strides = array<i32>} : memref<1600xi32, #tpu.memory_space<vmem>>, vector<16xi32>,
      %swap3A_545 = vector.shape_cast %swap3A_544 : vector<16xi32> to vector<16xi32>
      %swap3A_546 = vector.shape_cast %get3A_542 : vector<16xi32> to vector<16xi32>
      tpu.vector_store %arg8[%swap3A_543], %swap3A_546 {strides = array<i32>} : memref<1600xi32, #tpu.memory_space<vmem>>, vector<16xi32>,
      %get3A_547 = arith.constant 4 : i32
      %get3A_548 = arith.index_cast %get3A_547 : i32 to index
      %get3A_549 = arith.constant 32 : index
      %get3A_550 = tpu.vector_load %arg4[%get3A_548, %get3A_549] {strides = array<i32>} : memref<8x128xi32, #tpu.memory_space<vmem>>, vector<1x16xi32>,
      %get3A_551 = vector.shape_cast %get3A_550 : vector<1x16xi32> to vector<16xi32>
      %swap3A_552 = arith.constant 832 : index
      %swap3A_553 = tpu.vector_load %arg8[%swap3A_552] {strides = array<i32>} : memref<1600xi32, #tpu.memory_space<vmem>>, vector<16xi32>,
      %swap3A_554 = vector.shape_cast %swap3A_553 : vector<16xi32> to vector<16xi32>
      %swap3A_555 = vector.shape_cast %get3A_551 : vector<16xi32> to vector<16xi32>
      tpu.vector_store %arg8[%swap3A_552], %swap3A_555 {strides = array<i32>} : memref<1600xi32, #tpu.memory_space<vmem>>, vector<16xi32>,
      %get3A_556 = arith.constant 4 : i32
      %get3A_557 = arith.index_cast %get3A_556 : i32 to index
      %get3A_558 = arith.constant 48 : index
      %get3A_559 = tpu.vector_load %arg4[%get3A_557, %get3A_558] {strides = array<i32>} : memref<8x128xi32, #tpu.memory_space<vmem>>, vector<1x16xi32>,
      %get3A_560 = vector.shape_cast %get3A_559 : vector<1x16xi32> to vector<16xi32>
      %swap3A_561 = arith.constant 848 : index
      %swap3A_562 = tpu.vector_load %arg8[%swap3A_561] {strides = array<i32>} : memref<1600xi32, #tpu.memory_space<vmem>>, vector<16xi32>,
      %swap3A_563 = vector.shape_cast %swap3A_562 : vector<16xi32> to vector<16xi32>
      %swap3A_564 = vector.shape_cast %get3A_560 : vector<16xi32> to vector<16xi32>
      tpu.vector_store %arg8[%swap3A_561], %swap3A_564 {strides = array<i32>} : memref<1600xi32, #tpu.memory_space<vmem>>, vector<16xi32>,
      %get3A_565 = arith.constant 4 : i32
      %get3A_566 = arith.index_cast %get3A_565 : i32 to index
      %get3A_567 = arith.constant 64 : index
      %get3A_568 = tpu.vector_load %arg4[%get3A_566, %get3A_567] {strides = array<i32>} : memref<8x128xi32, #tpu.memory_space<vmem>>, vector<1x16xi32>,
      %get3A_569 = vector.shape_cast %get3A_568 : vector<1x16xi32> to vector<16xi32>
      %swap3A_570 = arith.constant 864 : index
      %swap3A_571 = tpu.vector_load %arg8[%swap3A_570] {strides = array<i32>} : memref<1600xi32, #tpu.memory_space<vmem>>, vector<16xi32>,
      %swap3A_572 = vector.shape_cast %swap3A_571 : vector<16xi32> to vector<16xi32>
      %swap3A_573 = vector.shape_cast %get3A_569 : vector<16xi32> to vector<16xi32>
      tpu.vector_store %arg8[%swap3A_570], %swap3A_573 {strides = array<i32>} : memref<1600xi32, #tpu.memory_space<vmem>>, vector<16xi32>,
      %get3A_574 = arith.constant 4 : i32
      %get3A_575 = arith.index_cast %get3A_574 : i32 to index
      %get3A_576 = arith.constant 80 : index
      %get3A_577 = tpu.vector_load %arg4[%get3A_575, %get3A_576] {strides = array<i32>} : memref<8x128xi32, #tpu.memory_space<vmem>>, vector<1x16xi32>,
      %get3A_578 = vector.shape_cast %get3A_577 : vector<1x16xi32> to vector<16xi32>
      %swap3A_579 = arith.constant 880 : index
      %swap3A_580 = tpu.vector_load %arg8[%swap3A_579] {strides = array<i32>} : memref<1600xi32, #tpu.memory_space<vmem>>, vector<16xi32>,
      %swap3A_581 = vector.shape_cast %swap3A_580 : vector<16xi32> to vector<16xi32>
      %swap3A_582 = vector.shape_cast %get3A_578 : vector<16xi32> to vector<16xi32>
      tpu.vector_store %arg8[%swap3A_579], %swap3A_582 {strides = array<i32>} : memref<1600xi32, #tpu.memory_space<vmem>>, vector<16xi32>,
      %get3A_583 = arith.constant 4 : i32
      %get3A_584 = arith.index_cast %get3A_583 : i32 to index
      %get3A_585 = arith.constant 96 : index
      %get3A_586 = tpu.vector_load %arg4[%get3A_584, %get3A_585] {strides = array<i32>} : memref<8x128xi32, #tpu.memory_space<vmem>>, vector<1x16xi32>,
      %get3A_587 = vector.shape_cast %get3A_586 : vector<1x16xi32> to vector<16xi32>
      %swap3A_588 = arith.constant 896 : index
      %swap3A_589 = tpu.vector_load %arg8[%swap3A_588] {strides = array<i32>} : memref<1600xi32, #tpu.memory_space<vmem>>, vector<16xi32>,
      %swap3A_590 = vector.shape_cast %swap3A_589 : vector<16xi32> to vector<16xi32>
      %swap3A_591 = vector.shape_cast %get3A_587 : vector<16xi32> to vector<16xi32>
      tpu.vector_store %arg8[%swap3A_588], %swap3A_591 {strides = array<i32>} : memref<1600xi32, #tpu.memory_space<vmem>>, vector<16xi32>,
      %get3A_592 = arith.constant 4 : i32
      %get3A_593 = arith.index_cast %get3A_592 : i32 to index
      %get3A_594 = arith.constant 112 : index
      %get3A_595 = tpu.vector_load %arg4[%get3A_593, %get3A_594] {strides = array<i32>} : memref<8x128xi32, #tpu.memory_space<vmem>>, vector<1x16xi32>,
      %get3A_596 = vector.shape_cast %get3A_595 : vector<1x16xi32> to vector<16xi32>
      %swap3A_597 = arith.constant 912 : index
      %swap3A_598 = tpu.vector_load %arg8[%swap3A_597] {strides = array<i32>} : memref<1600xi32, #tpu.memory_space<vmem>>, vector<16xi32>,
      %swap3A_599 = vector.shape_cast %swap3A_598 : vector<16xi32> to vector<16xi32>
      %swap3A_600 = vector.shape_cast %get3A_596 : vector<16xi32> to vector<16xi32>
      tpu.vector_store %arg8[%swap3A_597], %swap3A_600 {strides = array<i32>} : memref<1600xi32, #tpu.memory_space<vmem>>, vector<16xi32>,
      %get3A_601 = arith.constant 4 : i32
      %get3A_602 = arith.index_cast %get3A_601 : i32 to index
      %get3A_603 = arith.constant 0 : index
      %get3A_604 = tpu.vector_load %arg6[%get3A_602, %get3A_603] {strides = array<i32>} : memref<8x72xi32, #tpu.memory_space<vmem>>, vector<1x16xi32>,
      %get3A_605 = vector.shape_cast %get3A_604 : vector<1x16xi32> to vector<16xi32>
      %swap3A_606 = arith.constant 928 : index
      %swap3A_607 = tpu.vector_load %arg8[%swap3A_606] {strides = array<i32>} : memref<1600xi32, #tpu.memory_space<vmem>>, vector<16xi32>,
      %swap3A_608 = vector.shape_cast %swap3A_607 : vector<16xi32> to vector<16xi32>
      %swap3A_609 = vector.shape_cast %get3A_605 : vector<16xi32> to vector<16xi32>
      tpu.vector_store %arg8[%swap3A_606], %swap3A_609 {strides = array<i32>} : memref<1600xi32, #tpu.memory_space<vmem>>, vector<16xi32>,
      %get3A_610 = arith.constant 4 : i32
      %get3A_611 = arith.index_cast %get3A_610 : i32 to index
      %get3A_612 = arith.constant 16 : index
      %get3A_613 = tpu.vector_load %arg6[%get3A_611, %get3A_612] {strides = array<i32>} : memref<8x72xi32, #tpu.memory_space<vmem>>, vector<1x16xi32>,
      %get3A_614 = vector.shape_cast %get3A_613 : vector<1x16xi32> to vector<16xi32>
      %swap3A_615 = arith.constant 944 : index
      %swap3A_616 = tpu.vector_load %arg8[%swap3A_615] {strides = array<i32>} : memref<1600xi32, #tpu.memory_space<vmem>>, vector<16xi32>,
      %swap3A_617 = vector.shape_cast %swap3A_616 : vector<16xi32> to vector<16xi32>
      %swap3A_618 = vector.shape_cast %get3A_614 : vector<16xi32> to vector<16xi32>
      tpu.vector_store %arg8[%swap3A_615], %swap3A_618 {strides = array<i32>} : memref<1600xi32, #tpu.memory_space<vmem>>, vector<16xi32>,
      %get3A_619 = arith.constant 4 : i32
      %get3A_620 = arith.index_cast %get3A_619 : i32 to index
      %get3A_621 = arith.constant 32 : index
      %get3A_622 = tpu.vector_load %arg6[%get3A_620, %get3A_621] {strides = array<i32>} : memref<8x72xi32, #tpu.memory_space<vmem>>, vector<1x16xi32>,
      %get3A_623 = vector.shape_cast %get3A_622 : vector<1x16xi32> to vector<16xi32>
      %swap3A_624 = arith.constant 960 : index
      %swap3A_625 = tpu.vector_load %arg8[%swap3A_624] {strides = array<i32>} : memref<1600xi32, #tpu.memory_space<vmem>>, vector<16xi32>,
      %swap3A_626 = vector.shape_cast %swap3A_625 : vector<16xi32> to vector<16xi32>
      %swap3A_627 = vector.shape_cast %get3A_623 : vector<16xi32> to vector<16xi32>
      tpu.vector_store %arg8[%swap3A_624], %swap3A_627 {strides = array<i32>} : memref<1600xi32, #tpu.memory_space<vmem>>, vector<16xi32>,
      %get3A_628 = arith.constant 4 : i32
      %get3A_629 = arith.index_cast %get3A_628 : i32 to index
      %get3A_630 = arith.constant 48 : index
      %get3A_631 = tpu.vector_load %arg6[%get3A_629, %get3A_630] {strides = array<i32>} : memref<8x72xi32, #tpu.memory_space<vmem>>, vector<1x16xi32>,
      %get3A_632 = vector.shape_cast %get3A_631 : vector<1x16xi32> to vector<16xi32>
      %swap3A_633 = arith.constant 976 : index
      %swap3A_634 = tpu.vector_load %arg8[%swap3A_633] {strides = array<i32>} : memref<1600xi32, #tpu.memory_space<vmem>>, vector<16xi32>,
      %swap3A_635 = vector.shape_cast %swap3A_634 : vector<16xi32> to vector<16xi32>
      %swap3A_636 = vector.shape_cast %get3A_632 : vector<16xi32> to vector<16xi32>
      tpu.vector_store %arg8[%swap3A_633], %swap3A_636 {strides = array<i32>} : memref<1600xi32, #tpu.memory_space<vmem>>, vector<16xi32>,
      %get3A_637 = arith.constant 4 : i32
      %get3A_638 = arith.index_cast %get3A_637 : i32 to index
      %get3A_639 = arith.constant 56 : index
      %get3A_640 = tpu.vector_load %arg6[%get3A_638, %get3A_639] {strides = array<i32>} : memref<8x72xi32, #tpu.memory_space<vmem>>, vector<1x16xi32>,
      %get3A_641 = vector.shape_cast %get3A_640 : vector<1x16xi32> to vector<16xi32>
      %swap3A_642 = arith.constant 984 : index
      %swap3A_643 = tpu.vector_load %arg8[%swap3A_642] {strides = array<i32>} : memref<1600xi32, #tpu.memory_space<vmem>>, vector<16xi32>,
      %swap3A_644 = vector.shape_cast %swap3A_643 : vector<16xi32> to vector<16xi32>
      %swap3A_645 = vector.shape_cast %get3A_641 : vector<16xi32> to vector<16xi32>
      tpu.vector_store %arg8[%swap3A_642], %swap3A_645 {strides = array<i32>} : memref<1600xi32, #tpu.memory_space<vmem>>, vector<16xi32>,
      %get3A_646 = arith.constant 5 : i32
      %get3A_647 = arith.index_cast %get3A_646 : i32 to index
      %get3A_648 = arith.constant 0 : index
      %get3A_649 = tpu.vector_load %arg4[%get3A_647, %get3A_648] {strides = array<i32>} : memref<8x128xi32, #tpu.memory_space<vmem>>, vector<1x16xi32>,
      %get3A_650 = vector.shape_cast %get3A_649 : vector<1x16xi32> to vector<16xi32>
      %swap3A_651 = arith.constant 1000 : index
      %swap3A_652 = tpu.vector_load %arg8[%swap3A_651] {strides = array<i32>} : memref<1600xi32, #tpu.memory_space<vmem>>, vector<16xi32>,
      %swap3A_653 = vector.shape_cast %swap3A_652 : vector<16xi32> to vector<16xi32>
      %swap3A_654 = vector.shape_cast %get3A_650 : vector<16xi32> to vector<16xi32>
      tpu.vector_store %arg8[%swap3A_651], %swap3A_654 {strides = array<i32>} : memref<1600xi32, #tpu.memory_space<vmem>>, vector<16xi32>,
      %get3A_655 = arith.constant 5 : i32
      %get3A_656 = arith.index_cast %get3A_655 : i32 to index
      %get3A_657 = arith.constant 16 : index
      %get3A_658 = tpu.vector_load %arg4[%get3A_656, %get3A_657] {strides = array<i32>} : memref<8x128xi32, #tpu.memory_space<vmem>>, vector<1x16xi32>,
      %get3A_659 = vector.shape_cast %get3A_658 : vector<1x16xi32> to vector<16xi32>
      %swap3A_660 = arith.constant 1016 : index
      %swap3A_661 = tpu.vector_load %arg8[%swap3A_660] {strides = array<i32>} : memref<1600xi32, #tpu.memory_space<vmem>>, vector<16xi32>,
      %swap3A_662 = vector.shape_cast %swap3A_661 : vector<16xi32> to vector<16xi32>
      %swap3A_663 = vector.shape_cast %get3A_659 : vector<16xi32> to vector<16xi32>
      tpu.vector_store %arg8[%swap3A_660], %swap3A_663 {strides = array<i32>} : memref<1600xi32, #tpu.memory_space<vmem>>, vector<16xi32>,
      %get3A_664 = arith.constant 5 : i32
      %get3A_665 = arith.index_cast %get3A_664 : i32 to index
      %get3A_666 = arith.constant 32 : index
      %get3A_667 = tpu.vector_load %arg4[%get3A_665, %get3A_666] {strides = array<i32>} : memref<8x128xi32, #tpu.memory_space<vmem>>, vector<1x16xi32>,
      %get3A_668 = vector.shape_cast %get3A_667 : vector<1x16xi32> to vector<16xi32>
      %swap3A_669 = arith.constant 1032 : index
      %swap3A_670 = tpu.vector_load %arg8[%swap3A_669] {strides = array<i32>} : memref<1600xi32, #tpu.memory_space<vmem>>, vector<16xi32>,
      %swap3A_671 = vector.shape_cast %swap3A_670 : vector<16xi32> to vector<16xi32>
      %swap3A_672 = vector.shape_cast %get3A_668 : vector<16xi32> to vector<16xi32>
      tpu.vector_store %arg8[%swap3A_669], %swap3A_672 {strides = array<i32>} : memref<1600xi32, #tpu.memory_space<vmem>>, vector<16xi32>,
      %get3A_673 = arith.constant 5 : i32
      %get3A_674 = arith.index_cast %get3A_673 : i32 to index
      %get3A_675 = arith.constant 48 : index
      %get3A_676 = tpu.vector_load %arg4[%get3A_674, %get3A_675] {strides = array<i32>} : memref<8x128xi32, #tpu.memory_space<vmem>>, vector<1x16xi32>,
      %get3A_677 = vector.shape_cast %get3A_676 : vector<1x16xi32> to vector<16xi32>
      %swap3A_678 = arith.constant 1048 : index
      %swap3A_679 = tpu.vector_load %arg8[%swap3A_678] {strides = array<i32>} : memref<1600xi32, #tpu.memory_space<vmem>>, vector<16xi32>,
      %swap3A_680 = vector.shape_cast %swap3A_679 : vector<16xi32> to vector<16xi32>
      %swap3A_681 = vector.shape_cast %get3A_677 : vector<16xi32> to vector<16xi32>
      tpu.vector_store %arg8[%swap3A_678], %swap3A_681 {strides = array<i32>} : memref<1600xi32, #tpu.memory_space<vmem>>, vector<16xi32>,
      %get3A_682 = arith.constant 5 : i32
      %get3A_683 = arith.index_cast %get3A_682 : i32 to index
      %get3A_684 = arith.constant 64 : index
      %get3A_685 = tpu.vector_load %arg4[%get3A_683, %get3A_684] {strides = array<i32>} : memref<8x128xi32, #tpu.memory_space<vmem>>, vector<1x16xi32>,
      %get3A_686 = vector.shape_cast %get3A_685 : vector<1x16xi32> to vector<16xi32>
      %swap3A_687 = arith.constant 1064 : index
      %swap3A_688 = tpu.vector_load %arg8[%swap3A_687] {strides = array<i32>} : memref<1600xi32, #tpu.memory_space<vmem>>, vector<16xi32>,
      %swap3A_689 = vector.shape_cast %swap3A_688 : vector<16xi32> to vector<16xi32>
      %swap3A_690 = vector.shape_cast %get3A_686 : vector<16xi32> to vector<16xi32>
      tpu.vector_store %arg8[%swap3A_687], %swap3A_690 {strides = array<i32>} : memref<1600xi32, #tpu.memory_space<vmem>>, vector<16xi32>,
      %get3A_691 = arith.constant 5 : i32
      %get3A_692 = arith.index_cast %get3A_691 : i32 to index
      %get3A_693 = arith.constant 80 : index
      %get3A_694 = tpu.vector_load %arg4[%get3A_692, %get3A_693] {strides = array<i32>} : memref<8x128xi32, #tpu.memory_space<vmem>>, vector<1x16xi32>,
      %get3A_695 = vector.shape_cast %get3A_694 : vector<1x16xi32> to vector<16xi32>
      %swap3A_696 = arith.constant 1080 : index
      %swap3A_697 = tpu.vector_load %arg8[%swap3A_696] {strides = array<i32>} : memref<1600xi32, #tpu.memory_space<vmem>>, vector<16xi32>,
      %swap3A_698 = vector.shape_cast %swap3A_697 : vector<16xi32> to vector<16xi32>
      %swap3A_699 = vector.shape_cast %get3A_695 : vector<16xi32> to vector<16xi32>
      tpu.vector_store %arg8[%swap3A_696], %swap3A_699 {strides = array<i32>} : memref<1600xi32, #tpu.memory_space<vmem>>, vector<16xi32>,
      %get3A_700 = arith.constant 5 : i32
      %get3A_701 = arith.index_cast %get3A_700 : i32 to index
      %get3A_702 = arith.constant 96 : index
      %get3A_703 = tpu.vector_load %arg4[%get3A_701, %get3A_702] {strides = array<i32>} : memref<8x128xi32, #tpu.memory_space<vmem>>, vector<1x16xi32>,
      %get3A_704 = vector.shape_cast %get3A_703 : vector<1x16xi32> to vector<16xi32>
      %swap3A_705 = arith.constant 1096 : index
      %swap3A_706 = tpu.vector_load %arg8[%swap3A_705] {strides = array<i32>} : memref<1600xi32, #tpu.memory_space<vmem>>, vector<16xi32>,
      %swap3A_707 = vector.shape_cast %swap3A_706 : vector<16xi32> to vector<16xi32>
      %swap3A_708 = vector.shape_cast %get3A_704 : vector<16xi32> to vector<16xi32>
      tpu.vector_store %arg8[%swap3A_705], %swap3A_708 {strides = array<i32>} : memref<1600xi32, #tpu.memory_space<vmem>>, vector<16xi32>,
      %get3A_709 = arith.constant 5 : i32
      %get3A_710 = arith.index_cast %get3A_709 : i32 to index
      %get3A_711 = arith.constant 112 : index
      %get3A_712 = tpu.vector_load %arg4[%get3A_710, %get3A_711] {strides = array<i32>} : memref<8x128xi32, #tpu.memory_space<vmem>>, vector<1x16xi32>,
      %get3A_713 = vector.shape_cast %get3A_712 : vector<1x16xi32> to vector<16xi32>
      %swap3A_714 = arith.constant 1112 : index
      %swap3A_715 = tpu.vector_load %arg8[%swap3A_714] {strides = array<i32>} : memref<1600xi32, #tpu.memory_space<vmem>>, vector<16xi32>,
      %swap3A_716 = vector.shape_cast %swap3A_715 : vector<16xi32> to vector<16xi32>
      %swap3A_717 = vector.shape_cast %get3A_713 : vector<16xi32> to vector<16xi32>
      tpu.vector_store %arg8[%swap3A_714], %swap3A_717 {strides = array<i32>} : memref<1600xi32, #tpu.memory_space<vmem>>, vector<16xi32>,
      %get3A_718 = arith.constant 5 : i32
      %get3A_719 = arith.index_cast %get3A_718 : i32 to index
      %get3A_720 = arith.constant 0 : index
      %get3A_721 = tpu.vector_load %arg6[%get3A_719, %get3A_720] {strides = array<i32>} : memref<8x72xi32, #tpu.memory_space<vmem>>, vector<1x16xi32>,
      %get3A_722 = vector.shape_cast %get3A_721 : vector<1x16xi32> to vector<16xi32>
      %swap3A_723 = arith.constant 1128 : index
      %swap3A_724 = tpu.vector_load %arg8[%swap3A_723] {strides = array<i32>} : memref<1600xi32, #tpu.memory_space<vmem>>, vector<16xi32>,
      %swap3A_725 = vector.shape_cast %swap3A_724 : vector<16xi32> to vector<16xi32>
      %swap3A_726 = vector.shape_cast %get3A_722 : vector<16xi32> to vector<16xi32>
      tpu.vector_store %arg8[%swap3A_723], %swap3A_726 {strides = array<i32>} : memref<1600xi32, #tpu.memory_space<vmem>>, vector<16xi32>,
      %get3A_727 = arith.constant 5 : i32
      %get3A_728 = arith.index_cast %get3A_727 : i32 to index
      %get3A_729 = arith.constant 16 : index
      %get3A_730 = tpu.vector_load %arg6[%get3A_728, %get3A_729] {strides = array<i32>} : memref<8x72xi32, #tpu.memory_space<vmem>>, vector<1x16xi32>,
      %get3A_731 = vector.shape_cast %get3A_730 : vector<1x16xi32> to vector<16xi32>
      %swap3A_732 = arith.constant 1144 : index
      %swap3A_733 = tpu.vector_load %arg8[%swap3A_732] {strides = array<i32>} : memref<1600xi32, #tpu.memory_space<vmem>>, vector<16xi32>,
      %swap3A_734 = vector.shape_cast %swap3A_733 : vector<16xi32> to vector<16xi32>
      %swap3A_735 = vector.shape_cast %get3A_731 : vector<16xi32> to vector<16xi32>
      tpu.vector_store %arg8[%swap3A_732], %swap3A_735 {strides = array<i32>} : memref<1600xi32, #tpu.memory_space<vmem>>, vector<16xi32>,
      %get3A_736 = arith.constant 5 : i32
      %get3A_737 = arith.index_cast %get3A_736 : i32 to index
      %get3A_738 = arith.constant 32 : index
      %get3A_739 = tpu.vector_load %arg6[%get3A_737, %get3A_738] {strides = array<i32>} : memref<8x72xi32, #tpu.memory_space<vmem>>, vector<1x16xi32>,
      %get3A_740 = vector.shape_cast %get3A_739 : vector<1x16xi32> to vector<16xi32>
      %swap3A_741 = arith.constant 1160 : index
      %swap3A_742 = tpu.vector_load %arg8[%swap3A_741] {strides = array<i32>} : memref<1600xi32, #tpu.memory_space<vmem>>, vector<16xi32>,
      %swap3A_743 = vector.shape_cast %swap3A_742 : vector<16xi32> to vector<16xi32>
      %swap3A_744 = vector.shape_cast %get3A_740 : vector<16xi32> to vector<16xi32>
      tpu.vector_store %arg8[%swap3A_741], %swap3A_744 {strides = array<i32>} : memref<1600xi32, #tpu.memory_space<vmem>>, vector<16xi32>,
      %get3A_745 = arith.constant 5 : i32
      %get3A_746 = arith.index_cast %get3A_745 : i32 to index
      %get3A_747 = arith.constant 48 : index
      %get3A_748 = tpu.vector_load %arg6[%get3A_746, %get3A_747] {strides = array<i32>} : memref<8x72xi32, #tpu.memory_space<vmem>>, vector<1x16xi32>,
      %get3A_749 = vector.shape_cast %get3A_748 : vector<1x16xi32> to vector<16xi32>
      %swap3A_750 = arith.constant 1176 : index
      %swap3A_751 = tpu.vector_load %arg8[%swap3A_750] {strides = array<i32>} : memref<1600xi32, #tpu.memory_space<vmem>>, vector<16xi32>,
      %swap3A_752 = vector.shape_cast %swap3A_751 : vector<16xi32> to vector<16xi32>
      %swap3A_753 = vector.shape_cast %get3A_749 : vector<16xi32> to vector<16xi32>
      tpu.vector_store %arg8[%swap3A_750], %swap3A_753 {strides = array<i32>} : memref<1600xi32, #tpu.memory_space<vmem>>, vector<16xi32>,
      %get3A_754 = arith.constant 5 : i32
      %get3A_755 = arith.index_cast %get3A_754 : i32 to index
      %get3A_756 = arith.constant 56 : index
      %get3A_757 = tpu.vector_load %arg6[%get3A_755, %get3A_756] {strides = array<i32>} : memref<8x72xi32, #tpu.memory_space<vmem>>, vector<1x16xi32>,
      %get3A_758 = vector.shape_cast %get3A_757 : vector<1x16xi32> to vector<16xi32>
      %swap3A_759 = arith.constant 1184 : index
      %swap3A_760 = tpu.vector_load %arg8[%swap3A_759] {strides = array<i32>} : memref<1600xi32, #tpu.memory_space<vmem>>, vector<16xi32>,
      %swap3A_761 = vector.shape_cast %swap3A_760 : vector<16xi32> to vector<16xi32>
      %swap3A_762 = vector.shape_cast %get3A_758 : vector<16xi32> to vector<16xi32>
      tpu.vector_store %arg8[%swap3A_759], %swap3A_762 {strides = array<i32>} : memref<1600xi32, #tpu.memory_space<vmem>>, vector<16xi32>,
      %get3A_763 = arith.constant 6 : i32
      %get3A_764 = arith.index_cast %get3A_763 : i32 to index
      %get3A_765 = arith.constant 0 : index
      %get3A_766 = tpu.vector_load %arg4[%get3A_764, %get3A_765] {strides = array<i32>} : memref<8x128xi32, #tpu.memory_space<vmem>>, vector<1x16xi32>,
      %get3A_767 = vector.shape_cast %get3A_766 : vector<1x16xi32> to vector<16xi32>
      %swap3A_768 = arith.constant 1200 : index
      %swap3A_769 = tpu.vector_load %arg8[%swap3A_768] {strides = array<i32>} : memref<1600xi32, #tpu.memory_space<vmem>>, vector<16xi32>,
      %swap3A_770 = vector.shape_cast %swap3A_769 : vector<16xi32> to vector<16xi32>
      %swap3A_771 = vector.shape_cast %get3A_767 : vector<16xi32> to vector<16xi32>
      tpu.vector_store %arg8[%swap3A_768], %swap3A_771 {strides = array<i32>} : memref<1600xi32, #tpu.memory_space<vmem>>, vector<16xi32>,
      %get3A_772 = arith.constant 6 : i32
      %get3A_773 = arith.index_cast %get3A_772 : i32 to index
      %get3A_774 = arith.constant 16 : index
      %get3A_775 = tpu.vector_load %arg4[%get3A_773, %get3A_774] {strides = array<i32>} : memref<8x128xi32, #tpu.memory_space<vmem>>, vector<1x16xi32>,
      %get3A_776 = vector.shape_cast %get3A_775 : vector<1x16xi32> to vector<16xi32>
      %swap3A_777 = arith.constant 1216 : index
      %swap3A_778 = tpu.vector_load %arg8[%swap3A_777] {strides = array<i32>} : memref<1600xi32, #tpu.memory_space<vmem>>, vector<16xi32>,
      %swap3A_779 = vector.shape_cast %swap3A_778 : vector<16xi32> to vector<16xi32>
      %swap3A_780 = vector.shape_cast %get3A_776 : vector<16xi32> to vector<16xi32>
      tpu.vector_store %arg8[%swap3A_777], %swap3A_780 {strides = array<i32>} : memref<1600xi32, #tpu.memory_space<vmem>>, vector<16xi32>,
      %get3A_781 = arith.constant 6 : i32
      %get3A_782 = arith.index_cast %get3A_781 : i32 to index
      %get3A_783 = arith.constant 32 : index
      %get3A_784 = tpu.vector_load %arg4[%get3A_782, %get3A_783] {strides = array<i32>} : memref<8x128xi32, #tpu.memory_space<vmem>>, vector<1x16xi32>,
      %get3A_785 = vector.shape_cast %get3A_784 : vector<1x16xi32> to vector<16xi32>
      %swap3A_786 = arith.constant 1232 : index
      %swap3A_787 = tpu.vector_load %arg8[%swap3A_786] {strides = array<i32>} : memref<1600xi32, #tpu.memory_space<vmem>>, vector<16xi32>,
      %swap3A_788 = vector.shape_cast %swap3A_787 : vector<16xi32> to vector<16xi32>
      %swap3A_789 = vector.shape_cast %get3A_785 : vector<16xi32> to vector<16xi32>
      tpu.vector_store %arg8[%swap3A_786], %swap3A_789 {strides = array<i32>} : memref<1600xi32, #tpu.memory_space<vmem>>, vector<16xi32>,
      %get3A_790 = arith.constant 6 : i32
      %get3A_791 = arith.index_cast %get3A_790 : i32 to index
      %get3A_792 = arith.constant 48 : index
      %get3A_793 = tpu.vector_load %arg4[%get3A_791, %get3A_792] {strides = array<i32>} : memref<8x128xi32, #tpu.memory_space<vmem>>, vector<1x16xi32>,
      %get3A_794 = vector.shape_cast %get3A_793 : vector<1x16xi32> to vector<16xi32>
      %swap3A_795 = arith.constant 1248 : index
      %swap3A_796 = tpu.vector_load %arg8[%swap3A_795] {strides = array<i32>} : memref<1600xi32, #tpu.memory_space<vmem>>, vector<16xi32>,
      %swap3A_797 = vector.shape_cast %swap3A_796 : vector<16xi32> to vector<16xi32>
      %swap3A_798 = vector.shape_cast %get3A_794 : vector<16xi32> to vector<16xi32>
      tpu.vector_store %arg8[%swap3A_795], %swap3A_798 {strides = array<i32>} : memref<1600xi32, #tpu.memory_space<vmem>>, vector<16xi32>,
      %get3A_799 = arith.constant 6 : i32
      %get3A_800 = arith.index_cast %get3A_799 : i32 to index
      %get3A_801 = arith.constant 64 : index
      %get3A_802 = tpu.vector_load %arg4[%get3A_800, %get3A_801] {strides = array<i32>} : memref<8x128xi32, #tpu.memory_space<vmem>>, vector<1x16xi32>,
      %get3A_803 = vector.shape_cast %get3A_802 : vector<1x16xi32> to vector<16xi32>
      %swap3A_804 = arith.constant 1264 : index
      %swap3A_805 = tpu.vector_load %arg8[%swap3A_804] {strides = array<i32>} : memref<1600xi32, #tpu.memory_space<vmem>>, vector<16xi32>,
      %swap3A_806 = vector.shape_cast %swap3A_805 : vector<16xi32> to vector<16xi32>
      %swap3A_807 = vector.shape_cast %get3A_803 : vector<16xi32> to vector<16xi32>
      tpu.vector_store %arg8[%swap3A_804], %swap3A_807 {strides = array<i32>} : memref<1600xi32, #tpu.memory_space<vmem>>, vector<16xi32>,
      %get3A_808 = arith.constant 6 : i32
      %get3A_809 = arith.index_cast %get3A_808 : i32 to index
      %get3A_810 = arith.constant 80 : index
      %get3A_811 = tpu.vector_load %arg4[%get3A_809, %get3A_810] {strides = array<i32>} : memref<8x128xi32, #tpu.memory_space<vmem>>, vector<1x16xi32>,
      %get3A_812 = vector.shape_cast %get3A_811 : vector<1x16xi32> to vector<16xi32>
      %swap3A_813 = arith.constant 1280 : index
      %swap3A_814 = tpu.vector_load %arg8[%swap3A_813] {strides = array<i32>} : memref<1600xi32, #tpu.memory_space<vmem>>, vector<16xi32>,
      %swap3A_815 = vector.shape_cast %swap3A_814 : vector<16xi32> to vector<16xi32>
      %swap3A_816 = vector.shape_cast %get3A_812 : vector<16xi32> to vector<16xi32>
      tpu.vector_store %arg8[%swap3A_813], %swap3A_816 {strides = array<i32>} : memref<1600xi32, #tpu.memory_space<vmem>>, vector<16xi32>,
      %get3A_817 = arith.constant 6 : i32
      %get3A_818 = arith.index_cast %get3A_817 : i32 to index
      %get3A_819 = arith.constant 96 : index
      %get3A_820 = tpu.vector_load %arg4[%get3A_818, %get3A_819] {strides = array<i32>} : memref<8x128xi32, #tpu.memory_space<vmem>>, vector<1x16xi32>,
      %get3A_821 = vector.shape_cast %get3A_820 : vector<1x16xi32> to vector<16xi32>
      %swap3A_822 = arith.constant 1296 : index
      %swap3A_823 = tpu.vector_load %arg8[%swap3A_822] {strides = array<i32>} : memref<1600xi32, #tpu.memory_space<vmem>>, vector<16xi32>,
      %swap3A_824 = vector.shape_cast %swap3A_823 : vector<16xi32> to vector<16xi32>
      %swap3A_825 = vector.shape_cast %get3A_821 : vector<16xi32> to vector<16xi32>
      tpu.vector_store %arg8[%swap3A_822], %swap3A_825 {strides = array<i32>} : memref<1600xi32, #tpu.memory_space<vmem>>, vector<16xi32>,
      %get3A_826 = arith.constant 6 : i32
      %get3A_827 = arith.index_cast %get3A_826 : i32 to index
      %get3A_828 = arith.constant 112 : index
      %get3A_829 = tpu.vector_load %arg4[%get3A_827, %get3A_828] {strides = array<i32>} : memref<8x128xi32, #tpu.memory_space<vmem>>, vector<1x16xi32>,
      %get3A_830 = vector.shape_cast %get3A_829 : vector<1x16xi32> to vector<16xi32>
      %swap3A_831 = arith.constant 1312 : index
      %swap3A_832 = tpu.vector_load %arg8[%swap3A_831] {strides = array<i32>} : memref<1600xi32, #tpu.memory_space<vmem>>, vector<16xi32>,
      %swap3A_833 = vector.shape_cast %swap3A_832 : vector<16xi32> to vector<16xi32>
      %swap3A_834 = vector.shape_cast %get3A_830 : vector<16xi32> to vector<16xi32>
      tpu.vector_store %arg8[%swap3A_831], %swap3A_834 {strides = array<i32>} : memref<1600xi32, #tpu.memory_space<vmem>>, vector<16xi32>,
      %get3A_835 = arith.constant 6 : i32
      %get3A_836 = arith.index_cast %get3A_835 : i32 to index
      %get3A_837 = arith.constant 0 : index
      %get3A_838 = tpu.vector_load %arg6[%get3A_836, %get3A_837] {strides = array<i32>} : memref<8x72xi32, #tpu.memory_space<vmem>>, vector<1x16xi32>,
      %get3A_839 = vector.shape_cast %get3A_838 : vector<1x16xi32> to vector<16xi32>
      %swap3A_840 = arith.constant 1328 : index
      %swap3A_841 = tpu.vector_load %arg8[%swap3A_840] {strides = array<i32>} : memref<1600xi32, #tpu.memory_space<vmem>>, vector<16xi32>,
      %swap3A_842 = vector.shape_cast %swap3A_841 : vector<16xi32> to vector<16xi32>
      %swap3A_843 = vector.shape_cast %get3A_839 : vector<16xi32> to vector<16xi32>
      tpu.vector_store %arg8[%swap3A_840], %swap3A_843 {strides = array<i32>} : memref<1600xi32, #tpu.memory_space<vmem>>, vector<16xi32>,
      %get3A_844 = arith.constant 6 : i32
      %get3A_845 = arith.index_cast %get3A_844 : i32 to index
      %get3A_846 = arith.constant 16 : index
      %get3A_847 = tpu.vector_load %arg6[%get3A_845, %get3A_846] {strides = array<i32>} : memref<8x72xi32, #tpu.memory_space<vmem>>, vector<1x16xi32>,
      %get3A_848 = vector.shape_cast %get3A_847 : vector<1x16xi32> to vector<16xi32>
      %swap3A_849 = arith.constant 1344 : index
      %swap3A_850 = tpu.vector_load %arg8[%swap3A_849] {strides = array<i32>} : memref<1600xi32, #tpu.memory_space<vmem>>, vector<16xi32>,
      %swap3A_851 = vector.shape_cast %swap3A_850 : vector<16xi32> to vector<16xi32>
      %swap3A_852 = vector.shape_cast %get3A_848 : vector<16xi32> to vector<16xi32>
      tpu.vector_store %arg8[%swap3A_849], %swap3A_852 {strides = array<i32>} : memref<1600xi32, #tpu.memory_space<vmem>>, vector<16xi32>,
      %get3A_853 = arith.constant 6 : i32
      %get3A_854 = arith.index_cast %get3A_853 : i32 to index
      %get3A_855 = arith.constant 32 : index
      %get3A_856 = tpu.vector_load %arg6[%get3A_854, %get3A_855] {strides = array<i32>} : memref<8x72xi32, #tpu.memory_space<vmem>>, vector<1x16xi32>,
      %get3A_857 = vector.shape_cast %get3A_856 : vector<1x16xi32> to vector<16xi32>
      %swap3A_858 = arith.constant 1360 : index
      %swap3A_859 = tpu.vector_load %arg8[%swap3A_858] {strides = array<i32>} : memref<1600xi32, #tpu.memory_space<vmem>>, vector<16xi32>,
      %swap3A_860 = vector.shape_cast %swap3A_859 : vector<16xi32> to vector<16xi32>
      %swap3A_861 = vector.shape_cast %get3A_857 : vector<16xi32> to vector<16xi32>
      tpu.vector_store %arg8[%swap3A_858], %swap3A_861 {strides = array<i32>} : memref<1600xi32, #tpu.memory_space<vmem>>, vector<16xi32>,
      %get3A_862 = arith.constant 6 : i32
      %get3A_863 = arith.index_cast %get3A_862 : i32 to index
      %get3A_864 = arith.constant 48 : index
      %get3A_865 = tpu.vector_load %arg6[%get3A_863, %get3A_864] {strides = array<i32>} : memref<8x72xi32, #tpu.memory_space<vmem>>, vector<1x16xi32>,
      %get3A_866 = vector.shape_cast %get3A_865 : vector<1x16xi32> to vector<16xi32>
      %swap3A_867 = arith.constant 1376 : index
      %swap3A_868 = tpu.vector_load %arg8[%swap3A_867] {strides = array<i32>} : memref<1600xi32, #tpu.memory_space<vmem>>, vector<16xi32>,
      %swap3A_869 = vector.shape_cast %swap3A_868 : vector<16xi32> to vector<16xi32>
      %swap3A_870 = vector.shape_cast %get3A_866 : vector<16xi32> to vector<16xi32>
      tpu.vector_store %arg8[%swap3A_867], %swap3A_870 {strides = array<i32>} : memref<1600xi32, #tpu.memory_space<vmem>>, vector<16xi32>,
      %get3A_871 = arith.constant 6 : i32
      %get3A_872 = arith.index_cast %get3A_871 : i32 to index
      %get3A_873 = arith.constant 56 : index
      %get3A_874 = tpu.vector_load %arg6[%get3A_872, %get3A_873] {strides = array<i32>} : memref<8x72xi32, #tpu.memory_space<vmem>>, vector<1x16xi32>,
      %get3A_875 = vector.shape_cast %get3A_874 : vector<1x16xi32> to vector<16xi32>
      %swap3A_876 = arith.constant 1384 : index
      %swap3A_877 = tpu.vector_load %arg8[%swap3A_876] {strides = array<i32>} : memref<1600xi32, #tpu.memory_space<vmem>>, vector<16xi32>,
      %swap3A_878 = vector.shape_cast %swap3A_877 : vector<16xi32> to vector<16xi32>
      %swap3A_879 = vector.shape_cast %get3A_875 : vector<16xi32> to vector<16xi32>
      tpu.vector_store %arg8[%swap3A_876], %swap3A_879 {strides = array<i32>} : memref<1600xi32, #tpu.memory_space<vmem>>, vector<16xi32>,
      %get3A_880 = arith.constant 7 : i32
      %get3A_881 = arith.index_cast %get3A_880 : i32 to index
      %get3A_882 = arith.constant 0 : index
      %get3A_883 = tpu.vector_load %arg4[%get3A_881, %get3A_882] {strides = array<i32>} : memref<8x128xi32, #tpu.memory_space<vmem>>, vector<1x16xi32>,
      %get3A_884 = vector.shape_cast %get3A_883 : vector<1x16xi32> to vector<16xi32>
      %swap3A_885 = arith.constant 1400 : index
      %swap3A_886 = tpu.vector_load %arg8[%swap3A_885] {strides = array<i32>} : memref<1600xi32, #tpu.memory_space<vmem>>, vector<16xi32>,
      %swap3A_887 = vector.shape_cast %swap3A_886 : vector<16xi32> to vector<16xi32>
      %swap3A_888 = vector.shape_cast %get3A_884 : vector<16xi32> to vector<16xi32>
      tpu.vector_store %arg8[%swap3A_885], %swap3A_888 {strides = array<i32>} : memref<1600xi32, #tpu.memory_space<vmem>>, vector<16xi32>,
      %get3A_889 = arith.constant 7 : i32
      %get3A_890 = arith.index_cast %get3A_889 : i32 to index
      %get3A_891 = arith.constant 16 : index
      %get3A_892 = tpu.vector_load %arg4[%get3A_890, %get3A_891] {strides = array<i32>} : memref<8x128xi32, #tpu.memory_space<vmem>>, vector<1x16xi32>,
      %get3A_893 = vector.shape_cast %get3A_892 : vector<1x16xi32> to vector<16xi32>
      %swap3A_894 = arith.constant 1416 : index
      %swap3A_895 = tpu.vector_load %arg8[%swap3A_894] {strides = array<i32>} : memref<1600xi32, #tpu.memory_space<vmem>>, vector<16xi32>,
      %swap3A_896 = vector.shape_cast %swap3A_895 : vector<16xi32> to vector<16xi32>
      %swap3A_897 = vector.shape_cast %get3A_893 : vector<16xi32> to vector<16xi32>
      tpu.vector_store %arg8[%swap3A_894], %swap3A_897 {strides = array<i32>} : memref<1600xi32, #tpu.memory_space<vmem>>, vector<16xi32>,
      %get3A_898 = arith.constant 7 : i32
      %get3A_899 = arith.index_cast %get3A_898 : i32 to index
      %get3A_900 = arith.constant 32 : index
      %get3A_901 = tpu.vector_load %arg4[%get3A_899, %get3A_900] {strides = array<i32>} : memref<8x128xi32, #tpu.memory_space<vmem>>, vector<1x16xi32>,
      %get3A_902 = vector.shape_cast %get3A_901 : vector<1x16xi32> to vector<16xi32>
      %swap3A_903 = arith.constant 1432 : index
      %swap3A_904 = tpu.vector_load %arg8[%swap3A_903] {strides = array<i32>} : memref<1600xi32, #tpu.memory_space<vmem>>, vector<16xi32>,
      %swap3A_905 = vector.shape_cast %swap3A_904 : vector<16xi32> to vector<16xi32>
      %swap3A_906 = vector.shape_cast %get3A_902 : vector<16xi32> to vector<16xi32>
      tpu.vector_store %arg8[%swap3A_903], %swap3A_906 {strides = array<i32>} : memref<1600xi32, #tpu.memory_space<vmem>>, vector<16xi32>,
      %get3A_907 = arith.constant 7 : i32
      %get3A_908 = arith.index_cast %get3A_907 : i32 to index
      %get3A_909 = arith.constant 48 : index
      %get3A_910 = tpu.vector_load %arg4[%get3A_908, %get3A_909] {strides = array<i32>} : memref<8x128xi32, #tpu.memory_space<vmem>>, vector<1x16xi32>,
      %get3A_911 = vector.shape_cast %get3A_910 : vector<1x16xi32> to vector<16xi32>
      %swap3A_912 = arith.constant 1448 : index
      %swap3A_913 = tpu.vector_load %arg8[%swap3A_912] {strides = array<i32>} : memref<1600xi32, #tpu.memory_space<vmem>>, vector<16xi32>,
      %swap3A_914 = vector.shape_cast %swap3A_913 : vector<16xi32> to vector<16xi32>
      %swap3A_915 = vector.shape_cast %get3A_911 : vector<16xi32> to vector<16xi32>
      tpu.vector_store %arg8[%swap3A_912], %swap3A_915 {strides = array<i32>} : memref<1600xi32, #tpu.memory_space<vmem>>, vector<16xi32>,
      %get3A_916 = arith.constant 7 : i32
      %get3A_917 = arith.index_cast %get3A_916 : i32 to index
      %get3A_918 = arith.constant 64 : index
      %get3A_919 = tpu.vector_load %arg4[%get3A_917, %get3A_918] {strides = array<i32>} : memref<8x128xi32, #tpu.memory_space<vmem>>, vector<1x16xi32>,
      %get3A_920 = vector.shape_cast %get3A_919 : vector<1x16xi32> to vector<16xi32>
      %swap3A_921 = arith.constant 1464 : index
      %swap3A_922 = tpu.vector_load %arg8[%swap3A_921] {strides = array<i32>} : memref<1600xi32, #tpu.memory_space<vmem>>, vector<16xi32>,
      %swap3A_923 = vector.shape_cast %swap3A_922 : vector<16xi32> to vector<16xi32>
      %swap3A_924 = vector.shape_cast %get3A_920 : vector<16xi32> to vector<16xi32>
      tpu.vector_store %arg8[%swap3A_921], %swap3A_924 {strides = array<i32>} : memref<1600xi32, #tpu.memory_space<vmem>>, vector<16xi32>,
      %get3A_925 = arith.constant 7 : i32
      %get3A_926 = arith.index_cast %get3A_925 : i32 to index
      %get3A_927 = arith.constant 80 : index
      %get3A_928 = tpu.vector_load %arg4[%get3A_926, %get3A_927] {strides = array<i32>} : memref<8x128xi32, #tpu.memory_space<vmem>>, vector<1x16xi32>,
      %get3A_929 = vector.shape_cast %get3A_928 : vector<1x16xi32> to vector<16xi32>
      %swap3A_930 = arith.constant 1480 : index
      %swap3A_931 = tpu.vector_load %arg8[%swap3A_930] {strides = array<i32>} : memref<1600xi32, #tpu.memory_space<vmem>>, vector<16xi32>,
      %swap3A_932 = vector.shape_cast %swap3A_931 : vector<16xi32> to vector<16xi32>
      %swap3A_933 = vector.shape_cast %get3A_929 : vector<16xi32> to vector<16xi32>
      tpu.vector_store %arg8[%swap3A_930], %swap3A_933 {strides = array<i32>} : memref<1600xi32, #tpu.memory_space<vmem>>, vector<16xi32>,
      %get3A_934 = arith.constant 7 : i32
      %get3A_935 = arith.index_cast %get3A_934 : i32 to index
      %get3A_936 = arith.constant 96 : index
      %get3A_937 = tpu.vector_load %arg4[%get3A_935, %get3A_936] {strides = array<i32>} : memref<8x128xi32, #tpu.memory_space<vmem>>, vector<1x16xi32>,
      %get3A_938 = vector.shape_cast %get3A_937 : vector<1x16xi32> to vector<16xi32>
      %swap3A_939 = arith.constant 1496 : index
      %swap3A_940 = tpu.vector_load %arg8[%swap3A_939] {strides = array<i32>} : memref<1600xi32, #tpu.memory_space<vmem>>, vector<16xi32>,
      %swap3A_941 = vector.shape_cast %swap3A_940 : vector<16xi32> to vector<16xi32>
      %swap3A_942 = vector.shape_cast %get3A_938 : vector<16xi32> to vector<16xi32>
      tpu.vector_store %arg8[%swap3A_939], %swap3A_942 {strides = array<i32>} : memref<1600xi32, #tpu.memory_space<vmem>>, vector<16xi32>,
      %get3A_943 = arith.constant 7 : i32
      %get3A_944 = arith.index_cast %get3A_943 : i32 to index
      %get3A_945 = arith.constant 112 : index
      %get3A_946 = tpu.vector_load %arg4[%get3A_944, %get3A_945] {strides = array<i32>} : memref<8x128xi32, #tpu.memory_space<vmem>>, vector<1x16xi32>,
      %get3A_947 = vector.shape_cast %get3A_946 : vector<1x16xi32> to vector<16xi32>
      %swap3A_948 = arith.constant 1512 : index
      %swap3A_949 = tpu.vector_load %arg8[%swap3A_948] {strides = array<i32>} : memref<1600xi32, #tpu.memory_space<vmem>>, vector<16xi32>,
      %swap3A_950 = vector.shape_cast %swap3A_949 : vector<16xi32> to vector<16xi32>
      %swap3A_951 = vector.shape_cast %get3A_947 : vector<16xi32> to vector<16xi32>
      tpu.vector_store %arg8[%swap3A_948], %swap3A_951 {strides = array<i32>} : memref<1600xi32, #tpu.memory_space<vmem>>, vector<16xi32>,
      %get3A_952 = arith.constant 7 : i32
      %get3A_953 = arith.index_cast %get3A_952 : i32 to index
      %get3A_954 = arith.constant 0 : index
      %get3A_955 = tpu.vector_load %arg6[%get3A_953, %get3A_954] {strides = array<i32>} : memref<8x72xi32, #tpu.memory_space<vmem>>, vector<1x16xi32>,
      %get3A_956 = vector.shape_cast %get3A_955 : vector<1x16xi32> to vector<16xi32>
      %swap3A_957 = arith.constant 1528 : index
      %swap3A_958 = tpu.vector_load %arg8[%swap3A_957] {strides = array<i32>} : memref<1600xi32, #tpu.memory_space<vmem>>, vector<16xi32>,
      %swap3A_959 = vector.shape_cast %swap3A_958 : vector<16xi32> to vector<16xi32>
      %swap3A_960 = vector.shape_cast %get3A_956 : vector<16xi32> to vector<16xi32>
      tpu.vector_store %arg8[%swap3A_957], %swap3A_960 {strides = array<i32>} : memref<1600xi32, #tpu.memory_space<vmem>>, vector<16xi32>,
      %get3A_961 = arith.constant 7 : i32
      %get3A_962 = arith.index_cast %get3A_961 : i32 to index
      %get3A_963 = arith.constant 16 : index
      %get3A_964 = tpu.vector_load %arg6[%get3A_962, %get3A_963] {strides = array<i32>} : memref<8x72xi32, #tpu.memory_space<vmem>>, vector<1x16xi32>,
      %get3A_965 = vector.shape_cast %get3A_964 : vector<1x16xi32> to vector<16xi32>
      %swap3A_966 = arith.constant 1544 : index
      %swap3A_967 = tpu.vector_load %arg8[%swap3A_966] {strides = array<i32>} : memref<1600xi32, #tpu.memory_space<vmem>>, vector<16xi32>,
      %swap3A_968 = vector.shape_cast %swap3A_967 : vector<16xi32> to vector<16xi32>
      %swap3A_969 = vector.shape_cast %get3A_965 : vector<16xi32> to vector<16xi32>
      tpu.vector_store %arg8[%swap3A_966], %swap3A_969 {strides = array<i32>} : memref<1600xi32, #tpu.memory_space<vmem>>, vector<16xi32>,
      %get3A_970 = arith.constant 7 : i32
      %get3A_971 = arith.index_cast %get3A_970 : i32 to index
      %get3A_972 = arith.constant 32 : index
      %get3A_973 = tpu.vector_load %arg6[%get3A_971, %get3A_972] {strides = array<i32>} : memref<8x72xi32, #tpu.memory_space<vmem>>, vector<1x16xi32>,
      %get3A_974 = vector.shape_cast %get3A_973 : vector<1x16xi32> to vector<16xi32>
      %swap3A_975 = arith.constant 1560 : index
      %swap3A_976 = tpu.vector_load %arg8[%swap3A_975] {strides = array<i32>} : memref<1600xi32, #tpu.memory_space<vmem>>, vector<16xi32>,
      %swap3A_977 = vector.shape_cast %swap3A_976 : vector<16xi32> to vector<16xi32>
      %swap3A_978 = vector.shape_cast %get3A_974 : vector<16xi32> to vector<16xi32>
      tpu.vector_store %arg8[%swap3A_975], %swap3A_978 {strides = array<i32>} : memref<1600xi32, #tpu.memory_space<vmem>>, vector<16xi32>,
      %get3A_979 = arith.constant 7 : i32
      %get3A_980 = arith.index_cast %get3A_979 : i32 to index
      %get3A_981 = arith.constant 48 : index
      %get3A_982 = tpu.vector_load %arg6[%get3A_980, %get3A_981] {strides = array<i32>} : memref<8x72xi32, #tpu.memory_space<vmem>>, vector<1x16xi32>,
      %get3A_983 = vector.shape_cast %get3A_982 : vector<1x16xi32> to vector<16xi32>
      %swap3A_984 = arith.constant 1576 : index
      %swap3A_985 = tpu.vector_load %arg8[%swap3A_984] {strides = array<i32>} : memref<1600xi32, #tpu.memory_space<vmem>>, vector<16xi32>,
      %swap3A_986 = vector.shape_cast %swap3A_985 : vector<16xi32> to vector<16xi32>
      %swap3A_987 = vector.shape_cast %get3A_983 : vector<16xi32> to vector<16xi32>
      tpu.vector_store %arg8[%swap3A_984], %swap3A_987 {strides = array<i32>} : memref<1600xi32, #tpu.memory_space<vmem>>, vector<16xi32>,
      %get3A_988 = arith.constant 7 : i32
      %get3A_989 = arith.index_cast %get3A_988 : i32 to index
      %get3A_990 = arith.constant 56 : index
      %get3A_991 = tpu.vector_load %arg6[%get3A_989, %get3A_990] {strides = array<i32>} : memref<8x72xi32, #tpu.memory_space<vmem>>, vector<1x16xi32>,
      %get3A_992 = vector.shape_cast %get3A_991 : vector<1x16xi32> to vector<16xi32>
      %swap3A_993 = arith.constant 1584 : index
      %swap3A_994 = tpu.vector_load %arg8[%swap3A_993] {strides = array<i32>} : memref<1600xi32, #tpu.memory_space<vmem>>, vector<16xi32>,
      %swap3A_995 = vector.shape_cast %swap3A_994 : vector<16xi32> to vector<16xi32>
      %swap3A_996 = vector.shape_cast %get3A_992 : vector<16xi32> to vector<16xi32>
      tpu.vector_store %arg8[%swap3A_993], %swap3A_996 {strides = array<i32>} : memref<1600xi32, #tpu.memory_space<vmem>>, vector<16xi32>,
      %mul3A_997 = arith.constant 8 : i32
      %mul3A_998 = arith.muli %mul3A_997, %add3A_46 : i32
      %add3A_999 = arith.addi %mul3A_2, %mul3A_998 : i32
      %mul3A_1000 = arith.constant 200 : i32
      %mul3A_1001 = arith.muli %add3A_999, %mul3A_1000 : i32
      %dma_start3A_1002 = tpu.memref_slice %arg3[%mul3A_1001] : memref<819200xi32, #tpu.memory_space<hbm>> -> memref<1600xi32, #tpu.memory_space<hbm>>
      %dma_start3A_1003 = tpu.memref_slice %arg3[%mul3A_1001] : memref<819200xi32, #tpu.memory_space<hbm>> -> memref<1600xi32, #tpu.memory_space<hbm>>
      tpu.enqueue_dma source(%arg8 : memref<1600xi32, #tpu.memory_space<vmem>>) target(%dma_start3A_1003 : memref<1600xi32, #tpu.memory_space<hbm>>) target_semaphore(%arg12 : memref<!tpu.dma_semaphore, #tpu.memory_space<semaphore_mem>>)
      %add3A_1004 = arith.constant 2 : i32
      %add3A_1005 = arith.addi %add3A_46, %add3A_1004 : i32
      %lt3A = arith.constant 16 : i32
      %lt3A_1006 = arith.cmpi slt, %add3A_1005, %lt3A : i32
      %convert_element_type3A_1007 = arith.extui %lt3A_1006 : i1 to i32
      %cond3A_1008 = arith.constant 0 : i32
      %cond3A_1009 = arith.cmpi ne, %convert_element_type3A_1007, %cond3A_1008 : i32
      scf.if %cond3A_1009 {
        %add3A_1983 = arith.constant 2 : i32
        %add3A_1984 = arith.addi %add3A_46, %add3A_1983 : i32
        %mul3A_1985 = arith.constant 8 : i32
        %mul3A_1986 = arith.muli %mul3A_1985, %add3A_1984 : i32
        %add3A_1987 = arith.addi %mul3A_2, %mul3A_1986 : i32
        %dma_start3A_1988 = arith.constant 0 : i32
        %dma_start3A_1989 = tpu.memref_slice %arg2[%add3A_1987, %dma_start3A_1988] : memref<4096x200xi32, #tpu.memory_space<hbm>> -> memref<8x128xi32, #tpu.memory_space<hbm>>
        %dma_start3A_1990 = arith.constant 0 : i32
        %dma_start3A_1991 = tpu.memref_slice %arg2[%add3A_1987, %dma_start3A_1990] : memref<4096x200xi32, #tpu.memory_space<hbm>> -> memref<8x128xi32, #tpu.memory_space<hbm>>
        tpu.enqueue_dma source(%dma_start3A_1991 : memref<8x128xi32, #tpu.memory_space<hbm>>) target(%arg4 : memref<8x128xi32, #tpu.memory_space<vmem>>) target_semaphore(%arg10 : memref<!tpu.dma_semaphore, #tpu.memory_space<semaphore_mem>>)
        %mul3A_1992 = arith.constant 8 : i32
        %mul3A_1993 = arith.muli %mul3A_1992, %add3A_1984 : i32
        %add3A_1994 = arith.addi %mul3A_2, %mul3A_1993 : i32
        %dma_start3A_1995 = arith.constant 128 : i32
        %dma_start3A_1996 = tpu.memref_slice %arg2[%add3A_1994, %dma_start3A_1995] : memref<4096x200xi32, #tpu.memory_space<hbm>> -> memref<8x72xi32, #tpu.memory_space<hbm>>
        %dma_start3A_1997 = arith.constant 128 : i32
        %dma_start3A_1998 = tpu.memref_slice %arg2[%add3A_1994, %dma_start3A_1997] : memref<4096x200xi32, #tpu.memory_space<hbm>> -> memref<8x72xi32, #tpu.memory_space<hbm>>
        tpu.enqueue_dma source(%dma_start3A_1998 : memref<8x72xi32, #tpu.memory_space<hbm>>) target(%arg6 : memref<8x72xi32, #tpu.memory_space<vmem>>) target_semaphore(%arg10 : memref<!tpu.dma_semaphore, #tpu.memory_space<semaphore_mem>>)
      } else {
      }
      %mul3A_1010 = arith.constant 2 : i32
      %mul3A_1011 = arith.muli %mul3A_1010, %scan3A_42 : i32
      %add3A_1012 = arith.constant 1 : i32
      %add3A_1013 = arith.addi %mul3A_1011, %add3A_1012 : i32
      %mul3A_1014 = arith.constant 8 : i32
      %mul3A_1015 = arith.muli %mul3A_1014, %add3A_1013 : i32
      %add3A_1016 = arith.addi %mul3A_2, %mul3A_1015 : i32
      %dma_wait3A_1017 = arith.constant 0 : i32
      %dma_wait3A_1018 = tpu.memref_slice %arg2[%add3A_1016, %dma_wait3A_1017] : memref<4096x200xi32, #tpu.memory_space<hbm>> -> memref<8x128xi32, #tpu.memory_space<hbm>>
      %dma_wait3A_1019 = arith.constant 0 : i32
      %dma_wait3A_1020 = tpu.memref_slice %arg2[%add3A_1016, %dma_wait3A_1019] : memref<4096x200xi32, #tpu.memory_space<hbm>> -> memref<8x128xi32, #tpu.memory_space<hbm>>
      tpu.wait_dma2 semaphore(%arg11 : memref<!tpu.dma_semaphore, #tpu.memory_space<semaphore_mem>>) src(%dma_wait3A_1020 : memref<8x128xi32, #tpu.memory_space<hbm>>) dst(%arg5 : memref<8x128xi32, #tpu.memory_space<vmem>>)
      %mul3A_1021 = arith.constant 8 : i32
      %mul3A_1022 = arith.muli %mul3A_1021, %add3A_1013 : i32
      %add3A_1023 = arith.addi %mul3A_2, %mul3A_1022 : i32
      %dma_wait3A_1024 = arith.constant 128 : i32
      %dma_wait3A_1025 = tpu.memref_slice %arg2[%add3A_1023, %dma_wait3A_1024] : memref<4096x200xi32, #tpu.memory_space<hbm>> -> memref<8x72xi32, #tpu.memory_space<hbm>>
      %dma_wait3A_1026 = arith.constant 128 : i32
      %dma_wait3A_1027 = tpu.memref_slice %arg2[%add3A_1023, %dma_wait3A_1026] : memref<4096x200xi32, #tpu.memory_space<hbm>> -> memref<8x72xi32, #tpu.memory_space<hbm>>
      tpu.wait_dma2 semaphore(%arg11 : memref<!tpu.dma_semaphore, #tpu.memory_space<semaphore_mem>>) src(%dma_wait3A_1027 : memref<8x72xi32, #tpu.memory_space<hbm>>) dst(%arg7 : memref<8x72xi32, #tpu.memory_space<vmem>>)
      %gt3A_1028 = arith.constant 0 : i32
      %gt3A_1029 = arith.cmpi sgt, %scan3A_42, %gt3A_1028 : i32
      %convert_element_type3A_1030 = arith.extui %gt3A_1029 : i1 to i32
      %cond3A_1031 = arith.constant 0 : i32
      %cond3A_1032 = arith.cmpi ne, %convert_element_type3A_1030, %cond3A_1031 : i32
      scf.if %cond3A_1032 {
        %mul3A_1983 = arith.constant 8 : i32
        %mul3A_1984 = arith.muli %mul3A_1983, %add3A_1013 : i32
        %add3A_1985 = arith.addi %mul3A_2, %mul3A_1984 : i32
        %mul3A_1986 = arith.constant 200 : i32
        %mul3A_1987 = arith.muli %add3A_1985, %mul3A_1986 : i32
        %dma_wait3A_1988 = tpu.memref_slice %arg3[%mul3A_1987] : memref<819200xi32, #tpu.memory_space<hbm>> -> memref<1600xi32, #tpu.memory_space<hbm>>
        %dma_wait3A_1989 = tpu.memref_slice %arg3[%mul3A_1987] : memref<819200xi32, #tpu.memory_space<hbm>> -> memref<1600xi32, #tpu.memory_space<hbm>>
        tpu.wait_dma2 semaphore(%arg13 : memref<!tpu.dma_semaphore, #tpu.memory_space<semaphore_mem>>) src(%arg9 : memref<1600xi32, #tpu.memory_space<vmem>>) dst(%dma_wait3A_1989 : memref<1600xi32, #tpu.memory_space<hbm>>)
      } else {
      }
      %get3A_1033 = arith.constant 0 : i32
      %get3A_1034 = arith.index_cast %get3A_1033 : i32 to index
      %get3A_1035 = arith.constant 0 : index
      %get3A_1036 = tpu.vector_load %arg5[%get3A_1034, %get3A_1035] {strides = array<i32>} : memref<8x128xi32, #tpu.memory_space<vmem>>, vector<1x16xi32>,
      %get3A_1037 = vector.shape_cast %get3A_1036 : vector<1x16xi32> to vector<16xi32>
      %swap3A_1038 = arith.constant 0 : index
      %swap3A_1039 = tpu.vector_load %arg9[%swap3A_1038] {strides = array<i32>} : memref<1600xi32, #tpu.memory_space<vmem>>, vector<16xi32>,
      %swap3A_1040 = vector.shape_cast %swap3A_1039 : vector<16xi32> to vector<16xi32>
      %swap3A_1041 = vector.shape_cast %get3A_1037 : vector<16xi32> to vector<16xi32>
      tpu.vector_store %arg9[%swap3A_1038], %swap3A_1041 {strides = array<i32>} : memref<1600xi32, #tpu.memory_space<vmem>>, vector<16xi32>,
      %get3A_1042 = arith.constant 0 : i32
      %get3A_1043 = arith.index_cast %get3A_1042 : i32 to index
      %get3A_1044 = arith.constant 16 : index
      %get3A_1045 = tpu.vector_load %arg5[%get3A_1043, %get3A_1044] {strides = array<i32>} : memref<8x128xi32, #tpu.memory_space<vmem>>, vector<1x16xi32>,
      %get3A_1046 = vector.shape_cast %get3A_1045 : vector<1x16xi32> to vector<16xi32>
      %swap3A_1047 = arith.constant 16 : index
      %swap3A_1048 = tpu.vector_load %arg9[%swap3A_1047] {strides = array<i32>} : memref<1600xi32, #tpu.memory_space<vmem>>, vector<16xi32>,
      %swap3A_1049 = vector.shape_cast %swap3A_1048 : vector<16xi32> to vector<16xi32>
      %swap3A_1050 = vector.shape_cast %get3A_1046 : vector<16xi32> to vector<16xi32>
      tpu.vector_store %arg9[%swap3A_1047], %swap3A_1050 {strides = array<i32>} : memref<1600xi32, #tpu.memory_space<vmem>>, vector<16xi32>,
      %get3A_1051 = arith.constant 0 : i32
      %get3A_1052 = arith.index_cast %get3A_1051 : i32 to index
      %get3A_1053 = arith.constant 32 : index
      %get3A_1054 = tpu.vector_load %arg5[%get3A_1052, %get3A_1053] {strides = array<i32>} : memref<8x128xi32, #tpu.memory_space<vmem>>, vector<1x16xi32>,
      %get3A_1055 = vector.shape_cast %get3A_1054 : vector<1x16xi32> to vector<16xi32>
      %swap3A_1056 = arith.constant 32 : index
      %swap3A_1057 = tpu.vector_load %arg9[%swap3A_1056] {strides = array<i32>} : memref<1600xi32, #tpu.memory_space<vmem>>, vector<16xi32>,
      %swap3A_1058 = vector.shape_cast %swap3A_1057 : vector<16xi32> to vector<16xi32>
      %swap3A_1059 = vector.shape_cast %get3A_1055 : vector<16xi32> to vector<16xi32>
      tpu.vector_store %arg9[%swap3A_1056], %swap3A_1059 {strides = array<i32>} : memref<1600xi32, #tpu.memory_space<vmem>>, vector<16xi32>,
      %get3A_1060 = arith.constant 0 : i32
      %get3A_1061 = arith.index_cast %get3A_1060 : i32 to index
      %get3A_1062 = arith.constant 48 : index
      %get3A_1063 = tpu.vector_load %arg5[%get3A_1061, %get3A_1062] {strides = array<i32>} : memref<8x128xi32, #tpu.memory_space<vmem>>, vector<1x16xi32>,
      %get3A_1064 = vector.shape_cast %get3A_1063 : vector<1x16xi32> to vector<16xi32>
      %swap3A_1065 = arith.constant 48 : index
      %swap3A_1066 = tpu.vector_load %arg9[%swap3A_1065] {strides = array<i32>} : memref<1600xi32, #tpu.memory_space<vmem>>, vector<16xi32>,
      %swap3A_1067 = vector.shape_cast %swap3A_1066 : vector<16xi32> to vector<16xi32>
      %swap3A_1068 = vector.shape_cast %get3A_1064 : vector<16xi32> to vector<16xi32>
      tpu.vector_store %arg9[%swap3A_1065], %swap3A_1068 {strides = array<i32>} : memref<1600xi32, #tpu.memory_space<vmem>>, vector<16xi32>,
      %get3A_1069 = arith.constant 0 : i32
      %get3A_1070 = arith.index_cast %get3A_1069 : i32 to index
      %get3A_1071 = arith.constant 64 : index
      %get3A_1072 = tpu.vector_load %arg5[%get3A_1070, %get3A_1071] {strides = array<i32>} : memref<8x128xi32, #tpu.memory_space<vmem>>, vector<1x16xi32>,
      %get3A_1073 = vector.shape_cast %get3A_1072 : vector<1x16xi32> to vector<16xi32>
      %swap3A_1074 = arith.constant 64 : index
      %swap3A_1075 = tpu.vector_load %arg9[%swap3A_1074] {strides = array<i32>} : memref<1600xi32, #tpu.memory_space<vmem>>, vector<16xi32>,
      %swap3A_1076 = vector.shape_cast %swap3A_1075 : vector<16xi32> to vector<16xi32>
      %swap3A_1077 = vector.shape_cast %get3A_1073 : vector<16xi32> to vector<16xi32>
      tpu.vector_store %arg9[%swap3A_1074], %swap3A_1077 {strides = array<i32>} : memref<1600xi32, #tpu.memory_space<vmem>>, vector<16xi32>,
      %get3A_1078 = arith.constant 0 : i32
      %get3A_1079 = arith.index_cast %get3A_1078 : i32 to index
      %get3A_1080 = arith.constant 80 : index
      %get3A_1081 = tpu.vector_load %arg5[%get3A_1079, %get3A_1080] {strides = array<i32>} : memref<8x128xi32, #tpu.memory_space<vmem>>, vector<1x16xi32>,
      %get3A_1082 = vector.shape_cast %get3A_1081 : vector<1x16xi32> to vector<16xi32>
      %swap3A_1083 = arith.constant 80 : index
      %swap3A_1084 = tpu.vector_load %arg9[%swap3A_1083] {strides = array<i32>} : memref<1600xi32, #tpu.memory_space<vmem>>, vector<16xi32>,
      %swap3A_1085 = vector.shape_cast %swap3A_1084 : vector<16xi32> to vector<16xi32>
      %swap3A_1086 = vector.shape_cast %get3A_1082 : vector<16xi32> to vector<16xi32>
      tpu.vector_store %arg9[%swap3A_1083], %swap3A_1086 {strides = array<i32>} : memref<1600xi32, #tpu.memory_space<vmem>>, vector<16xi32>,
      %get3A_1087 = arith.constant 0 : i32
      %get3A_1088 = arith.index_cast %get3A_1087 : i32 to index
      %get3A_1089 = arith.constant 96 : index
      %get3A_1090 = tpu.vector_load %arg5[%get3A_1088, %get3A_1089] {strides = array<i32>} : memref<8x128xi32, #tpu.memory_space<vmem>>, vector<1x16xi32>,
      %get3A_1091 = vector.shape_cast %get3A_1090 : vector<1x16xi32> to vector<16xi32>
      %swap3A_1092 = arith.constant 96 : index
      %swap3A_1093 = tpu.vector_load %arg9[%swap3A_1092] {strides = array<i32>} : memref<1600xi32, #tpu.memory_space<vmem>>, vector<16xi32>,
      %swap3A_1094 = vector.shape_cast %swap3A_1093 : vector<16xi32> to vector<16xi32>
      %swap3A_1095 = vector.shape_cast %get3A_1091 : vector<16xi32> to vector<16xi32>
      tpu.vector_store %arg9[%swap3A_1092], %swap3A_1095 {strides = array<i32>} : memref<1600xi32, #tpu.memory_space<vmem>>, vector<16xi32>,
      %get3A_1096 = arith.constant 0 : i32
      %get3A_1097 = arith.index_cast %get3A_1096 : i32 to index
      %get3A_1098 = arith.constant 112 : index
      %get3A_1099 = tpu.vector_load %arg5[%get3A_1097, %get3A_1098] {strides = array<i32>} : memref<8x128xi32, #tpu.memory_space<vmem>>, vector<1x16xi32>,
      %get3A_1100 = vector.shape_cast %get3A_1099 : vector<1x16xi32> to vector<16xi32>
      %swap3A_1101 = arith.constant 112 : index
      %swap3A_1102 = tpu.vector_load %arg9[%swap3A_1101] {strides = array<i32>} : memref<1600xi32, #tpu.memory_space<vmem>>, vector<16xi32>,
      %swap3A_1103 = vector.shape_cast %swap3A_1102 : vector<16xi32> to vector<16xi32>
      %swap3A_1104 = vector.shape_cast %get3A_1100 : vector<16xi32> to vector<16xi32>
      tpu.vector_store %arg9[%swap3A_1101], %swap3A_1104 {strides = array<i32>} : memref<1600xi32, #tpu.memory_space<vmem>>, vector<16xi32>,
      %get3A_1105 = arith.constant 0 : i32
      %get3A_1106 = arith.index_cast %get3A_1105 : i32 to index
      %get3A_1107 = arith.constant 0 : index
      %get3A_1108 = tpu.vector_load %arg7[%get3A_1106, %get3A_1107] {strides = array<i32>} : memref<8x72xi32, #tpu.memory_space<vmem>>, vector<1x16xi32>,
      %get3A_1109 = vector.shape_cast %get3A_1108 : vector<1x16xi32> to vector<16xi32>
      %swap3A_1110 = arith.constant 128 : index
      %swap3A_1111 = tpu.vector_load %arg9[%swap3A_1110] {strides = array<i32>} : memref<1600xi32, #tpu.memory_space<vmem>>, vector<16xi32>,
      %swap3A_1112 = vector.shape_cast %swap3A_1111 : vector<16xi32> to vector<16xi32>
      %swap3A_1113 = vector.shape_cast %get3A_1109 : vector<16xi32> to vector<16xi32>
      tpu.vector_store %arg9[%swap3A_1110], %swap3A_1113 {strides = array<i32>} : memref<1600xi32, #tpu.memory_space<vmem>>, vector<16xi32>,
      %get3A_1114 = arith.constant 0 : i32
      %get3A_1115 = arith.index_cast %get3A_1114 : i32 to index
      %get3A_1116 = arith.constant 16 : index
      %get3A_1117 = tpu.vector_load %arg7[%get3A_1115, %get3A_1116] {strides = array<i32>} : memref<8x72xi32, #tpu.memory_space<vmem>>, vector<1x16xi32>,
      %get3A_1118 = vector.shape_cast %get3A_1117 : vector<1x16xi32> to vector<16xi32>
      %swap3A_1119 = arith.constant 144 : index
      %swap3A_1120 = tpu.vector_load %arg9[%swap3A_1119] {strides = array<i32>} : memref<1600xi32, #tpu.memory_space<vmem>>, vector<16xi32>,
      %swap3A_1121 = vector.shape_cast %swap3A_1120 : vector<16xi32> to vector<16xi32>
      %swap3A_1122 = vector.shape_cast %get3A_1118 : vector<16xi32> to vector<16xi32>
      tpu.vector_store %arg9[%swap3A_1119], %swap3A_1122 {strides = array<i32>} : memref<1600xi32, #tpu.memory_space<vmem>>, vector<16xi32>,
      %get3A_1123 = arith.constant 0 : i32
      %get3A_1124 = arith.index_cast %get3A_1123 : i32 to index
      %get3A_1125 = arith.constant 32 : index
      %get3A_1126 = tpu.vector_load %arg7[%get3A_1124, %get3A_1125] {strides = array<i32>} : memref<8x72xi32, #tpu.memory_space<vmem>>, vector<1x16xi32>,
      %get3A_1127 = vector.shape_cast %get3A_1126 : vector<1x16xi32> to vector<16xi32>
      %swap3A_1128 = arith.constant 160 : index
      %swap3A_1129 = tpu.vector_load %arg9[%swap3A_1128] {strides = array<i32>} : memref<1600xi32, #tpu.memory_space<vmem>>, vector<16xi32>,
      %swap3A_1130 = vector.shape_cast %swap3A_1129 : vector<16xi32> to vector<16xi32>
      %swap3A_1131 = vector.shape_cast %get3A_1127 : vector<16xi32> to vector<16xi32>
      tpu.vector_store %arg9[%swap3A_1128], %swap3A_1131 {strides = array<i32>} : memref<1600xi32, #tpu.memory_space<vmem>>, vector<16xi32>,
      %get3A_1132 = arith.constant 0 : i32
      %get3A_1133 = arith.index_cast %get3A_1132 : i32 to index
      %get3A_1134 = arith.constant 48 : index
      %get3A_1135 = tpu.vector_load %arg7[%get3A_1133, %get3A_1134] {strides = array<i32>} : memref<8x72xi32, #tpu.memory_space<vmem>>, vector<1x16xi32>,
      %get3A_1136 = vector.shape_cast %get3A_1135 : vector<1x16xi32> to vector<16xi32>
      %swap3A_1137 = arith.constant 176 : index
      %swap3A_1138 = tpu.vector_load %arg9[%swap3A_1137] {strides = array<i32>} : memref<1600xi32, #tpu.memory_space<vmem>>, vector<16xi32>,
      %swap3A_1139 = vector.shape_cast %swap3A_1138 : vector<16xi32> to vector<16xi32>
      %swap3A_1140 = vector.shape_cast %get3A_1136 : vector<16xi32> to vector<16xi32>
      tpu.vector_store %arg9[%swap3A_1137], %swap3A_1140 {strides = array<i32>} : memref<1600xi32, #tpu.memory_space<vmem>>, vector<16xi32>,
      %get3A_1141 = arith.constant 0 : i32
      %get3A_1142 = arith.index_cast %get3A_1141 : i32 to index
      %get3A_1143 = arith.constant 56 : index
      %get3A_1144 = tpu.vector_load %arg7[%get3A_1142, %get3A_1143] {strides = array<i32>} : memref<8x72xi32, #tpu.memory_space<vmem>>, vector<1x16xi32>,
      %get3A_1145 = vector.shape_cast %get3A_1144 : vector<1x16xi32> to vector<16xi32>
      %swap3A_1146 = arith.constant 184 : index
      %swap3A_1147 = tpu.vector_load %arg9[%swap3A_1146] {strides = array<i32>} : memref<1600xi32, #tpu.memory_space<vmem>>, vector<16xi32>,
      %swap3A_1148 = vector.shape_cast %swap3A_1147 : vector<16xi32> to vector<16xi32>
      %swap3A_1149 = vector.shape_cast %get3A_1145 : vector<16xi32> to vector<16xi32>
      tpu.vector_store %arg9[%swap3A_1146], %swap3A_1149 {strides = array<i32>} : memref<1600xi32, #tpu.memory_space<vmem>>, vector<16xi32>,
      %get3A_1150 = arith.constant 1 : i32
      %get3A_1151 = arith.index_cast %get3A_1150 : i32 to index
      %get3A_1152 = arith.constant 0 : index
      %get3A_1153 = tpu.vector_load %arg5[%get3A_1151, %get3A_1152] {strides = array<i32>} : memref<8x128xi32, #tpu.memory_space<vmem>>, vector<1x16xi32>,
      %get3A_1154 = vector.shape_cast %get3A_1153 : vector<1x16xi32> to vector<16xi32>
      %swap3A_1155 = arith.constant 200 : index
      %swap3A_1156 = tpu.vector_load %arg9[%swap3A_1155] {strides = array<i32>} : memref<1600xi32, #tpu.memory_space<vmem>>, vector<16xi32>,
      %swap3A_1157 = vector.shape_cast %swap3A_1156 : vector<16xi32> to vector<16xi32>
      %swap3A_1158 = vector.shape_cast %get3A_1154 : vector<16xi32> to vector<16xi32>
      tpu.vector_store %arg9[%swap3A_1155], %swap3A_1158 {strides = array<i32>} : memref<1600xi32, #tpu.memory_space<vmem>>, vector<16xi32>,
      %get3A_1159 = arith.constant 1 : i32
      %get3A_1160 = arith.index_cast %get3A_1159 : i32 to index
      %get3A_1161 = arith.constant 16 : index
      %get3A_1162 = tpu.vector_load %arg5[%get3A_1160, %get3A_1161] {strides = array<i32>} : memref<8x128xi32, #tpu.memory_space<vmem>>, vector<1x16xi32>,
      %get3A_1163 = vector.shape_cast %get3A_1162 : vector<1x16xi32> to vector<16xi32>
      %swap3A_1164 = arith.constant 216 : index
      %swap3A_1165 = tpu.vector_load %arg9[%swap3A_1164] {strides = array<i32>} : memref<1600xi32, #tpu.memory_space<vmem>>, vector<16xi32>,
      %swap3A_1166 = vector.shape_cast %swap3A_1165 : vector<16xi32> to vector<16xi32>
      %swap3A_1167 = vector.shape_cast %get3A_1163 : vector<16xi32> to vector<16xi32>
      tpu.vector_store %arg9[%swap3A_1164], %swap3A_1167 {strides = array<i32>} : memref<1600xi32, #tpu.memory_space<vmem>>, vector<16xi32>,
      %get3A_1168 = arith.constant 1 : i32
      %get3A_1169 = arith.index_cast %get3A_1168 : i32 to index
      %get3A_1170 = arith.constant 32 : index
      %get3A_1171 = tpu.vector_load %arg5[%get3A_1169, %get3A_1170] {strides = array<i32>} : memref<8x128xi32, #tpu.memory_space<vmem>>, vector<1x16xi32>,
      %get3A_1172 = vector.shape_cast %get3A_1171 : vector<1x16xi32> to vector<16xi32>
      %swap3A_1173 = arith.constant 232 : index
      %swap3A_1174 = tpu.vector_load %arg9[%swap3A_1173] {strides = array<i32>} : memref<1600xi32, #tpu.memory_space<vmem>>, vector<16xi32>,
      %swap3A_1175 = vector.shape_cast %swap3A_1174 : vector<16xi32> to vector<16xi32>
      %swap3A_1176 = vector.shape_cast %get3A_1172 : vector<16xi32> to vector<16xi32>
      tpu.vector_store %arg9[%swap3A_1173], %swap3A_1176 {strides = array<i32>} : memref<1600xi32, #tpu.memory_space<vmem>>, vector<16xi32>,
      %get3A_1177 = arith.constant 1 : i32
      %get3A_1178 = arith.index_cast %get3A_1177 : i32 to index
      %get3A_1179 = arith.constant 48 : index
      %get3A_1180 = tpu.vector_load %arg5[%get3A_1178, %get3A_1179] {strides = array<i32>} : memref<8x128xi32, #tpu.memory_space<vmem>>, vector<1x16xi32>,
      %get3A_1181 = vector.shape_cast %get3A_1180 : vector<1x16xi32> to vector<16xi32>
      %swap3A_1182 = arith.constant 248 : index
      %swap3A_1183 = tpu.vector_load %arg9[%swap3A_1182] {strides = array<i32>} : memref<1600xi32, #tpu.memory_space<vmem>>, vector<16xi32>,
      %swap3A_1184 = vector.shape_cast %swap3A_1183 : vector<16xi32> to vector<16xi32>
      %swap3A_1185 = vector.shape_cast %get3A_1181 : vector<16xi32> to vector<16xi32>
      tpu.vector_store %arg9[%swap3A_1182], %swap3A_1185 {strides = array<i32>} : memref<1600xi32, #tpu.memory_space<vmem>>, vector<16xi32>,
      %get3A_1186 = arith.constant 1 : i32
      %get3A_1187 = arith.index_cast %get3A_1186 : i32 to index
      %get3A_1188 = arith.constant 64 : index
      %get3A_1189 = tpu.vector_load %arg5[%get3A_1187, %get3A_1188] {strides = array<i32>} : memref<8x128xi32, #tpu.memory_space<vmem>>, vector<1x16xi32>,
      %get3A_1190 = vector.shape_cast %get3A_1189 : vector<1x16xi32> to vector<16xi32>
      %swap3A_1191 = arith.constant 264 : index
      %swap3A_1192 = tpu.vector_load %arg9[%swap3A_1191] {strides = array<i32>} : memref<1600xi32, #tpu.memory_space<vmem>>, vector<16xi32>,
      %swap3A_1193 = vector.shape_cast %swap3A_1192 : vector<16xi32> to vector<16xi32>
      %swap3A_1194 = vector.shape_cast %get3A_1190 : vector<16xi32> to vector<16xi32>
      tpu.vector_store %arg9[%swap3A_1191], %swap3A_1194 {strides = array<i32>} : memref<1600xi32, #tpu.memory_space<vmem>>, vector<16xi32>,
      %get3A_1195 = arith.constant 1 : i32
      %get3A_1196 = arith.index_cast %get3A_1195 : i32 to index
      %get3A_1197 = arith.constant 80 : index
      %get3A_1198 = tpu.vector_load %arg5[%get3A_1196, %get3A_1197] {strides = array<i32>} : memref<8x128xi32, #tpu.memory_space<vmem>>, vector<1x16xi32>,
      %get3A_1199 = vector.shape_cast %get3A_1198 : vector<1x16xi32> to vector<16xi32>
      %swap3A_1200 = arith.constant 280 : index
      %swap3A_1201 = tpu.vector_load %arg9[%swap3A_1200] {strides = array<i32>} : memref<1600xi32, #tpu.memory_space<vmem>>, vector<16xi32>,
      %swap3A_1202 = vector.shape_cast %swap3A_1201 : vector<16xi32> to vector<16xi32>
      %swap3A_1203 = vector.shape_cast %get3A_1199 : vector<16xi32> to vector<16xi32>
      tpu.vector_store %arg9[%swap3A_1200], %swap3A_1203 {strides = array<i32>} : memref<1600xi32, #tpu.memory_space<vmem>>, vector<16xi32>,
      %get3A_1204 = arith.constant 1 : i32
      %get3A_1205 = arith.index_cast %get3A_1204 : i32 to index
      %get3A_1206 = arith.constant 96 : index
      %get3A_1207 = tpu.vector_load %arg5[%get3A_1205, %get3A_1206] {strides = array<i32>} : memref<8x128xi32, #tpu.memory_space<vmem>>, vector<1x16xi32>,
      %get3A_1208 = vector.shape_cast %get3A_1207 : vector<1x16xi32> to vector<16xi32>
      %swap3A_1209 = arith.constant 296 : index
      %swap3A_1210 = tpu.vector_load %arg9[%swap3A_1209] {strides = array<i32>} : memref<1600xi32, #tpu.memory_space<vmem>>, vector<16xi32>,
      %swap3A_1211 = vector.shape_cast %swap3A_1210 : vector<16xi32> to vector<16xi32>
      %swap3A_1212 = vector.shape_cast %get3A_1208 : vector<16xi32> to vector<16xi32>
      tpu.vector_store %arg9[%swap3A_1209], %swap3A_1212 {strides = array<i32>} : memref<1600xi32, #tpu.memory_space<vmem>>, vector<16xi32>,
      %get3A_1213 = arith.constant 1 : i32
      %get3A_1214 = arith.index_cast %get3A_1213 : i32 to index
      %get3A_1215 = arith.constant 112 : index
      %get3A_1216 = tpu.vector_load %arg5[%get3A_1214, %get3A_1215] {strides = array<i32>} : memref<8x128xi32, #tpu.memory_space<vmem>>, vector<1x16xi32>,
      %get3A_1217 = vector.shape_cast %get3A_1216 : vector<1x16xi32> to vector<16xi32>
      %swap3A_1218 = arith.constant 312 : index
      %swap3A_1219 = tpu.vector_load %arg9[%swap3A_1218] {strides = array<i32>} : memref<1600xi32, #tpu.memory_space<vmem>>, vector<16xi32>,
      %swap3A_1220 = vector.shape_cast %swap3A_1219 : vector<16xi32> to vector<16xi32>
      %swap3A_1221 = vector.shape_cast %get3A_1217 : vector<16xi32> to vector<16xi32>
      tpu.vector_store %arg9[%swap3A_1218], %swap3A_1221 {strides = array<i32>} : memref<1600xi32, #tpu.memory_space<vmem>>, vector<16xi32>,
      %get3A_1222 = arith.constant 1 : i32
      %get3A_1223 = arith.index_cast %get3A_1222 : i32 to index
      %get3A_1224 = arith.constant 0 : index
      %get3A_1225 = tpu.vector_load %arg7[%get3A_1223, %get3A_1224] {strides = array<i32>} : memref<8x72xi32, #tpu.memory_space<vmem>>, vector<1x16xi32>,
      %get3A_1226 = vector.shape_cast %get3A_1225 : vector<1x16xi32> to vector<16xi32>
      %swap3A_1227 = arith.constant 328 : index
      %swap3A_1228 = tpu.vector_load %arg9[%swap3A_1227] {strides = array<i32>} : memref<1600xi32, #tpu.memory_space<vmem>>, vector<16xi32>,
      %swap3A_1229 = vector.shape_cast %swap3A_1228 : vector<16xi32> to vector<16xi32>
      %swap3A_1230 = vector.shape_cast %get3A_1226 : vector<16xi32> to vector<16xi32>
      tpu.vector_store %arg9[%swap3A_1227], %swap3A_1230 {strides = array<i32>} : memref<1600xi32, #tpu.memory_space<vmem>>, vector<16xi32>,
      %get3A_1231 = arith.constant 1 : i32
      %get3A_1232 = arith.index_cast %get3A_1231 : i32 to index
      %get3A_1233 = arith.constant 16 : index
      %get3A_1234 = tpu.vector_load %arg7[%get3A_1232, %get3A_1233] {strides = array<i32>} : memref<8x72xi32, #tpu.memory_space<vmem>>, vector<1x16xi32>,
      %get3A_1235 = vector.shape_cast %get3A_1234 : vector<1x16xi32> to vector<16xi32>
      %swap3A_1236 = arith.constant 344 : index
      %swap3A_1237 = tpu.vector_load %arg9[%swap3A_1236] {strides = array<i32>} : memref<1600xi32, #tpu.memory_space<vmem>>, vector<16xi32>,
      %swap3A_1238 = vector.shape_cast %swap3A_1237 : vector<16xi32> to vector<16xi32>
      %swap3A_1239 = vector.shape_cast %get3A_1235 : vector<16xi32> to vector<16xi32>
      tpu.vector_store %arg9[%swap3A_1236], %swap3A_1239 {strides = array<i32>} : memref<1600xi32, #tpu.memory_space<vmem>>, vector<16xi32>,
      %get3A_1240 = arith.constant 1 : i32
      %get3A_1241 = arith.index_cast %get3A_1240 : i32 to index
      %get3A_1242 = arith.constant 32 : index
      %get3A_1243 = tpu.vector_load %arg7[%get3A_1241, %get3A_1242] {strides = array<i32>} : memref<8x72xi32, #tpu.memory_space<vmem>>, vector<1x16xi32>,
      %get3A_1244 = vector.shape_cast %get3A_1243 : vector<1x16xi32> to vector<16xi32>
      %swap3A_1245 = arith.constant 360 : index
      %swap3A_1246 = tpu.vector_load %arg9[%swap3A_1245] {strides = array<i32>} : memref<1600xi32, #tpu.memory_space<vmem>>, vector<16xi32>,
      %swap3A_1247 = vector.shape_cast %swap3A_1246 : vector<16xi32> to vector<16xi32>
      %swap3A_1248 = vector.shape_cast %get3A_1244 : vector<16xi32> to vector<16xi32>
      tpu.vector_store %arg9[%swap3A_1245], %swap3A_1248 {strides = array<i32>} : memref<1600xi32, #tpu.memory_space<vmem>>, vector<16xi32>,
      %get3A_1249 = arith.constant 1 : i32
      %get3A_1250 = arith.index_cast %get3A_1249 : i32 to index
      %get3A_1251 = arith.constant 48 : index
      %get3A_1252 = tpu.vector_load %arg7[%get3A_1250, %get3A_1251] {strides = array<i32>} : memref<8x72xi32, #tpu.memory_space<vmem>>, vector<1x16xi32>,
      %get3A_1253 = vector.shape_cast %get3A_1252 : vector<1x16xi32> to vector<16xi32>
      %swap3A_1254 = arith.constant 376 : index
      %swap3A_1255 = tpu.vector_load %arg9[%swap3A_1254] {strides = array<i32>} : memref<1600xi32, #tpu.memory_space<vmem>>, vector<16xi32>,
      %swap3A_1256 = vector.shape_cast %swap3A_1255 : vector<16xi32> to vector<16xi32>
      %swap3A_1257 = vector.shape_cast %get3A_1253 : vector<16xi32> to vector<16xi32>
      tpu.vector_store %arg9[%swap3A_1254], %swap3A_1257 {strides = array<i32>} : memref<1600xi32, #tpu.memory_space<vmem>>, vector<16xi32>,
      %get3A_1258 = arith.constant 1 : i32
      %get3A_1259 = arith.index_cast %get3A_1258 : i32 to index
      %get3A_1260 = arith.constant 56 : index
      %get3A_1261 = tpu.vector_load %arg7[%get3A_1259, %get3A_1260] {strides = array<i32>} : memref<8x72xi32, #tpu.memory_space<vmem>>, vector<1x16xi32>,
      %get3A_1262 = vector.shape_cast %get3A_1261 : vector<1x16xi32> to vector<16xi32>
      %swap3A_1263 = arith.constant 384 : index
      %swap3A_1264 = tpu.vector_load %arg9[%swap3A_1263] {strides = array<i32>} : memref<1600xi32, #tpu.memory_space<vmem>>, vector<16xi32>,
      %swap3A_1265 = vector.shape_cast %swap3A_1264 : vector<16xi32> to vector<16xi32>
      %swap3A_1266 = vector.shape_cast %get3A_1262 : vector<16xi32> to vector<16xi32>
      tpu.vector_store %arg9[%swap3A_1263], %swap3A_1266 {strides = array<i32>} : memref<1600xi32, #tpu.memory_space<vmem>>, vector<16xi32>,
      %get3A_1267 = arith.constant 2 : i32
      %get3A_1268 = arith.index_cast %get3A_1267 : i32 to index
      %get3A_1269 = arith.constant 0 : index
      %get3A_1270 = tpu.vector_load %arg5[%get3A_1268, %get3A_1269] {strides = array<i32>} : memref<8x128xi32, #tpu.memory_space<vmem>>, vector<1x16xi32>,
      %get3A_1271 = vector.shape_cast %get3A_1270 : vector<1x16xi32> to vector<16xi32>
      %swap3A_1272 = arith.constant 400 : index
      %swap3A_1273 = tpu.vector_load %arg9[%swap3A_1272] {strides = array<i32>} : memref<1600xi32, #tpu.memory_space<vmem>>, vector<16xi32>,
      %swap3A_1274 = vector.shape_cast %swap3A_1273 : vector<16xi32> to vector<16xi32>
      %swap3A_1275 = vector.shape_cast %get3A_1271 : vector<16xi32> to vector<16xi32>
      tpu.vector_store %arg9[%swap3A_1272], %swap3A_1275 {strides = array<i32>} : memref<1600xi32, #tpu.memory_space<vmem>>, vector<16xi32>,
      %get3A_1276 = arith.constant 2 : i32
      %get3A_1277 = arith.index_cast %get3A_1276 : i32 to index
      %get3A_1278 = arith.constant 16 : index
      %get3A_1279 = tpu.vector_load %arg5[%get3A_1277, %get3A_1278] {strides = array<i32>} : memref<8x128xi32, #tpu.memory_space<vmem>>, vector<1x16xi32>,
      %get3A_1280 = vector.shape_cast %get3A_1279 : vector<1x16xi32> to vector<16xi32>
      %swap3A_1281 = arith.constant 416 : index
      %swap3A_1282 = tpu.vector_load %arg9[%swap3A_1281] {strides = array<i32>} : memref<1600xi32, #tpu.memory_space<vmem>>, vector<16xi32>,
      %swap3A_1283 = vector.shape_cast %swap3A_1282 : vector<16xi32> to vector<16xi32>
      %swap3A_1284 = vector.shape_cast %get3A_1280 : vector<16xi32> to vector<16xi32>
      tpu.vector_store %arg9[%swap3A_1281], %swap3A_1284 {strides = array<i32>} : memref<1600xi32, #tpu.memory_space<vmem>>, vector<16xi32>,
      %get3A_1285 = arith.constant 2 : i32
      %get3A_1286 = arith.index_cast %get3A_1285 : i32 to index
      %get3A_1287 = arith.constant 32 : index
      %get3A_1288 = tpu.vector_load %arg5[%get3A_1286, %get3A_1287] {strides = array<i32>} : memref<8x128xi32, #tpu.memory_space<vmem>>, vector<1x16xi32>,
      %get3A_1289 = vector.shape_cast %get3A_1288 : vector<1x16xi32> to vector<16xi32>
      %swap3A_1290 = arith.constant 432 : index
      %swap3A_1291 = tpu.vector_load %arg9[%swap3A_1290] {strides = array<i32>} : memref<1600xi32, #tpu.memory_space<vmem>>, vector<16xi32>,
      %swap3A_1292 = vector.shape_cast %swap3A_1291 : vector<16xi32> to vector<16xi32>
      %swap3A_1293 = vector.shape_cast %get3A_1289 : vector<16xi32> to vector<16xi32>
      tpu.vector_store %arg9[%swap3A_1290], %swap3A_1293 {strides = array<i32>} : memref<1600xi32, #tpu.memory_space<vmem>>, vector<16xi32>,
      %get3A_1294 = arith.constant 2 : i32
      %get3A_1295 = arith.index_cast %get3A_1294 : i32 to index
      %get3A_1296 = arith.constant 48 : index
      %get3A_1297 = tpu.vector_load %arg5[%get3A_1295, %get3A_1296] {strides = array<i32>} : memref<8x128xi32, #tpu.memory_space<vmem>>, vector<1x16xi32>,
      %get3A_1298 = vector.shape_cast %get3A_1297 : vector<1x16xi32> to vector<16xi32>
      %swap3A_1299 = arith.constant 448 : index
      %swap3A_1300 = tpu.vector_load %arg9[%swap3A_1299] {strides = array<i32>} : memref<1600xi32, #tpu.memory_space<vmem>>, vector<16xi32>,
      %swap3A_1301 = vector.shape_cast %swap3A_1300 : vector<16xi32> to vector<16xi32>
      %swap3A_1302 = vector.shape_cast %get3A_1298 : vector<16xi32> to vector<16xi32>
      tpu.vector_store %arg9[%swap3A_1299], %swap3A_1302 {strides = array<i32>} : memref<1600xi32, #tpu.memory_space<vmem>>, vector<16xi32>,
      %get3A_1303 = arith.constant 2 : i32
      %get3A_1304 = arith.index_cast %get3A_1303 : i32 to index
      %get3A_1305 = arith.constant 64 : index
      %get3A_1306 = tpu.vector_load %arg5[%get3A_1304, %get3A_1305] {strides = array<i32>} : memref<8x128xi32, #tpu.memory_space<vmem>>, vector<1x16xi32>,
      %get3A_1307 = vector.shape_cast %get3A_1306 : vector<1x16xi32> to vector<16xi32>
      %swap3A_1308 = arith.constant 464 : index
      %swap3A_1309 = tpu.vector_load %arg9[%swap3A_1308] {strides = array<i32>} : memref<1600xi32, #tpu.memory_space<vmem>>, vector<16xi32>,
      %swap3A_1310 = vector.shape_cast %swap3A_1309 : vector<16xi32> to vector<16xi32>
      %swap3A_1311 = vector.shape_cast %get3A_1307 : vector<16xi32> to vector<16xi32>
      tpu.vector_store %arg9[%swap3A_1308], %swap3A_1311 {strides = array<i32>} : memref<1600xi32, #tpu.memory_space<vmem>>, vector<16xi32>,
      %get3A_1312 = arith.constant 2 : i32
      %get3A_1313 = arith.index_cast %get3A_1312 : i32 to index
      %get3A_1314 = arith.constant 80 : index
      %get3A_1315 = tpu.vector_load %arg5[%get3A_1313, %get3A_1314] {strides = array<i32>} : memref<8x128xi32, #tpu.memory_space<vmem>>, vector<1x16xi32>,
      %get3A_1316 = vector.shape_cast %get3A_1315 : vector<1x16xi32> to vector<16xi32>
      %swap3A_1317 = arith.constant 480 : index
      %swap3A_1318 = tpu.vector_load %arg9[%swap3A_1317] {strides = array<i32>} : memref<1600xi32, #tpu.memory_space<vmem>>, vector<16xi32>,
      %swap3A_1319 = vector.shape_cast %swap3A_1318 : vector<16xi32> to vector<16xi32>
      %swap3A_1320 = vector.shape_cast %get3A_1316 : vector<16xi32> to vector<16xi32>
      tpu.vector_store %arg9[%swap3A_1317], %swap3A_1320 {strides = array<i32>} : memref<1600xi32, #tpu.memory_space<vmem>>, vector<16xi32>,
      %get3A_1321 = arith.constant 2 : i32
      %get3A_1322 = arith.index_cast %get3A_1321 : i32 to index
      %get3A_1323 = arith.constant 96 : index
      %get3A_1324 = tpu.vector_load %arg5[%get3A_1322, %get3A_1323] {strides = array<i32>} : memref<8x128xi32, #tpu.memory_space<vmem>>, vector<1x16xi32>,
      %get3A_1325 = vector.shape_cast %get3A_1324 : vector<1x16xi32> to vector<16xi32>
      %swap3A_1326 = arith.constant 496 : index
      %swap3A_1327 = tpu.vector_load %arg9[%swap3A_1326] {strides = array<i32>} : memref<1600xi32, #tpu.memory_space<vmem>>, vector<16xi32>,
      %swap3A_1328 = vector.shape_cast %swap3A_1327 : vector<16xi32> to vector<16xi32>
      %swap3A_1329 = vector.shape_cast %get3A_1325 : vector<16xi32> to vector<16xi32>
      tpu.vector_store %arg9[%swap3A_1326], %swap3A_1329 {strides = array<i32>} : memref<1600xi32, #tpu.memory_space<vmem>>, vector<16xi32>,
      %get3A_1330 = arith.constant 2 : i32
      %get3A_1331 = arith.index_cast %get3A_1330 : i32 to index
      %get3A_1332 = arith.constant 112 : index
      %get3A_1333 = tpu.vector_load %arg5[%get3A_1331, %get3A_1332] {strides = array<i32>} : memref<8x128xi32, #tpu.memory_space<vmem>>, vector<1x16xi32>,
      %get3A_1334 = vector.shape_cast %get3A_1333 : vector<1x16xi32> to vector<16xi32>
      %swap3A_1335 = arith.constant 512 : index
      %swap3A_1336 = tpu.vector_load %arg9[%swap3A_1335] {strides = array<i32>} : memref<1600xi32, #tpu.memory_space<vmem>>, vector<16xi32>,
      %swap3A_1337 = vector.shape_cast %swap3A_1336 : vector<16xi32> to vector<16xi32>
      %swap3A_1338 = vector.shape_cast %get3A_1334 : vector<16xi32> to vector<16xi32>
      tpu.vector_store %arg9[%swap3A_1335], %swap3A_1338 {strides = array<i32>} : memref<1600xi32, #tpu.memory_space<vmem>>, vector<16xi32>,
      %get3A_1339 = arith.constant 2 : i32
      %get3A_1340 = arith.index_cast %get3A_1339 : i32 to index
      %get3A_1341 = arith.constant 0 : index
      %get3A_1342 = tpu.vector_load %arg7[%get3A_1340, %get3A_1341] {strides = array<i32>} : memref<8x72xi32, #tpu.memory_space<vmem>>, vector<1x16xi32>,
      %get3A_1343 = vector.shape_cast %get3A_1342 : vector<1x16xi32> to vector<16xi32>
      %swap3A_1344 = arith.constant 528 : index
      %swap3A_1345 = tpu.vector_load %arg9[%swap3A_1344] {strides = array<i32>} : memref<1600xi32, #tpu.memory_space<vmem>>, vector<16xi32>,
      %swap3A_1346 = vector.shape_cast %swap3A_1345 : vector<16xi32> to vector<16xi32>
      %swap3A_1347 = vector.shape_cast %get3A_1343 : vector<16xi32> to vector<16xi32>
      tpu.vector_store %arg9[%swap3A_1344], %swap3A_1347 {strides = array<i32>} : memref<1600xi32, #tpu.memory_space<vmem>>, vector<16xi32>,
      %get3A_1348 = arith.constant 2 : i32
      %get3A_1349 = arith.index_cast %get3A_1348 : i32 to index
      %get3A_1350 = arith.constant 16 : index
      %get3A_1351 = tpu.vector_load %arg7[%get3A_1349, %get3A_1350] {strides = array<i32>} : memref<8x72xi32, #tpu.memory_space<vmem>>, vector<1x16xi32>,
      %get3A_1352 = vector.shape_cast %get3A_1351 : vector<1x16xi32> to vector<16xi32>
      %swap3A_1353 = arith.constant 544 : index
      %swap3A_1354 = tpu.vector_load %arg9[%swap3A_1353] {strides = array<i32>} : memref<1600xi32, #tpu.memory_space<vmem>>, vector<16xi32>,
      %swap3A_1355 = vector.shape_cast %swap3A_1354 : vector<16xi32> to vector<16xi32>
      %swap3A_1356 = vector.shape_cast %get3A_1352 : vector<16xi32> to vector<16xi32>
      tpu.vector_store %arg9[%swap3A_1353], %swap3A_1356 {strides = array<i32>} : memref<1600xi32, #tpu.memory_space<vmem>>, vector<16xi32>,
      %get3A_1357 = arith.constant 2 : i32
      %get3A_1358 = arith.index_cast %get3A_1357 : i32 to index
      %get3A_1359 = arith.constant 32 : index
      %get3A_1360 = tpu.vector_load %arg7[%get3A_1358, %get3A_1359] {strides = array<i32>} : memref<8x72xi32, #tpu.memory_space<vmem>>, vector<1x16xi32>,
      %get3A_1361 = vector.shape_cast %get3A_1360 : vector<1x16xi32> to vector<16xi32>
      %swap3A_1362 = arith.constant 560 : index
      %swap3A_1363 = tpu.vector_load %arg9[%swap3A_1362] {strides = array<i32>} : memref<1600xi32, #tpu.memory_space<vmem>>, vector<16xi32>,
      %swap3A_1364 = vector.shape_cast %swap3A_1363 : vector<16xi32> to vector<16xi32>
      %swap3A_1365 = vector.shape_cast %get3A_1361 : vector<16xi32> to vector<16xi32>
      tpu.vector_store %arg9[%swap3A_1362], %swap3A_1365 {strides = array<i32>} : memref<1600xi32, #tpu.memory_space<vmem>>, vector<16xi32>,
      %get3A_1366 = arith.constant 2 : i32
      %get3A_1367 = arith.index_cast %get3A_1366 : i32 to index
      %get3A_1368 = arith.constant 48 : index
      %get3A_1369 = tpu.vector_load %arg7[%get3A_1367, %get3A_1368] {strides = array<i32>} : memref<8x72xi32, #tpu.memory_space<vmem>>, vector<1x16xi32>,
      %get3A_1370 = vector.shape_cast %get3A_1369 : vector<1x16xi32> to vector<16xi32>
      %swap3A_1371 = arith.constant 576 : index
      %swap3A_1372 = tpu.vector_load %arg9[%swap3A_1371] {strides = array<i32>} : memref<1600xi32, #tpu.memory_space<vmem>>, vector<16xi32>,
      %swap3A_1373 = vector.shape_cast %swap3A_1372 : vector<16xi32> to vector<16xi32>
      %swap3A_1374 = vector.shape_cast %get3A_1370 : vector<16xi32> to vector<16xi32>
      tpu.vector_store %arg9[%swap3A_1371], %swap3A_1374 {strides = array<i32>} : memref<1600xi32, #tpu.memory_space<vmem>>, vector<16xi32>,
      %get3A_1375 = arith.constant 2 : i32
      %get3A_1376 = arith.index_cast %get3A_1375 : i32 to index
      %get3A_1377 = arith.constant 56 : index
      %get3A_1378 = tpu.vector_load %arg7[%get3A_1376, %get3A_1377] {strides = array<i32>} : memref<8x72xi32, #tpu.memory_space<vmem>>, vector<1x16xi32>,
      %get3A_1379 = vector.shape_cast %get3A_1378 : vector<1x16xi32> to vector<16xi32>
      %swap3A_1380 = arith.constant 584 : index
      %swap3A_1381 = tpu.vector_load %arg9[%swap3A_1380] {strides = array<i32>} : memref<1600xi32, #tpu.memory_space<vmem>>, vector<16xi32>,
      %swap3A_1382 = vector.shape_cast %swap3A_1381 : vector<16xi32> to vector<16xi32>
      %swap3A_1383 = vector.shape_cast %get3A_1379 : vector<16xi32> to vector<16xi32>
      tpu.vector_store %arg9[%swap3A_1380], %swap3A_1383 {strides = array<i32>} : memref<1600xi32, #tpu.memory_space<vmem>>, vector<16xi32>,
      %get3A_1384 = arith.constant 3 : i32
      %get3A_1385 = arith.index_cast %get3A_1384 : i32 to index
      %get3A_1386 = arith.constant 0 : index
      %get3A_1387 = tpu.vector_load %arg5[%get3A_1385, %get3A_1386] {strides = array<i32>} : memref<8x128xi32, #tpu.memory_space<vmem>>, vector<1x16xi32>,
      %get3A_1388 = vector.shape_cast %get3A_1387 : vector<1x16xi32> to vector<16xi32>
      %swap3A_1389 = arith.constant 600 : index
      %swap3A_1390 = tpu.vector_load %arg9[%swap3A_1389] {strides = array<i32>} : memref<1600xi32, #tpu.memory_space<vmem>>, vector<16xi32>,
      %swap3A_1391 = vector.shape_cast %swap3A_1390 : vector<16xi32> to vector<16xi32>
      %swap3A_1392 = vector.shape_cast %get3A_1388 : vector<16xi32> to vector<16xi32>
      tpu.vector_store %arg9[%swap3A_1389], %swap3A_1392 {strides = array<i32>} : memref<1600xi32, #tpu.memory_space<vmem>>, vector<16xi32>,
      %get3A_1393 = arith.constant 3 : i32
      %get3A_1394 = arith.index_cast %get3A_1393 : i32 to index
      %get3A_1395 = arith.constant 16 : index
      %get3A_1396 = tpu.vector_load %arg5[%get3A_1394, %get3A_1395] {strides = array<i32>} : memref<8x128xi32, #tpu.memory_space<vmem>>, vector<1x16xi32>,
      %get3A_1397 = vector.shape_cast %get3A_1396 : vector<1x16xi32> to vector<16xi32>
      %swap3A_1398 = arith.constant 616 : index
      %swap3A_1399 = tpu.vector_load %arg9[%swap3A_1398] {strides = array<i32>} : memref<1600xi32, #tpu.memory_space<vmem>>, vector<16xi32>,
      %swap3A_1400 = vector.shape_cast %swap3A_1399 : vector<16xi32> to vector<16xi32>
      %swap3A_1401 = vector.shape_cast %get3A_1397 : vector<16xi32> to vector<16xi32>
      tpu.vector_store %arg9[%swap3A_1398], %swap3A_1401 {strides = array<i32>} : memref<1600xi32, #tpu.memory_space<vmem>>, vector<16xi32>,
      %get3A_1402 = arith.constant 3 : i32
      %get3A_1403 = arith.index_cast %get3A_1402 : i32 to index
      %get3A_1404 = arith.constant 32 : index
      %get3A_1405 = tpu.vector_load %arg5[%get3A_1403, %get3A_1404] {strides = array<i32>} : memref<8x128xi32, #tpu.memory_space<vmem>>, vector<1x16xi32>,
      %get3A_1406 = vector.shape_cast %get3A_1405 : vector<1x16xi32> to vector<16xi32>
      %swap3A_1407 = arith.constant 632 : index
      %swap3A_1408 = tpu.vector_load %arg9[%swap3A_1407] {strides = array<i32>} : memref<1600xi32, #tpu.memory_space<vmem>>, vector<16xi32>,
      %swap3A_1409 = vector.shape_cast %swap3A_1408 : vector<16xi32> to vector<16xi32>
      %swap3A_1410 = vector.shape_cast %get3A_1406 : vector<16xi32> to vector<16xi32>
      tpu.vector_store %arg9[%swap3A_1407], %swap3A_1410 {strides = array<i32>} : memref<1600xi32, #tpu.memory_space<vmem>>, vector<16xi32>,
      %get3A_1411 = arith.constant 3 : i32
      %get3A_1412 = arith.index_cast %get3A_1411 : i32 to index
      %get3A_1413 = arith.constant 48 : index
      %get3A_1414 = tpu.vector_load %arg5[%get3A_1412, %get3A_1413] {strides = array<i32>} : memref<8x128xi32, #tpu.memory_space<vmem>>, vector<1x16xi32>,
      %get3A_1415 = vector.shape_cast %get3A_1414 : vector<1x16xi32> to vector<16xi32>
      %swap3A_1416 = arith.constant 648 : index
      %swap3A_1417 = tpu.vector_load %arg9[%swap3A_1416] {strides = array<i32>} : memref<1600xi32, #tpu.memory_space<vmem>>, vector<16xi32>,
      %swap3A_1418 = vector.shape_cast %swap3A_1417 : vector<16xi32> to vector<16xi32>
      %swap3A_1419 = vector.shape_cast %get3A_1415 : vector<16xi32> to vector<16xi32>
      tpu.vector_store %arg9[%swap3A_1416], %swap3A_1419 {strides = array<i32>} : memref<1600xi32, #tpu.memory_space<vmem>>, vector<16xi32>,
      %get3A_1420 = arith.constant 3 : i32
      %get3A_1421 = arith.index_cast %get3A_1420 : i32 to index
      %get3A_1422 = arith.constant 64 : index
      %get3A_1423 = tpu.vector_load %arg5[%get3A_1421, %get3A_1422] {strides = array<i32>} : memref<8x128xi32, #tpu.memory_space<vmem>>, vector<1x16xi32>,
      %get3A_1424 = vector.shape_cast %get3A_1423 : vector<1x16xi32> to vector<16xi32>
      %swap3A_1425 = arith.constant 664 : index
      %swap3A_1426 = tpu.vector_load %arg9[%swap3A_1425] {strides = array<i32>} : memref<1600xi32, #tpu.memory_space<vmem>>, vector<16xi32>,
      %swap3A_1427 = vector.shape_cast %swap3A_1426 : vector<16xi32> to vector<16xi32>
      %swap3A_1428 = vector.shape_cast %get3A_1424 : vector<16xi32> to vector<16xi32>
      tpu.vector_store %arg9[%swap3A_1425], %swap3A_1428 {strides = array<i32>} : memref<1600xi32, #tpu.memory_space<vmem>>, vector<16xi32>,
      %get3A_1429 = arith.constant 3 : i32
      %get3A_1430 = arith.index_cast %get3A_1429 : i32 to index
      %get3A_1431 = arith.constant 80 : index
      %get3A_1432 = tpu.vector_load %arg5[%get3A_1430, %get3A_1431] {strides = array<i32>} : memref<8x128xi32, #tpu.memory_space<vmem>>, vector<1x16xi32>,
      %get3A_1433 = vector.shape_cast %get3A_1432 : vector<1x16xi32> to vector<16xi32>
      %swap3A_1434 = arith.constant 680 : index
      %swap3A_1435 = tpu.vector_load %arg9[%swap3A_1434] {strides = array<i32>} : memref<1600xi32, #tpu.memory_space<vmem>>, vector<16xi32>,
      %swap3A_1436 = vector.shape_cast %swap3A_1435 : vector<16xi32> to vector<16xi32>
      %swap3A_1437 = vector.shape_cast %get3A_1433 : vector<16xi32> to vector<16xi32>
      tpu.vector_store %arg9[%swap3A_1434], %swap3A_1437 {strides = array<i32>} : memref<1600xi32, #tpu.memory_space<vmem>>, vector<16xi32>,
      %get3A_1438 = arith.constant 3 : i32
      %get3A_1439 = arith.index_cast %get3A_1438 : i32 to index
      %get3A_1440 = arith.constant 96 : index
      %get3A_1441 = tpu.vector_load %arg5[%get3A_1439, %get3A_1440] {strides = array<i32>} : memref<8x128xi32, #tpu.memory_space<vmem>>, vector<1x16xi32>,
      %get3A_1442 = vector.shape_cast %get3A_1441 : vector<1x16xi32> to vector<16xi32>
      %swap3A_1443 = arith.constant 696 : index
      %swap3A_1444 = tpu.vector_load %arg9[%swap3A_1443] {strides = array<i32>} : memref<1600xi32, #tpu.memory_space<vmem>>, vector<16xi32>,
      %swap3A_1445 = vector.shape_cast %swap3A_1444 : vector<16xi32> to vector<16xi32>
      %swap3A_1446 = vector.shape_cast %get3A_1442 : vector<16xi32> to vector<16xi32>
      tpu.vector_store %arg9[%swap3A_1443], %swap3A_1446 {strides = array<i32>} : memref<1600xi32, #tpu.memory_space<vmem>>, vector<16xi32>,
      %get3A_1447 = arith.constant 3 : i32
      %get3A_1448 = arith.index_cast %get3A_1447 : i32 to index
      %get3A_1449 = arith.constant 112 : index
      %get3A_1450 = tpu.vector_load %arg5[%get3A_1448, %get3A_1449] {strides = array<i32>} : memref<8x128xi32, #tpu.memory_space<vmem>>, vector<1x16xi32>,
      %get3A_1451 = vector.shape_cast %get3A_1450 : vector<1x16xi32> to vector<16xi32>
      %swap3A_1452 = arith.constant 712 : index
      %swap3A_1453 = tpu.vector_load %arg9[%swap3A_1452] {strides = array<i32>} : memref<1600xi32, #tpu.memory_space<vmem>>, vector<16xi32>,
      %swap3A_1454 = vector.shape_cast %swap3A_1453 : vector<16xi32> to vector<16xi32>
      %swap3A_1455 = vector.shape_cast %get3A_1451 : vector<16xi32> to vector<16xi32>
      tpu.vector_store %arg9[%swap3A_1452], %swap3A_1455 {strides = array<i32>} : memref<1600xi32, #tpu.memory_space<vmem>>, vector<16xi32>,
      %get3A_1456 = arith.constant 3 : i32
      %get3A_1457 = arith.index_cast %get3A_1456 : i32 to index
      %get3A_1458 = arith.constant 0 : index
      %get3A_1459 = tpu.vector_load %arg7[%get3A_1457, %get3A_1458] {strides = array<i32>} : memref<8x72xi32, #tpu.memory_space<vmem>>, vector<1x16xi32>,
      %get3A_1460 = vector.shape_cast %get3A_1459 : vector<1x16xi32> to vector<16xi32>
      %swap3A_1461 = arith.constant 728 : index
      %swap3A_1462 = tpu.vector_load %arg9[%swap3A_1461] {strides = array<i32>} : memref<1600xi32, #tpu.memory_space<vmem>>, vector<16xi32>,
      %swap3A_1463 = vector.shape_cast %swap3A_1462 : vector<16xi32> to vector<16xi32>
      %swap3A_1464 = vector.shape_cast %get3A_1460 : vector<16xi32> to vector<16xi32>
      tpu.vector_store %arg9[%swap3A_1461], %swap3A_1464 {strides = array<i32>} : memref<1600xi32, #tpu.memory_space<vmem>>, vector<16xi32>,
      %get3A_1465 = arith.constant 3 : i32
      %get3A_1466 = arith.index_cast %get3A_1465 : i32 to index
      %get3A_1467 = arith.constant 16 : index
      %get3A_1468 = tpu.vector_load %arg7[%get3A_1466, %get3A_1467] {strides = array<i32>} : memref<8x72xi32, #tpu.memory_space<vmem>>, vector<1x16xi32>,
      %get3A_1469 = vector.shape_cast %get3A_1468 : vector<1x16xi32> to vector<16xi32>
      %swap3A_1470 = arith.constant 744 : index
      %swap3A_1471 = tpu.vector_load %arg9[%swap3A_1470] {strides = array<i32>} : memref<1600xi32, #tpu.memory_space<vmem>>, vector<16xi32>,
      %swap3A_1472 = vector.shape_cast %swap3A_1471 : vector<16xi32> to vector<16xi32>
      %swap3A_1473 = vector.shape_cast %get3A_1469 : vector<16xi32> to vector<16xi32>
      tpu.vector_store %arg9[%swap3A_1470], %swap3A_1473 {strides = array<i32>} : memref<1600xi32, #tpu.memory_space<vmem>>, vector<16xi32>,
      %get3A_1474 = arith.constant 3 : i32
      %get3A_1475 = arith.index_cast %get3A_1474 : i32 to index
      %get3A_1476 = arith.constant 32 : index
      %get3A_1477 = tpu.vector_load %arg7[%get3A_1475, %get3A_1476] {strides = array<i32>} : memref<8x72xi32, #tpu.memory_space<vmem>>, vector<1x16xi32>,
      %get3A_1478 = vector.shape_cast %get3A_1477 : vector<1x16xi32> to vector<16xi32>
      %swap3A_1479 = arith.constant 760 : index
      %swap3A_1480 = tpu.vector_load %arg9[%swap3A_1479] {strides = array<i32>} : memref<1600xi32, #tpu.memory_space<vmem>>, vector<16xi32>,
      %swap3A_1481 = vector.shape_cast %swap3A_1480 : vector<16xi32> to vector<16xi32>
      %swap3A_1482 = vector.shape_cast %get3A_1478 : vector<16xi32> to vector<16xi32>
      tpu.vector_store %arg9[%swap3A_1479], %swap3A_1482 {strides = array<i32>} : memref<1600xi32, #tpu.memory_space<vmem>>, vector<16xi32>,
      %get3A_1483 = arith.constant 3 : i32
      %get3A_1484 = arith.index_cast %get3A_1483 : i32 to index
      %get3A_1485 = arith.constant 48 : index
      %get3A_1486 = tpu.vector_load %arg7[%get3A_1484, %get3A_1485] {strides = array<i32>} : memref<8x72xi32, #tpu.memory_space<vmem>>, vector<1x16xi32>,
      %get3A_1487 = vector.shape_cast %get3A_1486 : vector<1x16xi32> to vector<16xi32>
      %swap3A_1488 = arith.constant 776 : index
      %swap3A_1489 = tpu.vector_load %arg9[%swap3A_1488] {strides = array<i32>} : memref<1600xi32, #tpu.memory_space<vmem>>, vector<16xi32>,
      %swap3A_1490 = vector.shape_cast %swap3A_1489 : vector<16xi32> to vector<16xi32>
      %swap3A_1491 = vector.shape_cast %get3A_1487 : vector<16xi32> to vector<16xi32>
      tpu.vector_store %arg9[%swap3A_1488], %swap3A_1491 {strides = array<i32>} : memref<1600xi32, #tpu.memory_space<vmem>>, vector<16xi32>,
      %get3A_1492 = arith.constant 3 : i32
      %get3A_1493 = arith.index_cast %get3A_1492 : i32 to index
      %get3A_1494 = arith.constant 56 : index
      %get3A_1495 = tpu.vector_load %arg7[%get3A_1493, %get3A_1494] {strides = array<i32>} : memref<8x72xi32, #tpu.memory_space<vmem>>, vector<1x16xi32>,
      %get3A_1496 = vector.shape_cast %get3A_1495 : vector<1x16xi32> to vector<16xi32>
      %swap3A_1497 = arith.constant 784 : index
      %swap3A_1498 = tpu.vector_load %arg9[%swap3A_1497] {strides = array<i32>} : memref<1600xi32, #tpu.memory_space<vmem>>, vector<16xi32>,
      %swap3A_1499 = vector.shape_cast %swap3A_1498 : vector<16xi32> to vector<16xi32>
      %swap3A_1500 = vector.shape_cast %get3A_1496 : vector<16xi32> to vector<16xi32>
      tpu.vector_store %arg9[%swap3A_1497], %swap3A_1500 {strides = array<i32>} : memref<1600xi32, #tpu.memory_space<vmem>>, vector<16xi32>,
      %get3A_1501 = arith.constant 4 : i32
      %get3A_1502 = arith.index_cast %get3A_1501 : i32 to index
      %get3A_1503 = arith.constant 0 : index
      %get3A_1504 = tpu.vector_load %arg5[%get3A_1502, %get3A_1503] {strides = array<i32>} : memref<8x128xi32, #tpu.memory_space<vmem>>, vector<1x16xi32>,
      %get3A_1505 = vector.shape_cast %get3A_1504 : vector<1x16xi32> to vector<16xi32>
      %swap3A_1506 = arith.constant 800 : index
      %swap3A_1507 = tpu.vector_load %arg9[%swap3A_1506] {strides = array<i32>} : memref<1600xi32, #tpu.memory_space<vmem>>, vector<16xi32>,
      %swap3A_1508 = vector.shape_cast %swap3A_1507 : vector<16xi32> to vector<16xi32>
      %swap3A_1509 = vector.shape_cast %get3A_1505 : vector<16xi32> to vector<16xi32>
      tpu.vector_store %arg9[%swap3A_1506], %swap3A_1509 {strides = array<i32>} : memref<1600xi32, #tpu.memory_space<vmem>>, vector<16xi32>,
      %get3A_1510 = arith.constant 4 : i32
      %get3A_1511 = arith.index_cast %get3A_1510 : i32 to index
      %get3A_1512 = arith.constant 16 : index
      %get3A_1513 = tpu.vector_load %arg5[%get3A_1511, %get3A_1512] {strides = array<i32>} : memref<8x128xi32, #tpu.memory_space<vmem>>, vector<1x16xi32>,
      %get3A_1514 = vector.shape_cast %get3A_1513 : vector<1x16xi32> to vector<16xi32>
      %swap3A_1515 = arith.constant 816 : index
      %swap3A_1516 = tpu.vector_load %arg9[%swap3A_1515] {strides = array<i32>} : memref<1600xi32, #tpu.memory_space<vmem>>, vector<16xi32>,
      %swap3A_1517 = vector.shape_cast %swap3A_1516 : vector<16xi32> to vector<16xi32>
      %swap3A_1518 = vector.shape_cast %get3A_1514 : vector<16xi32> to vector<16xi32>
      tpu.vector_store %arg9[%swap3A_1515], %swap3A_1518 {strides = array<i32>} : memref<1600xi32, #tpu.memory_space<vmem>>, vector<16xi32>,
      %get3A_1519 = arith.constant 4 : i32
      %get3A_1520 = arith.index_cast %get3A_1519 : i32 to index
      %get3A_1521 = arith.constant 32 : index
      %get3A_1522 = tpu.vector_load %arg5[%get3A_1520, %get3A_1521] {strides = array<i32>} : memref<8x128xi32, #tpu.memory_space<vmem>>, vector<1x16xi32>,
      %get3A_1523 = vector.shape_cast %get3A_1522 : vector<1x16xi32> to vector<16xi32>
      %swap3A_1524 = arith.constant 832 : index
      %swap3A_1525 = tpu.vector_load %arg9[%swap3A_1524] {strides = array<i32>} : memref<1600xi32, #tpu.memory_space<vmem>>, vector<16xi32>,
      %swap3A_1526 = vector.shape_cast %swap3A_1525 : vector<16xi32> to vector<16xi32>
      %swap3A_1527 = vector.shape_cast %get3A_1523 : vector<16xi32> to vector<16xi32>
      tpu.vector_store %arg9[%swap3A_1524], %swap3A_1527 {strides = array<i32>} : memref<1600xi32, #tpu.memory_space<vmem>>, vector<16xi32>,
      %get3A_1528 = arith.constant 4 : i32
      %get3A_1529 = arith.index_cast %get3A_1528 : i32 to index
      %get3A_1530 = arith.constant 48 : index
      %get3A_1531 = tpu.vector_load %arg5[%get3A_1529, %get3A_1530] {strides = array<i32>} : memref<8x128xi32, #tpu.memory_space<vmem>>, vector<1x16xi32>,
      %get3A_1532 = vector.shape_cast %get3A_1531 : vector<1x16xi32> to vector<16xi32>
      %swap3A_1533 = arith.constant 848 : index
      %swap3A_1534 = tpu.vector_load %arg9[%swap3A_1533] {strides = array<i32>} : memref<1600xi32, #tpu.memory_space<vmem>>, vector<16xi32>,
      %swap3A_1535 = vector.shape_cast %swap3A_1534 : vector<16xi32> to vector<16xi32>
      %swap3A_1536 = vector.shape_cast %get3A_1532 : vector<16xi32> to vector<16xi32>
      tpu.vector_store %arg9[%swap3A_1533], %swap3A_1536 {strides = array<i32>} : memref<1600xi32, #tpu.memory_space<vmem>>, vector<16xi32>,
      %get3A_1537 = arith.constant 4 : i32
      %get3A_1538 = arith.index_cast %get3A_1537 : i32 to index
      %get3A_1539 = arith.constant 64 : index
      %get3A_1540 = tpu.vector_load %arg5[%get3A_1538, %get3A_1539] {strides = array<i32>} : memref<8x128xi32, #tpu.memory_space<vmem>>, vector<1x16xi32>,
      %get3A_1541 = vector.shape_cast %get3A_1540 : vector<1x16xi32> to vector<16xi32>
      %swap3A_1542 = arith.constant 864 : index
      %swap3A_1543 = tpu.vector_load %arg9[%swap3A_1542] {strides = array<i32>} : memref<1600xi32, #tpu.memory_space<vmem>>, vector<16xi32>,
      %swap3A_1544 = vector.shape_cast %swap3A_1543 : vector<16xi32> to vector<16xi32>
      %swap3A_1545 = vector.shape_cast %get3A_1541 : vector<16xi32> to vector<16xi32>
      tpu.vector_store %arg9[%swap3A_1542], %swap3A_1545 {strides = array<i32>} : memref<1600xi32, #tpu.memory_space<vmem>>, vector<16xi32>,
      %get3A_1546 = arith.constant 4 : i32
      %get3A_1547 = arith.index_cast %get3A_1546 : i32 to index
      %get3A_1548 = arith.constant 80 : index
      %get3A_1549 = tpu.vector_load %arg5[%get3A_1547, %get3A_1548] {strides = array<i32>} : memref<8x128xi32, #tpu.memory_space<vmem>>, vector<1x16xi32>,
      %get3A_1550 = vector.shape_cast %get3A_1549 : vector<1x16xi32> to vector<16xi32>
      %swap3A_1551 = arith.constant 880 : index
      %swap3A_1552 = tpu.vector_load %arg9[%swap3A_1551] {strides = array<i32>} : memref<1600xi32, #tpu.memory_space<vmem>>, vector<16xi32>,
      %swap3A_1553 = vector.shape_cast %swap3A_1552 : vector<16xi32> to vector<16xi32>
      %swap3A_1554 = vector.shape_cast %get3A_1550 : vector<16xi32> to vector<16xi32>
      tpu.vector_store %arg9[%swap3A_1551], %swap3A_1554 {strides = array<i32>} : memref<1600xi32, #tpu.memory_space<vmem>>, vector<16xi32>,
      %get3A_1555 = arith.constant 4 : i32
      %get3A_1556 = arith.index_cast %get3A_1555 : i32 to index
      %get3A_1557 = arith.constant 96 : index
      %get3A_1558 = tpu.vector_load %arg5[%get3A_1556, %get3A_1557] {strides = array<i32>} : memref<8x128xi32, #tpu.memory_space<vmem>>, vector<1x16xi32>,
      %get3A_1559 = vector.shape_cast %get3A_1558 : vector<1x16xi32> to vector<16xi32>
      %swap3A_1560 = arith.constant 896 : index
      %swap3A_1561 = tpu.vector_load %arg9[%swap3A_1560] {strides = array<i32>} : memref<1600xi32, #tpu.memory_space<vmem>>, vector<16xi32>,
      %swap3A_1562 = vector.shape_cast %swap3A_1561 : vector<16xi32> to vector<16xi32>
      %swap3A_1563 = vector.shape_cast %get3A_1559 : vector<16xi32> to vector<16xi32>
      tpu.vector_store %arg9[%swap3A_1560], %swap3A_1563 {strides = array<i32>} : memref<1600xi32, #tpu.memory_space<vmem>>, vector<16xi32>,
      %get3A_1564 = arith.constant 4 : i32
      %get3A_1565 = arith.index_cast %get3A_1564 : i32 to index
      %get3A_1566 = arith.constant 112 : index
      %get3A_1567 = tpu.vector_load %arg5[%get3A_1565, %get3A_1566] {strides = array<i32>} : memref<8x128xi32, #tpu.memory_space<vmem>>, vector<1x16xi32>,
      %get3A_1568 = vector.shape_cast %get3A_1567 : vector<1x16xi32> to vector<16xi32>
      %swap3A_1569 = arith.constant 912 : index
      %swap3A_1570 = tpu.vector_load %arg9[%swap3A_1569] {strides = array<i32>} : memref<1600xi32, #tpu.memory_space<vmem>>, vector<16xi32>,
      %swap3A_1571 = vector.shape_cast %swap3A_1570 : vector<16xi32> to vector<16xi32>
      %swap3A_1572 = vector.shape_cast %get3A_1568 : vector<16xi32> to vector<16xi32>
      tpu.vector_store %arg9[%swap3A_1569], %swap3A_1572 {strides = array<i32>} : memref<1600xi32, #tpu.memory_space<vmem>>, vector<16xi32>,
      %get3A_1573 = arith.constant 4 : i32
      %get3A_1574 = arith.index_cast %get3A_1573 : i32 to index
      %get3A_1575 = arith.constant 0 : index
      %get3A_1576 = tpu.vector_load %arg7[%get3A_1574, %get3A_1575] {strides = array<i32>} : memref<8x72xi32, #tpu.memory_space<vmem>>, vector<1x16xi32>,
      %get3A_1577 = vector.shape_cast %get3A_1576 : vector<1x16xi32> to vector<16xi32>
      %swap3A_1578 = arith.constant 928 : index
      %swap3A_1579 = tpu.vector_load %arg9[%swap3A_1578] {strides = array<i32>} : memref<1600xi32, #tpu.memory_space<vmem>>, vector<16xi32>,
      %swap3A_1580 = vector.shape_cast %swap3A_1579 : vector<16xi32> to vector<16xi32>
      %swap3A_1581 = vector.shape_cast %get3A_1577 : vector<16xi32> to vector<16xi32>
      tpu.vector_store %arg9[%swap3A_1578], %swap3A_1581 {strides = array<i32>} : memref<1600xi32, #tpu.memory_space<vmem>>, vector<16xi32>,
      %get3A_1582 = arith.constant 4 : i32
      %get3A_1583 = arith.index_cast %get3A_1582 : i32 to index
      %get3A_1584 = arith.constant 16 : index
      %get3A_1585 = tpu.vector_load %arg7[%get3A_1583, %get3A_1584] {strides = array<i32>} : memref<8x72xi32, #tpu.memory_space<vmem>>, vector<1x16xi32>,
      %get3A_1586 = vector.shape_cast %get3A_1585 : vector<1x16xi32> to vector<16xi32>
      %swap3A_1587 = arith.constant 944 : index
      %swap3A_1588 = tpu.vector_load %arg9[%swap3A_1587] {strides = array<i32>} : memref<1600xi32, #tpu.memory_space<vmem>>, vector<16xi32>,
      %swap3A_1589 = vector.shape_cast %swap3A_1588 : vector<16xi32> to vector<16xi32>
      %swap3A_1590 = vector.shape_cast %get3A_1586 : vector<16xi32> to vector<16xi32>
      tpu.vector_store %arg9[%swap3A_1587], %swap3A_1590 {strides = array<i32>} : memref<1600xi32, #tpu.memory_space<vmem>>, vector<16xi32>,
      %get3A_1591 = arith.constant 4 : i32
      %get3A_1592 = arith.index_cast %get3A_1591 : i32 to index
      %get3A_1593 = arith.constant 32 : index
      %get3A_1594 = tpu.vector_load %arg7[%get3A_1592, %get3A_1593] {strides = array<i32>} : memref<8x72xi32, #tpu.memory_space<vmem>>, vector<1x16xi32>,
      %get3A_1595 = vector.shape_cast %get3A_1594 : vector<1x16xi32> to vector<16xi32>
      %swap3A_1596 = arith.constant 960 : index
      %swap3A_1597 = tpu.vector_load %arg9[%swap3A_1596] {strides = array<i32>} : memref<1600xi32, #tpu.memory_space<vmem>>, vector<16xi32>,
      %swap3A_1598 = vector.shape_cast %swap3A_1597 : vector<16xi32> to vector<16xi32>
      %swap3A_1599 = vector.shape_cast %get3A_1595 : vector<16xi32> to vector<16xi32>
      tpu.vector_store %arg9[%swap3A_1596], %swap3A_1599 {strides = array<i32>} : memref<1600xi32, #tpu.memory_space<vmem>>, vector<16xi32>,
      %get3A_1600 = arith.constant 4 : i32
      %get3A_1601 = arith.index_cast %get3A_1600 : i32 to index
      %get3A_1602 = arith.constant 48 : index
      %get3A_1603 = tpu.vector_load %arg7[%get3A_1601, %get3A_1602] {strides = array<i32>} : memref<8x72xi32, #tpu.memory_space<vmem>>, vector<1x16xi32>,
      %get3A_1604 = vector.shape_cast %get3A_1603 : vector<1x16xi32> to vector<16xi32>
      %swap3A_1605 = arith.constant 976 : index
      %swap3A_1606 = tpu.vector_load %arg9[%swap3A_1605] {strides = array<i32>} : memref<1600xi32, #tpu.memory_space<vmem>>, vector<16xi32>,
      %swap3A_1607 = vector.shape_cast %swap3A_1606 : vector<16xi32> to vector<16xi32>
      %swap3A_1608 = vector.shape_cast %get3A_1604 : vector<16xi32> to vector<16xi32>
      tpu.vector_store %arg9[%swap3A_1605], %swap3A_1608 {strides = array<i32>} : memref<1600xi32, #tpu.memory_space<vmem>>, vector<16xi32>,
      %get3A_1609 = arith.constant 4 : i32
      %get3A_1610 = arith.index_cast %get3A_1609 : i32 to index
      %get3A_1611 = arith.constant 56 : index
      %get3A_1612 = tpu.vector_load %arg7[%get3A_1610, %get3A_1611] {strides = array<i32>} : memref<8x72xi32, #tpu.memory_space<vmem>>, vector<1x16xi32>,
      %get3A_1613 = vector.shape_cast %get3A_1612 : vector<1x16xi32> to vector<16xi32>
      %swap3A_1614 = arith.constant 984 : index
      %swap3A_1615 = tpu.vector_load %arg9[%swap3A_1614] {strides = array<i32>} : memref<1600xi32, #tpu.memory_space<vmem>>, vector<16xi32>,
      %swap3A_1616 = vector.shape_cast %swap3A_1615 : vector<16xi32> to vector<16xi32>
      %swap3A_1617 = vector.shape_cast %get3A_1613 : vector<16xi32> to vector<16xi32>
      tpu.vector_store %arg9[%swap3A_1614], %swap3A_1617 {strides = array<i32>} : memref<1600xi32, #tpu.memory_space<vmem>>, vector<16xi32>,
      %get3A_1618 = arith.constant 5 : i32
      %get3A_1619 = arith.index_cast %get3A_1618 : i32 to index
      %get3A_1620 = arith.constant 0 : index
      %get3A_1621 = tpu.vector_load %arg5[%get3A_1619, %get3A_1620] {strides = array<i32>} : memref<8x128xi32, #tpu.memory_space<vmem>>, vector<1x16xi32>,
      %get3A_1622 = vector.shape_cast %get3A_1621 : vector<1x16xi32> to vector<16xi32>
      %swap3A_1623 = arith.constant 1000 : index
      %swap3A_1624 = tpu.vector_load %arg9[%swap3A_1623] {strides = array<i32>} : memref<1600xi32, #tpu.memory_space<vmem>>, vector<16xi32>,
      %swap3A_1625 = vector.shape_cast %swap3A_1624 : vector<16xi32> to vector<16xi32>
      %swap3A_1626 = vector.shape_cast %get3A_1622 : vector<16xi32> to vector<16xi32>
      tpu.vector_store %arg9[%swap3A_1623], %swap3A_1626 {strides = array<i32>} : memref<1600xi32, #tpu.memory_space<vmem>>, vector<16xi32>,
      %get3A_1627 = arith.constant 5 : i32
      %get3A_1628 = arith.index_cast %get3A_1627 : i32 to index
      %get3A_1629 = arith.constant 16 : index
      %get3A_1630 = tpu.vector_load %arg5[%get3A_1628, %get3A_1629] {strides = array<i32>} : memref<8x128xi32, #tpu.memory_space<vmem>>, vector<1x16xi32>,
      %get3A_1631 = vector.shape_cast %get3A_1630 : vector<1x16xi32> to vector<16xi32>
      %swap3A_1632 = arith.constant 1016 : index
      %swap3A_1633 = tpu.vector_load %arg9[%swap3A_1632] {strides = array<i32>} : memref<1600xi32, #tpu.memory_space<vmem>>, vector<16xi32>,
      %swap3A_1634 = vector.shape_cast %swap3A_1633 : vector<16xi32> to vector<16xi32>
      %swap3A_1635 = vector.shape_cast %get3A_1631 : vector<16xi32> to vector<16xi32>
      tpu.vector_store %arg9[%swap3A_1632], %swap3A_1635 {strides = array<i32>} : memref<1600xi32, #tpu.memory_space<vmem>>, vector<16xi32>,
      %get3A_1636 = arith.constant 5 : i32
      %get3A_1637 = arith.index_cast %get3A_1636 : i32 to index
      %get3A_1638 = arith.constant 32 : index
      %get3A_1639 = tpu.vector_load %arg5[%get3A_1637, %get3A_1638] {strides = array<i32>} : memref<8x128xi32, #tpu.memory_space<vmem>>, vector<1x16xi32>,
      %get3A_1640 = vector.shape_cast %get3A_1639 : vector<1x16xi32> to vector<16xi32>
      %swap3A_1641 = arith.constant 1032 : index
      %swap3A_1642 = tpu.vector_load %arg9[%swap3A_1641] {strides = array<i32>} : memref<1600xi32, #tpu.memory_space<vmem>>, vector<16xi32>,
      %swap3A_1643 = vector.shape_cast %swap3A_1642 : vector<16xi32> to vector<16xi32>
      %swap3A_1644 = vector.shape_cast %get3A_1640 : vector<16xi32> to vector<16xi32>
      tpu.vector_store %arg9[%swap3A_1641], %swap3A_1644 {strides = array<i32>} : memref<1600xi32, #tpu.memory_space<vmem>>, vector<16xi32>,
      %get3A_1645 = arith.constant 5 : i32
      %get3A_1646 = arith.index_cast %get3A_1645 : i32 to index
      %get3A_1647 = arith.constant 48 : index
      %get3A_1648 = tpu.vector_load %arg5[%get3A_1646, %get3A_1647] {strides = array<i32>} : memref<8x128xi32, #tpu.memory_space<vmem>>, vector<1x16xi32>,
      %get3A_1649 = vector.shape_cast %get3A_1648 : vector<1x16xi32> to vector<16xi32>
      %swap3A_1650 = arith.constant 1048 : index
      %swap3A_1651 = tpu.vector_load %arg9[%swap3A_1650] {strides = array<i32>} : memref<1600xi32, #tpu.memory_space<vmem>>, vector<16xi32>,
      %swap3A_1652 = vector.shape_cast %swap3A_1651 : vector<16xi32> to vector<16xi32>
      %swap3A_1653 = vector.shape_cast %get3A_1649 : vector<16xi32> to vector<16xi32>
      tpu.vector_store %arg9[%swap3A_1650], %swap3A_1653 {strides = array<i32>} : memref<1600xi32, #tpu.memory_space<vmem>>, vector<16xi32>,
      %get3A_1654 = arith.constant 5 : i32
      %get3A_1655 = arith.index_cast %get3A_1654 : i32 to index
      %get3A_1656 = arith.constant 64 : index
      %get3A_1657 = tpu.vector_load %arg5[%get3A_1655, %get3A_1656] {strides = array<i32>} : memref<8x128xi32, #tpu.memory_space<vmem>>, vector<1x16xi32>,
      %get3A_1658 = vector.shape_cast %get3A_1657 : vector<1x16xi32> to vector<16xi32>
      %swap3A_1659 = arith.constant 1064 : index
      %swap3A_1660 = tpu.vector_load %arg9[%swap3A_1659] {strides = array<i32>} : memref<1600xi32, #tpu.memory_space<vmem>>, vector<16xi32>,
      %swap3A_1661 = vector.shape_cast %swap3A_1660 : vector<16xi32> to vector<16xi32>
      %swap3A_1662 = vector.shape_cast %get3A_1658 : vector<16xi32> to vector<16xi32>
      tpu.vector_store %arg9[%swap3A_1659], %swap3A_1662 {strides = array<i32>} : memref<1600xi32, #tpu.memory_space<vmem>>, vector<16xi32>,
      %get3A_1663 = arith.constant 5 : i32
      %get3A_1664 = arith.index_cast %get3A_1663 : i32 to index
      %get3A_1665 = arith.constant 80 : index
      %get3A_1666 = tpu.vector_load %arg5[%get3A_1664, %get3A_1665] {strides = array<i32>} : memref<8x128xi32, #tpu.memory_space<vmem>>, vector<1x16xi32>,
      %get3A_1667 = vector.shape_cast %get3A_1666 : vector<1x16xi32> to vector<16xi32>
      %swap3A_1668 = arith.constant 1080 : index
      %swap3A_1669 = tpu.vector_load %arg9[%swap3A_1668] {strides = array<i32>} : memref<1600xi32, #tpu.memory_space<vmem>>, vector<16xi32>,
      %swap3A_1670 = vector.shape_cast %swap3A_1669 : vector<16xi32> to vector<16xi32>
      %swap3A_1671 = vector.shape_cast %get3A_1667 : vector<16xi32> to vector<16xi32>
      tpu.vector_store %arg9[%swap3A_1668], %swap3A_1671 {strides = array<i32>} : memref<1600xi32, #tpu.memory_space<vmem>>, vector<16xi32>,
      %get3A_1672 = arith.constant 5 : i32
      %get3A_1673 = arith.index_cast %get3A_1672 : i32 to index
      %get3A_1674 = arith.constant 96 : index
      %get3A_1675 = tpu.vector_load %arg5[%get3A_1673, %get3A_1674] {strides = array<i32>} : memref<8x128xi32, #tpu.memory_space<vmem>>, vector<1x16xi32>,
      %get3A_1676 = vector.shape_cast %get3A_1675 : vector<1x16xi32> to vector<16xi32>
      %swap3A_1677 = arith.constant 1096 : index
      %swap3A_1678 = tpu.vector_load %arg9[%swap3A_1677] {strides = array<i32>} : memref<1600xi32, #tpu.memory_space<vmem>>, vector<16xi32>,
      %swap3A_1679 = vector.shape_cast %swap3A_1678 : vector<16xi32> to vector<16xi32>
      %swap3A_1680 = vector.shape_cast %get3A_1676 : vector<16xi32> to vector<16xi32>
      tpu.vector_store %arg9[%swap3A_1677], %swap3A_1680 {strides = array<i32>} : memref<1600xi32, #tpu.memory_space<vmem>>, vector<16xi32>,
      %get3A_1681 = arith.constant 5 : i32
      %get3A_1682 = arith.index_cast %get3A_1681 : i32 to index
      %get3A_1683 = arith.constant 112 : index
      %get3A_1684 = tpu.vector_load %arg5[%get3A_1682, %get3A_1683] {strides = array<i32>} : memref<8x128xi32, #tpu.memory_space<vmem>>, vector<1x16xi32>,
      %get3A_1685 = vector.shape_cast %get3A_1684 : vector<1x16xi32> to vector<16xi32>
      %swap3A_1686 = arith.constant 1112 : index
      %swap3A_1687 = tpu.vector_load %arg9[%swap3A_1686] {strides = array<i32>} : memref<1600xi32, #tpu.memory_space<vmem>>, vector<16xi32>,
      %swap3A_1688 = vector.shape_cast %swap3A_1687 : vector<16xi32> to vector<16xi32>
      %swap3A_1689 = vector.shape_cast %get3A_1685 : vector<16xi32> to vector<16xi32>
      tpu.vector_store %arg9[%swap3A_1686], %swap3A_1689 {strides = array<i32>} : memref<1600xi32, #tpu.memory_space<vmem>>, vector<16xi32>,
      %get3A_1690 = arith.constant 5 : i32
      %get3A_1691 = arith.index_cast %get3A_1690 : i32 to index
      %get3A_1692 = arith.constant 0 : index
      %get3A_1693 = tpu.vector_load %arg7[%get3A_1691, %get3A_1692] {strides = array<i32>} : memref<8x72xi32, #tpu.memory_space<vmem>>, vector<1x16xi32>,
      %get3A_1694 = vector.shape_cast %get3A_1693 : vector<1x16xi32> to vector<16xi32>
      %swap3A_1695 = arith.constant 1128 : index
      %swap3A_1696 = tpu.vector_load %arg9[%swap3A_1695] {strides = array<i32>} : memref<1600xi32, #tpu.memory_space<vmem>>, vector<16xi32>,
      %swap3A_1697 = vector.shape_cast %swap3A_1696 : vector<16xi32> to vector<16xi32>
      %swap3A_1698 = vector.shape_cast %get3A_1694 : vector<16xi32> to vector<16xi32>
      tpu.vector_store %arg9[%swap3A_1695], %swap3A_1698 {strides = array<i32>} : memref<1600xi32, #tpu.memory_space<vmem>>, vector<16xi32>,
      %get3A_1699 = arith.constant 5 : i32
      %get3A_1700 = arith.index_cast %get3A_1699 : i32 to index
      %get3A_1701 = arith.constant 16 : index
      %get3A_1702 = tpu.vector_load %arg7[%get3A_1700, %get3A_1701] {strides = array<i32>} : memref<8x72xi32, #tpu.memory_space<vmem>>, vector<1x16xi32>,
      %get3A_1703 = vector.shape_cast %get3A_1702 : vector<1x16xi32> to vector<16xi32>
      %swap3A_1704 = arith.constant 1144 : index
      %swap3A_1705 = tpu.vector_load %arg9[%swap3A_1704] {strides = array<i32>} : memref<1600xi32, #tpu.memory_space<vmem>>, vector<16xi32>,
      %swap3A_1706 = vector.shape_cast %swap3A_1705 : vector<16xi32> to vector<16xi32>
      %swap3A_1707 = vector.shape_cast %get3A_1703 : vector<16xi32> to vector<16xi32>
      tpu.vector_store %arg9[%swap3A_1704], %swap3A_1707 {strides = array<i32>} : memref<1600xi32, #tpu.memory_space<vmem>>, vector<16xi32>,
      %get3A_1708 = arith.constant 5 : i32
      %get3A_1709 = arith.index_cast %get3A_1708 : i32 to index
      %get3A_1710 = arith.constant 32 : index
      %get3A_1711 = tpu.vector_load %arg7[%get3A_1709, %get3A_1710] {strides = array<i32>} : memref<8x72xi32, #tpu.memory_space<vmem>>, vector<1x16xi32>,
      %get3A_1712 = vector.shape_cast %get3A_1711 : vector<1x16xi32> to vector<16xi32>
      %swap3A_1713 = arith.constant 1160 : index
      %swap3A_1714 = tpu.vector_load %arg9[%swap3A_1713] {strides = array<i32>} : memref<1600xi32, #tpu.memory_space<vmem>>, vector<16xi32>,
      %swap3A_1715 = vector.shape_cast %swap3A_1714 : vector<16xi32> to vector<16xi32>
      %swap3A_1716 = vector.shape_cast %get3A_1712 : vector<16xi32> to vector<16xi32>
      tpu.vector_store %arg9[%swap3A_1713], %swap3A_1716 {strides = array<i32>} : memref<1600xi32, #tpu.memory_space<vmem>>, vector<16xi32>,
      %get3A_1717 = arith.constant 5 : i32
      %get3A_1718 = arith.index_cast %get3A_1717 : i32 to index
      %get3A_1719 = arith.constant 48 : index
      %get3A_1720 = tpu.vector_load %arg7[%get3A_1718, %get3A_1719] {strides = array<i32>} : memref<8x72xi32, #tpu.memory_space<vmem>>, vector<1x16xi32>,
      %get3A_1721 = vector.shape_cast %get3A_1720 : vector<1x16xi32> to vector<16xi32>
      %swap3A_1722 = arith.constant 1176 : index
      %swap3A_1723 = tpu.vector_load %arg9[%swap3A_1722] {strides = array<i32>} : memref<1600xi32, #tpu.memory_space<vmem>>, vector<16xi32>,
      %swap3A_1724 = vector.shape_cast %swap3A_1723 : vector<16xi32> to vector<16xi32>
      %swap3A_1725 = vector.shape_cast %get3A_1721 : vector<16xi32> to vector<16xi32>
      tpu.vector_store %arg9[%swap3A_1722], %swap3A_1725 {strides = array<i32>} : memref<1600xi32, #tpu.memory_space<vmem>>, vector<16xi32>,
      %get3A_1726 = arith.constant 5 : i32
      %get3A_1727 = arith.index_cast %get3A_1726 : i32 to index
      %get3A_1728 = arith.constant 56 : index
      %get3A_1729 = tpu.vector_load %arg7[%get3A_1727, %get3A_1728] {strides = array<i32>} : memref<8x72xi32, #tpu.memory_space<vmem>>, vector<1x16xi32>,
      %get3A_1730 = vector.shape_cast %get3A_1729 : vector<1x16xi32> to vector<16xi32>
      %swap3A_1731 = arith.constant 1184 : index
      %swap3A_1732 = tpu.vector_load %arg9[%swap3A_1731] {strides = array<i32>} : memref<1600xi32, #tpu.memory_space<vmem>>, vector<16xi32>,
      %swap3A_1733 = vector.shape_cast %swap3A_1732 : vector<16xi32> to vector<16xi32>
      %swap3A_1734 = vector.shape_cast %get3A_1730 : vector<16xi32> to vector<16xi32>
      tpu.vector_store %arg9[%swap3A_1731], %swap3A_1734 {strides = array<i32>} : memref<1600xi32, #tpu.memory_space<vmem>>, vector<16xi32>,
      %get3A_1735 = arith.constant 6 : i32
      %get3A_1736 = arith.index_cast %get3A_1735 : i32 to index
      %get3A_1737 = arith.constant 0 : index
      %get3A_1738 = tpu.vector_load %arg5[%get3A_1736, %get3A_1737] {strides = array<i32>} : memref<8x128xi32, #tpu.memory_space<vmem>>, vector<1x16xi32>,
      %get3A_1739 = vector.shape_cast %get3A_1738 : vector<1x16xi32> to vector<16xi32>
      %swap3A_1740 = arith.constant 1200 : index
      %swap3A_1741 = tpu.vector_load %arg9[%swap3A_1740] {strides = array<i32>} : memref<1600xi32, #tpu.memory_space<vmem>>, vector<16xi32>,
      %swap3A_1742 = vector.shape_cast %swap3A_1741 : vector<16xi32> to vector<16xi32>
      %swap3A_1743 = vector.shape_cast %get3A_1739 : vector<16xi32> to vector<16xi32>
      tpu.vector_store %arg9[%swap3A_1740], %swap3A_1743 {strides = array<i32>} : memref<1600xi32, #tpu.memory_space<vmem>>, vector<16xi32>,
      %get3A_1744 = arith.constant 6 : i32
      %get3A_1745 = arith.index_cast %get3A_1744 : i32 to index
      %get3A_1746 = arith.constant 16 : index
      %get3A_1747 = tpu.vector_load %arg5[%get3A_1745, %get3A_1746] {strides = array<i32>} : memref<8x128xi32, #tpu.memory_space<vmem>>, vector<1x16xi32>,
      %get3A_1748 = vector.shape_cast %get3A_1747 : vector<1x16xi32> to vector<16xi32>
      %swap3A_1749 = arith.constant 1216 : index
      %swap3A_1750 = tpu.vector_load %arg9[%swap3A_1749] {strides = array<i32>} : memref<1600xi32, #tpu.memory_space<vmem>>, vector<16xi32>,
      %swap3A_1751 = vector.shape_cast %swap3A_1750 : vector<16xi32> to vector<16xi32>
      %swap3A_1752 = vector.shape_cast %get3A_1748 : vector<16xi32> to vector<16xi32>
      tpu.vector_store %arg9[%swap3A_1749], %swap3A_1752 {strides = array<i32>} : memref<1600xi32, #tpu.memory_space<vmem>>, vector<16xi32>,
      %get3A_1753 = arith.constant 6 : i32
      %get3A_1754 = arith.index_cast %get3A_1753 : i32 to index
      %get3A_1755 = arith.constant 32 : index
      %get3A_1756 = tpu.vector_load %arg5[%get3A_1754, %get3A_1755] {strides = array<i32>} : memref<8x128xi32, #tpu.memory_space<vmem>>, vector<1x16xi32>,
      %get3A_1757 = vector.shape_cast %get3A_1756 : vector<1x16xi32> to vector<16xi32>
      %swap3A_1758 = arith.constant 1232 : index
      %swap3A_1759 = tpu.vector_load %arg9[%swap3A_1758] {strides = array<i32>} : memref<1600xi32, #tpu.memory_space<vmem>>, vector<16xi32>,
      %swap3A_1760 = vector.shape_cast %swap3A_1759 : vector<16xi32> to vector<16xi32>
      %swap3A_1761 = vector.shape_cast %get3A_1757 : vector<16xi32> to vector<16xi32>
      tpu.vector_store %arg9[%swap3A_1758], %swap3A_1761 {strides = array<i32>} : memref<1600xi32, #tpu.memory_space<vmem>>, vector<16xi32>,
      %get3A_1762 = arith.constant 6 : i32
      %get3A_1763 = arith.index_cast %get3A_1762 : i32 to index
      %get3A_1764 = arith.constant 48 : index
      %get3A_1765 = tpu.vector_load %arg5[%get3A_1763, %get3A_1764] {strides = array<i32>} : memref<8x128xi32, #tpu.memory_space<vmem>>, vector<1x16xi32>,
      %get3A_1766 = vector.shape_cast %get3A_1765 : vector<1x16xi32> to vector<16xi32>
      %swap3A_1767 = arith.constant 1248 : index
      %swap3A_1768 = tpu.vector_load %arg9[%swap3A_1767] {strides = array<i32>} : memref<1600xi32, #tpu.memory_space<vmem>>, vector<16xi32>,
      %swap3A_1769 = vector.shape_cast %swap3A_1768 : vector<16xi32> to vector<16xi32>
      %swap3A_1770 = vector.shape_cast %get3A_1766 : vector<16xi32> to vector<16xi32>
      tpu.vector_store %arg9[%swap3A_1767], %swap3A_1770 {strides = array<i32>} : memref<1600xi32, #tpu.memory_space<vmem>>, vector<16xi32>,
      %get3A_1771 = arith.constant 6 : i32
      %get3A_1772 = arith.index_cast %get3A_1771 : i32 to index
      %get3A_1773 = arith.constant 64 : index
      %get3A_1774 = tpu.vector_load %arg5[%get3A_1772, %get3A_1773] {strides = array<i32>} : memref<8x128xi32, #tpu.memory_space<vmem>>, vector<1x16xi32>,
      %get3A_1775 = vector.shape_cast %get3A_1774 : vector<1x16xi32> to vector<16xi32>
      %swap3A_1776 = arith.constant 1264 : index
      %swap3A_1777 = tpu.vector_load %arg9[%swap3A_1776] {strides = array<i32>} : memref<1600xi32, #tpu.memory_space<vmem>>, vector<16xi32>,
      %swap3A_1778 = vector.shape_cast %swap3A_1777 : vector<16xi32> to vector<16xi32>
      %swap3A_1779 = vector.shape_cast %get3A_1775 : vector<16xi32> to vector<16xi32>
      tpu.vector_store %arg9[%swap3A_1776], %swap3A_1779 {strides = array<i32>} : memref<1600xi32, #tpu.memory_space<vmem>>, vector<16xi32>,
      %get3A_1780 = arith.constant 6 : i32
      %get3A_1781 = arith.index_cast %get3A_1780 : i32 to index
      %get3A_1782 = arith.constant 80 : index
      %get3A_1783 = tpu.vector_load %arg5[%get3A_1781, %get3A_1782] {strides = array<i32>} : memref<8x128xi32, #tpu.memory_space<vmem>>, vector<1x16xi32>,
      %get3A_1784 = vector.shape_cast %get3A_1783 : vector<1x16xi32> to vector<16xi32>
      %swap3A_1785 = arith.constant 1280 : index
      %swap3A_1786 = tpu.vector_load %arg9[%swap3A_1785] {strides = array<i32>} : memref<1600xi32, #tpu.memory_space<vmem>>, vector<16xi32>,
      %swap3A_1787 = vector.shape_cast %swap3A_1786 : vector<16xi32> to vector<16xi32>
      %swap3A_1788 = vector.shape_cast %get3A_1784 : vector<16xi32> to vector<16xi32>
      tpu.vector_store %arg9[%swap3A_1785], %swap3A_1788 {strides = array<i32>} : memref<1600xi32, #tpu.memory_space<vmem>>, vector<16xi32>,
      %get3A_1789 = arith.constant 6 : i32
      %get3A_1790 = arith.index_cast %get3A_1789 : i32 to index
      %get3A_1791 = arith.constant 96 : index
      %get3A_1792 = tpu.vector_load %arg5[%get3A_1790, %get3A_1791] {strides = array<i32>} : memref<8x128xi32, #tpu.memory_space<vmem>>, vector<1x16xi32>,
      %get3A_1793 = vector.shape_cast %get3A_1792 : vector<1x16xi32> to vector<16xi32>
      %swap3A_1794 = arith.constant 1296 : index
      %swap3A_1795 = tpu.vector_load %arg9[%swap3A_1794] {strides = array<i32>} : memref<1600xi32, #tpu.memory_space<vmem>>, vector<16xi32>,
      %swap3A_1796 = vector.shape_cast %swap3A_1795 : vector<16xi32> to vector<16xi32>
      %swap3A_1797 = vector.shape_cast %get3A_1793 : vector<16xi32> to vector<16xi32>
      tpu.vector_store %arg9[%swap3A_1794], %swap3A_1797 {strides = array<i32>} : memref<1600xi32, #tpu.memory_space<vmem>>, vector<16xi32>,
      %get3A_1798 = arith.constant 6 : i32
      %get3A_1799 = arith.index_cast %get3A_1798 : i32 to index
      %get3A_1800 = arith.constant 112 : index
      %get3A_1801 = tpu.vector_load %arg5[%get3A_1799, %get3A_1800] {strides = array<i32>} : memref<8x128xi32, #tpu.memory_space<vmem>>, vector<1x16xi32>,
      %get3A_1802 = vector.shape_cast %get3A_1801 : vector<1x16xi32> to vector<16xi32>
      %swap3A_1803 = arith.constant 1312 : index
      %swap3A_1804 = tpu.vector_load %arg9[%swap3A_1803] {strides = array<i32>} : memref<1600xi32, #tpu.memory_space<vmem>>, vector<16xi32>,
      %swap3A_1805 = vector.shape_cast %swap3A_1804 : vector<16xi32> to vector<16xi32>
      %swap3A_1806 = vector.shape_cast %get3A_1802 : vector<16xi32> to vector<16xi32>
      tpu.vector_store %arg9[%swap3A_1803], %swap3A_1806 {strides = array<i32>} : memref<1600xi32, #tpu.memory_space<vmem>>, vector<16xi32>,
      %get3A_1807 = arith.constant 6 : i32
      %get3A_1808 = arith.index_cast %get3A_1807 : i32 to index
      %get3A_1809 = arith.constant 0 : index
      %get3A_1810 = tpu.vector_load %arg7[%get3A_1808, %get3A_1809] {strides = array<i32>} : memref<8x72xi32, #tpu.memory_space<vmem>>, vector<1x16xi32>,
      %get3A_1811 = vector.shape_cast %get3A_1810 : vector<1x16xi32> to vector<16xi32>
      %swap3A_1812 = arith.constant 1328 : index
      %swap3A_1813 = tpu.vector_load %arg9[%swap3A_1812] {strides = array<i32>} : memref<1600xi32, #tpu.memory_space<vmem>>, vector<16xi32>,
      %swap3A_1814 = vector.shape_cast %swap3A_1813 : vector<16xi32> to vector<16xi32>
      %swap3A_1815 = vector.shape_cast %get3A_1811 : vector<16xi32> to vector<16xi32>
      tpu.vector_store %arg9[%swap3A_1812], %swap3A_1815 {strides = array<i32>} : memref<1600xi32, #tpu.memory_space<vmem>>, vector<16xi32>,
      %get3A_1816 = arith.constant 6 : i32
      %get3A_1817 = arith.index_cast %get3A_1816 : i32 to index
      %get3A_1818 = arith.constant 16 : index
      %get3A_1819 = tpu.vector_load %arg7[%get3A_1817, %get3A_1818] {strides = array<i32>} : memref<8x72xi32, #tpu.memory_space<vmem>>, vector<1x16xi32>,
      %get3A_1820 = vector.shape_cast %get3A_1819 : vector<1x16xi32> to vector<16xi32>
      %swap3A_1821 = arith.constant 1344 : index
      %swap3A_1822 = tpu.vector_load %arg9[%swap3A_1821] {strides = array<i32>} : memref<1600xi32, #tpu.memory_space<vmem>>, vector<16xi32>,
      %swap3A_1823 = vector.shape_cast %swap3A_1822 : vector<16xi32> to vector<16xi32>
      %swap3A_1824 = vector.shape_cast %get3A_1820 : vector<16xi32> to vector<16xi32>
      tpu.vector_store %arg9[%swap3A_1821], %swap3A_1824 {strides = array<i32>} : memref<1600xi32, #tpu.memory_space<vmem>>, vector<16xi32>,
      %get3A_1825 = arith.constant 6 : i32
      %get3A_1826 = arith.index_cast %get3A_1825 : i32 to index
      %get3A_1827 = arith.constant 32 : index
      %get3A_1828 = tpu.vector_load %arg7[%get3A_1826, %get3A_1827] {strides = array<i32>} : memref<8x72xi32, #tpu.memory_space<vmem>>, vector<1x16xi32>,
      %get3A_1829 = vector.shape_cast %get3A_1828 : vector<1x16xi32> to vector<16xi32>
      %swap3A_1830 = arith.constant 1360 : index
      %swap3A_1831 = tpu.vector_load %arg9[%swap3A_1830] {strides = array<i32>} : memref<1600xi32, #tpu.memory_space<vmem>>, vector<16xi32>,
      %swap3A_1832 = vector.shape_cast %swap3A_1831 : vector<16xi32> to vector<16xi32>
      %swap3A_1833 = vector.shape_cast %get3A_1829 : vector<16xi32> to vector<16xi32>
      tpu.vector_store %arg9[%swap3A_1830], %swap3A_1833 {strides = array<i32>} : memref<1600xi32, #tpu.memory_space<vmem>>, vector<16xi32>,
      %get3A_1834 = arith.constant 6 : i32
      %get3A_1835 = arith.index_cast %get3A_1834 : i32 to index
      %get3A_1836 = arith.constant 48 : index
      %get3A_1837 = tpu.vector_load %arg7[%get3A_1835, %get3A_1836] {strides = array<i32>} : memref<8x72xi32, #tpu.memory_space<vmem>>, vector<1x16xi32>,
      %get3A_1838 = vector.shape_cast %get3A_1837 : vector<1x16xi32> to vector<16xi32>
      %swap3A_1839 = arith.constant 1376 : index
      %swap3A_1840 = tpu.vector_load %arg9[%swap3A_1839] {strides = array<i32>} : memref<1600xi32, #tpu.memory_space<vmem>>, vector<16xi32>,
      %swap3A_1841 = vector.shape_cast %swap3A_1840 : vector<16xi32> to vector<16xi32>
      %swap3A_1842 = vector.shape_cast %get3A_1838 : vector<16xi32> to vector<16xi32>
      tpu.vector_store %arg9[%swap3A_1839], %swap3A_1842 {strides = array<i32>} : memref<1600xi32, #tpu.memory_space<vmem>>, vector<16xi32>,
      %get3A_1843 = arith.constant 6 : i32
      %get3A_1844 = arith.index_cast %get3A_1843 : i32 to index
      %get3A_1845 = arith.constant 56 : index
      %get3A_1846 = tpu.vector_load %arg7[%get3A_1844, %get3A_1845] {strides = array<i32>} : memref<8x72xi32, #tpu.memory_space<vmem>>, vector<1x16xi32>,
      %get3A_1847 = vector.shape_cast %get3A_1846 : vector<1x16xi32> to vector<16xi32>
      %swap3A_1848 = arith.constant 1384 : index
      %swap3A_1849 = tpu.vector_load %arg9[%swap3A_1848] {strides = array<i32>} : memref<1600xi32, #tpu.memory_space<vmem>>, vector<16xi32>,
      %swap3A_1850 = vector.shape_cast %swap3A_1849 : vector<16xi32> to vector<16xi32>
      %swap3A_1851 = vector.shape_cast %get3A_1847 : vector<16xi32> to vector<16xi32>
      tpu.vector_store %arg9[%swap3A_1848], %swap3A_1851 {strides = array<i32>} : memref<1600xi32, #tpu.memory_space<vmem>>, vector<16xi32>,
      %get3A_1852 = arith.constant 7 : i32
      %get3A_1853 = arith.index_cast %get3A_1852 : i32 to index
      %get3A_1854 = arith.constant 0 : index
      %get3A_1855 = tpu.vector_load %arg5[%get3A_1853, %get3A_1854] {strides = array<i32>} : memref<8x128xi32, #tpu.memory_space<vmem>>, vector<1x16xi32>,
      %get3A_1856 = vector.shape_cast %get3A_1855 : vector<1x16xi32> to vector<16xi32>
      %swap3A_1857 = arith.constant 1400 : index
      %swap3A_1858 = tpu.vector_load %arg9[%swap3A_1857] {strides = array<i32>} : memref<1600xi32, #tpu.memory_space<vmem>>, vector<16xi32>,
      %swap3A_1859 = vector.shape_cast %swap3A_1858 : vector<16xi32> to vector<16xi32>
      %swap3A_1860 = vector.shape_cast %get3A_1856 : vector<16xi32> to vector<16xi32>
      tpu.vector_store %arg9[%swap3A_1857], %swap3A_1860 {strides = array<i32>} : memref<1600xi32, #tpu.memory_space<vmem>>, vector<16xi32>,
      %get3A_1861 = arith.constant 7 : i32
      %get3A_1862 = arith.index_cast %get3A_1861 : i32 to index
      %get3A_1863 = arith.constant 16 : index
      %get3A_1864 = tpu.vector_load %arg5[%get3A_1862, %get3A_1863] {strides = array<i32>} : memref<8x128xi32, #tpu.memory_space<vmem>>, vector<1x16xi32>,
      %get3A_1865 = vector.shape_cast %get3A_1864 : vector<1x16xi32> to vector<16xi32>
      %swap3A_1866 = arith.constant 1416 : index
      %swap3A_1867 = tpu.vector_load %arg9[%swap3A_1866] {strides = array<i32>} : memref<1600xi32, #tpu.memory_space<vmem>>, vector<16xi32>,
      %swap3A_1868 = vector.shape_cast %swap3A_1867 : vector<16xi32> to vector<16xi32>
      %swap3A_1869 = vector.shape_cast %get3A_1865 : vector<16xi32> to vector<16xi32>
      tpu.vector_store %arg9[%swap3A_1866], %swap3A_1869 {strides = array<i32>} : memref<1600xi32, #tpu.memory_space<vmem>>, vector<16xi32>,
      %get3A_1870 = arith.constant 7 : i32
      %get3A_1871 = arith.index_cast %get3A_1870 : i32 to index
      %get3A_1872 = arith.constant 32 : index
      %get3A_1873 = tpu.vector_load %arg5[%get3A_1871, %get3A_1872] {strides = array<i32>} : memref<8x128xi32, #tpu.memory_space<vmem>>, vector<1x16xi32>,
      %get3A_1874 = vector.shape_cast %get3A_1873 : vector<1x16xi32> to vector<16xi32>
      %swap3A_1875 = arith.constant 1432 : index
      %swap3A_1876 = tpu.vector_load %arg9[%swap3A_1875] {strides = array<i32>} : memref<1600xi32, #tpu.memory_space<vmem>>, vector<16xi32>,
      %swap3A_1877 = vector.shape_cast %swap3A_1876 : vector<16xi32> to vector<16xi32>
      %swap3A_1878 = vector.shape_cast %get3A_1874 : vector<16xi32> to vector<16xi32>
      tpu.vector_store %arg9[%swap3A_1875], %swap3A_1878 {strides = array<i32>} : memref<1600xi32, #tpu.memory_space<vmem>>, vector<16xi32>,
      %get3A_1879 = arith.constant 7 : i32
      %get3A_1880 = arith.index_cast %get3A_1879 : i32 to index
      %get3A_1881 = arith.constant 48 : index
      %get3A_1882 = tpu.vector_load %arg5[%get3A_1880, %get3A_1881] {strides = array<i32>} : memref<8x128xi32, #tpu.memory_space<vmem>>, vector<1x16xi32>,
      %get3A_1883 = vector.shape_cast %get3A_1882 : vector<1x16xi32> to vector<16xi32>
      %swap3A_1884 = arith.constant 1448 : index
      %swap3A_1885 = tpu.vector_load %arg9[%swap3A_1884] {strides = array<i32>} : memref<1600xi32, #tpu.memory_space<vmem>>, vector<16xi32>,
      %swap3A_1886 = vector.shape_cast %swap3A_1885 : vector<16xi32> to vector<16xi32>
      %swap3A_1887 = vector.shape_cast %get3A_1883 : vector<16xi32> to vector<16xi32>
      tpu.vector_store %arg9[%swap3A_1884], %swap3A_1887 {strides = array<i32>} : memref<1600xi32, #tpu.memory_space<vmem>>, vector<16xi32>,
      %get3A_1888 = arith.constant 7 : i32
      %get3A_1889 = arith.index_cast %get3A_1888 : i32 to index
      %get3A_1890 = arith.constant 64 : index
      %get3A_1891 = tpu.vector_load %arg5[%get3A_1889, %get3A_1890] {strides = array<i32>} : memref<8x128xi32, #tpu.memory_space<vmem>>, vector<1x16xi32>,
      %get3A_1892 = vector.shape_cast %get3A_1891 : vector<1x16xi32> to vector<16xi32>
      %swap3A_1893 = arith.constant 1464 : index
      %swap3A_1894 = tpu.vector_load %arg9[%swap3A_1893] {strides = array<i32>} : memref<1600xi32, #tpu.memory_space<vmem>>, vector<16xi32>,
      %swap3A_1895 = vector.shape_cast %swap3A_1894 : vector<16xi32> to vector<16xi32>
      %swap3A_1896 = vector.shape_cast %get3A_1892 : vector<16xi32> to vector<16xi32>
      tpu.vector_store %arg9[%swap3A_1893], %swap3A_1896 {strides = array<i32>} : memref<1600xi32, #tpu.memory_space<vmem>>, vector<16xi32>,
      %get3A_1897 = arith.constant 7 : i32
      %get3A_1898 = arith.index_cast %get3A_1897 : i32 to index
      %get3A_1899 = arith.constant 80 : index
      %get3A_1900 = tpu.vector_load %arg5[%get3A_1898, %get3A_1899] {strides = array<i32>} : memref<8x128xi32, #tpu.memory_space<vmem>>, vector<1x16xi32>,
      %get3A_1901 = vector.shape_cast %get3A_1900 : vector<1x16xi32> to vector<16xi32>
      %swap3A_1902 = arith.constant 1480 : index
      %swap3A_1903 = tpu.vector_load %arg9[%swap3A_1902] {strides = array<i32>} : memref<1600xi32, #tpu.memory_space<vmem>>, vector<16xi32>,
      %swap3A_1904 = vector.shape_cast %swap3A_1903 : vector<16xi32> to vector<16xi32>
      %swap3A_1905 = vector.shape_cast %get3A_1901 : vector<16xi32> to vector<16xi32>
      tpu.vector_store %arg9[%swap3A_1902], %swap3A_1905 {strides = array<i32>} : memref<1600xi32, #tpu.memory_space<vmem>>, vector<16xi32>,
      %get3A_1906 = arith.constant 7 : i32
      %get3A_1907 = arith.index_cast %get3A_1906 : i32 to index
      %get3A_1908 = arith.constant 96 : index
      %get3A_1909 = tpu.vector_load %arg5[%get3A_1907, %get3A_1908] {strides = array<i32>} : memref<8x128xi32, #tpu.memory_space<vmem>>, vector<1x16xi32>,
      %get3A_1910 = vector.shape_cast %get3A_1909 : vector<1x16xi32> to vector<16xi32>
      %swap3A_1911 = arith.constant 1496 : index
      %swap3A_1912 = tpu.vector_load %arg9[%swap3A_1911] {strides = array<i32>} : memref<1600xi32, #tpu.memory_space<vmem>>, vector<16xi32>,
      %swap3A_1913 = vector.shape_cast %swap3A_1912 : vector<16xi32> to vector<16xi32>
      %swap3A_1914 = vector.shape_cast %get3A_1910 : vector<16xi32> to vector<16xi32>
      tpu.vector_store %arg9[%swap3A_1911], %swap3A_1914 {strides = array<i32>} : memref<1600xi32, #tpu.memory_space<vmem>>, vector<16xi32>,
      %get3A_1915 = arith.constant 7 : i32
      %get3A_1916 = arith.index_cast %get3A_1915 : i32 to index
      %get3A_1917 = arith.constant 112 : index
      %get3A_1918 = tpu.vector_load %arg5[%get3A_1916, %get3A_1917] {strides = array<i32>} : memref<8x128xi32, #tpu.memory_space<vmem>>, vector<1x16xi32>,
      %get3A_1919 = vector.shape_cast %get3A_1918 : vector<1x16xi32> to vector<16xi32>
      %swap3A_1920 = arith.constant 1512 : index
      %swap3A_1921 = tpu.vector_load %arg9[%swap3A_1920] {strides = array<i32>} : memref<1600xi32, #tpu.memory_space<vmem>>, vector<16xi32>,
      %swap3A_1922 = vector.shape_cast %swap3A_1921 : vector<16xi32> to vector<16xi32>
      %swap3A_1923 = vector.shape_cast %get3A_1919 : vector<16xi32> to vector<16xi32>
      tpu.vector_store %arg9[%swap3A_1920], %swap3A_1923 {strides = array<i32>} : memref<1600xi32, #tpu.memory_space<vmem>>, vector<16xi32>,
      %get3A_1924 = arith.constant 7 : i32
      %get3A_1925 = arith.index_cast %get3A_1924 : i32 to index
      %get3A_1926 = arith.constant 0 : index
      %get3A_1927 = tpu.vector_load %arg7[%get3A_1925, %get3A_1926] {strides = array<i32>} : memref<8x72xi32, #tpu.memory_space<vmem>>, vector<1x16xi32>,
      %get3A_1928 = vector.shape_cast %get3A_1927 : vector<1x16xi32> to vector<16xi32>
      %swap3A_1929 = arith.constant 1528 : index
      %swap3A_1930 = tpu.vector_load %arg9[%swap3A_1929] {strides = array<i32>} : memref<1600xi32, #tpu.memory_space<vmem>>, vector<16xi32>,
      %swap3A_1931 = vector.shape_cast %swap3A_1930 : vector<16xi32> to vector<16xi32>
      %swap3A_1932 = vector.shape_cast %get3A_1928 : vector<16xi32> to vector<16xi32>
      tpu.vector_store %arg9[%swap3A_1929], %swap3A_1932 {strides = array<i32>} : memref<1600xi32, #tpu.memory_space<vmem>>, vector<16xi32>,
      %get3A_1933 = arith.constant 7 : i32
      %get3A_1934 = arith.index_cast %get3A_1933 : i32 to index
      %get3A_1935 = arith.constant 16 : index
      %get3A_1936 = tpu.vector_load %arg7[%get3A_1934, %get3A_1935] {strides = array<i32>} : memref<8x72xi32, #tpu.memory_space<vmem>>, vector<1x16xi32>,
      %get3A_1937 = vector.shape_cast %get3A_1936 : vector<1x16xi32> to vector<16xi32>
      %swap3A_1938 = arith.constant 1544 : index
      %swap3A_1939 = tpu.vector_load %arg9[%swap3A_1938] {strides = array<i32>} : memref<1600xi32, #tpu.memory_space<vmem>>, vector<16xi32>,
      %swap3A_1940 = vector.shape_cast %swap3A_1939 : vector<16xi32> to vector<16xi32>
      %swap3A_1941 = vector.shape_cast %get3A_1937 : vector<16xi32> to vector<16xi32>
      tpu.vector_store %arg9[%swap3A_1938], %swap3A_1941 {strides = array<i32>} : memref<1600xi32, #tpu.memory_space<vmem>>, vector<16xi32>,
      %get3A_1942 = arith.constant 7 : i32
      %get3A_1943 = arith.index_cast %get3A_1942 : i32 to index
      %get3A_1944 = arith.constant 32 : index
      %get3A_1945 = tpu.vector_load %arg7[%get3A_1943, %get3A_1944] {strides = array<i32>} : memref<8x72xi32, #tpu.memory_space<vmem>>, vector<1x16xi32>,
      %get3A_1946 = vector.shape_cast %get3A_1945 : vector<1x16xi32> to vector<16xi32>
      %swap3A_1947 = arith.constant 1560 : index
      %swap3A_1948 = tpu.vector_load %arg9[%swap3A_1947] {strides = array<i32>} : memref<1600xi32, #tpu.memory_space<vmem>>, vector<16xi32>,
      %swap3A_1949 = vector.shape_cast %swap3A_1948 : vector<16xi32> to vector<16xi32>
      %swap3A_1950 = vector.shape_cast %get3A_1946 : vector<16xi32> to vector<16xi32>
      tpu.vector_store %arg9[%swap3A_1947], %swap3A_1950 {strides = array<i32>} : memref<1600xi32, #tpu.memory_space<vmem>>, vector<16xi32>,
      %get3A_1951 = arith.constant 7 : i32
      %get3A_1952 = arith.index_cast %get3A_1951 : i32 to index
      %get3A_1953 = arith.constant 48 : index
      %get3A_1954 = tpu.vector_load %arg7[%get3A_1952, %get3A_1953] {strides = array<i32>} : memref<8x72xi32, #tpu.memory_space<vmem>>, vector<1x16xi32>,
      %get3A_1955 = vector.shape_cast %get3A_1954 : vector<1x16xi32> to vector<16xi32>
      %swap3A_1956 = arith.constant 1576 : index
      %swap3A_1957 = tpu.vector_load %arg9[%swap3A_1956] {strides = array<i32>} : memref<1600xi32, #tpu.memory_space<vmem>>, vector<16xi32>,
      %swap3A_1958 = vector.shape_cast %swap3A_1957 : vector<16xi32> to vector<16xi32>
      %swap3A_1959 = vector.shape_cast %get3A_1955 : vector<16xi32> to vector<16xi32>
      tpu.vector_store %arg9[%swap3A_1956], %swap3A_1959 {strides = array<i32>} : memref<1600xi32, #tpu.memory_space<vmem>>, vector<16xi32>,
      %get3A_1960 = arith.constant 7 : i32
      %get3A_1961 = arith.index_cast %get3A_1960 : i32 to index
      %get3A_1962 = arith.constant 56 : index
      %get3A_1963 = tpu.vector_load %arg7[%get3A_1961, %get3A_1962] {strides = array<i32>} : memref<8x72xi32, #tpu.memory_space<vmem>>, vector<1x16xi32>,
      %get3A_1964 = vector.shape_cast %get3A_1963 : vector<1x16xi32> to vector<16xi32>
      %swap3A_1965 = arith.constant 1584 : index
      %swap3A_1966 = tpu.vector_load %arg9[%swap3A_1965] {strides = array<i32>} : memref<1600xi32, #tpu.memory_space<vmem>>, vector<16xi32>,
      %swap3A_1967 = vector.shape_cast %swap3A_1966 : vector<16xi32> to vector<16xi32>
      %swap3A_1968 = vector.shape_cast %get3A_1964 : vector<16xi32> to vector<16xi32>
      tpu.vector_store %arg9[%swap3A_1965], %swap3A_1968 {strides = array<i32>} : memref<1600xi32, #tpu.memory_space<vmem>>, vector<16xi32>,
      %mul3A_1969 = arith.constant 8 : i32
      %mul3A_1970 = arith.muli %mul3A_1969, %add3A_1013 : i32
      %add3A_1971 = arith.addi %mul3A_2, %mul3A_1970 : i32
      %mul3A_1972 = arith.constant 200 : i32
      %mul3A_1973 = arith.muli %add3A_1971, %mul3A_1972 : i32
      %dma_start3A_1974 = tpu.memref_slice %arg3[%mul3A_1973] : memref<819200xi32, #tpu.memory_space<hbm>> -> memref<1600xi32, #tpu.memory_space<hbm>>
      %dma_start3A_1975 = tpu.memref_slice %arg3[%mul3A_1973] : memref<819200xi32, #tpu.memory_space<hbm>> -> memref<1600xi32, #tpu.memory_space<hbm>>
      tpu.enqueue_dma source(%arg9 : memref<1600xi32, #tpu.memory_space<vmem>>) target(%dma_start3A_1975 : memref<1600xi32, #tpu.memory_space<hbm>>) target_semaphore(%arg13 : memref<!tpu.dma_semaphore, #tpu.memory_space<semaphore_mem>>)
      %add3A_1976 = arith.constant 2 : i32
      %add3A_1977 = arith.addi %add3A_1013, %add3A_1976 : i32
      %lt3A_1978 = arith.constant 16 : i32
      %lt3A_1979 = arith.cmpi slt, %add3A_1977, %lt3A_1978 : i32
      %convert_element_type3A_1980 = arith.extui %lt3A_1979 : i1 to i32
      %cond3A_1981 = arith.constant 0 : i32
      %cond3A_1982 = arith.cmpi ne, %convert_element_type3A_1980, %cond3A_1981 : i32
      scf.if %cond3A_1982 {
        %add3A_1983 = arith.constant 2 : i32
        %add3A_1984 = arith.addi %add3A_1013, %add3A_1983 : i32
        %mul3A_1985 = arith.constant 8 : i32
        %mul3A_1986 = arith.muli %mul3A_1985, %add3A_1984 : i32
        %add3A_1987 = arith.addi %mul3A_2, %mul3A_1986 : i32
        %dma_start3A_1988 = arith.constant 0 : i32
        %dma_start3A_1989 = tpu.memref_slice %arg2[%add3A_1987, %dma_start3A_1988] : memref<4096x200xi32, #tpu.memory_space<hbm>> -> memref<8x128xi32, #tpu.memory_space<hbm>>
        %dma_start3A_1990 = arith.constant 0 : i32
        %dma_start3A_1991 = tpu.memref_slice %arg2[%add3A_1987, %dma_start3A_1990] : memref<4096x200xi32, #tpu.memory_space<hbm>> -> memref<8x128xi32, #tpu.memory_space<hbm>>
        tpu.enqueue_dma source(%dma_start3A_1991 : memref<8x128xi32, #tpu.memory_space<hbm>>) target(%arg5 : memref<8x128xi32, #tpu.memory_space<vmem>>) target_semaphore(%arg11 : memref<!tpu.dma_semaphore, #tpu.memory_space<semaphore_mem>>)
        %mul3A_1992 = arith.constant 8 : i32
        %mul3A_1993 = arith.muli %mul3A_1992, %add3A_1984 : i32
        %add3A_1994 = arith.addi %mul3A_2, %mul3A_1993 : i32
        %dma_start3A_1995 = arith.constant 128 : i32
        %dma_start3A_1996 = tpu.memref_slice %arg2[%add3A_1994, %dma_start3A_1995] : memref<4096x200xi32, #tpu.memory_space<hbm>> -> memref<8x72xi32, #tpu.memory_space<hbm>>
        %dma_start3A_1997 = arith.constant 128 : i32
        %dma_start3A_1998 = tpu.memref_slice %arg2[%add3A_1994, %dma_start3A_1997] : memref<4096x200xi32, #tpu.memory_space<hbm>> -> memref<8x72xi32, #tpu.memory_space<hbm>>
        tpu.enqueue_dma source(%dma_start3A_1998 : memref<8x72xi32, #tpu.memory_space<hbm>>) target(%arg7 : memref<8x72xi32, #tpu.memory_space<vmem>>) target_semaphore(%arg11 : memref<!tpu.dma_semaphore, #tpu.memory_space<semaphore_mem>>)
      } else {
      }
    }
    %scan3A_30 = arith.constant 8 : i32
    %add3A_31 = arith.constant 112 : i32
    %add3A_32 = arith.addi %mul3A_2, %add3A_31 : i32
    %mul3A_33 = arith.constant 200 : i32
    %mul3A_34 = arith.muli %add3A_32, %mul3A_33 : i32
    %dma_wait3A = tpu.memref_slice %arg3[%mul3A_34] : memref<819200xi32, #tpu.memory_space<hbm>> -> memref<1600xi32, #tpu.memory_space<hbm>>
    %dma_wait3A_35 = tpu.memref_slice %arg3[%mul3A_34] : memref<819200xi32, #tpu.memory_space<hbm>> -> memref<1600xi32, #tpu.memory_space<hbm>>
    tpu.wait_dma2 semaphore(%arg12 : memref<!tpu.dma_semaphore, #tpu.memory_space<semaphore_mem>>) src(%arg8 : memref<1600xi32, #tpu.memory_space<vmem>>) dst(%dma_wait3A_35 : memref<1600xi32, #tpu.memory_space<hbm>>)
    %add3A_36 = arith.constant 120 : i32
    %add3A_37 = arith.addi %mul3A_2, %add3A_36 : i32
    %mul3A_38 = arith.constant 200 : i32
    %mul3A_39 = arith.muli %add3A_37, %mul3A_38 : i32
    %dma_wait3A_40 = tpu.memref_slice %arg3[%mul3A_39] : memref<819200xi32, #tpu.memory_space<hbm>> -> memref<1600xi32, #tpu.memory_space<hbm>>
    %dma_wait3A_41 = tpu.memref_slice %arg3[%mul3A_39] : memref<819200xi32, #tpu.memory_space<hbm>> -> memref<1600xi32, #tpu.memory_space<hbm>>
    tpu.wait_dma2 semaphore(%arg13 : memref<!tpu.dma_semaphore, #tpu.memory_space<semaphore_mem>>) src(%arg9 : memref<1600xi32, #tpu.memory_space<vmem>>) dst(%dma_wait3A_41 : memref<1600xi32, #tpu.memory_space<hbm>>)
    return
  }
}

module attributes {stable_mosaic.version = 14 : i64} {
  func.func @body(%arg0: memref<4096x64xf32, #tpu.memory_space<vmem>>, %arg1: memref<64x32xf32, #tpu.memory_space<vmem>>, %arg2: memref<1x32xf32, #tpu.memory_space<vmem>>, %arg3: memref<32x1xf32, #tpu.memory_space<vmem>>, %arg4: memref<1x1xf32, #tpu.memory_space<vmem>>, %arg5: memref<4096x1xf32, #tpu.memory_space<vmem>>) attributes {dimension_semantics = [], scalar_prefetch = 0 : i64, scratch_operands = 0 : i64, tpu.core_type = #tpu.core_type<tc>} {
    %get3A = arith.constant 0 : index
    %get3A_0 = arith.constant 0 : index
    %get3A_1 = vector.load %arg0[%get3A, %get3A_0] : memref<4096x64xf32, #tpu.memory_space<vmem>>, vector<4096x64xf32>
    %get3A_2 = arith.constant 0 : index
    %get3A_3 = arith.constant 0 : index
    %get3A_4 = vector.load %arg1[%get3A_2, %get3A_3] : memref<64x32xf32, #tpu.memory_space<vmem>>, vector<64x32xf32>
    %dot_general3A = arith.constant dense<0.000000e+00> : vector<4096x32xf32>
    %dot_general3A_5 = tpu.matmul %get3A_1, %get3A_4, %dot_general3A {dimension_numbers = #tpu.dot_dimension_numbers<[1], [0], [0], [1], [0, 0, 1, 1], [], []>, transpose_lhs_hint = false} : vector<4096x64xf32>, vector<64x32xf32>, vector<4096x32xf32> -> vector<4096x32xf32>
    %get3A_6 = arith.constant 0 : index
    %get3A_7 = arith.constant 0 : index
    %get3A_8 = vector.load %arg2[%get3A_6, %get3A_7] : memref<1x32xf32, #tpu.memory_space<vmem>>, vector<1x32xf32>
    %add3A = vector.broadcast %get3A_8 : vector<1x32xf32> to vector<4096x32xf32>
    %add3A_9 = arith.addf %dot_general3A_5, %add3A : vector<4096x32xf32>
    %max3A = arith.constant 0.000000e+00 : f32
    %max3A_10 = vector.broadcast %max3A : f32 to vector<4096x32xf32>
    %max3A_11 = arith.maximumf %add3A_9, %max3A_10 : vector<4096x32xf32>
    %get3A_12 = arith.constant 0 : index
    %get3A_13 = arith.constant 0 : index
    %get3A_14 = vector.load %arg3[%get3A_12, %get3A_13] : memref<32x1xf32, #tpu.memory_space<vmem>>, vector<32x1xf32>
    %dot_general3A_15 = arith.constant dense<0.000000e+00> : vector<4096x1xf32>
    %dot_general3A_16 = tpu.matmul %max3A_11, %get3A_14, %dot_general3A_15 {dimension_numbers = #tpu.dot_dimension_numbers<[1], [0], [0], [1], [0, 0, 1, 1], [], []>, transpose_lhs_hint = false} : vector<4096x32xf32>, vector<32x1xf32>, vector<4096x1xf32> -> vector<4096x1xf32>
    %get3A_17 = arith.constant 0 : index
    %get3A_18 = arith.constant 0 : index
    %get3A_19 = vector.load %arg4[%get3A_17, %get3A_18] : memref<1x1xf32, #tpu.memory_space<vmem>>, vector<1x1xf32>
    %add3A_20 = vector.broadcast %get3A_19 : vector<1x1xf32> to vector<4096x1xf32>
    %add3A_21 = arith.addf %dot_general3A_16, %add3A_20 : vector<4096x1xf32>
    %swap3A = arith.constant 0 : index
    %swap3A_22 = arith.constant 0 : index
    %swap3A_23 = vector.load %arg5[%swap3A, %swap3A_22] : memref<4096x1xf32, #tpu.memory_space<vmem>>, vector<4096x1xf32>
    tpu.vector_store %arg5[%swap3A, %swap3A_22], %add3A_21 {strides = array<i32>} : memref<4096x1xf32, #tpu.memory_space<vmem>>, vector<4096x1xf32>,
    return
  }
}

</mosaic_0001>

<sc_bundles>
// kernel: kernel.5.cloned.1.call-start
scs
__scs_entry_jumppad:
0x0: {  	(pc) =	sbr.rel $0x88, $3  }
0x1: {  	(tag) =	ssettag $0x0;
	lr =	simm.s32 $0x1  }
0x2: {  	[smem:$0x3F9B] =	sst lr;
	_ =	strace $0xD0000000  }
0x3: {  	_ = 	snop  }
0x4: {  	_ = 	snop  }
0x5: {  	_ = 	snop  }
0x6: {  	_ = 	snop  }
0x7: {  	_ = 	snop  }
__scs_overlays_trampoline_lowered:
0x8: {  	[smem:$0x3FAA] =	sst s0  }
0x9: {  	[smem:$0x3FAB] =	sst s1  }
0xa: {  	[smem:$0x3FAC] =	sst s2  }
0xb: {  	[smem:$0x3FAD] =	sst s3  }
0xc: {  	[smem:$0x3FAE] =	sst s4  }
0xd: {  	[smem:$0x3FAF] =	sst s5  }
0xe: {  	[smem:$0x3FB0] =	sst s6  }
0xf: {  	[smem:$0x3FB1] =	sst s7  }
0x10: {  	[smem:$0x3FB2] =	sst s8  }
0x11: {  	[smem:$0x3FB3] =	sst s9;
	s0 =	simm.s32 @!p0 $0x0  }
0x12: {  	s1 =	sld [smem:$0x3F99];
	s0 =	simm.s32 @p0 $0x1  }
0x13: {  	[smem:$0x3FB4] =	sst s0;
	s0 =	simm.s32 @!p1 $0x0  }
0x14: {  	s2 =	sld [smem:$0x3F98];
	s0 =	simm.s32 @p1 $0x1  }
0x15: {  	[smem:$0x3FB5] =	sst s0;
	s0 =	simm.s32 @!p2 $0x0  }
0x16: {  	s3 =	sld [smem:$0x3FDB];
	s0 =	simm.s32 @p2 $0x1  }
0x17: {  	s4 =	simm.s32 $0x1BF5;
	[smem:$0x3FB7] =	sst s0  }
0x18: {  	s0 =	sld [smem:$0x3F9A];
	_ =	swait.ge [sflag:s4], $0x0  }
0x19: {  	s7 =	sld [smem:$0x3F9B]  }
0x1a: {  	s8 =	sadd.s32 $0xFFFFE003, lr  }
0x1b: {  	s9 =	sadd.s32 $0xFFFFFEF7, lr;
	s5 =	simm.s32 $0xFFFFFFFF;
	p2 =	slt.u32 s8, $0xFFFFF086  }
0x1c: {  	p1 =	slt.u32 s9, $0xF7A;
	s5 =	simm.s32 @!p2 $0x0  }
0x1d: {  	s5 =	simm.s32 @p1 $0x1;
	p0 =	seq.s32 s7, s2  }
0x1e: {  	s7 =	smul.u32 @!p0 $0xF7A, s2;
	p2 =	seq.s32 @!p0 s5, $0x0  }
0x1f: {  	s9 =	smul.u32 $0xF7A, s1;
	s8 =	simm.s32 @!p0 $0x1BF5;
	p2 =	por !p2, p0  }
0x20: {  	[sflag:s8] =	ssyncset.s32 @!p0 $0xFFFFF086;
	s6 =	sadd.s32 @!p0 s3, s7;
	s7 =	simm.s32 @!p0 $0x108  }
0x21: {  	s3 =	sadd.s32 s3, s9;
	s6 =	sadd.s32 @!p0 $0x88, s6;
	s7 =	simm.s32 @p2 $0x1082  }
0x22: {  	[simem:s7], [sflag:s8] =	dma.local @!p0 [hbm:s6], $0xF7A  }
0x23: {  	s9 =	sor.u32 $0xD0000000, s2;
	s6 =	simm.s32 $0x108;
	_ =	swait.ge @!p0 [sflag:s8], $0x0  }
0x24: {  	s3 =	sadd.s32 $0x88, s3;
	s6 =	simm.s32 @!p1 $0x1082;
	[sflag:s4] =	ssyncset.s32 $0xFFFFF086  }
0x25: {  	[simem:s6], [sflag:s4] =	dma.local [hbm:s3], $0xF7A  }
0x26: {  	[smem:$0x3F9B] =	sst s1;
	(tag) =	ssettag s2;
	_ =	strace s9  }
0x27: {  	s1 =	sld [smem:$0x3FAB]  }
0x28: {  	s2 =	sld [smem:$0x3FAC]  }
0x29: {  	s4 =	sld [smem:$0x3FAE]  }
0x2a: {  	p0 =	seq.s32 s5, $0x0;
	s5 =	sld [smem:$0x3FAF]  }
0x2b: {  	s6 =	sld [smem:$0x3FB0]  }
0x2c: {  	s7 =	sld [smem:$0x3FB1]  }
0x2d: {  	s3 =	simm.s32 $0x108;
	s8 =	sld [smem:$0x3FB2]  }
0x2e: {  	s3 =	simm.s32 @!p0 $0x1082;
	s9 =	sld [smem:$0x3FB3]  }
0x2f: {  	lr =	sadd.s32 s0, s3;
	s0 =	sld [smem:$0x3FAA]  }
0x30: {  	s3 =	sld [smem:$0x3FAD]  }
0x31: {  	[smem:$0x3FB6] =	sst s10  }
0x32: {  	s10 =	sld [smem:$0x3FB4];
	_ =	sdelay $0x3  }
0x33: {  	p0 =	seq.s32 s10, $0x1;
	s10 =	sld [smem:$0x3FB6];
	_ =	sdelay $0x3  }
0x34: {  	[smem:$0x3FB6] =	sst s10  }
0x35: {  	s10 =	sld [smem:$0x3FB5];
	_ =	sdelay $0x3  }
0x36: {  	p1 =	seq.s32 s10, $0x1;
	s10 =	sld [smem:$0x3FB6];
	_ =	sdelay $0x3  }
0x37: {  	[smem:$0x3FB6] =	sst s10  }
0x38: {  	s10 =	sld [smem:$0x3FB7]  }
0x39: {  	_ = 	snop;
	(pc) =	sbr.ind lr, $3  }
0x3a: {  	_ = 	snop  }
0x3b: {  	_ = 	snop  }
0x3c: {  	p2 =	seq.s32 s10, $0x1;
	s10 =	sld [smem:$0x3FB6]  }
0x3d: {  	_ =	shalt  }
0x3e: {  	_ =	shalt  }
0x3f: {  	_ =	shalt  }
0x40: {  	_ =	shalt  }
0x41: {  	_ =	shalt  }
0x42: {  	_ =	shalt  }
0x43: {  	_ =	shalt  }
0x44: {  	_ =	shalt  }
0x45: {  	_ =	shalt  }
0x46: {  	_ =	shalt  }
0x47: {  	_ =	shalt  }
0x48: {  	_ =	shalt  }
0x49: {  	_ =	shalt  }
0x4a: {  	_ =	shalt  }
0x4b: {  	_ =	shalt  }
0x4c: {  	_ =	shalt  }
0x4d: {  	_ =	shalt  }
0x4e: {  	_ =	shalt  }
0x4f: {  	_ =	shalt  }
0x50: {  	_ =	shalt  }
0x51: {  	_ =	shalt  }
0x52: {  	_ =	shalt  }
0x53: {  	_ =	shalt  }
0x54: {  	_ =	shalt  }
0x55: {  	_ =	shalt  }
0x56: {  	_ =	shalt  }
0x57: {  	_ =	shalt  }
0x58: {  	_ =	shalt  }
0x59: {  	_ =	shalt  }
0x5a: {  	_ =	shalt  }
0x5b: {  	_ =	shalt  }
0x5c: {  	_ =	shalt  }
0x5d: {  	_ =	shalt  }
0x5e: {  	_ =	shalt  }
0x5f: {  	_ =	shalt  }
0x60: {  	_ =	shalt  }
0x61: {  	_ =	shalt  }
0x62: {  	_ =	shalt  }
0x63: {  	_ =	shalt  }
0x64: {  	_ =	shalt  }
0x65: {  	_ =	shalt  }
0x66: {  	_ =	shalt  }
0x67: {  	_ =	shalt  }
0x68: {  	_ =	shalt  }
0x69: {  	_ =	shalt  }
0x6a: {  	_ =	shalt  }
0x6b: {  	_ =	shalt  }
0x6c: {  	_ =	shalt  }
0x6d: {  	_ =	shalt  }
0x6e: {  	_ =	shalt  }
0x6f: {  	_ =	shalt  }
0x70: {  	_ =	shalt  }
0x71: {  	_ =	shalt  }
0x72: {  	_ =	shalt  }
0x73: {  	_ =	shalt  }
0x74: {  	_ =	shalt  }
0x75: {  	_ =	shalt  }
0x76: {  	_ =	shalt  }
0x77: {  	_ =	shalt  }
0x78: {  	_ =	shalt  }
0x79: {  	_ =	shalt  }
0x7a: {  	_ =	shalt  }
0x7b: {  	_ =	shalt  }
0x7c: {  	_ =	shalt  }
0x7d: {  	_ =	shalt  }
0x7e: {  	_ =	shalt  }
0x7f: {  	_ =	shalt  }
0x80: {  	_ =	shalt  }
0x81: {  	_ =	shalt  }
0x82: {  	_ =	shalt  }
0x83: {  	_ =	shalt  }
0x84: {  	_ =	shalt  }
0x85: {  	_ =	shalt  }
0x86: {  	_ =	shalt  }
0x87: {  	_ =	shalt  }
.Lfunc_end0:
.L_simem_size_0:
called_computation_lowered:
.L_overlay_start_0:
0x88: {  	s2 =	sld [smem:$0x3FD9]  }
0x89: {  	s3 =	sld [smem:$0x3FFE];
	_ =	sdelay $0x1  }
0x8a: {  	s1 =	srdreg.scid  }
0x8b: {  	s0 =	sand.u32 $0x1, s1  }
0x8c: {  	s16 =	sshll.u32 s0, $0xA;
	s2 =	sadd.s32 s3, s2  }
0x8d: {  	s2 =	sadd.s32 s2, s16  }
0x8e: {  	[smem:$0x3FC2] =	sst s2  }
0x8f: {  	_ = 	snop  }
0x90: {  	(tm) =	ssettm $0x1  }
0x91: {  	s17 =	sld [smem:$0x3FFB];
	_ =	sdelay $0x3  }
0x92: {  	_ =	strace s17  }
0x93: {  	s2 =	sld [smem:$0x3FFC];
	_ =	sdelay $0x3  }
0x94: {  	_ =	strace s2  }
0x95: {  	s2 =	sld [smem:$0x3FFD];
	_ =	sdelay $0x3  }
0x96: {  	_ =	strace s2  }
0x97: {  	_ =	strace $0x8FFFFFFF  }
0x98: {  	s18 =	sld [smem:$0x3FDB];
	_ =	sdelay $0x1  }
0x99: {  	s19 =	simm.s32 $_scs_section_size  }
0x9a: {  	s4 =	simm.s32 $_size__tile_overlayer_lowered;
	s5 =	simm.s32 $_tile_overlayer_lowered  }
0x9b: {  	s22 =	simm.s32 $0x1BFF;
	s21 =	sshll.u32 s5, $0x1;
	s2 =	sadd.s32 s19, s18  }
0x9c: {  	s6 =	simm.s32 $0x0;
	s20 =	sshll.u32 s4, $0x1;
	s4 =	sadd.s32 s21, s2  }
0x9d: {  	[timem:s6], [sflag:s22] =	dma.local [hbm:s4], s20  }
0x9e: {  	_ =	swait.ge [sflag:s22], s20  }
0x9f: {  	s3 =	ssub.s32 $0x0, s20;
	[sflag:s22] =	ssyncset.done $0x0  }
0xa0: {  	[sflag:s22] =	ssyncadd.s32 s3;
	_ =	sdelay $0x1  }
0xa1: {  	s23 =	simm.s32 $0x1B8B  }
0xa2: {  	_ =	swait.ge [sflag:s23], $0x1  }
0xa3: {  	[sflag:s23] =	ssyncset.done $0x0  }
0xa4: {  	s25 =	simm.s32 $0x1B8E;
	s24 =	sld [smem:$0x3FFE];
	[sflag:s23] =	ssyncadd.s32 $0xFFFFFFFF  }
0xa5: {  	s26 =	simm.s32 $execute0_lowered;
	[smem:$0x3FD2] =	sst s25  }
0xa6: {  	s4 =	sshll.u32 s26, $0x1;
	_ =	strace $0x80000046;
	[dreg:$0x1] =	wrdreg $0xFFFFFFFF  }
0xa7: {  	s28 =	simm.s32 $_size_execute0_lowered;
	s2 =	sadd.s32 s2, s4;
	[dreg:$0x0] =	wrdreg $0x0  }
0xa8: {  	s4 =	sshll.u32 s28, $0x1;
	[dreg:$0x2] =	wrdreg s2  }
0xa9: {  	[dreg:$0x3] =	wrdreg s4  }
0xaa: {  	[dreg:$0x4] =	wrdreg $0xC0  }
0xab: {  	_ =	task [dreg:s6], $0x5FFFF  }
0xac: {  	[dreg:$0x1] =	wrdreg $0xFFFFFFFF  }
0xad: {  	[dreg:$0x0] =	wrdreg $0x60  }
0xae: {  	[dreg:$0x2] =	wrdreg s24  }
0xaf: {  	[dreg:$0x3] =	wrdreg $0x9  }
0xb0: {  	_ =	task.clear_ibuf [dreg:s6], $0x4FFFF;
	_ =	strace $0x90000046  }
0xb1: {  	s29 =	simm.s32 $0x9;
	_ =	strace $0x80000048  }
0xb2: {  	_ =	swait.ge [sflag:s29], $0x1  }
0xb3: {  	[sflag:s29] =	ssyncadd.s32 $0xFFFFFFFF  }
0xb4: {  	_ =	strace $0x90000048  }
0xb5: {  	_ =	sfence  }
0xb6: {  	s30 =	sld [smem:$0x0];
	_ =	sdelay $0x2  }
0xb7: {  	s31 =	sshll.u32 s1, $0xD;
	s1 =	sshrl.u32 s1, $0x2  }
0xb8: {  	s3 =	sand.u32 $0x4000, s31;
	s1 =	sadd.s32 s1, s30  }
0xb9: {  	s0 =	sor.u32 s3, s0;
	s1 =	sshll.u32 s1, $0x11  }
0xba: {  	s0 =	sor.u32 s1, s0  }
0xbb: {  	s0 =	sadd.s32 $0x8F2B, s0  }
0xbc: {  	[sflag:s0] =	ssyncadd.remote.s32 $0x1  }
0xbd: {  	_ =	sfence.sel $0xFFFF  }
0xbe: {  	[dreg:$0x0] =	wrdreg $0xFFFFFFFF;
	(pc) =	sbr.abs _section_cstart, $3  }
0xbf: {  	[dreg:$0x1] =	wrdreg $0xFFFFFFFF  }
0xc0: {  	_ =	task.clear_ibuf [dreg:s6], $0x2FFFF;
	_ =	strace $0x9FFFFFFF  }
0xc1: {  	(tm) =	ssettm $0x7FFFFFFF  }
tec
execute0_lowered:
.L_overlay_start_1:
0x0: {  	(tag) =	ssettag $0x1  }
0x1: {  	s3 =	rddreg [dreg:$0x0]  }
0x2: {  	s2 =	srdreg.scid;
	s0 =	rddreg [dreg:$0x1]  }
0x3: {  	s1 =	stileid.u32;
	s11 =	simm.s32 $0xC00;
	s12 =	simm.s32 $0x1  }
0x4: {  	s13 =	simm.s32 $0x1000;
	s14 =	simm.s32 $0x2;
	s15 =	simm.s32 $0x1680  }
0x5: {  	s16 =	simm.s32 $0x3;
	s17 =	simm.s32 $0x4;
	s18 =	simm.s32 $0x0  }
0x6: {  	s4 =	sand.u32 $0x1, s2;
	s2 =	simm.s32 $0x0;
	s5 =	sshll.u32 s1, $0xD  }
0x7: {  	s29 =	smul.u32 $0x1900, s1;
	s6 =	sshll.u32 s4, $0xC;
	[smem:$0x7FF] =	sst s2  }
0x8: {  	s30 =	ssub.s32 $0x2, s4;
	s9 =	smul.u32 $0xC80, s4;
	s5 =	sor.u32 s6, s5  }
.Ltmp0:
0x9: {  	_ =	strace $0x80000047;
	s31 =	sshrl.u32 s30, $0x1;
	(pc) =	sbr.rel .LBB2_1-.Ltmp0, $4  }
0xa: {  	s8 =	sadd.s32 s29, s3;
	s7 =	sadd.s32 s5, s3;
	s10 =	ssub.s32 s30, s31  }
0xb: {  	s8 =	sadd.s32 s9, s8;
	s9 =	simm.s32 $0x800;
	s3 =	sadd.s32 $0xA00, s7  }
0xc: {  	s4 =	sadd.s32 $0xA80, s7;
	s5 =	sadd.s32 $0xB00, s7;
	s6 =	sadd.s32 $0xB80, s7  }
0xd: {  	s7 =	smax.u32 s10, $0x1;
	s8 =	sadd.s32 $0x20A00, s8;
	s10 =	simm.s32 $0x400  }
.LBB2_4:
0xe: {  	s18 =	sadd.s32 $0x1, s18  }
0xf: {  	_ =	swait.ge [sflag:s16], $0x640;
	p0 =	sne.s32 s18, s7  }
.Ltmp1:
0x10: {  	[sflag:s16] =	ssyncset.done $0x0;
	(pc) =	sbr.rel @!p0 .LBB2_5-.Ltmp1, $4  }
0x11: {  	[sflag:s16] =	ssyncadd.s32 $0xFFFFF9C0  }
0x12: {  	_ =	swait.ge [sflag:s17], $0x640  }
0x13: {  	[sflag:s17] =	ssyncset.done $0x0  }
0x14: {  	[sflag:s17] =	ssyncadd.s32 $0xFFFFF9C0  }
.LBB2_1:
0x15: {  	[tilespmem:s2], [sflag:$0x1] =	stream.linear.gather [hbm4b:s3+s2], $0x400, $0x38;
	[tilespmem:$0x1D00] =	vst v63  }
0x16: {  	_ = 	snop  }
0x17: {  	[tilespmem:s9], [sflag:$0x1] =	stream.linear.gather [hbm4b:s4+s2], $0x400, $0x38;
	[tilespmem:$0x1D00] =	vst v63  }
0x18: {  	_ = 	snop  }
0x19: {  	[tilespmem:s10], [sflag:$0x2] =	stream.linear.gather [hbm4b:s5+s2], $0x400, $0x38;
	[tilespmem:$0x1D00] =	vst v63  }
0x1a: {  	s19 =	simm.s32 $0x0;
	s20 =	smov.u32 s8  }
0x1b: {  	[tilespmem:s11], [sflag:$0x2] =	stream.linear.gather [hbm4b:s6+s2], $0x400, $0x38;
	[tilespmem:$0x1D00] =	vst v63  }
.LBB2_2:
0x1c: {  	_ =	swait.ge [sflag:s12], $0x400  }
0x1d: {  	[sflag:s12] =	ssyncset.done $0x0  }
0x1e: {  	[sflag:s12] =	ssyncadd.s32 $0xFFFFFC00  }
0x1f: {  	_ =	swait.ge [sflag:s12], $0x400  }
0x20: {  	p0 =	seq.s32 s19, $0x0;
	[sflag:s12] =	ssyncset.done $0x0  }
0x21: {  	s21 =	simm.s32 @!p0 $0x3;
	[sflag:s12] =	ssyncadd.s32 $0xFFFFFC00  }
0x22: {  	_ =	swait.ge @!p0 [sflag:s21], $0x640  }
0x23: {  	[sflag:s21] =	ssyncset.done @!p0 $0x0  }
0x24: {  	[sflag:s21] =	ssyncadd.s32 @!p0 $0xFFFFF9C0  }
0x25: {  	v0 =	vld [tilespmem:$0x0]  }
0x26: {  	v1 =	vld [tilespmem:$0x10]  }
0x27: {  	v2 =	vld [tilespmem:$0x20]  }
0x28: {  	v3 =	vld [tilespmem:$0x30]  }
0x29: {  	v4 =	vld [tilespmem:$0x40]  }
0x2a: {  	v29 =	vld [tilespmem:$0x50];
	[tilespmem:$0x1000] =	vst v0  }
0x2b: {  	v30 =	vld [tilespmem:$0x60];
	[tilespmem:$0x1010] =	vst v1  }
0x2c: {  	v31 =	vld [tilespmem:$0x70];
	[tilespmem:$0x1020] =	vst v2  }
0x2d: {  	v32 =	vld [tilespmem:$0x800];
	[tilespmem:$0x1030] =	vst v3  }
0x2e: {  	v33 =	vld [tilespmem:$0x810];
	[tilespmem:$0x1040] =	vst v4  }
0x2f: {  	v34 =	vld [tilespmem:$0x820];
	[tilespmem:$0x1050] =	vst v29  }
0x30: {  	v35 =	vld [tilespmem:$0x830];
	[tilespmem:$0x1060] =	vst v30  }
0x31: {  	v37 =	vld [tilespmem:$0x80];
	[tilespmem:$0x1070] =	vst v31  }
0x32: {  	v38 =	vld [tilespmem:$0x90];
	[tilespmem:$0x1080] =	vst v32  }
0x33: {  	v39 =	vld [tilespmem:$0xA0];
	[tilespmem:$0x1090] =	vst v33  }
0x34: {  	v40 =	vld [tilespmem:$0xB0];
	[tilespmem:$0x10A0] =	vst v34  }
0x35: {  	v41 =	vld [tilespmem:$0xC0];
	[tilespmem:$0x10B0] =	vst v35  }
0x36: {  	v42 =	vld [tilespmem:$0xD0];
	[tilespmem:$0x10C8] =	vst v37  }
0x37: {  	v43 =	vld [tilespmem:$0xE0];
	[tilespmem:$0x10D8] =	vst v38  }
0x38: {  	v44 =	vld [tilespmem:$0xF0];
	[tilespmem:$0x10E8] =	vst v39  }
0x39: {  	v45 =	vld [tilespmem:$0x880];
	[tilespmem:$0x10F8] =	vst v40  }
0x3a: {  	v46 =	vld [tilespmem:$0x890];
	[tilespmem:$0x1108] =	vst v41  }
0x3b: {  	v47 =	vld [tilespmem:$0x8A0];
	[tilespmem:$0x1118] =	vst v42  }
0x3c: {  	v48 =	vld [tilespmem:$0x8B0];
	[tilespmem:$0x1128] =	vst v43  }
0x3d: {  	v50 =	vld [tilespmem:$0x100];
	[tilespmem:$0x1138] =	vst v44  }
0x3e: {  	v51 =	vld [tilespmem:$0x110];
	[tilespmem:$0x1148] =	vst v45  }
0x3f: {  	v52 =	vld [tilespmem:$0x120];
	[tilespmem:$0x1158] =	vst v46  }
0x40: {  	v53 =	vld [tilespmem:$0x130];
	[tilespmem:$0x1168] =	vst v47  }
0x41: {  	v54 =	vld [tilespmem:$0x140];
	[tilespmem:$0x1178] =	vst v48  }
0x42: {  	v55 =	vld [tilespmem:$0x150];
	[tilespmem:$0x1190] =	vst v50  }
0x43: {  	v56 =	vld [tilespmem:$0x160];
	[tilespmem:$0x11A0] =	vst v51  }
0x44: {  	v57 =	vld [tilespmem:$0x170];
	[tilespmem:$0x11B0] =	vst v52  }
0x45: {  	v58 =	vld [tilespmem:$0x900];
	[tilespmem:$0x11C0] =	vst v53  }
0x46: {  	v59 =	vld [tilespmem:$0x910];
	[tilespmem:$0x11D0] =	vst v54  }
0x47: {  	v60 =	vld [tilespmem:$0x920];
	[tilespmem:$0x11E0] =	vst v55  }
0x48: {  	v61 =	vld [tilespmem:$0x930];
	[tilespmem:$0x11F0] =	vst v56  }
0x49: {  	v63 =	vld [tilespmem:$0x180];
	[tilespmem:$0x1200] =	vst v57  }
0x4a: {  	v8 =	vld [tilespmem:$0x190];
	[tilespmem:$0x1210] =	vst v58  }
0x4b: {  	v9 =	vld [tilespmem:$0x1A0];
	[tilespmem:$0x1220] =	vst v59  }
0x4c: {  	v10 =	vld [tilespmem:$0x1B0];
	[tilespmem:$0x1230] =	vst v60  }
0x4d: {  	v11 =	vld [tilespmem:$0x1C0];
	[tilespmem:$0x1240] =	vst v61  }
0x4e: {  	v12 =	vld [tilespmem:$0x1D0];
	[tilespmem:$0x1258] =	vst v63  }
0x4f: {  	v13 =	vld [tilespmem:$0x1E0];
	[tilespmem:$0x1268] =	vst v8  }
0x50: {  	v14 =	vld [tilespmem:$0x1F0];
	[tilespmem:$0x1278] =	vst v9  }
0x51: {  	v15 =	vld [tilespmem:$0x980];
	[tilespmem:$0x1288] =	vst v10  }
0x52: {  	v16 =	vld [tilespmem:$0x990];
	[tilespmem:$0x1298] =	vst v11  }
0x53: {  	v17 =	vld [tilespmem:$0x9A0];
	[tilespmem:$0x12A8] =	vst v12  }
0x54: {  	v18 =	vld [tilespmem:$0x9B0];
	[tilespmem:$0x12B8] =	vst v13  }
0x55: {  	v20 =	vld [tilespmem:$0x200];
	[tilespmem:$0x12C8] =	vst v14  }
0x56: {  	v21 =	vld [tilespmem:$0x210];
	[tilespmem:$0x12D8] =	vst v15  }
0x57: {  	v22 =	vld [tilespmem:$0x220];
	[tilespmem:$0x12E8] =	vst v16  }
0x58: {  	v23 =	vld [tilespmem:$0x230];
	[tilespmem:$0x12F8] =	vst v17  }
0x59: {  	v24 =	vld [tilespmem:$0x240];
	[tilespmem:$0x1308] =	vst v18  }
0x5a: {  	v25 =	vld [tilespmem:$0x250];
	[tilespmem:$0x1320] =	vst v20  }
0x5b: {  	v26 =	vld [tilespmem:$0x260];
	[tilespmem:$0x1330] =	vst v21  }
0x5c: {  	v27 =	vld [tilespmem:$0x270];
	[tilespmem:$0x1340] =	vst v22  }
0x5d: {  	v28 =	vld [tilespmem:$0xA00];
	[tilespmem:$0x1350] =	vst v23  }
0x5e: {  	v36 =	vld [tilespmem:$0x838];
	[tilespmem:$0x1360] =	vst v24  }
0x5f: {  	v49 =	vld [tilespmem:$0x8B8];
	[tilespmem:$0x1370] =	vst v25  }
0x60: {  	v62 =	vld [tilespmem:$0x938];
	[tilespmem:$0x1380] =	vst v26  }
0x61: {  	v19 =	vld [tilespmem:$0x9B8];
	[tilespmem:$0x1390] =	vst v27  }
0x62: {  	v29 =	vld [tilespmem:$0xA10];
	[tilespmem:$0x13A0] =	vst v28  }
0x63: {  	v30 =	vld [tilespmem:$0xA20];
	[tilespmem:$0x10B8] =	vst v36  }
0x64: {  	v31 =	vld [tilespmem:$0xA30];
	[tilespmem:$0x1180] =	vst v49  }
0x65: {  	v33 =	vld [tilespmem:$0x280];
	[tilespmem:$0x1248] =	vst v62  }
0x66: {  	v34 =	vld [tilespmem:$0x290];
	[tilespmem:$0x1310] =	vst v19  }
0x67: {  	v35 =	vld [tilespmem:$0x2A0];
	[tilespmem:$0x13B0] =	vst v29  }
0x68: {  	v37 =	vld [tilespmem:$0x2C0];
	[tilespmem:$0x13C0] =	vst v30  }
0x69: {  	v38 =	vld [tilespmem:$0x2D0];
	[tilespmem:$0x13D0] =	vst v31  }
0x6a: {  	v39 =	vld [tilespmem:$0x2E0];
	[tilespmem:$0x13E8] =	vst v33  }
0x6b: {  	v40 =	vld [tilespmem:$0x2F0];
	[tilespmem:$0x13F8] =	vst v34  }
0x6c: {  	v41 =	vld [tilespmem:$0xA80];
	[tilespmem:$0x1408] =	vst v35  }
0x6d: {  	v42 =	vld [tilespmem:$0xA90];
	[tilespmem:$0x1428] =	vst v37  }
0x6e: {  	v43 =	vld [tilespmem:$0xAA0];
	[tilespmem:$0x1438] =	vst v38  }
0x6f: {  	v44 =	vld [tilespmem:$0xAB0];
	[tilespmem:$0x1448] =	vst v39  }
0x70: {  	v46 =	vld [tilespmem:$0x300];
	[tilespmem:$0x1458] =	vst v40  }
0x71: {  	v47 =	vld [tilespmem:$0x310];
	[tilespmem:$0x1468] =	vst v41  }
0x72: {  	v48 =	vld [tilespmem:$0x320];
	[tilespmem:$0x1478] =	vst v42  }
0x73: {  	v50 =	vld [tilespmem:$0x340];
	[tilespmem:$0x1488] =	vst v43  }
0x74: {  	v51 =	vld [tilespmem:$0x350];
	[tilespmem:$0x1498] =	vst v44  }
0x75: {  	v52 =	vld [tilespmem:$0x360];
	[tilespmem:$0x14B0] =	vst v46  }
0x76: {  	v53 =	vld [tilespmem:$0x370];
	[tilespmem:$0x14C0] =	vst v47  }
0x77: {  	v54 =	vld [tilespmem:$0xB00];
	[tilespmem:$0x14D0] =	vst v48  }
0x78: {  	v55 =	vld [tilespmem:$0xB10];
	[tilespmem:$0x14F0] =	vst v50  }
0x79: {  	v56 =	vld [tilespmem:$0xB20];
	[tilespmem:$0x1500] =	vst v51  }
0x7a: {  	v57 =	vld [tilespmem:$0xB30];
	[tilespmem:$0x1510] =	vst v52  }
0x7b: {  	v59 =	vld [tilespmem:$0x380];
	[tilespmem:$0x1520] =	vst v53  }
0x7c: {  	v60 =	vld [tilespmem:$0x390];
	[tilespmem:$0x1530] =	vst v54  }
0x7d: {  	v61 =	vld [tilespmem:$0x3A0];
	[tilespmem:$0x1540] =	vst v55  }
0x7e: {  	v63 =	vld [tilespmem:$0x3C0];
	[tilespmem:$0x1550] =	vst v56  }
0x7f: {  	v8 =	vld [tilespmem:$0x3D0];
	[tilespmem:$0x1560] =	vst v57  }
0x80: {  	v9 =	vld [tilespmem:$0x3E0];
	[tilespmem:$0x1578] =	vst v59  }
0x81: {  	v10 =	vld [tilespmem:$0x3F0];
	[tilespmem:$0x1588] =	vst v60  }
0x82: {  	v11 =	vld [tilespmem:$0xB80];
	[tilespmem:$0x1598] =	vst v61  }
0x83: {  	v12 =	vld [tilespmem:$0xB90];
	[tilespmem:$0x15B8] =	vst v63  }
0x84: {  	v13 =	vld [tilespmem:$0xBA0];
	[tilespmem:$0x15C8] =	vst v8  }
0x85: {  	v14 =	vld [tilespmem:$0xBB0];
	[tilespmem:$0x15D8] =	vst v9  }
0x86: {  	v32 =	vld [tilespmem:$0xA38];
	[tilespmem:$0x15E8] =	vst v10  }
0x87: {  	v36 =	vld [tilespmem:$0x2B0];
	[tilespmem:$0x15F8] =	vst v11  }
0x88: {  	v45 =	vld [tilespmem:$0xAB8];
	[tilespmem:$0x1608] =	vst v12  }
0x89: {  	v49 =	vld [tilespmem:$0x330];
	[tilespmem:$0x1618] =	vst v13  }
0x8a: {  	v58 =	vld [tilespmem:$0xB38];
	[tilespmem:$0x1628] =	vst v14  }
0x8b: {  	v62 =	vld [tilespmem:$0x3B0];
	[tilespmem:$0x13D8] =	vst v32  }
0x8c: {  	v15 =	vld [tilespmem:$0xBB8];
	[tilespmem:$0x1418] =	vst v36  }
0x8d: {  	[tilespmem:$0x14A0] =	vst v45  }
0x8e: {  	[tilespmem:$0x14E0] =	vst v49  }
0x8f: {  	[tilespmem:$0x1568] =	vst v58  }
0x90: {  	p1 =	seq.s32 s19, $0xE00;
	[tilespmem:$0x15A8] =	vst v62  }
0x91: {  	s21 =	sadd.s32 @!p1 s19, s3;
	[tilespmem:$0x1630] =	vst v15  }
0x92: {  	[hbm4b:s20+s2] =	stream.linear.scatter [tilespmem:s13], [sflag:$0x3], $0x640, $0x38;
	[tilespmem:$0x1D00] =	vst v63  }
0x93: {  	s23 =	simm.s32 @!p1 $0x0;
	s22 =	sadd.s32 @!p1 $0x200, s21  }
0x94: {  	[tilespmem:s23], [sflag:$0x1] =	stream.linear.gather @!p1 [hbm4b:s22+s23], $0x400, $0x38;
	[tilespmem:$0x1D00] =	vst v63  }
0x95: {  	s21 =	sadd.s32 @!p1 $0x280, s21;
	s22 =	simm.s32 @!p1 $0x800  }
0x96: {  	[tilespmem:s22], [sflag:$0x1] =	stream.linear.gather @!p1 [hbm4b:s21+s23], $0x400, $0x38;
	[tilespmem:$0x1D00] =	vst v63  }
0x97: {  	_ =	swait.ge [sflag:s14], $0x400  }
0x98: {  	[sflag:s14] =	ssyncset.done $0x0  }
0x99: {  	[sflag:s14] =	ssyncadd.s32 $0xFFFFFC00  }
0x9a: {  	_ =	swait.ge [sflag:s14], $0x400  }
0x9b: {  	[sflag:s14] =	ssyncset.done $0x0  }
0x9c: {  	s21 =	simm.s32 @!p0 $0x4;
	[sflag:s14] =	ssyncadd.s32 $0xFFFFFC00  }
0x9d: {  	_ =	swait.ge @!p0 [sflag:s21], $0x640  }
0x9e: {  	[sflag:s21] =	ssyncset.done @!p0 $0x0  }
0x9f: {  	[sflag:s21] =	ssyncadd.s32 @!p0 $0xFFFFF9C0  }
0xa0: {  	v16 =	vld [tilespmem:$0x400]  }
0xa1: {  	v17 =	vld [tilespmem:$0x410]  }
0xa2: {  	v18 =	vld [tilespmem:$0x420]  }
0xa3: {  	v19 =	vld [tilespmem:$0x430]  }
0xa4: {  	v20 =	vld [tilespmem:$0x440]  }
0xa5: {  	v21 =	vld [tilespmem:$0x450];
	[tilespmem:$0x1680] =	vst v16  }
0xa6: {  	v22 =	vld [tilespmem:$0x460];
	[tilespmem:$0x1690] =	vst v17  }
0xa7: {  	v23 =	vld [tilespmem:$0x470];
	[tilespmem:$0x16A0] =	vst v18  }
0xa8: {  	v24 =	vld [tilespmem:$0xC00];
	[tilespmem:$0x16B0] =	vst v19  }
0xa9: {  	v25 =	vld [tilespmem:$0xC10];
	[tilespmem:$0x16C0] =	vst v20  }
0xaa: {  	v26 =	vld [tilespmem:$0xC20];
	[tilespmem:$0x16D0] =	vst v21  }
0xab: {  	v27 =	vld [tilespmem:$0xC30];
	[tilespmem:$0x16E0] =	vst v22  }
0xac: {  	v29 =	vld [tilespmem:$0x480];
	[tilespmem:$0x16F0] =	vst v23  }
0xad: {  	v30 =	vld [tilespmem:$0x490];
	[tilespmem:$0x1700] =	vst v24  }
0xae: {  	v31 =	vld [tilespmem:$0x4A0];
	[tilespmem:$0x1710] =	vst v25  }
0xaf: {  	v32 =	vld [tilespmem:$0x4B0];
	[tilespmem:$0x1720] =	vst v26  }
0xb0: {  	v33 =	vld [tilespmem:$0x4C0];
	[tilespmem:$0x1730] =	vst v27  }
0xb1: {  	v34 =	vld [tilespmem:$0x4D0];
	[tilespmem:$0x1748] =	vst v29  }
0xb2: {  	v35 =	vld [tilespmem:$0x4E0];
	[tilespmem:$0x1758] =	vst v30  }
0xb3: {  	v36 =	vld [tilespmem:$0x4F0];
	[tilespmem:$0x1768] =	vst v31  }
0xb4: {  	v37 =	vld [tilespmem:$0xC80];
	[tilespmem:$0x1778] =	vst v32  }
0xb5: {  	v38 =	vld [tilespmem:$0xC90];
	[tilespmem:$0x1788] =	vst v33  }
0xb6: {  	v39 =	vld [tilespmem:$0xCA0];
	[tilespmem:$0x1798] =	vst v34  }
0xb7: {  	v40 =	vld [tilespmem:$0xCB0];
	[tilespmem:$0x17A8] =	vst v35  }
0xb8: {  	v42 =	vld [tilespmem:$0x500];
	[tilespmem:$0x17B8] =	vst v36  }
0xb9: {  	v43 =	vld [tilespmem:$0x510];
	[tilespmem:$0x17C8] =	vst v37  }
0xba: {  	v44 =	vld [tilespmem:$0x520];
	[tilespmem:$0x17D8] =	vst v38  }
0xbb: {  	v45 =	vld [tilespmem:$0x530];
	[tilespmem:$0x17E8] =	vst v39  }
0xbc: {  	v46 =	vld [tilespmem:$0x540];
	[tilespmem:$0x17F8] =	vst v40  }
0xbd: {  	v47 =	vld [tilespmem:$0x550];
	[tilespmem:$0x1810] =	vst v42  }
0xbe: {  	v48 =	vld [tilespmem:$0x560];
	[tilespmem:$0x1820] =	vst v43  }
0xbf: {  	v49 =	vld [tilespmem:$0x570];
	[tilespmem:$0x1830] =	vst v44  }
0xc0: {  	v50 =	vld [tilespmem:$0xD00];
	[tilespmem:$0x1840] =	vst v45  }
0xc1: {  	v51 =	vld [tilespmem:$0xD10];
	[tilespmem:$0x1850] =	vst v46  }
0xc2: {  	v52 =	vld [tilespmem:$0xD20];
	[tilespmem:$0x1860] =	vst v47  }
0xc3: {  	v53 =	vld [tilespmem:$0xD30];
	[tilespmem:$0x1870] =	vst v48  }
0xc4: {  	v55 =	vld [tilespmem:$0x580];
	[tilespmem:$0x1880] =	vst v49  }
0xc5: {  	v56 =	vld [tilespmem:$0x590];
	[tilespmem:$0x1890] =	vst v50  }
0xc6: {  	v57 =	vld [tilespmem:$0x5A0];
	[tilespmem:$0x18A0] =	vst v51  }
0xc7: {  	v58 =	vld [tilespmem:$0x5B0];
	[tilespmem:$0x18B0] =	vst v52  }
0xc8: {  	v59 =	vld [tilespmem:$0x5C0];
	[tilespmem:$0x18C0] =	vst v53  }
0xc9: {  	v60 =	vld [tilespmem:$0x5D0];
	[tilespmem:$0x18D8] =	vst v55  }
0xca: {  	v61 =	vld [tilespmem:$0x5E0];
	[tilespmem:$0x18E8] =	vst v56  }
0xcb: {  	v62 =	vld [tilespmem:$0x5F0];
	[tilespmem:$0x18F8] =	vst v57  }
0xcc: {  	v63 =	vld [tilespmem:$0xD80];
	[tilespmem:$0x1908] =	vst v58  }
0xcd: {  	v8 =	vld [tilespmem:$0xD90];
	[tilespmem:$0x1918] =	vst v59  }
0xce: {  	v9 =	vld [tilespmem:$0xDA0];
	[tilespmem:$0x1928] =	vst v60  }
0xcf: {  	v10 =	vld [tilespmem:$0xDB0];
	[tilespmem:$0x1938] =	vst v61  }
0xd0: {  	v12 =	vld [tilespmem:$0x600];
	[tilespmem:$0x1948] =	vst v62  }
0xd1: {  	v13 =	vld [tilespmem:$0x610];
	[tilespmem:$0x1958] =	vst v63  }
0xd2: {  	v14 =	vld [tilespmem:$0x620];
	[tilespmem:$0x1968] =	vst v8  }
0xd3: {  	v15 =	vld [tilespmem:$0x630];
	[tilespmem:$0x1978] =	vst v9  }
0xd4: {  	v28 =	vld [tilespmem:$0xC38];
	[tilespmem:$0x1988] =	vst v10  }
0xd5: {  	v41 =	vld [tilespmem:$0xCB8];
	[tilespmem:$0x19A0] =	vst v12  }
0xd6: {  	v54 =	vld [tilespmem:$0xD38];
	[tilespmem:$0x19B0] =	vst v13  }
0xd7: {  	v11 =	vld [tilespmem:$0xDB8];
	[tilespmem:$0x19C0] =	vst v14  }
0xd8: {  	v16 =	vld [tilespmem:$0x640];
	[tilespmem:$0x19D0] =	vst v15  }
0xd9: {  	v17 =	vld [tilespmem:$0x650];
	[tilespmem:$0x1738] =	vst v28  }
0xda: {  	v18 =	vld [tilespmem:$0x660];
	[tilespmem:$0x1800] =	vst v41  }
0xdb: {  	v19 =	vld [tilespmem:$0x670];
	[tilespmem:$0x18C8] =	vst v54  }
0xdc: {  	v20 =	vld [tilespmem:$0xE00];
	[tilespmem:$0x1990] =	vst v11  }
0xdd: {  	v21 =	vld [tilespmem:$0xE10];
	[tilespmem:$0x19E0] =	vst v16  }
0xde: {  	v22 =	vld [tilespmem:$0xE20];
	[tilespmem:$0x19F0] =	vst v17  }
0xdf: {  	v23 =	vld [tilespmem:$0xE30];
	[tilespmem:$0x1A00] =	vst v18  }
0xe0: {  	v25 =	vld [tilespmem:$0x680];
	[tilespmem:$0x1A10] =	vst v19  }
0xe1: {  	v26 =	vld [tilespmem:$0x690];
	[tilespmem:$0x1A20] =	vst v20  }
0xe2: {  	v27 =	vld [tilespmem:$0x6A0];
	[tilespmem:$0x1A30] =	vst v21  }
0xe3: {  	v29 =	vld [tilespmem:$0x6C0];
	[tilespmem:$0x1A40] =	vst v22  }
0xe4: {  	v30 =	vld [tilespmem:$0x6D0];
	[tilespmem:$0x1A50] =	vst v23  }
0xe5: {  	v31 =	vld [tilespmem:$0x6E0];
	[tilespmem:$0x1A68] =	vst v25  }
0xe6: {  	v32 =	vld [tilespmem:$0x6F0];
	[tilespmem:$0x1A78] =	vst v26  }
0xe7: {  	v33 =	vld [tilespmem:$0xE80];
	[tilespmem:$0x1A88] =	vst v27  }
0xe8: {  	v34 =	vld [tilespmem:$0xE90];
	[tilespmem:$0x1AA8] =	vst v29  }
0xe9: {  	v35 =	vld [tilespmem:$0xEA0];
	[tilespmem:$0x1AB8] =	vst v30  }
0xea: {  	v36 =	vld [tilespmem:$0xEB0];
	[tilespmem:$0x1AC8] =	vst v31  }
0xeb: {  	v38 =	vld [tilespmem:$0x700];
	[tilespmem:$0x1AD8] =	vst v32  }
0xec: {  	v39 =	vld [tilespmem:$0x710];
	[tilespmem:$0x1AE8] =	vst v33  }
0xed: {  	v40 =	vld [tilespmem:$0x720];
	[tilespmem:$0x1AF8] =	vst v34  }
0xee: {  	v42 =	vld [tilespmem:$0x740];
	[tilespmem:$0x1B08] =	vst v35  }
0xef: {  	v43 =	vld [tilespmem:$0x750];
	[tilespmem:$0x1B18] =	vst v36  }
0xf0: {  	v44 =	vld [tilespmem:$0x760];
	[tilespmem:$0x1B30] =	vst v38  }
0xf1: {  	v45 =	vld [tilespmem:$0x770];
	[tilespmem:$0x1B40] =	vst v39  }
0xf2: {  	v46 =	vld [tilespmem:$0xF00];
	[tilespmem:$0x1B50] =	vst v40  }
0xf3: {  	v47 =	vld [tilespmem:$0xF10];
	[tilespmem:$0x1B70] =	vst v42  }
0xf4: {  	v48 =	vld [tilespmem:$0xF20];
	[tilespmem:$0x1B80] =	vst v43  }
0xf5: {  	v49 =	vld [tilespmem:$0xF30];
	[tilespmem:$0x1B90] =	vst v44  }
0xf6: {  	v51 =	vld [tilespmem:$0x780];
	[tilespmem:$0x1BA0] =	vst v45  }
0xf7: {  	v52 =	vld [tilespmem:$0x790];
	[tilespmem:$0x1BB0] =	vst v46  }
0xf8: {  	v53 =	vld [tilespmem:$0x7A0];
	[tilespmem:$0x1BC0] =	vst v47  }
0xf9: {  	v55 =	vld [tilespmem:$0x7C0];
	[tilespmem:$0x1BD0] =	vst v48  }
0xfa: {  	v56 =	vld [tilespmem:$0x7D0];
	[tilespmem:$0x1BE0] =	vst v49  }
0xfb: {  	v57 =	vld [tilespmem:$0x7E0];
	[tilespmem:$0x1BF8] =	vst v51  }
0xfc: {  	v58 =	vld [tilespmem:$0x7F0];
	[tilespmem:$0x1C08] =	vst v52  }
0xfd: {  	v59 =	vld [tilespmem:$0xF80];
	[tilespmem:$0x1C18] =	vst v53  }
0xfe: {  	v60 =	vld [tilespmem:$0xF90];
	[tilespmem:$0x1C38] =	vst v55  }
0xff: {  	v61 =	vld [tilespmem:$0xFA0];
	[tilespmem:$0x1C48] =	vst v56  }
0x100: {  	v62 =	vld [tilespmem:$0xFB0];
	[tilespmem:$0x1C58] =	vst v57  }
0x101: {  	v24 =	vld [tilespmem:$0xE38];
	[tilespmem:$0x1C68] =	vst v58  }
0x102: {  	v28 =	vld [tilespmem:$0x6B0];
	[tilespmem:$0x1C78] =	vst v59  }
0x103: {  	v37 =	vld [tilespmem:$0xEB8];
	[tilespmem:$0x1C88] =	vst v60  }
0x104: {  	v41 =	vld [tilespmem:$0x730];
	[tilespmem:$0x1C98] =	vst v61  }
0x105: {  	v50 =	vld [tilespmem:$0xF38];
	[tilespmem:$0x1CA8] =	vst v62  }
0x106: {  	v54 =	vld [tilespmem:$0x7B0];
	[tilespmem:$0x1A58] =	vst v24  }
0x107: {  	v63 =	vld [tilespmem:$0xFB8];
	[tilespmem:$0x1A98] =	vst v28  }
0x108: {  	[tilespmem:$0x1B20] =	vst v37  }
.Ltmp2:
0x109: {  	[tilespmem:$0x1B60] =	vst v41;
	(pc) =	sbr.rel @p1 .LBB2_4-.Ltmp2, $4  }
0x10a: {  	[tilespmem:$0x1BE8] =	vst v50  }
0x10b: {  	[tilespmem:$0x1C28] =	vst v54  }
0x10c: {  	s31 =	sadd.s32 $0xC8, s20;
	[tilespmem:$0x1CB0] =	vst v63  }
0x10d: {  	[hbm4b:s31+s2] =	stream.linear.scatter [tilespmem:s15], [sflag:$0x4], $0x640, $0x38;
	[tilespmem:$0x1D00] =	vst v63  }
.Ltmp3:
0x10e: {  	s21 =	sadd.s32 s19, s3;
	(pc) =	sbr.rel .LBB2_2-.Ltmp3, $4  }
0x10f: {  	s22 =	sadd.s32 $0x300, s21  }
0x110: {  	[tilespmem:s10], [sflag:$0x2] =	stream.linear.gather [hbm4b:s22+s2], $0x400, $0x38;
	[tilespmem:$0x1D00] =	vst v63  }
0x111: {  	s20 =	sadd.s32 $0x190, s20;
	s19 =	sadd.s32 $0x200, s19;
	s21 =	sadd.s32 $0x380, s21  }
0x112: {  	[tilespmem:s11], [sflag:$0x2] =	stream.linear.gather [hbm4b:s21+s2], $0x400, $0x38;
	[tilespmem:$0x1D00] =	vst v63  }
.LBB2_5:
0x113: {  	_ =	sfence.sel $0x180000  }
0x114: {  	[bflag:$0x0] =	sbarrier.arrive $0xFFFF  }
0x115: {  	p0 =	sne.s32 s1, $0x0;
	_ =	strace $0x90000047  }
0x116: {  	s0 =	sadd.s32 @!p0 $0x100000, s0;
	[bflag:$0x2] =	sbarrier.arrive $0xFFFF  }
0x117: {  	[sflag:s0] =	ssyncadd.tile.s32 @!p0 $0x1;
	_ =	shalt  }
.Lfunc_end2:
_tile_overlayer_lowered:
.L_overlay_start_2:
0x118: {  	(tag) =	ssettag $0x2  }
0x119: {  	s0 =	rddreg [dreg:$0x0];
	s2 =	stileid.u32  }
0x11a: {  	s1 =	rddreg [dreg:$0x1];
	p0 =	sne.s32 s2, $0x0  }
0x11b: {  	s3 =	rddreg [dreg:$0x2];
	[bflag:$0x3] =	sbarrier.arrive $0xFFFF;
	s2 =	simm.s32 @!p0 $0x1C05  }
0x11c: {  	[timem:s3], [sflag:s2] =	dma.local @!p0 [hbm:s0], s1  }
0x11d: {  	s0 =	simm.s32 @!p0 $0x5  }
0x11e: {  	_ =	swait.ge @!p0 [sflag:s0], s1  }
0x11f: {  	s1 =	ssub.s32 @!p0 $0x0, s1;
	[sflag:s0] =	ssyncset.done @!p0 $0x0  }
0x120: {  	[sflag:s0] =	ssyncadd.s32 @!p0 s1  }
0x121: {  	[bflag:$0x3] =	sbarrier.arrive $0xFFFF  }
0x122: {  	_ =	shalt  }

// kernel: kernel.8.cloned.1.call-start
scs
__scs_entry_jumppad:
0x0: {  	(pc) =	sbr.rel $0x88, $3  }
0x1: {  	(tag) =	ssettag $0x0;
	lr =	simm.s32 $0x1  }
0x2: {  	[smem:$0x3F9B] =	sst lr;
	_ =	strace $0xD0000000  }
0x3: {  	_ = 	snop  }
0x4: {  	_ = 	snop  }
0x5: {  	_ = 	snop  }
0x6: {  	_ = 	snop  }
0x7: {  	_ = 	snop  }
__scs_overlays_trampoline_lowered:
0x8: {  	[smem:$0x3FAA] =	sst s0  }
0x9: {  	[smem:$0x3FAB] =	sst s1  }
0xa: {  	[smem:$0x3FAC] =	sst s2  }
0xb: {  	[smem:$0x3FAD] =	sst s3  }
0xc: {  	[smem:$0x3FAE] =	sst s4  }
0xd: {  	[smem:$0x3FAF] =	sst s5  }
0xe: {  	[smem:$0x3FB0] =	sst s6  }
0xf: {  	[smem:$0x3FB1] =	sst s7  }
0x10: {  	[smem:$0x3FB2] =	sst s8  }
0x11: {  	[smem:$0x3FB3] =	sst s9;
	s0 =	simm.s32 @!p0 $0x0  }
0x12: {  	s1 =	sld [smem:$0x3F99];
	s0 =	simm.s32 @p0 $0x1  }
0x13: {  	[smem:$0x3FB4] =	sst s0;
	s0 =	simm.s32 @!p1 $0x0  }
0x14: {  	s2 =	sld [smem:$0x3F98];
	s0 =	simm.s32 @p1 $0x1  }
0x15: {  	[smem:$0x3FB5] =	sst s0;
	s0 =	simm.s32 @!p2 $0x0  }
0x16: {  	s3 =	sld [smem:$0x3FDB];
	s0 =	simm.s32 @p2 $0x1  }
0x17: {  	s4 =	simm.s32 $0x1BF5;
	[smem:$0x3FB7] =	sst s0  }
0x18: {  	s0 =	sld [smem:$0x3F9A];
	_ =	swait.ge [sflag:s4], $0x0  }
0x19: {  	s7 =	sld [smem:$0x3F9B]  }
0x1a: {  	s8 =	sadd.s32 $0xFFFFE003, lr  }
0x1b: {  	s9 =	sadd.s32 $0xFFFFFEF7, lr;
	s5 =	simm.s32 $0xFFFFFFFF;
	p2 =	slt.u32 s8, $0xFFFFF086  }
0x1c: {  	p1 =	slt.u32 s9, $0xF7A;
	s5 =	simm.s32 @!p2 $0x0  }
0x1d: {  	s5 =	simm.s32 @p1 $0x1;
	p0 =	seq.s32 s7, s2  }
0x1e: {  	s7 =	smul.u32 @!p0 $0xF7A, s2;
	p2 =	seq.s32 @!p0 s5, $0x0  }
0x1f: {  	s9 =	smul.u32 $0xF7A, s1;
	s8 =	simm.s32 @!p0 $0x1BF5;
	p2 =	por !p2, p0  }
0x20: {  	[sflag:s8] =	ssyncset.s32 @!p0 $0xFFFFF086;
	s6 =	sadd.s32 @!p0 s3, s7;
	s7 =	simm.s32 @!p0 $0x108  }
0x21: {  	s3 =	sadd.s32 s3, s9;
	s6 =	sadd.s32 @!p0 $0x88, s6;
	s7 =	simm.s32 @p2 $0x1082  }
0x22: {  	[simem:s7], [sflag:s8] =	dma.local @!p0 [hbm:s6], $0xF7A  }
0x23: {  	s9 =	sor.u32 $0xD0000000, s2;
	s6 =	simm.s32 $0x108;
	_ =	swait.ge @!p0 [sflag:s8], $0x0  }
0x24: {  	s3 =	sadd.s32 $0x88, s3;
	s6 =	simm.s32 @!p1 $0x1082;
	[sflag:s4] =	ssyncset.s32 $0xFFFFF086  }
0x25: {  	[simem:s6], [sflag:s4] =	dma.local [hbm:s3], $0xF7A  }
0x26: {  	[smem:$0x3F9B] =	sst s1;
	(tag) =	ssettag s2;
	_ =	strace s9  }
0x27: {  	s1 =	sld [smem:$0x3FAB]  }
0x28: {  	s2 =	sld [smem:$0x3FAC]  }
0x29: {  	s4 =	sld [smem:$0x3FAE]  }
0x2a: {  	p0 =	seq.s32 s5, $0x0;
	s5 =	sld [smem:$0x3FAF]  }
0x2b: {  	s6 =	sld [smem:$0x3FB0]  }
0x2c: {  	s7 =	sld [smem:$0x3FB1]  }
0x2d: {  	s3 =	simm.s32 $0x108;
	s8 =	sld [smem:$0x3FB2]  }
0x2e: {  	s3 =	simm.s32 @!p0 $0x1082;
	s9 =	sld [smem:$0x3FB3]  }
0x2f: {  	lr =	sadd.s32 s0, s3;
	s0 =	sld [smem:$0x3FAA]  }
0x30: {  	s3 =	sld [smem:$0x3FAD]  }
0x31: {  	[smem:$0x3FB6] =	sst s10  }
0x32: {  	s10 =	sld [smem:$0x3FB4];
	_ =	sdelay $0x3  }
0x33: {  	p0 =	seq.s32 s10, $0x1;
	s10 =	sld [smem:$0x3FB6];
	_ =	sdelay $0x3  }
0x34: {  	[smem:$0x3FB6] =	sst s10  }
0x35: {  	s10 =	sld [smem:$0x3FB5];
	_ =	sdelay $0x3  }
0x36: {  	p1 =	seq.s32 s10, $0x1;
	s10 =	sld [smem:$0x3FB6];
	_ =	sdelay $0x3  }
0x37: {  	[smem:$0x3FB6] =	sst s10  }
0x38: {  	s10 =	sld [smem:$0x3FB7]  }
0x39: {  	_ = 	snop;
	(pc) =	sbr.ind lr, $3  }
0x3a: {  	_ = 	snop  }
0x3b: {  	_ = 	snop  }
0x3c: {  	p2 =	seq.s32 s10, $0x1;
	s10 =	sld [smem:$0x3FB6]  }
0x3d: {  	_ =	shalt  }
0x3e: {  	_ =	shalt  }
0x3f: {  	_ =	shalt  }
0x40: {  	_ =	shalt  }
0x41: {  	_ =	shalt  }
0x42: {  	_ =	shalt  }
0x43: {  	_ =	shalt  }
0x44: {  	_ =	shalt  }
0x45: {  	_ =	shalt  }
0x46: {  	_ =	shalt  }
0x47: {  	_ =	shalt  }
0x48: {  	_ =	shalt  }
0x49: {  	_ =	shalt  }
0x4a: {  	_ =	shalt  }
0x4b: {  	_ =	shalt  }
0x4c: {  	_ =	shalt  }
0x4d: {  	_ =	shalt  }
0x4e: {  	_ =	shalt  }
0x4f: {  	_ =	shalt  }
0x50: {  	_ =	shalt  }
0x51: {  	_ =	shalt  }
0x52: {  	_ =	shalt  }
0x53: {  	_ =	shalt  }
0x54: {  	_ =	shalt  }
0x55: {  	_ =	shalt  }
0x56: {  	_ =	shalt  }
0x57: {  	_ =	shalt  }
0x58: {  	_ =	shalt  }
0x59: {  	_ =	shalt  }
0x5a: {  	_ =	shalt  }
0x5b: {  	_ =	shalt  }
0x5c: {  	_ =	shalt  }
0x5d: {  	_ =	shalt  }
0x5e: {  	_ =	shalt  }
0x5f: {  	_ =	shalt  }
0x60: {  	_ =	shalt  }
0x61: {  	_ =	shalt  }
0x62: {  	_ =	shalt  }
0x63: {  	_ =	shalt  }
0x64: {  	_ =	shalt  }
0x65: {  	_ =	shalt  }
0x66: {  	_ =	shalt  }
0x67: {  	_ =	shalt  }
0x68: {  	_ =	shalt  }
0x69: {  	_ =	shalt  }
0x6a: {  	_ =	shalt  }
0x6b: {  	_ =	shalt  }
0x6c: {  	_ =	shalt  }
0x6d: {  	_ =	shalt  }
0x6e: {  	_ =	shalt  }
0x6f: {  	_ =	shalt  }
0x70: {  	_ =	shalt  }
0x71: {  	_ =	shalt  }
0x72: {  	_ =	shalt  }
0x73: {  	_ =	shalt  }
0x74: {  	_ =	shalt  }
0x75: {  	_ =	shalt  }
0x76: {  	_ =	shalt  }
0x77: {  	_ =	shalt  }
0x78: {  	_ =	shalt  }
0x79: {  	_ =	shalt  }
0x7a: {  	_ =	shalt  }
0x7b: {  	_ =	shalt  }
0x7c: {  	_ =	shalt  }
0x7d: {  	_ =	shalt  }
0x7e: {  	_ =	shalt  }
0x7f: {  	_ =	shalt  }
0x80: {  	_ =	shalt  }
0x81: {  	_ =	shalt  }
0x82: {  	_ =	shalt  }
0x83: {  	_ =	shalt  }
0x84: {  	_ =	shalt  }
0x85: {  	_ =	shalt  }
0x86: {  	_ =	shalt  }
0x87: {  	_ =	shalt  }
.Lfunc_end0:
.L_simem_size_0:
called_computation.1_lowered:
.L_overlay_start_0:
0x88: {  	s2 =	sld [smem:$0x3FD9]  }
0x89: {  	s3 =	sld [smem:$0x3FFE];
	_ =	sdelay $0x1  }
0x8a: {  	s1 =	srdreg.scid  }
0x8b: {  	s0 =	sand.u32 $0x1, s1  }
0x8c: {  	s17 =	sshll.u32 s0, $0xA;
	s2 =	sadd.s32 s3, s2  }
0x8d: {  	s2 =	sadd.s32 s2, s17  }
0x8e: {  	[smem:$0x3FC2] =	sst s2  }
0x8f: {  	_ = 	snop  }
0x90: {  	s2 =	sld [smem:$0x3FD0];
	(tm) =	ssettm $0x1  }
0x91: {  	s18 =	sld [smem:$0x3FFB];
	_ =	sdelay $0x3  }
0x92: {  	_ =	strace s18  }
0x93: {  	s3 =	sld [smem:$0x3FFC];
	_ =	sdelay $0x3  }
0x94: {  	_ =	strace s3  }
0x95: {  	s3 =	sld [smem:$0x3FFD];
	_ =	sdelay $0x3  }
0x96: {  	_ =	strace s3  }
0x97: {  	_ =	strace $0x8FFFFFFF  }
0x98: {  	s19 =	sld [smem:$0x3FDB];
	_ =	sdelay $0x1  }
0x99: {  	s4 =	simm.s32 $_scs_section_size  }
0x9a: {  	s5 =	simm.s32 $_size__tile_overlayer_lowered;
	s6 =	simm.s32 $_tile_overlayer_lowered  }
0x9b: {  	s22 =	simm.s32 $0x1BFF;
	s21 =	sshll.u32 s6, $0x1;
	s3 =	sadd.s32 s4, s19  }
0x9c: {  	s7 =	simm.s32 $0x0;
	s20 =	sshll.u32 s5, $0x1;
	s5 =	sadd.s32 s21, s3  }
0x9d: {  	[timem:s7], [sflag:s22] =	dma.local [hbm:s5], s20  }
0x9e: {  	_ =	swait.ge [sflag:s22], s20  }
0x9f: {  	s4 =	ssub.s32 $0x0, s20;
	[sflag:s22] =	ssyncset.done $0x0  }
0xa0: {  	[sflag:s22] =	ssyncadd.s32 s4;
	_ =	sdelay $0x1  }
0xa1: {  	s23 =	simm.s32 $0x1B8B  }
0xa2: {  	_ =	swait.ge [sflag:s23], $0x1  }
0xa3: {  	[sflag:s23] =	ssyncset.done $0x0  }
0xa4: {  	s25 =	simm.s32 $0x1B8E;
	s24 =	sld [smem:$0x3FFE];
	[sflag:s23] =	ssyncadd.s32 $0xFFFFFFFF  }
0xa5: {  	s26 =	simm.s32 $execute0_lowered;
	[smem:$0x3FD2] =	sst s25  }
0xa6: {  	s5 =	sshll.u32 s26, $0x1;
	_ =	strace $0x80000049;
	[dreg:$0x1] =	wrdreg $0xFFFFFFFF  }
0xa7: {  	s28 =	simm.s32 $_size_execute0_lowered;
	s3 =	sadd.s32 s3, s5;
	[dreg:$0x0] =	wrdreg $0x0  }
0xa8: {  	s5 =	sshll.u32 s28, $0x1;
	[dreg:$0x2] =	wrdreg s3  }
0xa9: {  	[dreg:$0x3] =	wrdreg s5  }
0xaa: {  	[dreg:$0x4] =	wrdreg $0xC0  }
0xab: {  	_ =	task [dreg:s7], $0x5FFFF  }
0xac: {  	[dreg:$0x1] =	wrdreg $0xFFFFFFFF  }
0xad: {  	[dreg:$0x0] =	wrdreg $0x60  }
0xae: {  	[dreg:$0x2] =	wrdreg s24  }
0xaf: {  	[dreg:$0x3] =	wrdreg s2  }
0xb0: {  	[dreg:$0x4] =	wrdreg $0x9  }
0xb1: {  	_ =	task.clear_ibuf [dreg:s7], $0x5FFFF;
	_ =	strace $0x90000049  }
0xb2: {  	s29 =	simm.s32 $0x9;
	_ =	strace $0x8000004B  }
0xb3: {  	_ =	swait.ge [sflag:s29], $0x1  }
0xb4: {  	[sflag:s29] =	ssyncadd.s32 $0xFFFFFFFF  }
0xb5: {  	_ =	strace $0x9000004B  }
0xb6: {  	_ =	sfence  }
0xb7: {  	s30 =	sld [smem:$0x0];
	_ =	sdelay $0x2  }
0xb8: {  	s31 =	sshll.u32 s1, $0xD;
	s1 =	sshrl.u32 s1, $0x2  }
0xb9: {  	s3 =	sand.u32 $0x4000, s31;
	s1 =	sadd.s32 s1, s30  }
0xba: {  	s0 =	sor.u32 s3, s0;
	s1 =	sshll.u32 s1, $0x11  }
0xbb: {  	s0 =	sor.u32 s1, s0  }
0xbc: {  	s0 =	sadd.s32 $0x8F2B, s0  }
0xbd: {  	[sflag:s0] =	ssyncadd.remote.s32 $0x1  }
0xbe: {  	_ =	sfence.sel $0xFFFF  }
0xbf: {  	[dreg:$0x0] =	wrdreg $0xFFFFFFFF;
	(pc) =	sbr.abs _section_cstart, $3  }
0xc0: {  	[dreg:$0x1] =	wrdreg $0xFFFFFFFF  }
0xc1: {  	_ =	task.clear_ibuf [dreg:s7], $0x2FFFF;
	_ =	strace $0x9FFFFFFF  }
0xc2: {  	(tm) =	ssettm $0x7FFFFFFF  }
0xc3: {  	_ =	shalt  }
tec
execute0_lowered:
.L_overlay_start_1:
0x0: {  	(tag) =	ssettag $0x1  }
0x1: {  	s1 =	srdreg.scid;
	s5 =	rddreg [dreg:$0x0]  }
0x2: {  	s0 =	stileid.u32;
	s2 =	rddreg [dreg:$0x1];
	s3 =	simm.s32 $0x0  }
0x3: {  	s10 =	simm.s32 $0x80;
	s11 =	simm.s32 $0x6400;
	s12 =	simm.s32 $0x48  }
0x4: {  	s13 =	simm.s32 $0x8400;
	s14 =	simm.s32 $0xC8;
	s15 =	simm.s32 $0x9600  }
0x5: {  	s16 =	simm.s32 $0x148;
	s17 =	simm.s32 $0xB600;
	s18 =	simm.s32 $0x1  }
0x6: {  	s19 =	simm.s32 $0x2;
	s20 =	simm.s32 $0x3;
	s21 =	simm.s32 $0x4  }
0x7: {  	s22 =	simm.s32 $0xC800;
	s4 =	sand.u32 $0x1, s1;
	s1 =	rddreg [dreg:$0x2]  }
0x8: {  	s23 =	simm.s32 $0x0;
	s31 =	sshll.u32 s0, $0x1;
	[smem:$0x7FF] =	sst s3  }
0x9: {  	s6 =	sor.u32 s4, s31;
	_ =	strace $0x8000004A;
	s8 =	ssub.s32 $0x2, s4  }
0xa: {  	s7 =	smul.u32 $0xC80, s6;
	s6 =	sshll.u32 s6, $0xA;
	s9 =	sshrl.u32 s8, $0x1  }
0xb: {  	s4 =	sadd.s32 $0xF7BE00, s5;
	s6 =	sadd.s32 s6, s5;
	s8 =	ssub.s32 s8, s9  }
0xc: {  	s9 =	simm.s32 $0x5;
	s7 =	sadd.s32 s7, s5;
	s6 =	sadd.s32 $0xA00, s6  }
0xd: {  	s5 =	sadd.s32 $0x20A00, s7;
	s7 =	smax.u32 s8, $0x1;
	s8 =	simm.s32 $0xE800  }
.LBB2_1:
0xe: {  	[tilespmem:s8], [sflag:$0x5] =	stream.linear.gather [hbm4b:s2+s3], $0x1, $0x38;
	[tilespmem:$0xE810] =	vst v63  }
0xf: {  	_ =	swait.ge [sflag:s9], $0x1  }
0x10: {  	[sflag:s9] =	ssyncset.done $0x0  }
0x11: {  	[sflag:s9] =	ssyncadd.s32 $0xFFFFFFFF  }
0x12: {  	v0 =	vld.msk [tilespmem:$0xE800 ss:$0x0], $0xffff;
	[tilespmem:s3], [sflag:$0x5] =	stream.linear.gather [hbm4b:s5+s3], $0x6400, $0x38  }
0x13: {  	_ =	swait.ge [sflag:s9], $0x6400  }
0x14: {  	[sflag:s9] =	ssyncset.done $0x0  }
0x15: {  	[sflag:s9] =	ssyncadd.s32 $0xFFFF9C00  }
0x16: {  	[tilespmem:s11], [sflag:$0x1] =	stream.indirect.gather [hbm4b:s4+s10], $0x40, s3, s10, $0xb8;
	[tilespmem:$0xE810] =	vst v63  }
0x17: {  	_ = 	snop  }
0x18: {  	[tilespmem:s13], [sflag:$0x2] =	stream.indirect.gather [hbm4b:s4+s12], $0x40, s10, s12, $0xb8;
	[tilespmem:$0xE810] =	vst v63  }
0x19: {  	_ = 	snop  }
0x1a: {  	[tilespmem:s15], [sflag:$0x3] =	stream.indirect.gather [hbm4b:s4+s10], $0x40, s14, s10, $0xb8;
	[tilespmem:$0xE810] =	vst v63  }
0x1b: {  	s24 =	simm.s32 $0x0  }
0x1c: {  	[tilespmem:s17], [sflag:$0x4] =	stream.indirect.gather [hbm4b:s4+s12], $0x40, s16, s12, $0xb8;
	[tilespmem:$0xE810] =	vst v63  }
.LBB2_2:
0x1d: {  	_ =	swait.ge [sflag:s18], $0x2000  }
0x1e: {  	[sflag:s18] =	ssyncset.done $0x0  }
0x1f: {  	s25 =	simm.s32 $0x0;
	[sflag:s18] =	ssyncadd.s32 $0xFFFFE000  }
0x20: {  	v1 =	vld [tilespmem:s25+$0x64C0]  }
0x21: {  	v2 =	vld [tilespmem:s25+$0x64D0]  }
0x22: {  	v3 =	vld [tilespmem:s25+$0x6480]  }
0x23: {  	v4 =	vld [tilespmem:s25+$0x6490]  }
0x24: {  	v8 =	vld [tilespmem:s25+$0x6440]  }
0x25: {  	v9 =	vld [tilespmem:s25+$0x6450]  }
0x26: {  	v12 =	vld [tilespmem:s25+$0x6400]  }
0x27: {  	v6 =	vimm.f32 $0.0e+00;
	v14 =	vld [tilespmem:s25+$0x6410]  }
0x28: {  	s26 =	simm.s32 $0x400;
	v11 =	vimm.f32 $0.0e+00;
	v7 =	vimm.f32 $0.0e+00;
	v10 =	vimm.f32 $0.0e+00;
	v13 =	vld [tilespmem:s25+$0x6420]  }
.LBB2_3:
0x29: {  	p0 =	sne.s32 s26, $0x7C00;
	v5 =	vld [tilespmem:s25+$0x6430]  }
0x2a: {  	v15 =	vld [tilespmem:s25+$0x6460]  }
0x2b: {  	v16 =	vld [tilespmem:s25+$0x6470]  }
0x2c: {  	v17 =	vld [tilespmem:s25+$0x64A0]  }
0x2d: {  	v6 =	vadd.f32 v12, v6;
	v11 =	vadd.f32 v14, v11;
	v12 =	vld [tilespmem:s25+$0x64B0]  }
0x2e: {  	v7 =	vadd.f32 v13, v7;
	v5 =	vadd.f32 v5, v10;
	v10 =	vld [tilespmem:s25+$0x64E0]  }
0x2f: {  	v6 =	vadd.f32 v8, v6;
	v8 =	vadd.f32 v9, v11;
	v9 =	vld [tilespmem:s25+$0x64F0];
	s25 =	sshra.s32 s26, $0x2  }
0x30: {  	v7 =	vadd.f32 v15, v7;
	v13 =	vld [tilespmem:s25+$0x64C0];
	v5 =	vadd.f32 v16, v5  }
0x31: {  	v6 =	vadd.f32 v3, v6;
	v8 =	vadd.f32 v4, v8;
	v14 =	vld [tilespmem:s25+$0x64D0]  }
0x32: {  	v7 =	vadd.f32 v17, v7;
	v3 =	vld [tilespmem:s25+$0x6480];
	v5 =	vadd.f32 v12, v5  }
0x33: {  	v6 =	vadd.f32 v1, v6;
	v11 =	vadd.f32 v2, v8;
	v4 =	vld [tilespmem:s25+$0x6490]  }
.Ltmp0:
0x34: {  	v7 =	vadd.f32 v10, v7;
	v8 =	vld [tilespmem:s25+$0x6440];
	v10 =	vadd.f32 v9, v5;
	(pc) =	sbr.rel @p0 .LBB2_3-.Ltmp0, $4  }
0x35: {  	v9 =	vld [tilespmem:s25+$0x6450];
	v1 =	vmov v13  }
0x36: {  	v12 =	vld [tilespmem:s25+$0x6400];
	v2 =	vmov v14  }
0x37: {  	v14 =	vld [tilespmem:s25+$0x6410]  }
0x38: {  	s26 =	sadd.s32 $0x400, s26;
	v13 =	vld [tilespmem:s25+$0x6420]  }
0x39: {  	v15 =	vld [tilespmem:s25+$0x6430]  }
0x3a: {  	v16 =	vld [tilespmem:s25+$0x6460]  }
0x3b: {  	v17 =	vld [tilespmem:s25+$0x6470];
	s26 =	sshll.u32 s24, $0x1  }
0x3c: {  	v18 =	vld [tilespmem:s25+$0x64A0];
	p0 =	seq.s32 s24, $0x3F;
	s28 =	sadd.s32 $0x2, s26  }
0x3d: {  	v19 =	vld [tilespmem:s25+$0x64B0];
	s28 =	smul.u32 @!p0 $0x320, s28  }
0x3e: {  	v20 =	vld [tilespmem:s25+$0x64E0]  }
0x3f: {  	v21 =	vld [tilespmem:s25+$0x64F0];
	s29 =	simm.s32 @!p0 $0x6400;
	s25 =	sshra.s32 @!p0 s28, $0x2;
	s28 =	simm.s32 @!p0 $0x80  }
0x40: {  	[tilespmem:s29], [sflag:$0x1] =	stream.indirect.gather @!p0 [hbm4b:s4+s28], $0x40, s25, s28, $0xb8;
	[tilespmem:$0xE810] =	vst v63  }
0x41: {  	_ =	swait.ge [sflag:s19], $0x1200  }
0x42: {  	[sflag:s19] =	ssyncset.done $0x0  }
0x43: {  	s28 =	simm.s32 $0x0;
	[sflag:s19] =	ssyncadd.s32 $0xFFFFEE00  }
0x44: {  	v5 =	vld [tilespmem:s28+$0x84C0]  }
0x45: {  	v12 =	vadd.f32 v12, v6;
	v11 =	vadd.f32 v14, v11;
	v6 =	vld [tilespmem:s28+$0x84D0]  }
0x46: {  	v13 =	vadd.f32 v13, v7;
	v10 =	vadd.f32 v15, v10;
	v7 =	vld [tilespmem:s28+$0x8480]  }
0x47: {  	v12 =	vadd.f32 v8, v12;
	v11 =	vadd.f32 v9, v11;
	v8 =	vld [tilespmem:s28+$0x8490]  }
0x48: {  	v13 =	vadd.f32 v16, v13;
	v10 =	vadd.f32 v17, v10;
	v9 =	vld [tilespmem:s28+$0x8440]  }
0x49: {  	v12 =	vadd.f32 v3, v12;
	v4 =	vadd.f32 v4, v11;
	v3 =	vld [tilespmem:s28+$0x8450]  }
0x4a: {  	v13 =	vadd.f32 v18, v13;
	v14 =	vadd.f32 v19, v10;
	v11 =	vld [tilespmem:s28+$0x8400]  }
0x4b: {  	v10 =	vadd.f32 v1, v12;
	v2 =	vadd.f32 v2, v4;
	v12 =	vld [tilespmem:s28+$0x8410]  }
0x4c: {  	s29 =	simm.s32 $0x400;
	v4 =	vadd.f32 v20, v13;
	v13 =	vld [tilespmem:s28+$0x8420];
	v1 =	vadd.f32 v21, v14  }
.LBB2_5:
0x4d: {  	p1 =	sne.s32 s29, $0x4400;
	v14 =	vld [tilespmem:s28+$0x8430]  }
0x4e: {  	v15 =	vld [tilespmem:s28+$0x8460]  }
0x4f: {  	v16 =	vld [tilespmem:s28+$0x8470]  }
0x50: {  	v17 =	vld [tilespmem:s28+$0x84A0]  }
0x51: {  	v10 =	vadd.f32 v11, v10;
	v2 =	vadd.f32 v12, v2;
	v11 =	vld [tilespmem:s28+$0x84B0]  }
0x52: {  	v4 =	vadd.f32 v13, v4;
	v1 =	vadd.f32 v14, v1;
	v12 =	vld [tilespmem:s28+$0x84E0]  }
0x53: {  	v9 =	vadd.f32 v9, v10;
	v2 =	vadd.f32 v3, v2;
	v3 =	vld [tilespmem:s28+$0x84F0];
	s28 =	sshra.s32 s29, $0x2  }
0x54: {  	v4 =	vadd.f32 v15, v4;
	v13 =	vld [tilespmem:s28+$0x84C0];
	v1 =	vadd.f32 v16, v1  }
0x55: {  	v9 =	vadd.f32 v7, v9;
	v2 =	vadd.f32 v8, v2;
	v14 =	vld [tilespmem:s28+$0x84D0]  }
0x56: {  	v4 =	vadd.f32 v17, v4;
	v7 =	vld [tilespmem:s28+$0x8480];
	v1 =	vadd.f32 v11, v1  }
0x57: {  	v10 =	vadd.f32 v5, v9;
	v2 =	vadd.f32 v6, v2;
	v8 =	vld [tilespmem:s28+$0x8490]  }
.Ltmp1:
0x58: {  	v4 =	vadd.f32 v12, v4;
	v9 =	vld [tilespmem:s28+$0x8440];
	v1 =	vadd.f32 v3, v1;
	(pc) =	sbr.rel @p1 .LBB2_5-.Ltmp1, $4  }
0x59: {  	v3 =	vld [tilespmem:s28+$0x8450];
	v5 =	vmov v13  }
0x5a: {  	v11 =	vld [tilespmem:s28+$0x8400];
	v6 =	vmov v14  }
0x5b: {  	v12 =	vld [tilespmem:s28+$0x8410]  }
0x5c: {  	s29 =	sadd.s32 $0x400, s29;
	v13 =	vld [tilespmem:s28+$0x8420]  }
0x5d: {  	v14 =	vld [tilespmem:s28+$0x8430]  }
0x5e: {  	v15 =	vld [tilespmem:s28+$0x8460]  }
0x5f: {  	v16 =	vld [tilespmem:s28+$0x8470];
	v10 =	vadd.f32 v11, v10  }
0x60: {  	v11 =	vld [tilespmem:s28+$0x84A0];
	v2 =	vadd.f32 v12, v2  }
0x61: {  	v12 =	vld [tilespmem:s28+$0x84B0];
	v4 =	vadd.f32 v13, v4;
	v9 =	vadd.f32 v9, v10  }
0x62: {  	v10 =	vld [tilespmem:s28+$0x84E0];
	v1 =	vadd.f32 v14, v1;
	v2 =	vadd.f32 v3, v2  }
0x63: {  	v3 =	vld [tilespmem:s28+$0x84F0];
	v4 =	vadd.f32 v15, v4;
	v7 =	vadd.f32 v7, v9  }
0x64: {  	v1 =	vadd.f32 v16, v1;
	v2 =	vadd.f32 v8, v2  }
0x65: {  	s25 =	sadd.s32 @!p0 $0x80, s25;
	v4 =	vadd.f32 v11, v4;
	v5 =	vadd.f32 v5, v7  }
0x66: {  	s29 =	simm.s32 @!p0 $0x8400;
	s31 =	sshll.u32 s24, $0x7;
	s28 =	simm.s32 @!p0 $0x48;
	v1 =	vadd.f32 v12, v1;
	v2 =	vadd.f32 v6, v2  }
0x67: {  	[tilespmem:s29], [sflag:$0x2] =	stream.indirect.gather @!p0 [hbm4b:s4+s28], $0x40, s25, s28, $0xb8;
	v4 =	vadd.f32 v10, v4;
	v5 =	vmul.f32 v5, v0;
	[tilespmem:$0xE810] =	vst v63  }
0x68: {  	s25 =	sand.u32 $0x3FFFFF80, s31;
	v1 =	vadd.f32 v3, v1;
	v2 =	vmul.f32 v2, v0  }
0x69: {  	[tilespmem:s25+$0xC800] =	vst v5;
	v3 =	vmul.f32 v4, v0  }
0x6a: {  	[tilespmem:s25+$0xC810] =	vst v2;
	v1 =	vmul.f32 v1, v0  }
0x6b: {  	[tilespmem:s25+$0xC820] =	vst v3  }
0x6c: {  	[tilespmem:s25+$0xC830] =	vst v1  }
0x6d: {  	_ =	swait.ge [sflag:s20], $0x2000  }
0x6e: {  	[sflag:s20] =	ssyncset.done $0x0  }
0x6f: {  	s28 =	simm.s32 $0x0;
	[sflag:s20] =	ssyncadd.s32 $0xFFFFE000  }
0x70: {  	v1 =	vld [tilespmem:s28+$0x96C0]  }
0x71: {  	v2 =	vld [tilespmem:s28+$0x96D0]  }
0x72: {  	v3 =	vld [tilespmem:s28+$0x9680]  }
0x73: {  	v5 =	vld [tilespmem:s28+$0x9690]  }
0x74: {  	v8 =	vld [tilespmem:s28+$0x9640]  }
0x75: {  	v9 =	vld [tilespmem:s28+$0x9650]  }
0x76: {  	v12 =	vld [tilespmem:s28+$0x9600]  }
0x77: {  	v11 =	vimm.f32 $0.0e+00;
	v14 =	vld [tilespmem:s28+$0x9610]  }
0x78: {  	s29 =	simm.s32 $0x400;
	v7 =	vimm.f32 $0.0e+00;
	v6 =	vimm.f32 $0.0e+00;
	v10 =	vimm.f32 $0.0e+00;
	v13 =	vld [tilespmem:s28+$0x9620]  }
.LBB2_7:
0x79: {  	p1 =	sne.s32 s29, $0x7C00;
	v4 =	vld [tilespmem:s28+$0x9630]  }
0x7a: {  	v15 =	vld [tilespmem:s28+$0x9660]  }
0x7b: {  	v16 =	vld [tilespmem:s28+$0x9670]  }
0x7c: {  	v17 =	vld [tilespmem:s28+$0x96A0]  }
0x7d: {  	v6 =	vadd.f32 v12, v6;
	v11 =	vadd.f32 v14, v11;
	v12 =	vld [tilespmem:s28+$0x96B0]  }
0x7e: {  	v7 =	vadd.f32 v13, v7;
	v4 =	vadd.f32 v4, v10;
	v10 =	vld [tilespmem:s28+$0x96E0]  }
0x7f: {  	v6 =	vadd.f32 v8, v6;
	v8 =	vadd.f32 v9, v11;
	v9 =	vld [tilespmem:s28+$0x96F0];
	s28 =	sshra.s32 s29, $0x2  }
0x80: {  	v7 =	vadd.f32 v15, v7;
	v13 =	vld [tilespmem:s28+$0x96C0];
	v4 =	vadd.f32 v16, v4  }
0x81: {  	v6 =	vadd.f32 v3, v6;
	v8 =	vadd.f32 v5, v8;
	v14 =	vld [tilespmem:s28+$0x96D0]  }
0x82: {  	v7 =	vadd.f32 v17, v7;
	v3 =	vld [tilespmem:s28+$0x9680];
	v4 =	vadd.f32 v12, v4  }
0x83: {  	v6 =	vadd.f32 v1, v6;
	v11 =	vadd.f32 v2, v8;
	v5 =	vld [tilespmem:s28+$0x9690]  }
.Ltmp2:
0x84: {  	v7 =	vadd.f32 v10, v7;
	v8 =	vld [tilespmem:s28+$0x9640];
	v10 =	vadd.f32 v9, v4;
	(pc) =	sbr.rel @p1 .LBB2_7-.Ltmp2, $4  }
0x85: {  	v9 =	vld [tilespmem:s28+$0x9650];
	v1 =	vmov v13  }
0x86: {  	v12 =	vld [tilespmem:s28+$0x9600];
	v2 =	vmov v14  }
0x87: {  	v14 =	vld [tilespmem:s28+$0x9610]  }
0x88: {  	s29 =	sadd.s32 $0x400, s29;
	v13 =	vld [tilespmem:s28+$0x9620]  }
0x89: {  	v15 =	vld [tilespmem:s28+$0x9630]  }
0x8a: {  	v16 =	vld [tilespmem:s28+$0x9660]  }
0x8b: {  	v17 =	vld [tilespmem:s28+$0x9670]  }
0x8c: {  	v18 =	vld [tilespmem:s28+$0x96A0];
	s26 =	sadd.s32 $0x3, s26  }
0x8d: {  	v19 =	vld [tilespmem:s28+$0x96B0];
	s26 =	smul.u32 @!p0 $0x320, s26  }
0x8e: {  	v20 =	vld [tilespmem:s28+$0x96E0]  }
0x8f: {  	v21 =	vld [tilespmem:s28+$0x96F0];
	s28 =	simm.s32 @!p0 $0x80;
	s29 =	simm.s32 @!p0 $0x9600;
	s26 =	sshra.s32 @!p0 s26, $0x2  }
0x90: {  	[tilespmem:s29], [sflag:$0x3] =	stream.indirect.gather @!p0 [hbm4b:s4+s28], $0x40, s26, s28, $0xb8;
	[tilespmem:$0xE810] =	vst v63  }
0x91: {  	_ =	swait.ge [sflag:s21], $0x1200  }
0x92: {  	[sflag:s21] =	ssyncset.done $0x0  }
0x93: {  	s28 =	simm.s32 $0x0;
	[sflag:s21] =	ssyncadd.s32 $0xFFFFEE00  }
0x94: {  	v4 =	vld [tilespmem:s28+$0xB6C0]  }
0x95: {  	v12 =	vadd.f32 v12, v6;
	v11 =	vadd.f32 v14, v11;
	v6 =	vld [tilespmem:s28+$0xB6D0]  }
0x96: {  	v13 =	vadd.f32 v13, v7;
	v10 =	vadd.f32 v15, v10;
	v7 =	vld [tilespmem:s28+$0xB680]  }
0x97: {  	v12 =	vadd.f32 v8, v12;
	v11 =	vadd.f32 v9, v11;
	v8 =	vld [tilespmem:s28+$0xB690]  }
0x98: {  	v13 =	vadd.f32 v16, v13;
	v10 =	vadd.f32 v17, v10;
	v9 =	vld [tilespmem:s28+$0xB640]  }
0x99: {  	v12 =	vadd.f32 v3, v12;
	v5 =	vadd.f32 v5, v11;
	v3 =	vld [tilespmem:s28+$0xB650]  }
0x9a: {  	v13 =	vadd.f32 v18, v13;
	v11 =	vld [tilespmem:s28+$0xB600];
	v14 =	vadd.f32 v19, v10  }
0x9b: {  	v10 =	vadd.f32 v1, v12;
	v2 =	vadd.f32 v2, v5;
	v12 =	vld [tilespmem:s28+$0xB610]  }
0x9c: {  	s29 =	simm.s32 $0x400;
	v5 =	vadd.f32 v20, v13;
	v13 =	vld [tilespmem:s28+$0xB620];
	v1 =	vadd.f32 v21, v14  }
.LBB2_9:
0x9d: {  	p1 =	sne.s32 s29, $0x4400;
	v14 =	vld [tilespmem:s28+$0xB630]  }
0x9e: {  	v15 =	vld [tilespmem:s28+$0xB660]  }
0x9f: {  	v16 =	vld [tilespmem:s28+$0xB670]  }
0xa0: {  	v17 =	vld [tilespmem:s28+$0xB6A0]  }
0xa1: {  	v10 =	vadd.f32 v11, v10;
	v2 =	vadd.f32 v12, v2;
	v11 =	vld [tilespmem:s28+$0xB6B0]  }
0xa2: {  	v5 =	vadd.f32 v13, v5;
	v1 =	vadd.f32 v14, v1;
	v12 =	vld [tilespmem:s28+$0xB6E0]  }
0xa3: {  	v9 =	vadd.f32 v9, v10;
	v2 =	vadd.f32 v3, v2;
	v3 =	vld [tilespmem:s28+$0xB6F0];
	s28 =	sshra.s32 s29, $0x2  }
0xa4: {  	v5 =	vadd.f32 v15, v5;
	v13 =	vld [tilespmem:s28+$0xB6C0];
	v1 =	vadd.f32 v16, v1  }
0xa5: {  	v9 =	vadd.f32 v7, v9;
	v2 =	vadd.f32 v8, v2;
	v14 =	vld [tilespmem:s28+$0xB6D0]  }
0xa6: {  	v5 =	vadd.f32 v17, v5;
	v7 =	vld [tilespmem:s28+$0xB680];
	v1 =	vadd.f32 v11, v1  }
0xa7: {  	v10 =	vadd.f32 v4, v9;
	v2 =	vadd.f32 v6, v2;
	v8 =	vld [tilespmem:s28+$0xB690]  }
.Ltmp3:
0xa8: {  	v5 =	vadd.f32 v12, v5;
	v9 =	vld [tilespmem:s28+$0xB640];
	v1 =	vadd.f32 v3, v1;
	(pc) =	sbr.rel @p1 .LBB2_9-.Ltmp3, $4  }
0xa9: {  	v3 =	vld [tilespmem:s28+$0xB650];
	v4 =	vmov v13  }
0xaa: {  	v11 =	vld [tilespmem:s28+$0xB600];
	v6 =	vmov v14  }
0xab: {  	v12 =	vld [tilespmem:s28+$0xB610]  }
0xac: {  	s29 =	sadd.s32 $0x400, s29;
	v13 =	vld [tilespmem:s28+$0xB620]  }
0xad: {  	v14 =	vld [tilespmem:s28+$0xB630]  }
0xae: {  	v15 =	vld [tilespmem:s28+$0xB660]  }
0xaf: {  	v16 =	vld [tilespmem:s28+$0xB670];
	v10 =	vadd.f32 v11, v10  }
0xb0: {  	v61 =	vld [tilespmem:s28+$0xB6A0];
	v2 =	vadd.f32 v12, v2  }
0xb1: {  	v62 =	vld [tilespmem:s28+$0xB6B0];
	v5 =	vadd.f32 v13, v5;
	v9 =	vadd.f32 v9, v10  }
0xb2: {  	v63 =	vld [tilespmem:s28+$0xB6E0];
	v1 =	vadd.f32 v14, v1;
	v2 =	vadd.f32 v3, v2  }
0xb3: {  	v3 =	vld [tilespmem:s28+$0xB6F0];
	v5 =	vadd.f32 v15, v5;
	v7 =	vadd.f32 v7, v9  }
0xb4: {  	s26 =	sadd.s32 @!p0 $0x80, s26;
	v1 =	vadd.f32 v16, v1;
	v2 =	vadd.f32 v8, v2  }
0xb5: {  	s29 =	simm.s32 @!p0 $0xB600;
	s24 =	sadd.s32 $0x1, s24;
	s28 =	simm.s32 @!p0 $0x48;
	v5 =	vadd.f32 v61, v5;
	v4 =	vadd.f32 v4, v7  }
0xb6: {  	[tilespmem:s29], [sflag:$0x4] =	stream.indirect.gather @!p0 [hbm4b:s4+s28], $0x40, s26, s28, $0xb8;
	v1 =	vadd.f32 v62, v1;
	v2 =	vadd.f32 v6, v2;
	[tilespmem:$0xE810] =	vst v63  }
0xb7: {  	p0 =	sne.s32 s24, $0x40;
	v5 =	vadd.f32 v63, v5;
	v4 =	vmul.f32 v4, v0  }
.Ltmp4:
0xb8: {  	v1 =	vadd.f32 v3, v1;
	v2 =	vmul.f32 v2, v0;
	(pc) =	sbr.rel @p0 .LBB2_2-.Ltmp4, $4  }
0xb9: {  	[tilespmem:s25+$0xC840] =	vst v4;
	v3 =	vmul.f32 v5, v0  }
0xba: {  	[tilespmem:s25+$0xC850] =	vst v2;
	v1 =	vmul.f32 v1, v0  }
0xbb: {  	[tilespmem:s25+$0xC860] =	vst v3  }
0xbc: {  	[tilespmem:s25+$0xC870] =	vst v1  }
0xbd: {  	s23 =	sadd.s32 $0x1, s23  }
0xbe: {  	p0 =	sne.s32 s23, s7  }
.Ltmp5:
0xbf: {  	_ = 	snop;
	(pc) =	sbr.rel @p0 .LBB2_1-.Ltmp5, $4  }
0xc0: {  	[hbm4b:s6+s3] =	stream.linear.scatter [tilespmem:s22], [sflag:$0x5], $0x2000, $0x38;
	[tilespmem:$0xE810] =	vst v63  }
0xc1: {  	_ =	swait.ge [sflag:s9], $0x2000  }
0xc2: {  	[sflag:s9] =	ssyncset.done $0x0  }
0xc3: {  	[sflag:s9] =	ssyncadd.s32 $0xFFFFE000  }
0xc4: {  	_ =	sfence.sel $0x180000  }
0xc5: {  	[bflag:$0x0] =	sbarrier.arrive $0xFFFF  }
0xc6: {  	p0 =	sne.s32 s0, $0x0;
	_ =	strace $0x9000004A  }
0xc7: {  	s0 =	sadd.s32 @!p0 $0x100000, s1;
	[bflag:$0x2] =	sbarrier.arrive $0xFFFF  }
0xc8: {  	[sflag:s0] =	ssyncadd.tile.s32 @!p0 $0x1;
	_ =	shalt  }
.Lfunc_end2:
_tile_overlayer_lowered:
.L_overlay_start_2:
0xc9: {  	(tag) =	ssettag $0x2  }
0xca: {  	s0 =	rddreg [dreg:$0x0];
	s2 =	stileid.u32  }
0xcb: {  	s1 =	rddreg [dreg:$0x1];
	p0 =	sne.s32 s2, $0x0  }
0xcc: {  	s3 =	rddreg [dreg:$0x2];
	[bflag:$0x3] =	sbarrier.arrive $0xFFFF;
	s2 =	simm.s32 @!p0 $0x1C05  }
0xcd: {  	[timem:s3], [sflag:s2] =	dma.local @!p0 [hbm:s0], s1  }
0xce: {  	s0 =	simm.s32 @!p0 $0x5  }
0xcf: {  	_ =	swait.ge @!p0 [sflag:s0], s1  }
0xd0: {  	s1 =	ssub.s32 @!p0 $0x0, s1;
	[sflag:s0] =	ssyncset.done @!p0 $0x0  }
0xd1: {  	[sflag:s0] =	ssyncadd.s32 @!p0 s1  }
0xd2: {  	[bflag:$0x3] =	sbarrier.arrive $0xFFFF  }
0xd3: {  	_ =	shalt  }

</sc_bundles>
